<compile_context>
chip_gen: v7x
topology: tpu7x:2x2x1
jax: 0.10.2.dev20260603
libtpu: 0.0.44.dev20260713+nightly
codegen_flags: <defaults>
</compile_context>

<pallas_src>
import dataclasses
import functools

import jax
import jax.numpy as jnp
from jax import lax
from jax.experimental import pallas as pl
from jax.experimental.pallas import tpu as pltpu
from jax.experimental.pallas import tpu_sc as plsc

_NW = 32
_LANES = 16


def _sc_gather_body(rpw, s, k_l, k_f, k_d,
                    table, table_pk, nbidx, cellidx,
                    out_cur, out_l, out_f, out_d,
                    idx_v, cidx_v, curbuf, bufa, bufb, acc, sema, semb):
    wid = lax.axis_index("s") * 2 + lax.axis_index("c")
    base = wid * rpw
    sp = s // 2
    k_tot = k_l + k_f + k_d

    pltpu.sync_copy(nbidx.at[pl.ds(wid * k_tot * rpw, k_tot * rpw)], idx_v)
    pltpu.sync_copy(cellidx.at[pl.ds(base, rpw)], cidx_v)

    pltpu.sync_copy(table.at[cidx_v], curbuf)
    pltpu.sync_copy(curbuf, out_cur.at[pl.ds(base, rpw)])

    def add_from(buf):
        @pl.loop(0, rpw)
        def _(r):
            for c in range(0, sp, _LANES):
                av = plsc.bitcast(acc[r, pl.ds(c, _LANES)], jnp.bfloat16)
                bv = plsc.bitcast(buf[r, pl.ds(c, _LANES)], jnp.bfloat16)
                acc[r, pl.ds(c, _LANES)] = plsc.bitcast(av + bv, jnp.int32)

    def start(j, buf, sem):
        pltpu.async_copy(table_pk.at[idx_v.at[pl.ds(j * rpw, rpw)]], buf, sem)

    def wait(buf, sem):
        pltpu.make_async_copy(table_pk.at[idx_v.at[pl.ds(0, rpw)]], buf,
                              sem).wait()

    zeros = jnp.zeros((_LANES,), jnp.int32)

    phases = ((0, k_l, out_l), (k_l, k_l + k_f, out_f),
              (k_l + k_f, k_l + k_f + k_d, out_d))
    for j0, j1, out_ref in phases:
        npairs = (j1 - j0) // 2

        @pl.loop(0, rpw)
        def _(r):
            for c in range(0, sp, _LANES):
                acc[r, pl.ds(c, _LANES)] = zeros

        start(j0, bufa, sema)
        start(j0 + 1, bufb, semb)

        @pl.loop(0, npairs)
        def _(p):
            j = j0 + 2 * p
            wait(bufa, sema)
            add_from(bufa)

            @pl.when(j + 2 < j1)
            def _():
                start(j + 2, bufa, sema)

            wait(bufb, semb)
            add_from(bufb)

            @pl.when(j + 3 < j1)
            def _():
                start(j + 3, bufb, semb)

        pltpu.sync_copy(acc, out_ref.at[pl.ds(base, rpw)])


def _sc_gather_sums(table, table_pk, nb_idx_t, cell_idx_r, k_l, k_f, k_d):
    nw, k_tot, rpw = nb_idx_t.shape
    n, s = table.shape
    b = nw * rpw
    mesh = plsc.VectorSubcoreMesh(core_axis_name="c", subcore_axis_name="s")
    out_sum = jax.ShapeDtypeStruct((b, s // 2), jnp.int32)

    cp = pltpu.CompilerParams()
    if "needs_layout_passes" in pltpu.CompilerParams.__dataclass_fields__:
        cp = dataclasses.replace(cp, needs_layout_passes=False)
    kern = pl.kernel(
        functools.partial(_sc_gather_body, rpw, s, k_l, k_f, k_d),
        out_type=[jax.ShapeDtypeStruct((b, s), jnp.float32),
                  out_sum, out_sum, out_sum],
        mesh=mesh,
        compiler_params=cp,
        scratch_types=[
            pltpu.VMEM((k_tot * rpw,), jnp.int32),
            pltpu.VMEM((rpw,), jnp.int32),
            pltpu.VMEM((rpw, s), jnp.float32),
            pltpu.VMEM((rpw, s // 2), jnp.int32),
            pltpu.VMEM((rpw, s // 2), jnp.int32),
            pltpu.VMEM((rpw, s // 2), jnp.int32),
            pltpu.SemaphoreType.DMA,
            pltpu.SemaphoreType.DMA,
        ],
    )
    return kern(table, table_pk, nb_idx_t.reshape(-1), cell_idx_r.reshape(-1))


def _pack_body(sp, x_ref, o_ref):
    xf = x_ref[...].astype(jnp.bfloat16).astype(jnp.float32)
    bits = lax.bitcast_convert_type(xf, jnp.int32)
    o_ref[...] = lax.shift_right_logical(bits[:, :sp], 16) | bits[:, sp:]


def _pack_table(table):
    n, s = table.shape
    sp = s // 2
    blk = 2048
    return pl.pallas_call(
        functools.partial(_pack_body, sp),
        grid=(n // blk,),
        in_specs=[pl.BlockSpec((blk, s), lambda i: (i, 0))],
        out_specs=pl.BlockSpec((blk, sp), lambda i: (i, 0)),
        out_shape=jax.ShapeDtypeStruct((n, sp), jnp.int32),
    )(table)


def _tc_moe_body(nh, s, scales, curbf_ref, suml_ref, sumf_ref, sumd_ref,
                 w1l_ref, w1f_ref, w1d_ref,
                 w2l_ref, w2f_ref, w2d_ref,
                 b1l_ref, b1f_ref, b1d_ref,
                 b2l_ref, b2f_ref, b2d_ref,
                 wg_ref, bg_ref,
                 out_ref,
                 gates_ref, aggl_ref, aggf_ref, aggd_ref,
                 accl_ref, accf_ref, accd_ref):
    h = pl.program_id(0)

    sp = s // 2

    @pl.when(h == 0)
    def _prologue():
        for sum_ref, agg_ref, scale in ((suml_ref, aggl_ref, scales[0]),
                                        (sumf_ref, aggf_ref, scales[1]),
                                        (sumd_ref, aggd_ref, scales[2])):
            u = sum_ref[...]
            lo = lax.bitcast_convert_type(lax.shift_left(u, 16), jnp.float32)
            hi = lax.bitcast_convert_type(
                jnp.bitwise_and(u, jnp.int32(-65536)), jnp.float32)
            agg_ref[:, 0:sp] = (lo * scale).astype(jnp.bfloat16)
            agg_ref[:, sp:s] = (hi * scale).astype(jnp.bfloat16)
        logits = jnp.dot(curbf_ref[...], wg_ref[...],
                         preferred_element_type=jnp.float32) + bg_ref[...]
        m = jnp.max(logits, axis=-1, keepdims=True)
        p = jnp.exp(logits - m)
        gates_ref[...] = p / jnp.sum(p, axis=-1, keepdims=True)

    experts = (
        (aggl_ref, w1l_ref, w2l_ref, b1l_ref, accl_ref),
        (aggf_ref, w1f_ref, w2f_ref, b1f_ref, accf_ref),
        (aggd_ref, w1d_ref, w2d_ref, b1d_ref, accd_ref),
    )
    for agg_ref, w1_ref, w2_ref, b1_ref, acc_ref in experts:
        x1 = jnp.dot(curbf_ref[...], w1_ref[0:s, :],
                     preferred_element_type=jnp.float32)
        x1 = x1 + jnp.dot(agg_ref[...], w1_ref[s:2 * s, :],
                          preferred_element_type=jnp.float32)
        x1 = x1 + b1_ref[...]
        hact = jnp.maximum(x1, 0.0).astype(jnp.bfloat16)
        part = jnp.dot(hact, w2_ref[...],
                       preferred_element_type=jnp.float32)

        @pl.when(h == 0)
        def _init(acc_ref=acc_ref, part=part):
            acc_ref[...] = part

        @pl.when(h != 0)
        def _accum(acc_ref=acc_ref, part=part):
            acc_ref[...] += part

    @pl.when(h == nh - 1)
    def _epilogue():
        combined = gates_ref[:, 0:1] * jnp.tanh(accl_ref[...] + b2l_ref[...])
        combined = combined + gates_ref[:, 1:2] * jnp.tanh(
            accf_ref[...] + b2f_ref[...])
        combined = combined + gates_ref[:, 2:3] * jnp.tanh(
            accd_ref[...] + b2d_ref[...])
        out_ref[...] = combined


def _tc_moe(curbf, suml, sumf, sumd, scales,
            w1l, w1f, w1d, w2l, w2f, w2d,
            b1l, b1f, b1d, b2l, b2f, b2d, wg_pad, bg_pad):
    b, s = curbf.shape
    hdim = w1l.shape[1]
    hc = min(512, hdim)
    nh = hdim // hc

    full = lambda shape: pl.BlockSpec(shape, lambda h: (0, 0))
    w1_spec = pl.BlockSpec((2 * s, hc), lambda h: (0, h))
    w2_spec = pl.BlockSpec((hc, s), lambda h: (h, 0))
    b1_spec = pl.BlockSpec((1, hc), lambda h: (0, h))

    return pl.pallas_call(
        functools.partial(_tc_moe_body, nh, s, scales),
        grid=(nh,),
        in_specs=[
            full((b, s)),
            full((b, s // 2)), full((b, s // 2)), full((b, s // 2)),
            w1_spec, w1_spec, w1_spec,
            w2_spec, w2_spec, w2_spec,
            b1_spec, b1_spec, b1_spec,
            full((1, s)), full((1, s)), full((1, s)),
            full((s, 128)), full((1, 128)),
        ],
        out_specs=pl.BlockSpec((b, s), lambda h: (0, 0)),
        out_shape=jax.ShapeDtypeStruct((b, s), jnp.float32),
        scratch_shapes=[
            pltpu.VMEM((b, 128), jnp.float32),
            pltpu.VMEM((b, s), jnp.bfloat16),
            pltpu.VMEM((b, s), jnp.bfloat16),
            pltpu.VMEM((b, s), jnp.bfloat16),
            pltpu.VMEM((b, s), jnp.float32),
            pltpu.VMEM((b, s), jnp.float32),
            pltpu.VMEM((b, s), jnp.float32),
        ],
        compiler_params=pltpu.CompilerParams(
            dimension_semantics=("arbitrary",),
            vmem_limit_bytes=63 * 1024 * 1024),
    )(curbf, suml, sumf, sumd, w1l, w1f, w1d, w2l, w2f, w2d,
      b1l, b1f, b1d,
      b2l.reshape(1, s), b2f.reshape(1, s), b2d.reshape(1, s),
      wg_pad, bg_pad)


def kernel(cell_indices, full_lattice_states, local_idx, functional_idx,
           distant_idx,
           W1_local, b1_local, W2_local, b2_local,
           W1_functional, b1_functional, W2_functional, b2_functional,
           W1_distant, b1_distant, W2_distant, b2_distant,
           Wg, bg):
    n, s = full_lattice_states.shape
    b = cell_indices.shape[0]
    k_l, k_f, k_d = (local_idx.shape[1], functional_idx.shape[1],
                     distant_idx.shape[1])
    k_tot = k_l + k_f + k_d
    scales = (1.0 / k_l, 1.0 / k_f, 1.0 / k_d)

    wg_pad = jnp.pad(Wg, ((0, 0), (0, 128 - Wg.shape[1]))).astype(jnp.bfloat16)
    bg_pad = jnp.pad(bg, (0, 128 - bg.shape[0]),
                     constant_values=-1e30).reshape(1, 128)

    nb = jnp.concatenate([local_idx, functional_idx, distant_idx], axis=1)
    nb = jnp.asarray(nb, jnp.int32)
    cell = jnp.asarray(cell_indices, jnp.int32)

    w1l_bf, w1f_bf, w1d_bf = (w.astype(jnp.bfloat16)
                              for w in (W1_local, W1_functional, W1_distant))
    w2l_bf, w2f_bf, w2d_bf = (w.astype(jnp.bfloat16)
                              for w in (W2_local, W2_functional, W2_distant))
    table_pk = _pack_table(full_lattice_states)

    nchunks = 1
    bc = b // nchunks
    rpw = bc // _NW
    sc_outs = []
    for c in range(nchunks):
        rows = slice(c * bc, (c + 1) * bc)
        nb_t = nb[rows].reshape(_NW, rpw, k_tot).transpose(0, 2, 1)
        cell_r = cell[rows].reshape(_NW, rpw)
        sc_outs.append(_sc_gather_sums(
            full_lattice_states, table_pk, nb_t, cell_r, k_l, k_f, k_d))

    outs = []
    for c in range(nchunks):
        cur, sum_l, sum_f, sum_d = sc_outs[c]
        moe = _tc_moe(cur.astype(jnp.bfloat16), sum_l, sum_f, sum_d, scales,
                      w1l_bf, w1f_bf, w1d_bf,
                      w2l_bf, w2f_bf, w2d_bf,
                      b1_local.reshape(1, -1),
                      b1_functional.reshape(1, -1),
                      b1_distant.reshape(1, -1),
                      b2_local, b2_functional, b2_distant,
                      wg_pad, bg_pad)
        outs.append(moe + cur)
    return jnp.concatenate(outs, axis=0)

# --- scband reference (transcript-rebuilt; emitter-appended) ---
"""Pipeline reference for scband-batch-mo-eprocessor-39616778338942 (READ-ONLY COPY).

The authoritative reference and input builder live on the scoring server;
editing this copy changes nothing except your own understanding.
"""

import jax, jax.numpy as jnp
import numpy as np

S = 1024   # state_size
H = 4096   # expert hidden dim
N = 16384  # lattice cells
B = 1024   # chunk batch
K_LOCAL, K_FUNC, K_DIST = 26, 16, 8


def setup_inputs(seed: int = 0) -> dict:
    key = jax.random.key(seed)
    ks = jax.random.split(key, 24)
    inp = {}
    inp["cell_indices"] = jax.random.randint(ks[0], (B,), 0, N, dtype=jnp.int64) if jax.config.read('jax_enable_x64') else jax.random.randint(ks[0], (B,), 0, N)
    inp["full_lattice_states"] = jax.random.normal(ks[1], (N, S), dtype=jnp.float32)
    inp["local_idx"] = jax.random.randint(ks[2], (B, K_LOCAL), 0, N)
    inp["functional_idx"] = jax.random.randint(ks[3], (B, K_FUNC), 0, N)
    inp["distant_idx"] = jax.random.randint(ks[4], (B, K_DIST), 0, N)
    s1 = 1.0 / np.sqrt(2 * S)
    s2 = 1.0 / np.sqrt(H)
    i = 5
    for name in ("local", "functional", "distant"):
        inp[f"W1_{name}"] = jax.random.normal(ks[i], (2 * S, H), dtype=jnp.float32) * s1; i += 1
        inp[f"b1_{name}"] = jnp.zeros((H,), dtype=jnp.float32)
        inp[f"W2_{name}"] = jax.random.normal(ks[i], (H, S), dtype=jnp.float32) * s2; i += 1
        inp[f"b2_{name}"] = jnp.zeros((S,), dtype=jnp.float32)
    inp["Wg"] = jax.random.normal(ks[i], (S, 3), dtype=jnp.float32) * (1.0 / np.sqrt(S))
    inp["bg"] = jnp.zeros((3,), dtype=jnp.float32)
    return inp


def _expert(cur, full_states, idx, W1, b1, W2, b2):
    # extract_neighbor_states: gather neighbor states and mean-pool
    nb = jnp.take(full_states, idx, axis=0)          # [B, K, S]
    agg = nb.mean(axis=1)                            # [B, S]
    x = jnp.concatenate([cur, agg], axis=-1)         # [B, 2S]
    h = jax.nn.relu(x @ W1 + b1)                     # [B, H]
    return jnp.tanh(h @ W2 + b2)                     # [B, S]


def reference(cell_indices, full_lattice_states, local_idx, functional_idx, distant_idx,
              W1_local, b1_local, W2_local, b2_local,
              W1_functional, b1_functional, W2_functional, b2_functional,
              W1_distant, b1_distant, W2_distant, b2_distant,
              Wg, bg):
    # current_states = full_lattice_states[cell_indices]
    cur = jnp.take(full_lattice_states, cell_indices, axis=0)   # [B, S]
    out_local = _expert(cur, full_lattice_states, local_idx, W1_local, b1_local, W2_local, b2_local)
    out_func = _expert(cur, full_lattice_states, functional_idx, W1_functional, b1_functional, W2_functional, b2_functional)
    out_dist = _expert(cur, full_lattice_states, distant_idx, W1_distant, b1_distant, W2_distant, b2_distant)
    # gating network on current states (no external_inputs)
    gates = jax.nn.softmax(cur @ Wg + bg, axis=-1)               # [B, 3]
    expert_stack = jnp.stack([out_local, out_func, out_dist], axis=1)  # [B, 3, S]
    weighted = expert_stack * gates[:, :, None]
    combined = weighted.sum(axis=1)
    final = combined + cur                                       # residual
    return final

if __name__ == "__main__":
    import jax
    _d = setup_inputs()
    print(jax.jit(kernel)(*tuple(_d.values())))

</pallas_src>

<mosaic_0001>
#map = affine_map<(d0, d1) -> (0, 0)>
#map1 = affine_map<(d0, d1) -> (0)>
module attributes {stable_mosaic.version = 14 : i64} {
  func.func @_sc_gather_body(%arg0: i32, %arg1: i32, %arg2: memref<16384x1024xf32, #tpu.memory_space<hbm>>, %arg3: memref<16384x512xi32, #tpu.memory_space<hbm>>, %arg4: memref<51200xi32, #tpu.memory_space<hbm>>, %arg5: memref<1024xi32, #tpu.memory_space<hbm>>, %arg6: memref<1024x1024xf32, #tpu.memory_space<hbm>>, %arg7: memref<1024x512xi32, #tpu.memory_space<hbm>>, %arg8: memref<1024x512xi32, #tpu.memory_space<hbm>>, %arg9: memref<1024x512xi32, #tpu.memory_space<hbm>>, %arg10: memref<1600xi32, #tpu.memory_space<vmem>>, %arg11: memref<32xi32, #tpu.memory_space<vmem>>, %arg12: memref<32x1024xf32, #tpu.memory_space<vmem>>, %arg13: memref<32x512xi32, #tpu.memory_space<vmem>>, %arg14: memref<32x512xi32, #tpu.memory_space<vmem>>, %arg15: memref<32x512xi32, #tpu.memory_space<vmem>>, %arg16: memref<!tpu.dma_semaphore, #tpu.memory_space<semaphore_mem>>, %arg17: memref<!tpu.dma_semaphore, #tpu.memory_space<semaphore_mem>>) attributes {dimension_semantics = [#tpu.dimension_semantics<core_parallel>, #tpu.dimension_semantics<subcore_parallel>], iteration_bounds = array<i64: 2, 16>, scalar_prefetch = 0 : i64, scratch_operands = 8 : i64, tpu.core_type = #tpu.core_type<sc_vector_subcore>, window_params = [{transform_indices = #map}, {transform_indices = #map}, {transform_indices = #map1}, {transform_indices = #map1}, {transform_indices = #map}, {transform_indices = #map}, {transform_indices = #map}, {transform_indices = #map}]} {
    %mul3A = arith.constant 2 : i32
    %mul3A_0 = arith.muli %arg1, %mul3A : i32
    %add3A = arith.addi %mul3A_0, %arg0 : i32
    %mul3A_1 = arith.constant 32 : i32
    %mul3A_2 = arith.muli %add3A, %mul3A_1 : i32
    %mul3A_3 = arith.constant 50 : i32
    %mul3A_4 = arith.muli %add3A, %mul3A_3 : i32
    %mul3A_5 = arith.constant 32 : i32
    %mul3A_6 = arith.muli %mul3A_4, %mul3A_5 : i32
    "tpu.region"() ({
      %run_scoped3A = tpu.sem_alloc : memref<!tpu.dma_semaphore, #tpu.memory_space<semaphore_mem>>
      %dma_start3A_66 = tpu.memref_slice %arg4[%mul3A_6] : memref<51200xi32, #tpu.memory_space<hbm>> -> memref<1600xi32, #tpu.memory_space<hbm>>
      %dma_start3A_67 = tpu.memref_slice %arg4[%mul3A_6] : memref<51200xi32, #tpu.memory_space<hbm>> -> memref<1600xi32, #tpu.memory_space<hbm>>
      tpu.enqueue_dma source(%dma_start3A_67 : memref<1600xi32, #tpu.memory_space<hbm>>) target(%arg10 : memref<1600xi32, #tpu.memory_space<vmem>>) target_semaphore(%run_scoped3A : memref<!tpu.dma_semaphore, #tpu.memory_space<semaphore_mem>>)
      %dma_wait3A = tpu.memref_slice %arg4[%mul3A_6] : memref<51200xi32, #tpu.memory_space<hbm>> -> memref<1600xi32, #tpu.memory_space<hbm>>
      %dma_wait3A_68 = tpu.memref_slice %arg4[%mul3A_6] : memref<51200xi32, #tpu.memory_space<hbm>> -> memref<1600xi32, #tpu.memory_space<hbm>>
      tpu.wait_dma2 semaphore(%run_scoped3A : memref<!tpu.dma_semaphore, #tpu.memory_space<semaphore_mem>>) src(%dma_wait3A_68 : memref<1600xi32, #tpu.memory_space<hbm>>) dst(%arg10 : memref<1600xi32, #tpu.memory_space<vmem>>)
      tpu.yield
    }) : () -> ()
    "tpu.region"() ({
      %run_scoped3A = tpu.sem_alloc : memref<!tpu.dma_semaphore, #tpu.memory_space<semaphore_mem>>
      %dma_start3A_66 = tpu.memref_slice %arg5[%mul3A_2] : memref<1024xi32, #tpu.memory_space<hbm>> -> memref<32xi32, #tpu.memory_space<hbm>>
      %dma_start3A_67 = tpu.memref_slice %arg5[%mul3A_2] : memref<1024xi32, #tpu.memory_space<hbm>> -> memref<32xi32, #tpu.memory_space<hbm>>
      tpu.enqueue_dma source(%dma_start3A_67 : memref<32xi32, #tpu.memory_space<hbm>>) target(%arg11 : memref<32xi32, #tpu.memory_space<vmem>>) target_semaphore(%run_scoped3A : memref<!tpu.dma_semaphore, #tpu.memory_space<semaphore_mem>>)
      %dma_wait3A = tpu.memref_slice %arg5[%mul3A_2] : memref<1024xi32, #tpu.memory_space<hbm>> -> memref<32xi32, #tpu.memory_space<hbm>>
      %dma_wait3A_68 = tpu.memref_slice %arg5[%mul3A_2] : memref<1024xi32, #tpu.memory_space<hbm>> -> memref<32xi32, #tpu.memory_space<hbm>>
      tpu.wait_dma2 semaphore(%run_scoped3A : memref<!tpu.dma_semaphore, #tpu.memory_space<semaphore_mem>>) src(%dma_wait3A_68 : memref<32xi32, #tpu.memory_space<hbm>>) dst(%arg11 : memref<32xi32, #tpu.memory_space<vmem>>)
      tpu.yield
    }) : () -> ()
    "tpu.region"() ({
      %run_scoped3A = tpu.sem_alloc : memref<!tpu.dma_semaphore, #tpu.memory_space<semaphore_mem>>
      %dma_start3A_66 = arith.constant 0 : i32
      %dma_start3A_67 = arith.constant 0 : i32
      %dma_start3A_68 = tpu.memref_slice %arg2[%dma_start3A_66, %dma_start3A_67] : memref<16384x1024xf32, #tpu.memory_space<hbm>> -> memref<16384x1024xf32, #tpu.memory_space<hbm>>
      tpu.enqueue_indirect_dma source(%dma_start3A_68 : memref<16384x1024xf32, #tpu.memory_space<hbm>>) target(%arg12 : memref<32x1024xf32, #tpu.memory_space<vmem>>) offsets(%arg11 : memref<32xi32, #tpu.memory_space<vmem>>) semaphore(%run_scoped3A : memref<!tpu.dma_semaphore, #tpu.memory_space<semaphore_mem>>)
      %dma_wait3A = arith.constant 0 : i32
      %dma_wait3A_69 = arith.constant 0 : i32
      %dma_wait3A_70 = tpu.memref_slice %arg2[%dma_wait3A, %dma_wait3A_69] : memref<16384x1024xf32, #tpu.memory_space<hbm>> -> memref<16384x1024xf32, #tpu.memory_space<hbm>>
      tpu.wait_indirect_dma semaphore(%run_scoped3A : memref<!tpu.dma_semaphore, #tpu.memory_space<semaphore_mem>>) src(%dma_wait3A_70 : memref<16384x1024xf32, #tpu.memory_space<hbm>>) dst(%arg12 : memref<32x1024xf32, #tpu.memory_space<vmem>>)
      tpu.yield
    }) : () -> ()
    "tpu.region"() ({
      %run_scoped3A = tpu.sem_alloc : memref<!tpu.dma_semaphore, #tpu.memory_space<semaphore_mem>>
      %dma_start3A_66 = arith.constant 0 : i32
      %dma_start3A_67 = tpu.memref_slice %arg6[%mul3A_2, %dma_start3A_66] : memref<1024x1024xf32, #tpu.memory_space<hbm>> -> memref<32x1024xf32, #tpu.memory_space<hbm>>
      %dma_start3A_68 = arith.constant 0 : i32
      %dma_start3A_69 = tpu.memref_slice %arg6[%mul3A_2, %dma_start3A_68] : memref<1024x1024xf32, #tpu.memory_space<hbm>> -> memref<32x1024xf32, #tpu.memory_space<hbm>>
      tpu.enqueue_dma source(%arg12 : memref<32x1024xf32, #tpu.memory_space<vmem>>) target(%dma_start3A_69 : memref<32x1024xf32, #tpu.memory_space<hbm>>) target_semaphore(%run_scoped3A : memref<!tpu.dma_semaphore, #tpu.memory_space<semaphore_mem>>)
      %dma_wait3A = arith.constant 0 : i32
      %dma_wait3A_70 = tpu.memref_slice %arg6[%mul3A_2, %dma_wait3A] : memref<1024x1024xf32, #tpu.memory_space<hbm>> -> memref<32x1024xf32, #tpu.memory_space<hbm>>
      %dma_wait3A_71 = arith.constant 0 : i32
      %dma_wait3A_72 = tpu.memref_slice %arg6[%mul3A_2, %dma_wait3A_71] : memref<1024x1024xf32, #tpu.memory_space<hbm>> -> memref<32x1024xf32, #tpu.memory_space<hbm>>
      tpu.wait_dma2 semaphore(%run_scoped3A : memref<!tpu.dma_semaphore, #tpu.memory_space<semaphore_mem>>) src(%arg12 : memref<32x1024xf32, #tpu.memory_space<vmem>>) dst(%dma_wait3A_72 : memref<32x1024xf32, #tpu.memory_space<hbm>>)
      tpu.yield
    }) : () -> ()
    %broadcast_in_dim3A = arith.constant 0 : i32
    %broadcast_in_dim3A_7 = vector.broadcast %broadcast_in_dim3A : i32 to vector<16xi32>
    %scan3A = arith.constant 0 : i32
    %scan3A_8 = arith.constant 32 : i32
    %scan3A_9 = arith.addi %scan3A, %scan3A_8 : i32
    %scan3A_10 = arith.constant 1 : i32
    scf.for %scan3A_66 = %scan3A to %scan3A_9 step %scan3A_10  : i32 {
      %mul3A_67 = arith.constant 1 : i32
      %mul3A_68 = arith.muli %scan3A_66, %mul3A_67 : i32
      %add3A_69 = arith.constant 0 : i32
      %add3A_70 = arith.addi %add3A_69, %mul3A_68 : i32
      %swap3A = arith.index_cast %add3A_70 : i32 to index
      %swap3A_71 = arith.constant 0 : index
      %swap3A_72 = tpu.vector_load %arg15[%swap3A, %swap3A_71] {strides = array<i32>} : memref<32x512xi32, #tpu.memory_space<vmem>>, vector<16xi32>,
      tpu.vector_store %arg15[%swap3A, %swap3A_71], %broadcast_in_dim3A_7 {strides = array<i32>} : memref<32x512xi32, #tpu.memory_space<vmem>>, vector<16xi32>,
      %swap3A_73 = arith.index_cast %add3A_70 : i32 to index
      %swap3A_74 = arith.constant 16 : index
      %swap3A_75 = tpu.vector_load %arg15[%swap3A_73, %swap3A_74] {strides = array<i32>} : memref<32x512xi32, #tpu.memory_space<vmem>>, vector<16xi32>,
      tpu.vector_store %arg15[%swap3A_73, %swap3A_74], %broadcast_in_dim3A_7 {strides = array<i32>} : memref<32x512xi32, #tpu.memory_space<vmem>>, vector<16xi32>,
      %swap3A_76 = arith.index_cast %add3A_70 : i32 to index
      %swap3A_77 = arith.constant 32 : index
      %swap3A_78 = tpu.vector_load %arg15[%swap3A_76, %swap3A_77] {strides = array<i32>} : memref<32x512xi32, #tpu.memory_space<vmem>>, vector<16xi32>,
      tpu.vector_store %arg15[%swap3A_76, %swap3A_77], %broadcast_in_dim3A_7 {strides = array<i32>} : memref<32x512xi32, #tpu.memory_space<vmem>>, vector<16xi32>,
      %swap3A_79 = arith.index_cast %add3A_70 : i32 to index
      %swap3A_80 = arith.constant 48 : index
      %swap3A_81 = tpu.vector_load %arg15[%swap3A_79, %swap3A_80] {strides = array<i32>} : memref<32x512xi32, #tpu.memory_space<vmem>>, vector<16xi32>,
      tpu.vector_store %arg15[%swap3A_79, %swap3A_80], %broadcast_in_dim3A_7 {strides = array<i32>} : memref<32x512xi32, #tpu.memory_space<vmem>>, vector<16xi32>,
      %swap3A_82 = arith.index_cast %add3A_70 : i32 to index
      %swap3A_83 = arith.constant 64 : index
      %swap3A_84 = tpu.vector_load %arg15[%swap3A_82, %swap3A_83] {strides = array<i32>} : memref<32x512xi32, #tpu.memory_space<vmem>>, vector<16xi32>,
      tpu.vector_store %arg15[%swap3A_82, %swap3A_83], %broadcast_in_dim3A_7 {strides = array<i32>} : memref<32x512xi32, #tpu.memory_space<vmem>>, vector<16xi32>,
      %swap3A_85 = arith.index_cast %add3A_70 : i32 to index
      %swap3A_86 = arith.constant 80 : index
      %swap3A_87 = tpu.vector_load %arg15[%swap3A_85, %swap3A_86] {strides = array<i32>} : memref<32x512xi32, #tpu.memory_space<vmem>>, vector<16xi32>,
      tpu.vector_store %arg15[%swap3A_85, %swap3A_86], %broadcast_in_dim3A_7 {strides = array<i32>} : memref<32x512xi32, #tpu.memory_space<vmem>>, vector<16xi32>,
      %swap3A_88 = arith.index_cast %add3A_70 : i32 to index
      %swap3A_89 = arith.constant 96 : index
      %swap3A_90 = tpu.vector_load %arg15[%swap3A_88, %swap3A_89] {strides = array<i32>} : memref<32x512xi32, #tpu.memory_space<vmem>>, vector<16xi32>,
      tpu.vector_store %arg15[%swap3A_88, %swap3A_89], %broadcast_in_dim3A_7 {strides = array<i32>} : memref<32x512xi32, #tpu.memory_space<vmem>>, vector<16xi32>,
      %swap3A_91 = arith.index_cast %add3A_70 : i32 to index
      %swap3A_92 = arith.constant 112 : index
      %swap3A_93 = tpu.vector_load %arg15[%swap3A_91, %swap3A_92] {strides = array<i32>} : memref<32x512xi32, #tpu.memory_space<vmem>>, vector<16xi32>,
      tpu.vector_store %arg15[%swap3A_91, %swap3A_92], %broadcast_in_dim3A_7 {strides = array<i32>} : memref<32x512xi32, #tpu.memory_space<vmem>>, vector<16xi32>,
      %swap3A_94 = arith.index_cast %add3A_70 : i32 to index
      %swap3A_95 = arith.constant 128 : index
      %swap3A_96 = tpu.vector_load %arg15[%swap3A_94, %swap3A_95] {strides = array<i32>} : memref<32x512xi32, #tpu.memory_space<vmem>>, vector<16xi32>,
      tpu.vector_store %arg15[%swap3A_94, %swap3A_95], %broadcast_in_dim3A_7 {strides = array<i32>} : memref<32x512xi32, #tpu.memory_space<vmem>>, vector<16xi32>,
      %swap3A_97 = arith.index_cast %add3A_70 : i32 to index
      %swap3A_98 = arith.constant 144 : index
      %swap3A_99 = tpu.vector_load %arg15[%swap3A_97, %swap3A_98] {strides = array<i32>} : memref<32x512xi32, #tpu.memory_space<vmem>>, vector<16xi32>,
      tpu.vector_store %arg15[%swap3A_97, %swap3A_98], %broadcast_in_dim3A_7 {strides = array<i32>} : memref<32x512xi32, #tpu.memory_space<vmem>>, vector<16xi32>,
      %swap3A_100 = arith.index_cast %add3A_70 : i32 to index
      %swap3A_101 = arith.constant 160 : index
      %swap3A_102 = tpu.vector_load %arg15[%swap3A_100, %swap3A_101] {strides = array<i32>} : memref<32x512xi32, #tpu.memory_space<vmem>>, vector<16xi32>,
      tpu.vector_store %arg15[%swap3A_100, %swap3A_101], %broadcast_in_dim3A_7 {strides = array<i32>} : memref<32x512xi32, #tpu.memory_space<vmem>>, vector<16xi32>,
      %swap3A_103 = arith.index_cast %add3A_70 : i32 to index
      %swap3A_104 = arith.constant 176 : index
      %swap3A_105 = tpu.vector_load %arg15[%swap3A_103, %swap3A_104] {strides = array<i32>} : memref<32x512xi32, #tpu.memory_space<vmem>>, vector<16xi32>,
      tpu.vector_store %arg15[%swap3A_103, %swap3A_104], %broadcast_in_dim3A_7 {strides = array<i32>} : memref<32x512xi32, #tpu.memory_space<vmem>>, vector<16xi32>,
      %swap3A_106 = arith.index_cast %add3A_70 : i32 to index
      %swap3A_107 = arith.constant 192 : index
      %swap3A_108 = tpu.vector_load %arg15[%swap3A_106, %swap3A_107] {strides = array<i32>} : memref<32x512xi32, #tpu.memory_space<vmem>>, vector<16xi32>,
      tpu.vector_store %arg15[%swap3A_106, %swap3A_107], %broadcast_in_dim3A_7 {strides = array<i32>} : memref<32x512xi32, #tpu.memory_space<vmem>>, vector<16xi32>,
      %swap3A_109 = arith.index_cast %add3A_70 : i32 to index
      %swap3A_110 = arith.constant 208 : index
      %swap3A_111 = tpu.vector_load %arg15[%swap3A_109, %swap3A_110] {strides = array<i32>} : memref<32x512xi32, #tpu.memory_space<vmem>>, vector<16xi32>,
      tpu.vector_store %arg15[%swap3A_109, %swap3A_110], %broadcast_in_dim3A_7 {strides = array<i32>} : memref<32x512xi32, #tpu.memory_space<vmem>>, vector<16xi32>,
      %swap3A_112 = arith.index_cast %add3A_70 : i32 to index
      %swap3A_113 = arith.constant 224 : index
      %swap3A_114 = tpu.vector_load %arg15[%swap3A_112, %swap3A_113] {strides = array<i32>} : memref<32x512xi32, #tpu.memory_space<vmem>>, vector<16xi32>,
      tpu.vector_store %arg15[%swap3A_112, %swap3A_113], %broadcast_in_dim3A_7 {strides = array<i32>} : memref<32x512xi32, #tpu.memory_space<vmem>>, vector<16xi32>,
      %swap3A_115 = arith.index_cast %add3A_70 : i32 to index
      %swap3A_116 = arith.constant 240 : index
      %swap3A_117 = tpu.vector_load %arg15[%swap3A_115, %swap3A_116] {strides = array<i32>} : memref<32x512xi32, #tpu.memory_space<vmem>>, vector<16xi32>,
      tpu.vector_store %arg15[%swap3A_115, %swap3A_116], %broadcast_in_dim3A_7 {strides = array<i32>} : memref<32x512xi32, #tpu.memory_space<vmem>>, vector<16xi32>,
      %swap3A_118 = arith.index_cast %add3A_70 : i32 to index
      %swap3A_119 = arith.constant 256 : index
      %swap3A_120 = tpu.vector_load %arg15[%swap3A_118, %swap3A_119] {strides = array<i32>} : memref<32x512xi32, #tpu.memory_space<vmem>>, vector<16xi32>,
      tpu.vector_store %arg15[%swap3A_118, %swap3A_119], %broadcast_in_dim3A_7 {strides = array<i32>} : memref<32x512xi32, #tpu.memory_space<vmem>>, vector<16xi32>,
      %swap3A_121 = arith.index_cast %add3A_70 : i32 to index
      %swap3A_122 = arith.constant 272 : index
      %swap3A_123 = tpu.vector_load %arg15[%swap3A_121, %swap3A_122] {strides = array<i32>} : memref<32x512xi32, #tpu.memory_space<vmem>>, vector<16xi32>,
      tpu.vector_store %arg15[%swap3A_121, %swap3A_122], %broadcast_in_dim3A_7 {strides = array<i32>} : memref<32x512xi32, #tpu.memory_space<vmem>>, vector<16xi32>,
      %swap3A_124 = arith.index_cast %add3A_70 : i32 to index
      %swap3A_125 = arith.constant 288 : index
      %swap3A_126 = tpu.vector_load %arg15[%swap3A_124, %swap3A_125] {strides = array<i32>} : memref<32x512xi32, #tpu.memory_space<vmem>>, vector<16xi32>,
      tpu.vector_store %arg15[%swap3A_124, %swap3A_125], %broadcast_in_dim3A_7 {strides = array<i32>} : memref<32x512xi32, #tpu.memory_space<vmem>>, vector<16xi32>,
      %swap3A_127 = arith.index_cast %add3A_70 : i32 to index
      %swap3A_128 = arith.constant 304 : index
      %swap3A_129 = tpu.vector_load %arg15[%swap3A_127, %swap3A_128] {strides = array<i32>} : memref<32x512xi32, #tpu.memory_space<vmem>>, vector<16xi32>,
      tpu.vector_store %arg15[%swap3A_127, %swap3A_128], %broadcast_in_dim3A_7 {strides = array<i32>} : memref<32x512xi32, #tpu.memory_space<vmem>>, vector<16xi32>,
      %swap3A_130 = arith.index_cast %add3A_70 : i32 to index
      %swap3A_131 = arith.constant 320 : index
      %swap3A_132 = tpu.vector_load %arg15[%swap3A_130, %swap3A_131] {strides = array<i32>} : memref<32x512xi32, #tpu.memory_space<vmem>>, vector<16xi32>,
      tpu.vector_store %arg15[%swap3A_130, %swap3A_131], %broadcast_in_dim3A_7 {strides = array<i32>} : memref<32x512xi32, #tpu.memory_space<vmem>>, vector<16xi32>,
      %swap3A_133 = arith.index_cast %add3A_70 : i32 to index
      %swap3A_134 = arith.constant 336 : index
      %swap3A_135 = tpu.vector_load %arg15[%swap3A_133, %swap3A_134] {strides = array<i32>} : memref<32x512xi32, #tpu.memory_space<vmem>>, vector<16xi32>,
      tpu.vector_store %arg15[%swap3A_133, %swap3A_134], %broadcast_in_dim3A_7 {strides = array<i32>} : memref<32x512xi32, #tpu.memory_space<vmem>>, vector<16xi32>,
      %swap3A_136 = arith.index_cast %add3A_70 : i32 to index
      %swap3A_137 = arith.constant 352 : index
      %swap3A_138 = tpu.vector_load %arg15[%swap3A_136, %swap3A_137] {strides = array<i32>} : memref<32x512xi32, #tpu.memory_space<vmem>>, vector<16xi32>,
      tpu.vector_store %arg15[%swap3A_136, %swap3A_137], %broadcast_in_dim3A_7 {strides = array<i32>} : memref<32x512xi32, #tpu.memory_space<vmem>>, vector<16xi32>,
      %swap3A_139 = arith.index_cast %add3A_70 : i32 to index
      %swap3A_140 = arith.constant 368 : index
      %swap3A_141 = tpu.vector_load %arg15[%swap3A_139, %swap3A_140] {strides = array<i32>} : memref<32x512xi32, #tpu.memory_space<vmem>>, vector<16xi32>,
      tpu.vector_store %arg15[%swap3A_139, %swap3A_140], %broadcast_in_dim3A_7 {strides = array<i32>} : memref<32x512xi32, #tpu.memory_space<vmem>>, vector<16xi32>,
      %swap3A_142 = arith.index_cast %add3A_70 : i32 to index
      %swap3A_143 = arith.constant 384 : index
      %swap3A_144 = tpu.vector_load %arg15[%swap3A_142, %swap3A_143] {strides = array<i32>} : memref<32x512xi32, #tpu.memory_space<vmem>>, vector<16xi32>,
      tpu.vector_store %arg15[%swap3A_142, %swap3A_143], %broadcast_in_dim3A_7 {strides = array<i32>} : memref<32x512xi32, #tpu.memory_space<vmem>>, vector<16xi32>,
      %swap3A_145 = arith.index_cast %add3A_70 : i32 to index
      %swap3A_146 = arith.constant 400 : index
      %swap3A_147 = tpu.vector_load %arg15[%swap3A_145, %swap3A_146] {strides = array<i32>} : memref<32x512xi32, #tpu.memory_space<vmem>>, vector<16xi32>,
      tpu.vector_store %arg15[%swap3A_145, %swap3A_146], %broadcast_in_dim3A_7 {strides = array<i32>} : memref<32x512xi32, #tpu.memory_space<vmem>>, vector<16xi32>,
      %swap3A_148 = arith.index_cast %add3A_70 : i32 to index
      %swap3A_149 = arith.constant 416 : index
      %swap3A_150 = tpu.vector_load %arg15[%swap3A_148, %swap3A_149] {strides = array<i32>} : memref<32x512xi32, #tpu.memory_space<vmem>>, vector<16xi32>,
      tpu.vector_store %arg15[%swap3A_148, %swap3A_149], %broadcast_in_dim3A_7 {strides = array<i32>} : memref<32x512xi32, #tpu.memory_space<vmem>>, vector<16xi32>,
      %swap3A_151 = arith.index_cast %add3A_70 : i32 to index
      %swap3A_152 = arith.constant 432 : index
      %swap3A_153 = tpu.vector_load %arg15[%swap3A_151, %swap3A_152] {strides = array<i32>} : memref<32x512xi32, #tpu.memory_space<vmem>>, vector<16xi32>,
      tpu.vector_store %arg15[%swap3A_151, %swap3A_152], %broadcast_in_dim3A_7 {strides = array<i32>} : memref<32x512xi32, #tpu.memory_space<vmem>>, vector<16xi32>,
      %swap3A_154 = arith.index_cast %add3A_70 : i32 to index
      %swap3A_155 = arith.constant 448 : index
      %swap3A_156 = tpu.vector_load %arg15[%swap3A_154, %swap3A_155] {strides = array<i32>} : memref<32x512xi32, #tpu.memory_space<vmem>>, vector<16xi32>,
      tpu.vector_store %arg15[%swap3A_154, %swap3A_155], %broadcast_in_dim3A_7 {strides = array<i32>} : memref<32x512xi32, #tpu.memory_space<vmem>>, vector<16xi32>,
      %swap3A_157 = arith.index_cast %add3A_70 : i32 to index
      %swap3A_158 = arith.constant 464 : index
      %swap3A_159 = tpu.vector_load %arg15[%swap3A_157, %swap3A_158] {strides = array<i32>} : memref<32x512xi32, #tpu.memory_space<vmem>>, vector<16xi32>,
      tpu.vector_store %arg15[%swap3A_157, %swap3A_158], %broadcast_in_dim3A_7 {strides = array<i32>} : memref<32x512xi32, #tpu.memory_space<vmem>>, vector<16xi32>,
      %swap3A_160 = arith.index_cast %add3A_70 : i32 to index
      %swap3A_161 = arith.constant 480 : index
      %swap3A_162 = tpu.vector_load %arg15[%swap3A_160, %swap3A_161] {strides = array<i32>} : memref<32x512xi32, #tpu.memory_space<vmem>>, vector<16xi32>,
      tpu.vector_store %arg15[%swap3A_160, %swap3A_161], %broadcast_in_dim3A_7 {strides = array<i32>} : memref<32x512xi32, #tpu.memory_space<vmem>>, vector<16xi32>,
      %swap3A_163 = arith.index_cast %add3A_70 : i32 to index
      %swap3A_164 = arith.constant 496 : index
      %swap3A_165 = tpu.vector_load %arg15[%swap3A_163, %swap3A_164] {strides = array<i32>} : memref<32x512xi32, #tpu.memory_space<vmem>>, vector<16xi32>,
      tpu.vector_store %arg15[%swap3A_163, %swap3A_164], %broadcast_in_dim3A_7 {strides = array<i32>} : memref<32x512xi32, #tpu.memory_space<vmem>>, vector<16xi32>,
    }
    %scan3A_11 = arith.constant 32 : i32
    %dma_start3A = arith.constant 0 : i32
    %dma_start3A_12 = tpu.memref_slice %arg10[%dma_start3A] : memref<1600xi32, #tpu.memory_space<vmem>> -> memref<32xi32, #tpu.memory_space<vmem>>
    %dma_start3A_13 = arith.constant 0 : i32
    %dma_start3A_14 = arith.constant 0 : i32
    %dma_start3A_15 = tpu.memref_slice %arg3[%dma_start3A_13, %dma_start3A_14] : memref<16384x512xi32, #tpu.memory_space<hbm>> -> memref<16384x512xi32, #tpu.memory_space<hbm>>
    tpu.enqueue_indirect_dma source(%dma_start3A_15 : memref<16384x512xi32, #tpu.memory_space<hbm>>) target(%arg13 : memref<32x512xi32, #tpu.memory_space<vmem>>) offsets(%dma_start3A_12 : memref<32xi32, #tpu.memory_space<vmem>>) semaphore(%arg16 : memref<!tpu.dma_semaphore, #tpu.memory_space<semaphore_mem>>)
    %dma_start3A_16 = arith.constant 32 : i32
    %dma_start3A_17 = tpu.memref_slice %arg10[%dma_start3A_16] : memref<1600xi32, #tpu.memory_space<vmem>> -> memref<32xi32, #tpu.memory_space<vmem>>
    %dma_start3A_18 = arith.constant 0 : i32
    %dma_start3A_19 = arith.constant 0 : i32
    %dma_start3A_20 = tpu.memref_slice %arg3[%dma_start3A_18, %dma_start3A_19] : memref<16384x512xi32, #tpu.memory_space<hbm>> -> memref<16384x512xi32, #tpu.memory_space<hbm>>
    tpu.enqueue_indirect_dma source(%dma_start3A_20 : memref<16384x512xi32, #tpu.memory_space<hbm>>) target(%arg14 : memref<32x512xi32, #tpu.memory_space<vmem>>) offsets(%dma_start3A_17 : memref<32xi32, #tpu.memory_space<vmem>>) semaphore(%arg17 : memref<!tpu.dma_semaphore, #tpu.memory_space<semaphore_mem>>)
    %scan3A_21 = arith.constant 0 : i32
    %scan3A_22 = arith.constant 13 : i32
    %scan3A_23 = arith.addi %scan3A_21, %scan3A_22 : i32
    %scan3A_24 = arith.constant 1 : i32
    scf.for %scan3A_66 = %scan3A_21 to %scan3A_23 step %scan3A_24  : i32 {
      %mul3A_67 = arith.constant 1 : i32
      %mul3A_68 = arith.muli %scan3A_66, %mul3A_67 : i32
      %add3A_69 = arith.constant 0 : i32
      %add3A_70 = arith.addi %add3A_69, %mul3A_68 : i32
      %mul3A_71 = arith.constant 2 : i32
      %mul3A_72 = arith.muli %mul3A_71, %add3A_70 : i32
      %add3A_73 = arith.constant 0 : i32
      %add3A_74 = arith.addi %add3A_73, %mul3A_72 : i32
      %dma_wait3A = arith.constant 0 : i32
      %dma_wait3A_75 = tpu.memref_slice %arg10[%dma_wait3A] : memref<1600xi32, #tpu.memory_space<vmem>> -> memref<32xi32, #tpu.memory_space<vmem>>
      %dma_wait3A_76 = arith.constant 0 : i32
      %dma_wait3A_77 = arith.constant 0 : i32
      %dma_wait3A_78 = tpu.memref_slice %arg3[%dma_wait3A_76, %dma_wait3A_77] : memref<16384x512xi32, #tpu.memory_space<hbm>> -> memref<16384x512xi32, #tpu.memory_space<hbm>>
      tpu.wait_indirect_dma semaphore(%arg16 : memref<!tpu.dma_semaphore, #tpu.memory_space<semaphore_mem>>) src(%dma_wait3A_78 : memref<16384x512xi32, #tpu.memory_space<hbm>>) dst(%arg13 : memref<32x512xi32, #tpu.memory_space<vmem>>)
      %scan3A_79 = arith.constant 0 : i32
      %scan3A_80 = arith.constant 32 : i32
      %scan3A_81 = arith.addi %scan3A_79, %scan3A_80 : i32
      %scan3A_82 = arith.constant 1 : i32
      scf.for %scan3A_105 = %scan3A_79 to %scan3A_81 step %scan3A_82  : i32 {
        %mul3A_106 = arith.constant 1 : i32
        %mul3A_107 = arith.muli %scan3A_105, %mul3A_106 : i32
        %add3A_108 = arith.constant 0 : i32
        %add3A_109 = arith.addi %add3A_108, %mul3A_107 : i32
        %get3A = arith.index_cast %add3A_109 : i32 to index
        %get3A_110 = arith.constant 0 : index
        %get3A_111 = tpu.vector_load %arg15[%get3A, %get3A_110] {strides = array<i32>} : memref<32x512xi32, #tpu.memory_space<vmem>>, vector<16xi32>,
        %bitcast3A = vector.bitcast %get3A_111 : vector<16xi32> to vector<32xbf16>
        %get3A_112 = arith.index_cast %add3A_109 : i32 to index
        %get3A_113 = arith.constant 0 : index
        %get3A_114 = tpu.vector_load %arg13[%get3A_112, %get3A_113] {strides = array<i32>} : memref<32x512xi32, #tpu.memory_space<vmem>>, vector<16xi32>,
        %bitcast3A_115 = vector.bitcast %get3A_114 : vector<16xi32> to vector<32xbf16>
        %add3A_116 = arith.addf %bitcast3A, %bitcast3A_115 : vector<32xbf16>
        %bitcast3A_117 = vector.bitcast %add3A_116 : vector<32xbf16> to vector<16xi32>
        %swap3A = arith.index_cast %add3A_109 : i32 to index
        %swap3A_118 = arith.constant 0 : index
        %swap3A_119 = tpu.vector_load %arg15[%swap3A, %swap3A_118] {strides = array<i32>} : memref<32x512xi32, #tpu.memory_space<vmem>>, vector<16xi32>,
        tpu.vector_store %arg15[%swap3A, %swap3A_118], %bitcast3A_117 {strides = array<i32>} : memref<32x512xi32, #tpu.memory_space<vmem>>, vector<16xi32>,
        %get3A_120 = arith.index_cast %add3A_109 : i32 to index
        %get3A_121 = arith.constant 16 : index
        %get3A_122 = tpu.vector_load %arg15[%get3A_120, %get3A_121] {strides = array<i32>} : memref<32x512xi32, #tpu.memory_space<vmem>>, vector<16xi32>,
        %bitcast3A_123 = vector.bitcast %get3A_122 : vector<16xi32> to vector<32xbf16>
        %get3A_124 = arith.index_cast %add3A_109 : i32 to index
        %get3A_125 = arith.constant 16 : index
        %get3A_126 = tpu.vector_load %arg13[%get3A_124, %get3A_125] {strides = array<i32>} : memref<32x512xi32, #tpu.memory_space<vmem>>, vector<16xi32>,
        %bitcast3A_127 = vector.bitcast %get3A_126 : vector<16xi32> to vector<32xbf16>
        %add3A_128 = arith.addf %bitcast3A_123, %bitcast3A_127 : vector<32xbf16>
        %bitcast3A_129 = vector.bitcast %add3A_128 : vector<32xbf16> to vector<16xi32>
        %swap3A_130 = arith.index_cast %add3A_109 : i32 to index
        %swap3A_131 = arith.constant 16 : index
        %swap3A_132 = tpu.vector_load %arg15[%swap3A_130, %swap3A_131] {strides = array<i32>} : memref<32x512xi32, #tpu.memory_space<vmem>>, vector<16xi32>,
        tpu.vector_store %arg15[%swap3A_130, %swap3A_131], %bitcast3A_129 {strides = array<i32>} : memref<32x512xi32, #tpu.memory_space<vmem>>, vector<16xi32>,
        %get3A_133 = arith.index_cast %add3A_109 : i32 to index
        %get3A_134 = arith.constant 32 : index
        %get3A_135 = tpu.vector_load %arg15[%get3A_133, %get3A_134] {strides = array<i32>} : memref<32x512xi32, #tpu.memory_space<vmem>>, vector<16xi32>,
        %bitcast3A_136 = vector.bitcast %get3A_135 : vector<16xi32> to vector<32xbf16>
        %get3A_137 = arith.index_cast %add3A_109 : i32 to index
        %get3A_138 = arith.constant 32 : index
        %get3A_139 = tpu.vector_load %arg13[%get3A_137, %get3A_138] {strides = array<i32>} : memref<32x512xi32, #tpu.memory_space<vmem>>, vector<16xi32>,
        %bitcast3A_140 = vector.bitcast %get3A_139 : vector<16xi32> to vector<32xbf16>
        %add3A_141 = arith.addf %bitcast3A_136, %bitcast3A_140 : vector<32xbf16>
        %bitcast3A_142 = vector.bitcast %add3A_141 : vector<32xbf16> to vector<16xi32>
        %swap3A_143 = arith.index_cast %add3A_109 : i32 to index
        %swap3A_144 = arith.constant 32 : index
        %swap3A_145 = tpu.vector_load %arg15[%swap3A_143, %swap3A_144] {strides = array<i32>} : memref<32x512xi32, #tpu.memory_space<vmem>>, vector<16xi32>,
        tpu.vector_store %arg15[%swap3A_143, %swap3A_144], %bitcast3A_142 {strides = array<i32>} : memref<32x512xi32, #tpu.memory_space<vmem>>, vector<16xi32>,
        %get3A_146 = arith.index_cast %add3A_109 : i32 to index
        %get3A_147 = arith.constant 48 : index
        %get3A_148 = tpu.vector_load %arg15[%get3A_146, %get3A_147] {strides = array<i32>} : memref<32x512xi32, #tpu.memory_space<vmem>>, vector<16xi32>,
        %bitcast3A_149 = vector.bitcast %get3A_148 : vector<16xi32> to vector<32xbf16>
        %get3A_150 = arith.index_cast %add3A_109 : i32 to index
        %get3A_151 = arith.constant 48 : index
        %get3A_152 = tpu.vector_load %arg13[%get3A_150, %get3A_151] {strides = array<i32>} : memref<32x512xi32, #tpu.memory_space<vmem>>, vector<16xi32>,
        %bitcast3A_153 = vector.bitcast %get3A_152 : vector<16xi32> to vector<32xbf16>
        %add3A_154 = arith.addf %bitcast3A_149, %bitcast3A_153 : vector<32xbf16>
        %bitcast3A_155 = vector.bitcast %add3A_154 : vector<32xbf16> to vector<16xi32>
        %swap3A_156 = arith.index_cast %add3A_109 : i32 to index
        %swap3A_157 = arith.constant 48 : index
        %swap3A_158 = tpu.vector_load %arg15[%swap3A_156, %swap3A_157] {strides = array<i32>} : memref<32x512xi32, #tpu.memory_space<vmem>>, vector<16xi32>,
        tpu.vector_store %arg15[%swap3A_156, %swap3A_157], %bitcast3A_155 {strides = array<i32>} : memref<32x512xi32, #tpu.memory_space<vmem>>, vector<16xi32>,
        %get3A_159 = arith.index_cast %add3A_109 : i32 to index
        %get3A_160 = arith.constant 64 : index
        %get3A_161 = tpu.vector_load %arg15[%get3A_159, %get3A_160] {strides = array<i32>} : memref<32x512xi32, #tpu.memory_space<vmem>>, vector<16xi32>,
        %bitcast3A_162 = vector.bitcast %get3A_161 : vector<16xi32> to vector<32xbf16>
        %get3A_163 = arith.index_cast %add3A_109 : i32 to index
        %get3A_164 = arith.constant 64 : index
        %get3A_165 = tpu.vector_load %arg13[%get3A_163, %get3A_164] {strides = array<i32>} : memref<32x512xi32, #tpu.memory_space<vmem>>, vector<16xi32>,
        %bitcast3A_166 = vector.bitcast %get3A_165 : vector<16xi32> to vector<32xbf16>
        %add3A_167 = arith.addf %bitcast3A_162, %bitcast3A_166 : vector<32xbf16>
        %bitcast3A_168 = vector.bitcast %add3A_167 : vector<32xbf16> to vector<16xi32>
        %swap3A_169 = arith.index_cast %add3A_109 : i32 to index
        %swap3A_170 = arith.constant 64 : index
        %swap3A_171 = tpu.vector_load %arg15[%swap3A_169, %swap3A_170] {strides = array<i32>} : memref<32x512xi32, #tpu.memory_space<vmem>>, vector<16xi32>,
        tpu.vector_store %arg15[%swap3A_169, %swap3A_170], %bitcast3A_168 {strides = array<i32>} : memref<32x512xi32, #tpu.memory_space<vmem>>, vector<16xi32>,
        %get3A_172 = arith.index_cast %add3A_109 : i32 to index
        %get3A_173 = arith.constant 80 : index
        %get3A_174 = tpu.vector_load %arg15[%get3A_172, %get3A_173] {strides = array<i32>} : memref<32x512xi32, #tpu.memory_space<vmem>>, vector<16xi32>,
        %bitcast3A_175 = vector.bitcast %get3A_174 : vector<16xi32> to vector<32xbf16>
        %get3A_176 = arith.index_cast %add3A_109 : i32 to index
        %get3A_177 = arith.constant 80 : index
        %get3A_178 = tpu.vector_load %arg13[%get3A_176, %get3A_177] {strides = array<i32>} : memref<32x512xi32, #tpu.memory_space<vmem>>, vector<16xi32>,
        %bitcast3A_179 = vector.bitcast %get3A_178 : vector<16xi32> to vector<32xbf16>
        %add3A_180 = arith.addf %bitcast3A_175, %bitcast3A_179 : vector<32xbf16>
        %bitcast3A_181 = vector.bitcast %add3A_180 : vector<32xbf16> to vector<16xi32>
        %swap3A_182 = arith.index_cast %add3A_109 : i32 to index
        %swap3A_183 = arith.constant 80 : index
        %swap3A_184 = tpu.vector_load %arg15[%swap3A_182, %swap3A_183] {strides = array<i32>} : memref<32x512xi32, #tpu.memory_space<vmem>>, vector<16xi32>,
        tpu.vector_store %arg15[%swap3A_182, %swap3A_183], %bitcast3A_181 {strides = array<i32>} : memref<32x512xi32, #tpu.memory_space<vmem>>, vector<16xi32>,
        %get3A_185 = arith.index_cast %add3A_109 : i32 to index
        %get3A_186 = arith.constant 96 : index
        %get3A_187 = tpu.vector_load %arg15[%get3A_185, %get3A_186] {strides = array<i32>} : memref<32x512xi32, #tpu.memory_space<vmem>>, vector<16xi32>,
        %bitcast3A_188 = vector.bitcast %get3A_187 : vector<16xi32> to vector<32xbf16>
        %get3A_189 = arith.index_cast %add3A_109 : i32 to index
        %get3A_190 = arith.constant 96 : index
        %get3A_191 = tpu.vector_load %arg13[%get3A_189, %get3A_190] {strides = array<i32>} : memref<32x512xi32, #tpu.memory_space<vmem>>, vector<16xi32>,
        %bitcast3A_192 = vector.bitcast %get3A_191 : vector<16xi32> to vector<32xbf16>
        %add3A_193 = arith.addf %bitcast3A_188, %bitcast3A_192 : vector<32xbf16>
        %bitcast3A_194 = vector.bitcast %add3A_193 : vector<32xbf16> to vector<16xi32>
        %swap3A_195 = arith.index_cast %add3A_109 : i32 to index
        %swap3A_196 = arith.constant 96 : index
        %swap3A_197 = tpu.vector_load %arg15[%swap3A_195, %swap3A_196] {strides = array<i32>} : memref<32x512xi32, #tpu.memory_space<vmem>>, vector<16xi32>,
        tpu.vector_store %arg15[%swap3A_195, %swap3A_196], %bitcast3A_194 {strides = array<i32>} : memref<32x512xi32, #tpu.memory_space<vmem>>, vector<16xi32>,
        %get3A_198 = arith.index_cast %add3A_109 : i32 to index
        %get3A_199 = arith.constant 112 : index
        %get3A_200 = tpu.vector_load %arg15[%get3A_198, %get3A_199] {strides = array<i32>} : memref<32x512xi32, #tpu.memory_space<vmem>>, vector<16xi32>,
        %bitcast3A_201 = vector.bitcast %get3A_200 : vector<16xi32> to vector<32xbf16>
        %get3A_202 = arith.index_cast %add3A_109 : i32 to index
        %get3A_203 = arith.constant 112 : index
        %get3A_204 = tpu.vector_load %arg13[%get3A_202, %get3A_203] {strides = array<i32>} : memref<32x512xi32, #tpu.memory_space<vmem>>, vector<16xi32>,
        %bitcast3A_205 = vector.bitcast %get3A_204 : vector<16xi32> to vector<32xbf16>
        %add3A_206 = arith.addf %bitcast3A_201, %bitcast3A_205 : vector<32xbf16>
        %bitcast3A_207 = vector.bitcast %add3A_206 : vector<32xbf16> to vector<16xi32>
        %swap3A_208 = arith.index_cast %add3A_109 : i32 to index
        %swap3A_209 = arith.constant 112 : index
        %swap3A_210 = tpu.vector_load %arg15[%swap3A_208, %swap3A_209] {strides = array<i32>} : memref<32x512xi32, #tpu.memory_space<vmem>>, vector<16xi32>,
        tpu.vector_store %arg15[%swap3A_208, %swap3A_209], %bitcast3A_207 {strides = array<i32>} : memref<32x512xi32, #tpu.memory_space<vmem>>, vector<16xi32>,
        %get3A_211 = arith.index_cast %add3A_109 : i32 to index
        %get3A_212 = arith.constant 128 : index
        %get3A_213 = tpu.vector_load %arg15[%get3A_211, %get3A_212] {strides = array<i32>} : memref<32x512xi32, #tpu.memory_space<vmem>>, vector<16xi32>,
        %bitcast3A_214 = vector.bitcast %get3A_213 : vector<16xi32> to vector<32xbf16>
        %get3A_215 = arith.index_cast %add3A_109 : i32 to index
        %get3A_216 = arith.constant 128 : index
        %get3A_217 = tpu.vector_load %arg13[%get3A_215, %get3A_216] {strides = array<i32>} : memref<32x512xi32, #tpu.memory_space<vmem>>, vector<16xi32>,
        %bitcast3A_218 = vector.bitcast %get3A_217 : vector<16xi32> to vector<32xbf16>
        %add3A_219 = arith.addf %bitcast3A_214, %bitcast3A_218 : vector<32xbf16>
        %bitcast3A_220 = vector.bitcast %add3A_219 : vector<32xbf16> to vector<16xi32>
        %swap3A_221 = arith.index_cast %add3A_109 : i32 to index
        %swap3A_222 = arith.constant 128 : index
        %swap3A_223 = tpu.vector_load %arg15[%swap3A_221, %swap3A_222] {strides = array<i32>} : memref<32x512xi32, #tpu.memory_space<vmem>>, vector<16xi32>,
        tpu.vector_store %arg15[%swap3A_221, %swap3A_222], %bitcast3A_220 {strides = array<i32>} : memref<32x512xi32, #tpu.memory_space<vmem>>, vector<16xi32>,
        %get3A_224 = arith.index_cast %add3A_109 : i32 to index
        %get3A_225 = arith.constant 144 : index
        %get3A_226 = tpu.vector_load %arg15[%get3A_224, %get3A_225] {strides = array<i32>} : memref<32x512xi32, #tpu.memory_space<vmem>>, vector<16xi32>,
        %bitcast3A_227 = vector.bitcast %get3A_226 : vector<16xi32> to vector<32xbf16>
        %get3A_228 = arith.index_cast %add3A_109 : i32 to index
        %get3A_229 = arith.constant 144 : index
        %get3A_230 = tpu.vector_load %arg13[%get3A_228, %get3A_229] {strides = array<i32>} : memref<32x512xi32, #tpu.memory_space<vmem>>, vector<16xi32>,
        %bitcast3A_231 = vector.bitcast %get3A_230 : vector<16xi32> to vector<32xbf16>
        %add3A_232 = arith.addf %bitcast3A_227, %bitcast3A_231 : vector<32xbf16>
        %bitcast3A_233 = vector.bitcast %add3A_232 : vector<32xbf16> to vector<16xi32>
        %swap3A_234 = arith.index_cast %add3A_109 : i32 to index
        %swap3A_235 = arith.constant 144 : index
        %swap3A_236 = tpu.vector_load %arg15[%swap3A_234, %swap3A_235] {strides = array<i32>} : memref<32x512xi32, #tpu.memory_space<vmem>>, vector<16xi32>,
        tpu.vector_store %arg15[%swap3A_234, %swap3A_235], %bitcast3A_233 {strides = array<i32>} : memref<32x512xi32, #tpu.memory_space<vmem>>, vector<16xi32>,
        %get3A_237 = arith.index_cast %add3A_109 : i32 to index
        %get3A_238 = arith.constant 160 : index
        %get3A_239 = tpu.vector_load %arg15[%get3A_237, %get3A_238] {strides = array<i32>} : memref<32x512xi32, #tpu.memory_space<vmem>>, vector<16xi32>,
        %bitcast3A_240 = vector.bitcast %get3A_239 : vector<16xi32> to vector<32xbf16>
        %get3A_241 = arith.index_cast %add3A_109 : i32 to index
        %get3A_242 = arith.constant 160 : index
        %get3A_243 = tpu.vector_load %arg13[%get3A_241, %get3A_242] {strides = array<i32>} : memref<32x512xi32, #tpu.memory_space<vmem>>, vector<16xi32>,
        %bitcast3A_244 = vector.bitcast %get3A_243 : vector<16xi32> to vector<32xbf16>
        %add3A_245 = arith.addf %bitcast3A_240, %bitcast3A_244 : vector<32xbf16>
        %bitcast3A_246 = vector.bitcast %add3A_245 : vector<32xbf16> to vector<16xi32>
        %swap3A_247 = arith.index_cast %add3A_109 : i32 to index
        %swap3A_248 = arith.constant 160 : index
        %swap3A_249 = tpu.vector_load %arg15[%swap3A_247, %swap3A_248] {strides = array<i32>} : memref<32x512xi32, #tpu.memory_space<vmem>>, vector<16xi32>,
        tpu.vector_store %arg15[%swap3A_247, %swap3A_248], %bitcast3A_246 {strides = array<i32>} : memref<32x512xi32, #tpu.memory_space<vmem>>, vector<16xi32>,
        %get3A_250 = arith.index_cast %add3A_109 : i32 to index
        %get3A_251 = arith.constant 176 : index
        %get3A_252 = tpu.vector_load %arg15[%get3A_250, %get3A_251] {strides = array<i32>} : memref<32x512xi32, #tpu.memory_space<vmem>>, vector<16xi32>,
        %bitcast3A_253 = vector.bitcast %get3A_252 : vector<16xi32> to vector<32xbf16>
        %get3A_254 = arith.index_cast %add3A_109 : i32 to index
        %get3A_255 = arith.constant 176 : index
        %get3A_256 = tpu.vector_load %arg13[%get3A_254, %get3A_255] {strides = array<i32>} : memref<32x512xi32, #tpu.memory_space<vmem>>, vector<16xi32>,
        %bitcast3A_257 = vector.bitcast %get3A_256 : vector<16xi32> to vector<32xbf16>
        %add3A_258 = arith.addf %bitcast3A_253, %bitcast3A_257 : vector<32xbf16>
        %bitcast3A_259 = vector.bitcast %add3A_258 : vector<32xbf16> to vector<16xi32>
        %swap3A_260 = arith.index_cast %add3A_109 : i32 to index
        %swap3A_261 = arith.constant 176 : index
        %swap3A_262 = tpu.vector_load %arg15[%swap3A_260, %swap3A_261] {strides = array<i32>} : memref<32x512xi32, #tpu.memory_space<vmem>>, vector<16xi32>,
        tpu.vector_store %arg15[%swap3A_260, %swap3A_261], %bitcast3A_259 {strides = array<i32>} : memref<32x512xi32, #tpu.memory_space<vmem>>, vector<16xi32>,
        %get3A_263 = arith.index_cast %add3A_109 : i32 to index
        %get3A_264 = arith.constant 192 : index
        %get3A_265 = tpu.vector_load %arg15[%get3A_263, %get3A_264] {strides = array<i32>} : memref<32x512xi32, #tpu.memory_space<vmem>>, vector<16xi32>,
        %bitcast3A_266 = vector.bitcast %get3A_265 : vector<16xi32> to vector<32xbf16>
        %get3A_267 = arith.index_cast %add3A_109 : i32 to index
        %get3A_268 = arith.constant 192 : index
        %get3A_269 = tpu.vector_load %arg13[%get3A_267, %get3A_268] {strides = array<i32>} : memref<32x512xi32, #tpu.memory_space<vmem>>, vector<16xi32>,
        %bitcast3A_270 = vector.bitcast %get3A_269 : vector<16xi32> to vector<32xbf16>
        %add3A_271 = arith.addf %bitcast3A_266, %bitcast3A_270 : vector<32xbf16>
        %bitcast3A_272 = vector.bitcast %add3A_271 : vector<32xbf16> to vector<16xi32>
        %swap3A_273 = arith.index_cast %add3A_109 : i32 to index
        %swap3A_274 = arith.constant 192 : index
        %swap3A_275 = tpu.vector_load %arg15[%swap3A_273, %swap3A_274] {strides = array<i32>} : memref<32x512xi32, #tpu.memory_space<vmem>>, vector<16xi32>,
        tpu.vector_store %arg15[%swap3A_273, %swap3A_274], %bitcast3A_272 {strides = array<i32>} : memref<32x512xi32, #tpu.memory_space<vmem>>, vector<16xi32>,
        %get3A_276 = arith.index_cast %add3A_109 : i32 to index
        %get3A_277 = arith.constant 208 : index
        %get3A_278 = tpu.vector_load %arg15[%get3A_276, %get3A_277] {strides = array<i32>} : memref<32x512xi32, #tpu.memory_space<vmem>>, vector<16xi32>,
        %bitcast3A_279 = vector.bitcast %get3A_278 : vector<16xi32> to vector<32xbf16>
        %get3A_280 = arith.index_cast %add3A_109 : i32 to index
        %get3A_281 = arith.constant 208 : index
        %get3A_282 = tpu.vector_load %arg13[%get3A_280, %get3A_281] {strides = array<i32>} : memref<32x512xi32, #tpu.memory_space<vmem>>, vector<16xi32>,
        %bitcast3A_283 = vector.bitcast %get3A_282 : vector<16xi32> to vector<32xbf16>
        %add3A_284 = arith.addf %bitcast3A_279, %bitcast3A_283 : vector<32xbf16>
        %bitcast3A_285 = vector.bitcast %add3A_284 : vector<32xbf16> to vector<16xi32>
        %swap3A_286 = arith.index_cast %add3A_109 : i32 to index
        %swap3A_287 = arith.constant 208 : index
        %swap3A_288 = tpu.vector_load %arg15[%swap3A_286, %swap3A_287] {strides = array<i32>} : memref<32x512xi32, #tpu.memory_space<vmem>>, vector<16xi32>,
        tpu.vector_store %arg15[%swap3A_286, %swap3A_287], %bitcast3A_285 {strides = array<i32>} : memref<32x512xi32, #tpu.memory_space<vmem>>, vector<16xi32>,
        %get3A_289 = arith.index_cast %add3A_109 : i32 to index
        %get3A_290 = arith.constant 224 : index
        %get3A_291 = tpu.vector_load %arg15[%get3A_289, %get3A_290] {strides = array<i32>} : memref<32x512xi32, #tpu.memory_space<vmem>>, vector<16xi32>,
        %bitcast3A_292 = vector.bitcast %get3A_291 : vector<16xi32> to vector<32xbf16>
        %get3A_293 = arith.index_cast %add3A_109 : i32 to index
        %get3A_294 = arith.constant 224 : index
        %get3A_295 = tpu.vector_load %arg13[%get3A_293, %get3A_294] {strides = array<i32>} : memref<32x512xi32, #tpu.memory_space<vmem>>, vector<16xi32>,
        %bitcast3A_296 = vector.bitcast %get3A_295 : vector<16xi32> to vector<32xbf16>
        %add3A_297 = arith.addf %bitcast3A_292, %bitcast3A_296 : vector<32xbf16>
        %bitcast3A_298 = vector.bitcast %add3A_297 : vector<32xbf16> to vector<16xi32>
        %swap3A_299 = arith.index_cast %add3A_109 : i32 to index
        %swap3A_300 = arith.constant 224 : index
        %swap3A_301 = tpu.vector_load %arg15[%swap3A_299, %swap3A_300] {strides = array<i32>} : memref<32x512xi32, #tpu.memory_space<vmem>>, vector<16xi32>,
        tpu.vector_store %arg15[%swap3A_299, %swap3A_300], %bitcast3A_298 {strides = array<i32>} : memref<32x512xi32, #tpu.memory_space<vmem>>, vector<16xi32>,
        %get3A_302 = arith.index_cast %add3A_109 : i32 to index
        %get3A_303 = arith.constant 240 : index
        %get3A_304 = tpu.vector_load %arg15[%get3A_302, %get3A_303] {strides = array<i32>} : memref<32x512xi32, #tpu.memory_space<vmem>>, vector<16xi32>,
        %bitcast3A_305 = vector.bitcast %get3A_304 : vector<16xi32> to vector<32xbf16>
        %get3A_306 = arith.index_cast %add3A_109 : i32 to index
        %get3A_307 = arith.constant 240 : index
        %get3A_308 = tpu.vector_load %arg13[%get3A_306, %get3A_307] {strides = array<i32>} : memref<32x512xi32, #tpu.memory_space<vmem>>, vector<16xi32>,
        %bitcast3A_309 = vector.bitcast %get3A_308 : vector<16xi32> to vector<32xbf16>
        %add3A_310 = arith.addf %bitcast3A_305, %bitcast3A_309 : vector<32xbf16>
        %bitcast3A_311 = vector.bitcast %add3A_310 : vector<32xbf16> to vector<16xi32>
        %swap3A_312 = arith.index_cast %add3A_109 : i32 to index
        %swap3A_313 = arith.constant 240 : index
        %swap3A_314 = tpu.vector_load %arg15[%swap3A_312, %swap3A_313] {strides = array<i32>} : memref<32x512xi32, #tpu.memory_space<vmem>>, vector<16xi32>,
        tpu.vector_store %arg15[%swap3A_312, %swap3A_313], %bitcast3A_311 {strides = array<i32>} : memref<32x512xi32, #tpu.memory_space<vmem>>, vector<16xi32>,
        %get3A_315 = arith.index_cast %add3A_109 : i32 to index
        %get3A_316 = arith.constant 256 : index
        %get3A_317 = tpu.vector_load %arg15[%get3A_315, %get3A_316] {strides = array<i32>} : memref<32x512xi32, #tpu.memory_space<vmem>>, vector<16xi32>,
        %bitcast3A_318 = vector.bitcast %get3A_317 : vector<16xi32> to vector<32xbf16>
        %get3A_319 = arith.index_cast %add3A_109 : i32 to index
        %get3A_320 = arith.constant 256 : index
        %get3A_321 = tpu.vector_load %arg13[%get3A_319, %get3A_320] {strides = array<i32>} : memref<32x512xi32, #tpu.memory_space<vmem>>, vector<16xi32>,
        %bitcast3A_322 = vector.bitcast %get3A_321 : vector<16xi32> to vector<32xbf16>
        %add3A_323 = arith.addf %bitcast3A_318, %bitcast3A_322 : vector<32xbf16>
        %bitcast3A_324 = vector.bitcast %add3A_323 : vector<32xbf16> to vector<16xi32>
        %swap3A_325 = arith.index_cast %add3A_109 : i32 to index
        %swap3A_326 = arith.constant 256 : index
        %swap3A_327 = tpu.vector_load %arg15[%swap3A_325, %swap3A_326] {strides = array<i32>} : memref<32x512xi32, #tpu.memory_space<vmem>>, vector<16xi32>,
        tpu.vector_store %arg15[%swap3A_325, %swap3A_326], %bitcast3A_324 {strides = array<i32>} : memref<32x512xi32, #tpu.memory_space<vmem>>, vector<16xi32>,
        %get3A_328 = arith.index_cast %add3A_109 : i32 to index
        %get3A_329 = arith.constant 272 : index
        %get3A_330 = tpu.vector_load %arg15[%get3A_328, %get3A_329] {strides = array<i32>} : memref<32x512xi32, #tpu.memory_space<vmem>>, vector<16xi32>,
        %bitcast3A_331 = vector.bitcast %get3A_330 : vector<16xi32> to vector<32xbf16>
        %get3A_332 = arith.index_cast %add3A_109 : i32 to index
        %get3A_333 = arith.constant 272 : index
        %get3A_334 = tpu.vector_load %arg13[%get3A_332, %get3A_333] {strides = array<i32>} : memref<32x512xi32, #tpu.memory_space<vmem>>, vector<16xi32>,
        %bitcast3A_335 = vector.bitcast %get3A_334 : vector<16xi32> to vector<32xbf16>
        %add3A_336 = arith.addf %bitcast3A_331, %bitcast3A_335 : vector<32xbf16>
        %bitcast3A_337 = vector.bitcast %add3A_336 : vector<32xbf16> to vector<16xi32>
        %swap3A_338 = arith.index_cast %add3A_109 : i32 to index
        %swap3A_339 = arith.constant 272 : index
        %swap3A_340 = tpu.vector_load %arg15[%swap3A_338, %swap3A_339] {strides = array<i32>} : memref<32x512xi32, #tpu.memory_space<vmem>>, vector<16xi32>,
        tpu.vector_store %arg15[%swap3A_338, %swap3A_339], %bitcast3A_337 {strides = array<i32>} : memref<32x512xi32, #tpu.memory_space<vmem>>, vector<16xi32>,
        %get3A_341 = arith.index_cast %add3A_109 : i32 to index
        %get3A_342 = arith.constant 288 : index
        %get3A_343 = tpu.vector_load %arg15[%get3A_341, %get3A_342] {strides = array<i32>} : memref<32x512xi32, #tpu.memory_space<vmem>>, vector<16xi32>,
        %bitcast3A_344 = vector.bitcast %get3A_343 : vector<16xi32> to vector<32xbf16>
        %get3A_345 = arith.index_cast %add3A_109 : i32 to index
        %get3A_346 = arith.constant 288 : index
        %get3A_347 = tpu.vector_load %arg13[%get3A_345, %get3A_346] {strides = array<i32>} : memref<32x512xi32, #tpu.memory_space<vmem>>, vector<16xi32>,
        %bitcast3A_348 = vector.bitcast %get3A_347 : vector<16xi32> to vector<32xbf16>
        %add3A_349 = arith.addf %bitcast3A_344, %bitcast3A_348 : vector<32xbf16>
        %bitcast3A_350 = vector.bitcast %add3A_349 : vector<32xbf16> to vector<16xi32>
        %swap3A_351 = arith.index_cast %add3A_109 : i32 to index
        %swap3A_352 = arith.constant 288 : index
        %swap3A_353 = tpu.vector_load %arg15[%swap3A_351, %swap3A_352] {strides = array<i32>} : memref<32x512xi32, #tpu.memory_space<vmem>>, vector<16xi32>,
        tpu.vector_store %arg15[%swap3A_351, %swap3A_352], %bitcast3A_350 {strides = array<i32>} : memref<32x512xi32, #tpu.memory_space<vmem>>, vector<16xi32>,
        %get3A_354 = arith.index_cast %add3A_109 : i32 to index
        %get3A_355 = arith.constant 304 : index
        %get3A_356 = tpu.vector_load %arg15[%get3A_354, %get3A_355] {strides = array<i32>} : memref<32x512xi32, #tpu.memory_space<vmem>>, vector<16xi32>,
        %bitcast3A_357 = vector.bitcast %get3A_356 : vector<16xi32> to vector<32xbf16>
        %get3A_358 = arith.index_cast %add3A_109 : i32 to index
        %get3A_359 = arith.constant 304 : index
        %get3A_360 = tpu.vector_load %arg13[%get3A_358, %get3A_359] {strides = array<i32>} : memref<32x512xi32, #tpu.memory_space<vmem>>, vector<16xi32>,
        %bitcast3A_361 = vector.bitcast %get3A_360 : vector<16xi32> to vector<32xbf16>
        %add3A_362 = arith.addf %bitcast3A_357, %bitcast3A_361 : vector<32xbf16>
        %bitcast3A_363 = vector.bitcast %add3A_362 : vector<32xbf16> to vector<16xi32>
        %swap3A_364 = arith.index_cast %add3A_109 : i32 to index
        %swap3A_365 = arith.constant 304 : index
        %swap3A_366 = tpu.vector_load %arg15[%swap3A_364, %swap3A_365] {strides = array<i32>} : memref<32x512xi32, #tpu.memory_space<vmem>>, vector<16xi32>,
        tpu.vector_store %arg15[%swap3A_364, %swap3A_365], %bitcast3A_363 {strides = array<i32>} : memref<32x512xi32, #tpu.memory_space<vmem>>, vector<16xi32>,
        %get3A_367 = arith.index_cast %add3A_109 : i32 to index
        %get3A_368 = arith.constant 320 : index
        %get3A_369 = tpu.vector_load %arg15[%get3A_367, %get3A_368] {strides = array<i32>} : memref<32x512xi32, #tpu.memory_space<vmem>>, vector<16xi32>,
        %bitcast3A_370 = vector.bitcast %get3A_369 : vector<16xi32> to vector<32xbf16>
        %get3A_371 = arith.index_cast %add3A_109 : i32 to index
        %get3A_372 = arith.constant 320 : index
        %get3A_373 = tpu.vector_load %arg13[%get3A_371, %get3A_372] {strides = array<i32>} : memref<32x512xi32, #tpu.memory_space<vmem>>, vector<16xi32>,
        %bitcast3A_374 = vector.bitcast %get3A_373 : vector<16xi32> to vector<32xbf16>
        %add3A_375 = arith.addf %bitcast3A_370, %bitcast3A_374 : vector<32xbf16>
        %bitcast3A_376 = vector.bitcast %add3A_375 : vector<32xbf16> to vector<16xi32>
        %swap3A_377 = arith.index_cast %add3A_109 : i32 to index
        %swap3A_378 = arith.constant 320 : index
        %swap3A_379 = tpu.vector_load %arg15[%swap3A_377, %swap3A_378] {strides = array<i32>} : memref<32x512xi32, #tpu.memory_space<vmem>>, vector<16xi32>,
        tpu.vector_store %arg15[%swap3A_377, %swap3A_378], %bitcast3A_376 {strides = array<i32>} : memref<32x512xi32, #tpu.memory_space<vmem>>, vector<16xi32>,
        %get3A_380 = arith.index_cast %add3A_109 : i32 to index
        %get3A_381 = arith.constant 336 : index
        %get3A_382 = tpu.vector_load %arg15[%get3A_380, %get3A_381] {strides = array<i32>} : memref<32x512xi32, #tpu.memory_space<vmem>>, vector<16xi32>,
        %bitcast3A_383 = vector.bitcast %get3A_382 : vector<16xi32> to vector<32xbf16>
        %get3A_384 = arith.index_cast %add3A_109 : i32 to index
        %get3A_385 = arith.constant 336 : index
        %get3A_386 = tpu.vector_load %arg13[%get3A_384, %get3A_385] {strides = array<i32>} : memref<32x512xi32, #tpu.memory_space<vmem>>, vector<16xi32>,
        %bitcast3A_387 = vector.bitcast %get3A_386 : vector<16xi32> to vector<32xbf16>
        %add3A_388 = arith.addf %bitcast3A_383, %bitcast3A_387 : vector<32xbf16>
        %bitcast3A_389 = vector.bitcast %add3A_388 : vector<32xbf16> to vector<16xi32>
        %swap3A_390 = arith.index_cast %add3A_109 : i32 to index
        %swap3A_391 = arith.constant 336 : index
        %swap3A_392 = tpu.vector_load %arg15[%swap3A_390, %swap3A_391] {strides = array<i32>} : memref<32x512xi32, #tpu.memory_space<vmem>>, vector<16xi32>,
        tpu.vector_store %arg15[%swap3A_390, %swap3A_391], %bitcast3A_389 {strides = array<i32>} : memref<32x512xi32, #tpu.memory_space<vmem>>, vector<16xi32>,
        %get3A_393 = arith.index_cast %add3A_109 : i32 to index
        %get3A_394 = arith.constant 352 : index
        %get3A_395 = tpu.vector_load %arg15[%get3A_393, %get3A_394] {strides = array<i32>} : memref<32x512xi32, #tpu.memory_space<vmem>>, vector<16xi32>,
        %bitcast3A_396 = vector.bitcast %get3A_395 : vector<16xi32> to vector<32xbf16>
        %get3A_397 = arith.index_cast %add3A_109 : i32 to index
        %get3A_398 = arith.constant 352 : index
        %get3A_399 = tpu.vector_load %arg13[%get3A_397, %get3A_398] {strides = array<i32>} : memref<32x512xi32, #tpu.memory_space<vmem>>, vector<16xi32>,
        %bitcast3A_400 = vector.bitcast %get3A_399 : vector<16xi32> to vector<32xbf16>
        %add3A_401 = arith.addf %bitcast3A_396, %bitcast3A_400 : vector<32xbf16>
        %bitcast3A_402 = vector.bitcast %add3A_401 : vector<32xbf16> to vector<16xi32>
        %swap3A_403 = arith.index_cast %add3A_109 : i32 to index
        %swap3A_404 = arith.constant 352 : index
        %swap3A_405 = tpu.vector_load %arg15[%swap3A_403, %swap3A_404] {strides = array<i32>} : memref<32x512xi32, #tpu.memory_space<vmem>>, vector<16xi32>,
        tpu.vector_store %arg15[%swap3A_403, %swap3A_404], %bitcast3A_402 {strides = array<i32>} : memref<32x512xi32, #tpu.memory_space<vmem>>, vector<16xi32>,
        %get3A_406 = arith.index_cast %add3A_109 : i32 to index
        %get3A_407 = arith.constant 368 : index
        %get3A_408 = tpu.vector_load %arg15[%get3A_406, %get3A_407] {strides = array<i32>} : memref<32x512xi32, #tpu.memory_space<vmem>>, vector<16xi32>,
        %bitcast3A_409 = vector.bitcast %get3A_408 : vector<16xi32> to vector<32xbf16>
        %get3A_410 = arith.index_cast %add3A_109 : i32 to index
        %get3A_411 = arith.constant 368 : index
        %get3A_412 = tpu.vector_load %arg13[%get3A_410, %get3A_411] {strides = array<i32>} : memref<32x512xi32, #tpu.memory_space<vmem>>, vector<16xi32>,
        %bitcast3A_413 = vector.bitcast %get3A_412 : vector<16xi32> to vector<32xbf16>
        %add3A_414 = arith.addf %bitcast3A_409, %bitcast3A_413 : vector<32xbf16>
        %bitcast3A_415 = vector.bitcast %add3A_414 : vector<32xbf16> to vector<16xi32>
        %swap3A_416 = arith.index_cast %add3A_109 : i32 to index
        %swap3A_417 = arith.constant 368 : index
        %swap3A_418 = tpu.vector_load %arg15[%swap3A_416, %swap3A_417] {strides = array<i32>} : memref<32x512xi32, #tpu.memory_space<vmem>>, vector<16xi32>,
        tpu.vector_store %arg15[%swap3A_416, %swap3A_417], %bitcast3A_415 {strides = array<i32>} : memref<32x512xi32, #tpu.memory_space<vmem>>, vector<16xi32>,
        %get3A_419 = arith.index_cast %add3A_109 : i32 to index
        %get3A_420 = arith.constant 384 : index
        %get3A_421 = tpu.vector_load %arg15[%get3A_419, %get3A_420] {strides = array<i32>} : memref<32x512xi32, #tpu.memory_space<vmem>>, vector<16xi32>,
        %bitcast3A_422 = vector.bitcast %get3A_421 : vector<16xi32> to vector<32xbf16>
        %get3A_423 = arith.index_cast %add3A_109 : i32 to index
        %get3A_424 = arith.constant 384 : index
        %get3A_425 = tpu.vector_load %arg13[%get3A_423, %get3A_424] {strides = array<i32>} : memref<32x512xi32, #tpu.memory_space<vmem>>, vector<16xi32>,
        %bitcast3A_426 = vector.bitcast %get3A_425 : vector<16xi32> to vector<32xbf16>
        %add3A_427 = arith.addf %bitcast3A_422, %bitcast3A_426 : vector<32xbf16>
        %bitcast3A_428 = vector.bitcast %add3A_427 : vector<32xbf16> to vector<16xi32>
        %swap3A_429 = arith.index_cast %add3A_109 : i32 to index
        %swap3A_430 = arith.constant 384 : index
        %swap3A_431 = tpu.vector_load %arg15[%swap3A_429, %swap3A_430] {strides = array<i32>} : memref<32x512xi32, #tpu.memory_space<vmem>>, vector<16xi32>,
        tpu.vector_store %arg15[%swap3A_429, %swap3A_430], %bitcast3A_428 {strides = array<i32>} : memref<32x512xi32, #tpu.memory_space<vmem>>, vector<16xi32>,
        %get3A_432 = arith.index_cast %add3A_109 : i32 to index
        %get3A_433 = arith.constant 400 : index
        %get3A_434 = tpu.vector_load %arg15[%get3A_432, %get3A_433] {strides = array<i32>} : memref<32x512xi32, #tpu.memory_space<vmem>>, vector<16xi32>,
        %bitcast3A_435 = vector.bitcast %get3A_434 : vector<16xi32> to vector<32xbf16>
        %get3A_436 = arith.index_cast %add3A_109 : i32 to index
        %get3A_437 = arith.constant 400 : index
        %get3A_438 = tpu.vector_load %arg13[%get3A_436, %get3A_437] {strides = array<i32>} : memref<32x512xi32, #tpu.memory_space<vmem>>, vector<16xi32>,
        %bitcast3A_439 = vector.bitcast %get3A_438 : vector<16xi32> to vector<32xbf16>
        %add3A_440 = arith.addf %bitcast3A_435, %bitcast3A_439 : vector<32xbf16>
        %bitcast3A_441 = vector.bitcast %add3A_440 : vector<32xbf16> to vector<16xi32>
        %swap3A_442 = arith.index_cast %add3A_109 : i32 to index
        %swap3A_443 = arith.constant 400 : index
        %swap3A_444 = tpu.vector_load %arg15[%swap3A_442, %swap3A_443] {strides = array<i32>} : memref<32x512xi32, #tpu.memory_space<vmem>>, vector<16xi32>,
        tpu.vector_store %arg15[%swap3A_442, %swap3A_443], %bitcast3A_441 {strides = array<i32>} : memref<32x512xi32, #tpu.memory_space<vmem>>, vector<16xi32>,
        %get3A_445 = arith.index_cast %add3A_109 : i32 to index
        %get3A_446 = arith.constant 416 : index
        %get3A_447 = tpu.vector_load %arg15[%get3A_445, %get3A_446] {strides = array<i32>} : memref<32x512xi32, #tpu.memory_space<vmem>>, vector<16xi32>,
        %bitcast3A_448 = vector.bitcast %get3A_447 : vector<16xi32> to vector<32xbf16>
        %get3A_449 = arith.index_cast %add3A_109 : i32 to index
        %get3A_450 = arith.constant 416 : index
        %get3A_451 = tpu.vector_load %arg13[%get3A_449, %get3A_450] {strides = array<i32>} : memref<32x512xi32, #tpu.memory_space<vmem>>, vector<16xi32>,
        %bitcast3A_452 = vector.bitcast %get3A_451 : vector<16xi32> to vector<32xbf16>
        %add3A_453 = arith.addf %bitcast3A_448, %bitcast3A_452 : vector<32xbf16>
        %bitcast3A_454 = vector.bitcast %add3A_453 : vector<32xbf16> to vector<16xi32>
        %swap3A_455 = arith.index_cast %add3A_109 : i32 to index
        %swap3A_456 = arith.constant 416 : index
        %swap3A_457 = tpu.vector_load %arg15[%swap3A_455, %swap3A_456] {strides = array<i32>} : memref<32x512xi32, #tpu.memory_space<vmem>>, vector<16xi32>,
        tpu.vector_store %arg15[%swap3A_455, %swap3A_456], %bitcast3A_454 {strides = array<i32>} : memref<32x512xi32, #tpu.memory_space<vmem>>, vector<16xi32>,
        %get3A_458 = arith.index_cast %add3A_109 : i32 to index
        %get3A_459 = arith.constant 432 : index
        %get3A_460 = tpu.vector_load %arg15[%get3A_458, %get3A_459] {strides = array<i32>} : memref<32x512xi32, #tpu.memory_space<vmem>>, vector<16xi32>,
        %bitcast3A_461 = vector.bitcast %get3A_460 : vector<16xi32> to vector<32xbf16>
        %get3A_462 = arith.index_cast %add3A_109 : i32 to index
        %get3A_463 = arith.constant 432 : index
        %get3A_464 = tpu.vector_load %arg13[%get3A_462, %get3A_463] {strides = array<i32>} : memref<32x512xi32, #tpu.memory_space<vmem>>, vector<16xi32>,
        %bitcast3A_465 = vector.bitcast %get3A_464 : vector<16xi32> to vector<32xbf16>
        %add3A_466 = arith.addf %bitcast3A_461, %bitcast3A_465 : vector<32xbf16>
        %bitcast3A_467 = vector.bitcast %add3A_466 : vector<32xbf16> to vector<16xi32>
        %swap3A_468 = arith.index_cast %add3A_109 : i32 to index
        %swap3A_469 = arith.constant 432 : index
        %swap3A_470 = tpu.vector_load %arg15[%swap3A_468, %swap3A_469] {strides = array<i32>} : memref<32x512xi32, #tpu.memory_space<vmem>>, vector<16xi32>,
        tpu.vector_store %arg15[%swap3A_468, %swap3A_469], %bitcast3A_467 {strides = array<i32>} : memref<32x512xi32, #tpu.memory_space<vmem>>, vector<16xi32>,
        %get3A_471 = arith.index_cast %add3A_109 : i32 to index
        %get3A_472 = arith.constant 448 : index
        %get3A_473 = tpu.vector_load %arg15[%get3A_471, %get3A_472] {strides = array<i32>} : memref<32x512xi32, #tpu.memory_space<vmem>>, vector<16xi32>,
        %bitcast3A_474 = vector.bitcast %get3A_473 : vector<16xi32> to vector<32xbf16>
        %get3A_475 = arith.index_cast %add3A_109 : i32 to index
        %get3A_476 = arith.constant 448 : index
        %get3A_477 = tpu.vector_load %arg13[%get3A_475, %get3A_476] {strides = array<i32>} : memref<32x512xi32, #tpu.memory_space<vmem>>, vector<16xi32>,
        %bitcast3A_478 = vector.bitcast %get3A_477 : vector<16xi32> to vector<32xbf16>
        %add3A_479 = arith.addf %bitcast3A_474, %bitcast3A_478 : vector<32xbf16>
        %bitcast3A_480 = vector.bitcast %add3A_479 : vector<32xbf16> to vector<16xi32>
        %swap3A_481 = arith.index_cast %add3A_109 : i32 to index
        %swap3A_482 = arith.constant 448 : index
        %swap3A_483 = tpu.vector_load %arg15[%swap3A_481, %swap3A_482] {strides = array<i32>} : memref<32x512xi32, #tpu.memory_space<vmem>>, vector<16xi32>,
        tpu.vector_store %arg15[%swap3A_481, %swap3A_482], %bitcast3A_480 {strides = array<i32>} : memref<32x512xi32, #tpu.memory_space<vmem>>, vector<16xi32>,
        %get3A_484 = arith.index_cast %add3A_109 : i32 to index
        %get3A_485 = arith.constant 464 : index
        %get3A_486 = tpu.vector_load %arg15[%get3A_484, %get3A_485] {strides = array<i32>} : memref<32x512xi32, #tpu.memory_space<vmem>>, vector<16xi32>,
        %bitcast3A_487 = vector.bitcast %get3A_486 : vector<16xi32> to vector<32xbf16>
        %get3A_488 = arith.index_cast %add3A_109 : i32 to index
        %get3A_489 = arith.constant 464 : index
        %get3A_490 = tpu.vector_load %arg13[%get3A_488, %get3A_489] {strides = array<i32>} : memref<32x512xi32, #tpu.memory_space<vmem>>, vector<16xi32>,
        %bitcast3A_491 = vector.bitcast %get3A_490 : vector<16xi32> to vector<32xbf16>
        %add3A_492 = arith.addf %bitcast3A_487, %bitcast3A_491 : vector<32xbf16>
        %bitcast3A_493 = vector.bitcast %add3A_492 : vector<32xbf16> to vector<16xi32>
        %swap3A_494 = arith.index_cast %add3A_109 : i32 to index
        %swap3A_495 = arith.constant 464 : index
        %swap3A_496 = tpu.vector_load %arg15[%swap3A_494, %swap3A_495] {strides = array<i32>} : memref<32x512xi32, #tpu.memory_space<vmem>>, vector<16xi32>,
        tpu.vector_store %arg15[%swap3A_494, %swap3A_495], %bitcast3A_493 {strides = array<i32>} : memref<32x512xi32, #tpu.memory_space<vmem>>, vector<16xi32>,
        %get3A_497 = arith.index_cast %add3A_109 : i32 to index
        %get3A_498 = arith.constant 480 : index
        %get3A_499 = tpu.vector_load %arg15[%get3A_497, %get3A_498] {strides = array<i32>} : memref<32x512xi32, #tpu.memory_space<vmem>>, vector<16xi32>,
        %bitcast3A_500 = vector.bitcast %get3A_499 : vector<16xi32> to vector<32xbf16>
        %get3A_501 = arith.index_cast %add3A_109 : i32 to index
        %get3A_502 = arith.constant 480 : index
        %get3A_503 = tpu.vector_load %arg13[%get3A_501, %get3A_502] {strides = array<i32>} : memref<32x512xi32, #tpu.memory_space<vmem>>, vector<16xi32>,
        %bitcast3A_504 = vector.bitcast %get3A_503 : vector<16xi32> to vector<32xbf16>
        %add3A_505 = arith.addf %bitcast3A_500, %bitcast3A_504 : vector<32xbf16>
        %bitcast3A_506 = vector.bitcast %add3A_505 : vector<32xbf16> to vector<16xi32>
        %swap3A_507 = arith.index_cast %add3A_109 : i32 to index
        %swap3A_508 = arith.constant 480 : index
        %swap3A_509 = tpu.vector_load %arg15[%swap3A_507, %swap3A_508] {strides = array<i32>} : memref<32x512xi32, #tpu.memory_space<vmem>>, vector<16xi32>,
        tpu.vector_store %arg15[%swap3A_507, %swap3A_508], %bitcast3A_506 {strides = array<i32>} : memref<32x512xi32, #tpu.memory_space<vmem>>, vector<16xi32>,
        %get3A_510 = arith.index_cast %add3A_109 : i32 to index
        %get3A_511 = arith.constant 496 : index
        %get3A_512 = tpu.vector_load %arg15[%get3A_510, %get3A_511] {strides = array<i32>} : memref<32x512xi32, #tpu.memory_space<vmem>>, vector<16xi32>,
        %bitcast3A_513 = vector.bitcast %get3A_512 : vector<16xi32> to vector<32xbf16>
        %get3A_514 = arith.index_cast %add3A_109 : i32 to index
        %get3A_515 = arith.constant 496 : index
        %get3A_516 = tpu.vector_load %arg13[%get3A_514, %get3A_515] {strides = array<i32>} : memref<32x512xi32, #tpu.memory_space<vmem>>, vector<16xi32>,
        %bitcast3A_517 = vector.bitcast %get3A_516 : vector<16xi32> to vector<32xbf16>
        %add3A_518 = arith.addf %bitcast3A_513, %bitcast3A_517 : vector<32xbf16>
        %bitcast3A_519 = vector.bitcast %add3A_518 : vector<32xbf16> to vector<16xi32>
        %swap3A_520 = arith.index_cast %add3A_109 : i32 to index
        %swap3A_521 = arith.constant 496 : index
        %swap3A_522 = tpu.vector_load %arg15[%swap3A_520, %swap3A_521] {strides = array<i32>} : memref<32x512xi32, #tpu.memory_space<vmem>>, vector<16xi32>,
        tpu.vector_store %arg15[%swap3A_520, %swap3A_521], %bitcast3A_519 {strides = array<i32>} : memref<32x512xi32, #tpu.memory_space<vmem>>, vector<16xi32>,
      }
      %scan3A_83 = arith.constant 32 : i32
      %add3A_84 = arith.constant 2 : i32
      %add3A_85 = arith.addi %add3A_74, %add3A_84 : i32
      %lt3A = arith.constant 26 : i32
      %lt3A_86 = arith.cmpi slt, %add3A_85, %lt3A : i32
      %convert_element_type3A = arith.extui %lt3A_86 : i1 to i32
      %cond3A = arith.constant 0 : i32
      %cond3A_87 = arith.cmpi ne, %convert_element_type3A, %cond3A : i32
      scf.if %cond3A_87 {
        %add3A_105 = arith.constant 2 : i32
        %add3A_106 = arith.addi %add3A_74, %add3A_105 : i32
        %mul3A_107 = arith.constant 32 : i32
        %mul3A_108 = arith.muli %add3A_106, %mul3A_107 : i32
        %dma_start3A_109 = tpu.memref_slice %arg10[%mul3A_108] : memref<1600xi32, #tpu.memory_space<vmem>> -> memref<32xi32, #tpu.memory_space<vmem>>
        %dma_start3A_110 = arith.constant 0 : i32
        %dma_start3A_111 = arith.constant 0 : i32
        %dma_start3A_112 = tpu.memref_slice %arg3[%dma_start3A_110, %dma_start3A_111] : memref<16384x512xi32, #tpu.memory_space<hbm>> -> memref<16384x512xi32, #tpu.memory_space<hbm>>
        tpu.enqueue_indirect_dma source(%dma_start3A_112 : memref<16384x512xi32, #tpu.memory_space<hbm>>) target(%arg13 : memref<32x512xi32, #tpu.memory_space<vmem>>) offsets(%dma_start3A_109 : memref<32xi32, #tpu.memory_space<vmem>>) semaphore(%arg16 : memref<!tpu.dma_semaphore, #tpu.memory_space<semaphore_mem>>)
      } else {
      }
      %dma_wait3A_88 = arith.constant 0 : i32
      %dma_wait3A_89 = tpu.memref_slice %arg10[%dma_wait3A_88] : memref<1600xi32, #tpu.memory_space<vmem>> -> memref<32xi32, #tpu.memory_space<vmem>>
      %dma_wait3A_90 = arith.constant 0 : i32
      %dma_wait3A_91 = arith.constant 0 : i32
      %dma_wait3A_92 = tpu.memref_slice %arg3[%dma_wait3A_90, %dma_wait3A_91] : memref<16384x512xi32, #tpu.memory_space<hbm>> -> memref<16384x512xi32, #tpu.memory_space<hbm>>
      tpu.wait_indirect_dma semaphore(%arg17 : memref<!tpu.dma_semaphore, #tpu.memory_space<semaphore_mem>>) src(%dma_wait3A_92 : memref<16384x512xi32, #tpu.memory_space<hbm>>) dst(%arg14 : memref<32x512xi32, #tpu.memory_space<vmem>>)
      %scan3A_93 = arith.constant 0 : i32
      %scan3A_94 = arith.constant 32 : i32
      %scan3A_95 = arith.addi %scan3A_93, %scan3A_94 : i32
      %scan3A_96 = arith.constant 1 : i32
      scf.for %scan3A_105 = %scan3A_93 to %scan3A_95 step %scan3A_96  : i32 {
        %mul3A_106 = arith.constant 1 : i32
        %mul3A_107 = arith.muli %scan3A_105, %mul3A_106 : i32
        %add3A_108 = arith.constant 0 : i32
        %add3A_109 = arith.addi %add3A_108, %mul3A_107 : i32
        %get3A = arith.index_cast %add3A_109 : i32 to index
        %get3A_110 = arith.constant 0 : index
        %get3A_111 = tpu.vector_load %arg15[%get3A, %get3A_110] {strides = array<i32>} : memref<32x512xi32, #tpu.memory_space<vmem>>, vector<16xi32>,
        %bitcast3A = vector.bitcast %get3A_111 : vector<16xi32> to vector<32xbf16>
        %get3A_112 = arith.index_cast %add3A_109 : i32 to index
        %get3A_113 = arith.constant 0 : index
        %get3A_114 = tpu.vector_load %arg14[%get3A_112, %get3A_113] {strides = array<i32>} : memref<32x512xi32, #tpu.memory_space<vmem>>, vector<16xi32>,
        %bitcast3A_115 = vector.bitcast %get3A_114 : vector<16xi32> to vector<32xbf16>
        %add3A_116 = arith.addf %bitcast3A, %bitcast3A_115 : vector<32xbf16>
        %bitcast3A_117 = vector.bitcast %add3A_116 : vector<32xbf16> to vector<16xi32>
        %swap3A = arith.index_cast %add3A_109 : i32 to index
        %swap3A_118 = arith.constant 0 : index
        %swap3A_119 = tpu.vector_load %arg15[%swap3A, %swap3A_118] {strides = array<i32>} : memref<32x512xi32, #tpu.memory_space<vmem>>, vector<16xi32>,
        tpu.vector_store %arg15[%swap3A, %swap3A_118], %bitcast3A_117 {strides = array<i32>} : memref<32x512xi32, #tpu.memory_space<vmem>>, vector<16xi32>,
        %get3A_120 = arith.index_cast %add3A_109 : i32 to index
        %get3A_121 = arith.constant 16 : index
        %get3A_122 = tpu.vector_load %arg15[%get3A_120, %get3A_121] {strides = array<i32>} : memref<32x512xi32, #tpu.memory_space<vmem>>, vector<16xi32>,
        %bitcast3A_123 = vector.bitcast %get3A_122 : vector<16xi32> to vector<32xbf16>
        %get3A_124 = arith.index_cast %add3A_109 : i32 to index
        %get3A_125 = arith.constant 16 : index
        %get3A_126 = tpu.vector_load %arg14[%get3A_124, %get3A_125] {strides = array<i32>} : memref<32x512xi32, #tpu.memory_space<vmem>>, vector<16xi32>,
        %bitcast3A_127 = vector.bitcast %get3A_126 : vector<16xi32> to vector<32xbf16>
        %add3A_128 = arith.addf %bitcast3A_123, %bitcast3A_127 : vector<32xbf16>
        %bitcast3A_129 = vector.bitcast %add3A_128 : vector<32xbf16> to vector<16xi32>
        %swap3A_130 = arith.index_cast %add3A_109 : i32 to index
        %swap3A_131 = arith.constant 16 : index
        %swap3A_132 = tpu.vector_load %arg15[%swap3A_130, %swap3A_131] {strides = array<i32>} : memref<32x512xi32, #tpu.memory_space<vmem>>, vector<16xi32>,
        tpu.vector_store %arg15[%swap3A_130, %swap3A_131], %bitcast3A_129 {strides = array<i32>} : memref<32x512xi32, #tpu.memory_space<vmem>>, vector<16xi32>,
        %get3A_133 = arith.index_cast %add3A_109 : i32 to index
        %get3A_134 = arith.constant 32 : index
        %get3A_135 = tpu.vector_load %arg15[%get3A_133, %get3A_134] {strides = array<i32>} : memref<32x512xi32, #tpu.memory_space<vmem>>, vector<16xi32>,
        %bitcast3A_136 = vector.bitcast %get3A_135 : vector<16xi32> to vector<32xbf16>
        %get3A_137 = arith.index_cast %add3A_109 : i32 to index
        %get3A_138 = arith.constant 32 : index
        %get3A_139 = tpu.vector_load %arg14[%get3A_137, %get3A_138] {strides = array<i32>} : memref<32x512xi32, #tpu.memory_space<vmem>>, vector<16xi32>,
        %bitcast3A_140 = vector.bitcast %get3A_139 : vector<16xi32> to vector<32xbf16>
        %add3A_141 = arith.addf %bitcast3A_136, %bitcast3A_140 : vector<32xbf16>
        %bitcast3A_142 = vector.bitcast %add3A_141 : vector<32xbf16> to vector<16xi32>
        %swap3A_143 = arith.index_cast %add3A_109 : i32 to index
        %swap3A_144 = arith.constant 32 : index
        %swap3A_145 = tpu.vector_load %arg15[%swap3A_143, %swap3A_144] {strides = array<i32>} : memref<32x512xi32, #tpu.memory_space<vmem>>, vector<16xi32>,
        tpu.vector_store %arg15[%swap3A_143, %swap3A_144], %bitcast3A_142 {strides = array<i32>} : memref<32x512xi32, #tpu.memory_space<vmem>>, vector<16xi32>,
        %get3A_146 = arith.index_cast %add3A_109 : i32 to index
        %get3A_147 = arith.constant 48 : index
        %get3A_148 = tpu.vector_load %arg15[%get3A_146, %get3A_147] {strides = array<i32>} : memref<32x512xi32, #tpu.memory_space<vmem>>, vector<16xi32>,
        %bitcast3A_149 = vector.bitcast %get3A_148 : vector<16xi32> to vector<32xbf16>
        %get3A_150 = arith.index_cast %add3A_109 : i32 to index
        %get3A_151 = arith.constant 48 : index
        %get3A_152 = tpu.vector_load %arg14[%get3A_150, %get3A_151] {strides = array<i32>} : memref<32x512xi32, #tpu.memory_space<vmem>>, vector<16xi32>,
        %bitcast3A_153 = vector.bitcast %get3A_152 : vector<16xi32> to vector<32xbf16>
        %add3A_154 = arith.addf %bitcast3A_149, %bitcast3A_153 : vector<32xbf16>
        %bitcast3A_155 = vector.bitcast %add3A_154 : vector<32xbf16> to vector<16xi32>
        %swap3A_156 = arith.index_cast %add3A_109 : i32 to index
        %swap3A_157 = arith.constant 48 : index
        %swap3A_158 = tpu.vector_load %arg15[%swap3A_156, %swap3A_157] {strides = array<i32>} : memref<32x512xi32, #tpu.memory_space<vmem>>, vector<16xi32>,
        tpu.vector_store %arg15[%swap3A_156, %swap3A_157], %bitcast3A_155 {strides = array<i32>} : memref<32x512xi32, #tpu.memory_space<vmem>>, vector<16xi32>,
        %get3A_159 = arith.index_cast %add3A_109 : i32 to index
        %get3A_160 = arith.constant 64 : index
        %get3A_161 = tpu.vector_load %arg15[%get3A_159, %get3A_160] {strides = array<i32>} : memref<32x512xi32, #tpu.memory_space<vmem>>, vector<16xi32>,
        %bitcast3A_162 = vector.bitcast %get3A_161 : vector<16xi32> to vector<32xbf16>
        %get3A_163 = arith.index_cast %add3A_109 : i32 to index
        %get3A_164 = arith.constant 64 : index
        %get3A_165 = tpu.vector_load %arg14[%get3A_163, %get3A_164] {strides = array<i32>} : memref<32x512xi32, #tpu.memory_space<vmem>>, vector<16xi32>,
        %bitcast3A_166 = vector.bitcast %get3A_165 : vector<16xi32> to vector<32xbf16>
        %add3A_167 = arith.addf %bitcast3A_162, %bitcast3A_166 : vector<32xbf16>
        %bitcast3A_168 = vector.bitcast %add3A_167 : vector<32xbf16> to vector<16xi32>
        %swap3A_169 = arith.index_cast %add3A_109 : i32 to index
        %swap3A_170 = arith.constant 64 : index
        %swap3A_171 = tpu.vector_load %arg15[%swap3A_169, %swap3A_170] {strides = array<i32>} : memref<32x512xi32, #tpu.memory_space<vmem>>, vector<16xi32>,
        tpu.vector_store %arg15[%swap3A_169, %swap3A_170], %bitcast3A_168 {strides = array<i32>} : memref<32x512xi32, #tpu.memory_space<vmem>>, vector<16xi32>,
        %get3A_172 = arith.index_cast %add3A_109 : i32 to index
        %get3A_173 = arith.constant 80 : index
        %get3A_174 = tpu.vector_load %arg15[%get3A_172, %get3A_173] {strides = array<i32>} : memref<32x512xi32, #tpu.memory_space<vmem>>, vector<16xi32>,
        %bitcast3A_175 = vector.bitcast %get3A_174 : vector<16xi32> to vector<32xbf16>
        %get3A_176 = arith.index_cast %add3A_109 : i32 to index
        %get3A_177 = arith.constant 80 : index
        %get3A_178 = tpu.vector_load %arg14[%get3A_176, %get3A_177] {strides = array<i32>} : memref<32x512xi32, #tpu.memory_space<vmem>>, vector<16xi32>,
        %bitcast3A_179 = vector.bitcast %get3A_178 : vector<16xi32> to vector<32xbf16>
        %add3A_180 = arith.addf %bitcast3A_175, %bitcast3A_179 : vector<32xbf16>
        %bitcast3A_181 = vector.bitcast %add3A_180 : vector<32xbf16> to vector<16xi32>
        %swap3A_182 = arith.index_cast %add3A_109 : i32 to index
        %swap3A_183 = arith.constant 80 : index
        %swap3A_184 = tpu.vector_load %arg15[%swap3A_182, %swap3A_183] {strides = array<i32>} : memref<32x512xi32, #tpu.memory_space<vmem>>, vector<16xi32>,
        tpu.vector_store %arg15[%swap3A_182, %swap3A_183], %bitcast3A_181 {strides = array<i32>} : memref<32x512xi32, #tpu.memory_space<vmem>>, vector<16xi32>,
        %get3A_185 = arith.index_cast %add3A_109 : i32 to index
        %get3A_186 = arith.constant 96 : index
        %get3A_187 = tpu.vector_load %arg15[%get3A_185, %get3A_186] {strides = array<i32>} : memref<32x512xi32, #tpu.memory_space<vmem>>, vector<16xi32>,
        %bitcast3A_188 = vector.bitcast %get3A_187 : vector<16xi32> to vector<32xbf16>
        %get3A_189 = arith.index_cast %add3A_109 : i32 to index
        %get3A_190 = arith.constant 96 : index
        %get3A_191 = tpu.vector_load %arg14[%get3A_189, %get3A_190] {strides = array<i32>} : memref<32x512xi32, #tpu.memory_space<vmem>>, vector<16xi32>,
        %bitcast3A_192 = vector.bitcast %get3A_191 : vector<16xi32> to vector<32xbf16>
        %add3A_193 = arith.addf %bitcast3A_188, %bitcast3A_192 : vector<32xbf16>
        %bitcast3A_194 = vector.bitcast %add3A_193 : vector<32xbf16> to vector<16xi32>
        %swap3A_195 = arith.index_cast %add3A_109 : i32 to index
        %swap3A_196 = arith.constant 96 : index
        %swap3A_197 = tpu.vector_load %arg15[%swap3A_195, %swap3A_196] {strides = array<i32>} : memref<32x512xi32, #tpu.memory_space<vmem>>, vector<16xi32>,
        tpu.vector_store %arg15[%swap3A_195, %swap3A_196], %bitcast3A_194 {strides = array<i32>} : memref<32x512xi32, #tpu.memory_space<vmem>>, vector<16xi32>,
        %get3A_198 = arith.index_cast %add3A_109 : i32 to index
        %get3A_199 = arith.constant 112 : index
        %get3A_200 = tpu.vector_load %arg15[%get3A_198, %get3A_199] {strides = array<i32>} : memref<32x512xi32, #tpu.memory_space<vmem>>, vector<16xi32>,
        %bitcast3A_201 = vector.bitcast %get3A_200 : vector<16xi32> to vector<32xbf16>
        %get3A_202 = arith.index_cast %add3A_109 : i32 to index
        %get3A_203 = arith.constant 112 : index
        %get3A_204 = tpu.vector_load %arg14[%get3A_202, %get3A_203] {strides = array<i32>} : memref<32x512xi32, #tpu.memory_space<vmem>>, vector<16xi32>,
        %bitcast3A_205 = vector.bitcast %get3A_204 : vector<16xi32> to vector<32xbf16>
        %add3A_206 = arith.addf %bitcast3A_201, %bitcast3A_205 : vector<32xbf16>
        %bitcast3A_207 = vector.bitcast %add3A_206 : vector<32xbf16> to vector<16xi32>
        %swap3A_208 = arith.index_cast %add3A_109 : i32 to index
        %swap3A_209 = arith.constant 112 : index
        %swap3A_210 = tpu.vector_load %arg15[%swap3A_208, %swap3A_209] {strides = array<i32>} : memref<32x512xi32, #tpu.memory_space<vmem>>, vector<16xi32>,
        tpu.vector_store %arg15[%swap3A_208, %swap3A_209], %bitcast3A_207 {strides = array<i32>} : memref<32x512xi32, #tpu.memory_space<vmem>>, vector<16xi32>,
        %get3A_211 = arith.index_cast %add3A_109 : i32 to index
        %get3A_212 = arith.constant 128 : index
        %get3A_213 = tpu.vector_load %arg15[%get3A_211, %get3A_212] {strides = array<i32>} : memref<32x512xi32, #tpu.memory_space<vmem>>, vector<16xi32>,
        %bitcast3A_214 = vector.bitcast %get3A_213 : vector<16xi32> to vector<32xbf16>
        %get3A_215 = arith.index_cast %add3A_109 : i32 to index
        %get3A_216 = arith.constant 128 : index
        %get3A_217 = tpu.vector_load %arg14[%get3A_215, %get3A_216] {strides = array<i32>} : memref<32x512xi32, #tpu.memory_space<vmem>>, vector<16xi32>,
        %bitcast3A_218 = vector.bitcast %get3A_217 : vector<16xi32> to vector<32xbf16>
        %add3A_219 = arith.addf %bitcast3A_214, %bitcast3A_218 : vector<32xbf16>
        %bitcast3A_220 = vector.bitcast %add3A_219 : vector<32xbf16> to vector<16xi32>
        %swap3A_221 = arith.index_cast %add3A_109 : i32 to index
        %swap3A_222 = arith.constant 128 : index
        %swap3A_223 = tpu.vector_load %arg15[%swap3A_221, %swap3A_222] {strides = array<i32>} : memref<32x512xi32, #tpu.memory_space<vmem>>, vector<16xi32>,
        tpu.vector_store %arg15[%swap3A_221, %swap3A_222], %bitcast3A_220 {strides = array<i32>} : memref<32x512xi32, #tpu.memory_space<vmem>>, vector<16xi32>,
        %get3A_224 = arith.index_cast %add3A_109 : i32 to index
        %get3A_225 = arith.constant 144 : index
        %get3A_226 = tpu.vector_load %arg15[%get3A_224, %get3A_225] {strides = array<i32>} : memref<32x512xi32, #tpu.memory_space<vmem>>, vector<16xi32>,
        %bitcast3A_227 = vector.bitcast %get3A_226 : vector<16xi32> to vector<32xbf16>
        %get3A_228 = arith.index_cast %add3A_109 : i32 to index
        %get3A_229 = arith.constant 144 : index
        %get3A_230 = tpu.vector_load %arg14[%get3A_228, %get3A_229] {strides = array<i32>} : memref<32x512xi32, #tpu.memory_space<vmem>>, vector<16xi32>,
        %bitcast3A_231 = vector.bitcast %get3A_230 : vector<16xi32> to vector<32xbf16>
        %add3A_232 = arith.addf %bitcast3A_227, %bitcast3A_231 : vector<32xbf16>
        %bitcast3A_233 = vector.bitcast %add3A_232 : vector<32xbf16> to vector<16xi32>
        %swap3A_234 = arith.index_cast %add3A_109 : i32 to index
        %swap3A_235 = arith.constant 144 : index
        %swap3A_236 = tpu.vector_load %arg15[%swap3A_234, %swap3A_235] {strides = array<i32>} : memref<32x512xi32, #tpu.memory_space<vmem>>, vector<16xi32>,
        tpu.vector_store %arg15[%swap3A_234, %swap3A_235], %bitcast3A_233 {strides = array<i32>} : memref<32x512xi32, #tpu.memory_space<vmem>>, vector<16xi32>,
        %get3A_237 = arith.index_cast %add3A_109 : i32 to index
        %get3A_238 = arith.constant 160 : index
        %get3A_239 = tpu.vector_load %arg15[%get3A_237, %get3A_238] {strides = array<i32>} : memref<32x512xi32, #tpu.memory_space<vmem>>, vector<16xi32>,
        %bitcast3A_240 = vector.bitcast %get3A_239 : vector<16xi32> to vector<32xbf16>
        %get3A_241 = arith.index_cast %add3A_109 : i32 to index
        %get3A_242 = arith.constant 160 : index
        %get3A_243 = tpu.vector_load %arg14[%get3A_241, %get3A_242] {strides = array<i32>} : memref<32x512xi32, #tpu.memory_space<vmem>>, vector<16xi32>,
        %bitcast3A_244 = vector.bitcast %get3A_243 : vector<16xi32> to vector<32xbf16>
        %add3A_245 = arith.addf %bitcast3A_240, %bitcast3A_244 : vector<32xbf16>
        %bitcast3A_246 = vector.bitcast %add3A_245 : vector<32xbf16> to vector<16xi32>
        %swap3A_247 = arith.index_cast %add3A_109 : i32 to index
        %swap3A_248 = arith.constant 160 : index
        %swap3A_249 = tpu.vector_load %arg15[%swap3A_247, %swap3A_248] {strides = array<i32>} : memref<32x512xi32, #tpu.memory_space<vmem>>, vector<16xi32>,
        tpu.vector_store %arg15[%swap3A_247, %swap3A_248], %bitcast3A_246 {strides = array<i32>} : memref<32x512xi32, #tpu.memory_space<vmem>>, vector<16xi32>,
        %get3A_250 = arith.index_cast %add3A_109 : i32 to index
        %get3A_251 = arith.constant 176 : index
        %get3A_252 = tpu.vector_load %arg15[%get3A_250, %get3A_251] {strides = array<i32>} : memref<32x512xi32, #tpu.memory_space<vmem>>, vector<16xi32>,
        %bitcast3A_253 = vector.bitcast %get3A_252 : vector<16xi32> to vector<32xbf16>
        %get3A_254 = arith.index_cast %add3A_109 : i32 to index
        %get3A_255 = arith.constant 176 : index
        %get3A_256 = tpu.vector_load %arg14[%get3A_254, %get3A_255] {strides = array<i32>} : memref<32x512xi32, #tpu.memory_space<vmem>>, vector<16xi32>,
        %bitcast3A_257 = vector.bitcast %get3A_256 : vector<16xi32> to vector<32xbf16>
        %add3A_258 = arith.addf %bitcast3A_253, %bitcast3A_257 : vector<32xbf16>
        %bitcast3A_259 = vector.bitcast %add3A_258 : vector<32xbf16> to vector<16xi32>
        %swap3A_260 = arith.index_cast %add3A_109 : i32 to index
        %swap3A_261 = arith.constant 176 : index
        %swap3A_262 = tpu.vector_load %arg15[%swap3A_260, %swap3A_261] {strides = array<i32>} : memref<32x512xi32, #tpu.memory_space<vmem>>, vector<16xi32>,
        tpu.vector_store %arg15[%swap3A_260, %swap3A_261], %bitcast3A_259 {strides = array<i32>} : memref<32x512xi32, #tpu.memory_space<vmem>>, vector<16xi32>,
        %get3A_263 = arith.index_cast %add3A_109 : i32 to index
        %get3A_264 = arith.constant 192 : index
        %get3A_265 = tpu.vector_load %arg15[%get3A_263, %get3A_264] {strides = array<i32>} : memref<32x512xi32, #tpu.memory_space<vmem>>, vector<16xi32>,
        %bitcast3A_266 = vector.bitcast %get3A_265 : vector<16xi32> to vector<32xbf16>
        %get3A_267 = arith.index_cast %add3A_109 : i32 to index
        %get3A_268 = arith.constant 192 : index
        %get3A_269 = tpu.vector_load %arg14[%get3A_267, %get3A_268] {strides = array<i32>} : memref<32x512xi32, #tpu.memory_space<vmem>>, vector<16xi32>,
        %bitcast3A_270 = vector.bitcast %get3A_269 : vector<16xi32> to vector<32xbf16>
        %add3A_271 = arith.addf %bitcast3A_266, %bitcast3A_270 : vector<32xbf16>
        %bitcast3A_272 = vector.bitcast %add3A_271 : vector<32xbf16> to vector<16xi32>
        %swap3A_273 = arith.index_cast %add3A_109 : i32 to index
        %swap3A_274 = arith.constant 192 : index
        %swap3A_275 = tpu.vector_load %arg15[%swap3A_273, %swap3A_274] {strides = array<i32>} : memref<32x512xi32, #tpu.memory_space<vmem>>, vector<16xi32>,
        tpu.vector_store %arg15[%swap3A_273, %swap3A_274], %bitcast3A_272 {strides = array<i32>} : memref<32x512xi32, #tpu.memory_space<vmem>>, vector<16xi32>,
        %get3A_276 = arith.index_cast %add3A_109 : i32 to index
        %get3A_277 = arith.constant 208 : index
        %get3A_278 = tpu.vector_load %arg15[%get3A_276, %get3A_277] {strides = array<i32>} : memref<32x512xi32, #tpu.memory_space<vmem>>, vector<16xi32>,
        %bitcast3A_279 = vector.bitcast %get3A_278 : vector<16xi32> to vector<32xbf16>
        %get3A_280 = arith.index_cast %add3A_109 : i32 to index
        %get3A_281 = arith.constant 208 : index
        %get3A_282 = tpu.vector_load %arg14[%get3A_280, %get3A_281] {strides = array<i32>} : memref<32x512xi32, #tpu.memory_space<vmem>>, vector<16xi32>,
        %bitcast3A_283 = vector.bitcast %get3A_282 : vector<16xi32> to vector<32xbf16>
        %add3A_284 = arith.addf %bitcast3A_279, %bitcast3A_283 : vector<32xbf16>
        %bitcast3A_285 = vector.bitcast %add3A_284 : vector<32xbf16> to vector<16xi32>
        %swap3A_286 = arith.index_cast %add3A_109 : i32 to index
        %swap3A_287 = arith.constant 208 : index
        %swap3A_288 = tpu.vector_load %arg15[%swap3A_286, %swap3A_287] {strides = array<i32>} : memref<32x512xi32, #tpu.memory_space<vmem>>, vector<16xi32>,
        tpu.vector_store %arg15[%swap3A_286, %swap3A_287], %bitcast3A_285 {strides = array<i32>} : memref<32x512xi32, #tpu.memory_space<vmem>>, vector<16xi32>,
        %get3A_289 = arith.index_cast %add3A_109 : i32 to index
        %get3A_290 = arith.constant 224 : index
        %get3A_291 = tpu.vector_load %arg15[%get3A_289, %get3A_290] {strides = array<i32>} : memref<32x512xi32, #tpu.memory_space<vmem>>, vector<16xi32>,
        %bitcast3A_292 = vector.bitcast %get3A_291 : vector<16xi32> to vector<32xbf16>
        %get3A_293 = arith.index_cast %add3A_109 : i32 to index
        %get3A_294 = arith.constant 224 : index
        %get3A_295 = tpu.vector_load %arg14[%get3A_293, %get3A_294] {strides = array<i32>} : memref<32x512xi32, #tpu.memory_space<vmem>>, vector<16xi32>,
        %bitcast3A_296 = vector.bitcast %get3A_295 : vector<16xi32> to vector<32xbf16>
        %add3A_297 = arith.addf %bitcast3A_292, %bitcast3A_296 : vector<32xbf16>
        %bitcast3A_298 = vector.bitcast %add3A_297 : vector<32xbf16> to vector<16xi32>
        %swap3A_299 = arith.index_cast %add3A_109 : i32 to index
        %swap3A_300 = arith.constant 224 : index
        %swap3A_301 = tpu.vector_load %arg15[%swap3A_299, %swap3A_300] {strides = array<i32>} : memref<32x512xi32, #tpu.memory_space<vmem>>, vector<16xi32>,
        tpu.vector_store %arg15[%swap3A_299, %swap3A_300], %bitcast3A_298 {strides = array<i32>} : memref<32x512xi32, #tpu.memory_space<vmem>>, vector<16xi32>,
        %get3A_302 = arith.index_cast %add3A_109 : i32 to index
        %get3A_303 = arith.constant 240 : index
        %get3A_304 = tpu.vector_load %arg15[%get3A_302, %get3A_303] {strides = array<i32>} : memref<32x512xi32, #tpu.memory_space<vmem>>, vector<16xi32>,
        %bitcast3A_305 = vector.bitcast %get3A_304 : vector<16xi32> to vector<32xbf16>
        %get3A_306 = arith.index_cast %add3A_109 : i32 to index
        %get3A_307 = arith.constant 240 : index
        %get3A_308 = tpu.vector_load %arg14[%get3A_306, %get3A_307] {strides = array<i32>} : memref<32x512xi32, #tpu.memory_space<vmem>>, vector<16xi32>,
        %bitcast3A_309 = vector.bitcast %get3A_308 : vector<16xi32> to vector<32xbf16>
        %add3A_310 = arith.addf %bitcast3A_305, %bitcast3A_309 : vector<32xbf16>
        %bitcast3A_311 = vector.bitcast %add3A_310 : vector<32xbf16> to vector<16xi32>
        %swap3A_312 = arith.index_cast %add3A_109 : i32 to index
        %swap3A_313 = arith.constant 240 : index
        %swap3A_314 = tpu.vector_load %arg15[%swap3A_312, %swap3A_313] {strides = array<i32>} : memref<32x512xi32, #tpu.memory_space<vmem>>, vector<16xi32>,
        tpu.vector_store %arg15[%swap3A_312, %swap3A_313], %bitcast3A_311 {strides = array<i32>} : memref<32x512xi32, #tpu.memory_space<vmem>>, vector<16xi32>,
        %get3A_315 = arith.index_cast %add3A_109 : i32 to index
        %get3A_316 = arith.constant 256 : index
        %get3A_317 = tpu.vector_load %arg15[%get3A_315, %get3A_316] {strides = array<i32>} : memref<32x512xi32, #tpu.memory_space<vmem>>, vector<16xi32>,
        %bitcast3A_318 = vector.bitcast %get3A_317 : vector<16xi32> to vector<32xbf16>
        %get3A_319 = arith.index_cast %add3A_109 : i32 to index
        %get3A_320 = arith.constant 256 : index
        %get3A_321 = tpu.vector_load %arg14[%get3A_319, %get3A_320] {strides = array<i32>} : memref<32x512xi32, #tpu.memory_space<vmem>>, vector<16xi32>,
        %bitcast3A_322 = vector.bitcast %get3A_321 : vector<16xi32> to vector<32xbf16>
        %add3A_323 = arith.addf %bitcast3A_318, %bitcast3A_322 : vector<32xbf16>
        %bitcast3A_324 = vector.bitcast %add3A_323 : vector<32xbf16> to vector<16xi32>
        %swap3A_325 = arith.index_cast %add3A_109 : i32 to index
        %swap3A_326 = arith.constant 256 : index
        %swap3A_327 = tpu.vector_load %arg15[%swap3A_325, %swap3A_326] {strides = array<i32>} : memref<32x512xi32, #tpu.memory_space<vmem>>, vector<16xi32>,
        tpu.vector_store %arg15[%swap3A_325, %swap3A_326], %bitcast3A_324 {strides = array<i32>} : memref<32x512xi32, #tpu.memory_space<vmem>>, vector<16xi32>,
        %get3A_328 = arith.index_cast %add3A_109 : i32 to index
        %get3A_329 = arith.constant 272 : index
        %get3A_330 = tpu.vector_load %arg15[%get3A_328, %get3A_329] {strides = array<i32>} : memref<32x512xi32, #tpu.memory_space<vmem>>, vector<16xi32>,
        %bitcast3A_331 = vector.bitcast %get3A_330 : vector<16xi32> to vector<32xbf16>
        %get3A_332 = arith.index_cast %add3A_109 : i32 to index
        %get3A_333 = arith.constant 272 : index
        %get3A_334 = tpu.vector_load %arg14[%get3A_332, %get3A_333] {strides = array<i32>} : memref<32x512xi32, #tpu.memory_space<vmem>>, vector<16xi32>,
        %bitcast3A_335 = vector.bitcast %get3A_334 : vector<16xi32> to vector<32xbf16>
        %add3A_336 = arith.addf %bitcast3A_331, %bitcast3A_335 : vector<32xbf16>
        %bitcast3A_337 = vector.bitcast %add3A_336 : vector<32xbf16> to vector<16xi32>
        %swap3A_338 = arith.index_cast %add3A_109 : i32 to index
        %swap3A_339 = arith.constant 272 : index
        %swap3A_340 = tpu.vector_load %arg15[%swap3A_338, %swap3A_339] {strides = array<i32>} : memref<32x512xi32, #tpu.memory_space<vmem>>, vector<16xi32>,
        tpu.vector_store %arg15[%swap3A_338, %swap3A_339], %bitcast3A_337 {strides = array<i32>} : memref<32x512xi32, #tpu.memory_space<vmem>>, vector<16xi32>,
        %get3A_341 = arith.index_cast %add3A_109 : i32 to index
        %get3A_342 = arith.constant 288 : index
        %get3A_343 = tpu.vector_load %arg15[%get3A_341, %get3A_342] {strides = array<i32>} : memref<32x512xi32, #tpu.memory_space<vmem>>, vector<16xi32>,
        %bitcast3A_344 = vector.bitcast %get3A_343 : vector<16xi32> to vector<32xbf16>
        %get3A_345 = arith.index_cast %add3A_109 : i32 to index
        %get3A_346 = arith.constant 288 : index
        %get3A_347 = tpu.vector_load %arg14[%get3A_345, %get3A_346] {strides = array<i32>} : memref<32x512xi32, #tpu.memory_space<vmem>>, vector<16xi32>,
        %bitcast3A_348 = vector.bitcast %get3A_347 : vector<16xi32> to vector<32xbf16>
        %add3A_349 = arith.addf %bitcast3A_344, %bitcast3A_348 : vector<32xbf16>
        %bitcast3A_350 = vector.bitcast %add3A_349 : vector<32xbf16> to vector<16xi32>
        %swap3A_351 = arith.index_cast %add3A_109 : i32 to index
        %swap3A_352 = arith.constant 288 : index
        %swap3A_353 = tpu.vector_load %arg15[%swap3A_351, %swap3A_352] {strides = array<i32>} : memref<32x512xi32, #tpu.memory_space<vmem>>, vector<16xi32>,
        tpu.vector_store %arg15[%swap3A_351, %swap3A_352], %bitcast3A_350 {strides = array<i32>} : memref<32x512xi32, #tpu.memory_space<vmem>>, vector<16xi32>,
        %get3A_354 = arith.index_cast %add3A_109 : i32 to index
        %get3A_355 = arith.constant 304 : index
        %get3A_356 = tpu.vector_load %arg15[%get3A_354, %get3A_355] {strides = array<i32>} : memref<32x512xi32, #tpu.memory_space<vmem>>, vector<16xi32>,
        %bitcast3A_357 = vector.bitcast %get3A_356 : vector<16xi32> to vector<32xbf16>
        %get3A_358 = arith.index_cast %add3A_109 : i32 to index
        %get3A_359 = arith.constant 304 : index
        %get3A_360 = tpu.vector_load %arg14[%get3A_358, %get3A_359] {strides = array<i32>} : memref<32x512xi32, #tpu.memory_space<vmem>>, vector<16xi32>,
        %bitcast3A_361 = vector.bitcast %get3A_360 : vector<16xi32> to vector<32xbf16>
        %add3A_362 = arith.addf %bitcast3A_357, %bitcast3A_361 : vector<32xbf16>
        %bitcast3A_363 = vector.bitcast %add3A_362 : vector<32xbf16> to vector<16xi32>
        %swap3A_364 = arith.index_cast %add3A_109 : i32 to index
        %swap3A_365 = arith.constant 304 : index
        %swap3A_366 = tpu.vector_load %arg15[%swap3A_364, %swap3A_365] {strides = array<i32>} : memref<32x512xi32, #tpu.memory_space<vmem>>, vector<16xi32>,
        tpu.vector_store %arg15[%swap3A_364, %swap3A_365], %bitcast3A_363 {strides = array<i32>} : memref<32x512xi32, #tpu.memory_space<vmem>>, vector<16xi32>,
        %get3A_367 = arith.index_cast %add3A_109 : i32 to index
        %get3A_368 = arith.constant 320 : index
        %get3A_369 = tpu.vector_load %arg15[%get3A_367, %get3A_368] {strides = array<i32>} : memref<32x512xi32, #tpu.memory_space<vmem>>, vector<16xi32>,
        %bitcast3A_370 = vector.bitcast %get3A_369 : vector<16xi32> to vector<32xbf16>
        %get3A_371 = arith.index_cast %add3A_109 : i32 to index
        %get3A_372 = arith.constant 320 : index
        %get3A_373 = tpu.vector_load %arg14[%get3A_371, %get3A_372] {strides = array<i32>} : memref<32x512xi32, #tpu.memory_space<vmem>>, vector<16xi32>,
        %bitcast3A_374 = vector.bitcast %get3A_373 : vector<16xi32> to vector<32xbf16>
        %add3A_375 = arith.addf %bitcast3A_370, %bitcast3A_374 : vector<32xbf16>
        %bitcast3A_376 = vector.bitcast %add3A_375 : vector<32xbf16> to vector<16xi32>
        %swap3A_377 = arith.index_cast %add3A_109 : i32 to index
        %swap3A_378 = arith.constant 320 : index
        %swap3A_379 = tpu.vector_load %arg15[%swap3A_377, %swap3A_378] {strides = array<i32>} : memref<32x512xi32, #tpu.memory_space<vmem>>, vector<16xi32>,
        tpu.vector_store %arg15[%swap3A_377, %swap3A_378], %bitcast3A_376 {strides = array<i32>} : memref<32x512xi32, #tpu.memory_space<vmem>>, vector<16xi32>,
        %get3A_380 = arith.index_cast %add3A_109 : i32 to index
        %get3A_381 = arith.constant 336 : index
        %get3A_382 = tpu.vector_load %arg15[%get3A_380, %get3A_381] {strides = array<i32>} : memref<32x512xi32, #tpu.memory_space<vmem>>, vector<16xi32>,
        %bitcast3A_383 = vector.bitcast %get3A_382 : vector<16xi32> to vector<32xbf16>
        %get3A_384 = arith.index_cast %add3A_109 : i32 to index
        %get3A_385 = arith.constant 336 : index
        %get3A_386 = tpu.vector_load %arg14[%get3A_384, %get3A_385] {strides = array<i32>} : memref<32x512xi32, #tpu.memory_space<vmem>>, vector<16xi32>,
        %bitcast3A_387 = vector.bitcast %get3A_386 : vector<16xi32> to vector<32xbf16>
        %add3A_388 = arith.addf %bitcast3A_383, %bitcast3A_387 : vector<32xbf16>
        %bitcast3A_389 = vector.bitcast %add3A_388 : vector<32xbf16> to vector<16xi32>
        %swap3A_390 = arith.index_cast %add3A_109 : i32 to index
        %swap3A_391 = arith.constant 336 : index
        %swap3A_392 = tpu.vector_load %arg15[%swap3A_390, %swap3A_391] {strides = array<i32>} : memref<32x512xi32, #tpu.memory_space<vmem>>, vector<16xi32>,
        tpu.vector_store %arg15[%swap3A_390, %swap3A_391], %bitcast3A_389 {strides = array<i32>} : memref<32x512xi32, #tpu.memory_space<vmem>>, vector<16xi32>,
        %get3A_393 = arith.index_cast %add3A_109 : i32 to index
        %get3A_394 = arith.constant 352 : index
        %get3A_395 = tpu.vector_load %arg15[%get3A_393, %get3A_394] {strides = array<i32>} : memref<32x512xi32, #tpu.memory_space<vmem>>, vector<16xi32>,
        %bitcast3A_396 = vector.bitcast %get3A_395 : vector<16xi32> to vector<32xbf16>
        %get3A_397 = arith.index_cast %add3A_109 : i32 to index
        %get3A_398 = arith.constant 352 : index
        %get3A_399 = tpu.vector_load %arg14[%get3A_397, %get3A_398] {strides = array<i32>} : memref<32x512xi32, #tpu.memory_space<vmem>>, vector<16xi32>,
        %bitcast3A_400 = vector.bitcast %get3A_399 : vector<16xi32> to vector<32xbf16>
        %add3A_401 = arith.addf %bitcast3A_396, %bitcast3A_400 : vector<32xbf16>
        %bitcast3A_402 = vector.bitcast %add3A_401 : vector<32xbf16> to vector<16xi32>
        %swap3A_403 = arith.index_cast %add3A_109 : i32 to index
        %swap3A_404 = arith.constant 352 : index
        %swap3A_405 = tpu.vector_load %arg15[%swap3A_403, %swap3A_404] {strides = array<i32>} : memref<32x512xi32, #tpu.memory_space<vmem>>, vector<16xi32>,
        tpu.vector_store %arg15[%swap3A_403, %swap3A_404], %bitcast3A_402 {strides = array<i32>} : memref<32x512xi32, #tpu.memory_space<vmem>>, vector<16xi32>,
        %get3A_406 = arith.index_cast %add3A_109 : i32 to index
        %get3A_407 = arith.constant 368 : index
        %get3A_408 = tpu.vector_load %arg15[%get3A_406, %get3A_407] {strides = array<i32>} : memref<32x512xi32, #tpu.memory_space<vmem>>, vector<16xi32>,
        %bitcast3A_409 = vector.bitcast %get3A_408 : vector<16xi32> to vector<32xbf16>
        %get3A_410 = arith.index_cast %add3A_109 : i32 to index
        %get3A_411 = arith.constant 368 : index
        %get3A_412 = tpu.vector_load %arg14[%get3A_410, %get3A_411] {strides = array<i32>} : memref<32x512xi32, #tpu.memory_space<vmem>>, vector<16xi32>,
        %bitcast3A_413 = vector.bitcast %get3A_412 : vector<16xi32> to vector<32xbf16>
        %add3A_414 = arith.addf %bitcast3A_409, %bitcast3A_413 : vector<32xbf16>
        %bitcast3A_415 = vector.bitcast %add3A_414 : vector<32xbf16> to vector<16xi32>
        %swap3A_416 = arith.index_cast %add3A_109 : i32 to index
        %swap3A_417 = arith.constant 368 : index
        %swap3A_418 = tpu.vector_load %arg15[%swap3A_416, %swap3A_417] {strides = array<i32>} : memref<32x512xi32, #tpu.memory_space<vmem>>, vector<16xi32>,
        tpu.vector_store %arg15[%swap3A_416, %swap3A_417], %bitcast3A_415 {strides = array<i32>} : memref<32x512xi32, #tpu.memory_space<vmem>>, vector<16xi32>,
        %get3A_419 = arith.index_cast %add3A_109 : i32 to index
        %get3A_420 = arith.constant 384 : index
        %get3A_421 = tpu.vector_load %arg15[%get3A_419, %get3A_420] {strides = array<i32>} : memref<32x512xi32, #tpu.memory_space<vmem>>, vector<16xi32>,
        %bitcast3A_422 = vector.bitcast %get3A_421 : vector<16xi32> to vector<32xbf16>
        %get3A_423 = arith.index_cast %add3A_109 : i32 to index
        %get3A_424 = arith.constant 384 : index
        %get3A_425 = tpu.vector_load %arg14[%get3A_423, %get3A_424] {strides = array<i32>} : memref<32x512xi32, #tpu.memory_space<vmem>>, vector<16xi32>,
        %bitcast3A_426 = vector.bitcast %get3A_425 : vector<16xi32> to vector<32xbf16>
        %add3A_427 = arith.addf %bitcast3A_422, %bitcast3A_426 : vector<32xbf16>
        %bitcast3A_428 = vector.bitcast %add3A_427 : vector<32xbf16> to vector<16xi32>
        %swap3A_429 = arith.index_cast %add3A_109 : i32 to index
        %swap3A_430 = arith.constant 384 : index
        %swap3A_431 = tpu.vector_load %arg15[%swap3A_429, %swap3A_430] {strides = array<i32>} : memref<32x512xi32, #tpu.memory_space<vmem>>, vector<16xi32>,
        tpu.vector_store %arg15[%swap3A_429, %swap3A_430], %bitcast3A_428 {strides = array<i32>} : memref<32x512xi32, #tpu.memory_space<vmem>>, vector<16xi32>,
        %get3A_432 = arith.index_cast %add3A_109 : i32 to index
        %get3A_433 = arith.constant 400 : index
        %get3A_434 = tpu.vector_load %arg15[%get3A_432, %get3A_433] {strides = array<i32>} : memref<32x512xi32, #tpu.memory_space<vmem>>, vector<16xi32>,
        %bitcast3A_435 = vector.bitcast %get3A_434 : vector<16xi32> to vector<32xbf16>
        %get3A_436 = arith.index_cast %add3A_109 : i32 to index
        %get3A_437 = arith.constant 400 : index
        %get3A_438 = tpu.vector_load %arg14[%get3A_436, %get3A_437] {strides = array<i32>} : memref<32x512xi32, #tpu.memory_space<vmem>>, vector<16xi32>,
        %bitcast3A_439 = vector.bitcast %get3A_438 : vector<16xi32> to vector<32xbf16>
        %add3A_440 = arith.addf %bitcast3A_435, %bitcast3A_439 : vector<32xbf16>
        %bitcast3A_441 = vector.bitcast %add3A_440 : vector<32xbf16> to vector<16xi32>
        %swap3A_442 = arith.index_cast %add3A_109 : i32 to index
        %swap3A_443 = arith.constant 400 : index
        %swap3A_444 = tpu.vector_load %arg15[%swap3A_442, %swap3A_443] {strides = array<i32>} : memref<32x512xi32, #tpu.memory_space<vmem>>, vector<16xi32>,
        tpu.vector_store %arg15[%swap3A_442, %swap3A_443], %bitcast3A_441 {strides = array<i32>} : memref<32x512xi32, #tpu.memory_space<vmem>>, vector<16xi32>,
        %get3A_445 = arith.index_cast %add3A_109 : i32 to index
        %get3A_446 = arith.constant 416 : index
        %get3A_447 = tpu.vector_load %arg15[%get3A_445, %get3A_446] {strides = array<i32>} : memref<32x512xi32, #tpu.memory_space<vmem>>, vector<16xi32>,
        %bitcast3A_448 = vector.bitcast %get3A_447 : vector<16xi32> to vector<32xbf16>
        %get3A_449 = arith.index_cast %add3A_109 : i32 to index
        %get3A_450 = arith.constant 416 : index
        %get3A_451 = tpu.vector_load %arg14[%get3A_449, %get3A_450] {strides = array<i32>} : memref<32x512xi32, #tpu.memory_space<vmem>>, vector<16xi32>,
        %bitcast3A_452 = vector.bitcast %get3A_451 : vector<16xi32> to vector<32xbf16>
        %add3A_453 = arith.addf %bitcast3A_448, %bitcast3A_452 : vector<32xbf16>
        %bitcast3A_454 = vector.bitcast %add3A_453 : vector<32xbf16> to vector<16xi32>
        %swap3A_455 = arith.index_cast %add3A_109 : i32 to index
        %swap3A_456 = arith.constant 416 : index
        %swap3A_457 = tpu.vector_load %arg15[%swap3A_455, %swap3A_456] {strides = array<i32>} : memref<32x512xi32, #tpu.memory_space<vmem>>, vector<16xi32>,
        tpu.vector_store %arg15[%swap3A_455, %swap3A_456], %bitcast3A_454 {strides = array<i32>} : memref<32x512xi32, #tpu.memory_space<vmem>>, vector<16xi32>,
        %get3A_458 = arith.index_cast %add3A_109 : i32 to index
        %get3A_459 = arith.constant 432 : index
        %get3A_460 = tpu.vector_load %arg15[%get3A_458, %get3A_459] {strides = array<i32>} : memref<32x512xi32, #tpu.memory_space<vmem>>, vector<16xi32>,
        %bitcast3A_461 = vector.bitcast %get3A_460 : vector<16xi32> to vector<32xbf16>
        %get3A_462 = arith.index_cast %add3A_109 : i32 to index
        %get3A_463 = arith.constant 432 : index
        %get3A_464 = tpu.vector_load %arg14[%get3A_462, %get3A_463] {strides = array<i32>} : memref<32x512xi32, #tpu.memory_space<vmem>>, vector<16xi32>,
        %bitcast3A_465 = vector.bitcast %get3A_464 : vector<16xi32> to vector<32xbf16>
        %add3A_466 = arith.addf %bitcast3A_461, %bitcast3A_465 : vector<32xbf16>
        %bitcast3A_467 = vector.bitcast %add3A_466 : vector<32xbf16> to vector<16xi32>
        %swap3A_468 = arith.index_cast %add3A_109 : i32 to index
        %swap3A_469 = arith.constant 432 : index
        %swap3A_470 = tpu.vector_load %arg15[%swap3A_468, %swap3A_469] {strides = array<i32>} : memref<32x512xi32, #tpu.memory_space<vmem>>, vector<16xi32>,
        tpu.vector_store %arg15[%swap3A_468, %swap3A_469], %bitcast3A_467 {strides = array<i32>} : memref<32x512xi32, #tpu.memory_space<vmem>>, vector<16xi32>,
        %get3A_471 = arith.index_cast %add3A_109 : i32 to index
        %get3A_472 = arith.constant 448 : index
        %get3A_473 = tpu.vector_load %arg15[%get3A_471, %get3A_472] {strides = array<i32>} : memref<32x512xi32, #tpu.memory_space<vmem>>, vector<16xi32>,
        %bitcast3A_474 = vector.bitcast %get3A_473 : vector<16xi32> to vector<32xbf16>
        %get3A_475 = arith.index_cast %add3A_109 : i32 to index
        %get3A_476 = arith.constant 448 : index
        %get3A_477 = tpu.vector_load %arg14[%get3A_475, %get3A_476] {strides = array<i32>} : memref<32x512xi32, #tpu.memory_space<vmem>>, vector<16xi32>,
        %bitcast3A_478 = vector.bitcast %get3A_477 : vector<16xi32> to vector<32xbf16>
        %add3A_479 = arith.addf %bitcast3A_474, %bitcast3A_478 : vector<32xbf16>
        %bitcast3A_480 = vector.bitcast %add3A_479 : vector<32xbf16> to vector<16xi32>
        %swap3A_481 = arith.index_cast %add3A_109 : i32 to index
        %swap3A_482 = arith.constant 448 : index
        %swap3A_483 = tpu.vector_load %arg15[%swap3A_481, %swap3A_482] {strides = array<i32>} : memref<32x512xi32, #tpu.memory_space<vmem>>, vector<16xi32>,
        tpu.vector_store %arg15[%swap3A_481, %swap3A_482], %bitcast3A_480 {strides = array<i32>} : memref<32x512xi32, #tpu.memory_space<vmem>>, vector<16xi32>,
        %get3A_484 = arith.index_cast %add3A_109 : i32 to index
        %get3A_485 = arith.constant 464 : index
        %get3A_486 = tpu.vector_load %arg15[%get3A_484, %get3A_485] {strides = array<i32>} : memref<32x512xi32, #tpu.memory_space<vmem>>, vector<16xi32>,
        %bitcast3A_487 = vector.bitcast %get3A_486 : vector<16xi32> to vector<32xbf16>
        %get3A_488 = arith.index_cast %add3A_109 : i32 to index
        %get3A_489 = arith.constant 464 : index
        %get3A_490 = tpu.vector_load %arg14[%get3A_488, %get3A_489] {strides = array<i32>} : memref<32x512xi32, #tpu.memory_space<vmem>>, vector<16xi32>,
        %bitcast3A_491 = vector.bitcast %get3A_490 : vector<16xi32> to vector<32xbf16>
        %add3A_492 = arith.addf %bitcast3A_487, %bitcast3A_491 : vector<32xbf16>
        %bitcast3A_493 = vector.bitcast %add3A_492 : vector<32xbf16> to vector<16xi32>
        %swap3A_494 = arith.index_cast %add3A_109 : i32 to index
        %swap3A_495 = arith.constant 464 : index
        %swap3A_496 = tpu.vector_load %arg15[%swap3A_494, %swap3A_495] {strides = array<i32>} : memref<32x512xi32, #tpu.memory_space<vmem>>, vector<16xi32>,
        tpu.vector_store %arg15[%swap3A_494, %swap3A_495], %bitcast3A_493 {strides = array<i32>} : memref<32x512xi32, #tpu.memory_space<vmem>>, vector<16xi32>,
        %get3A_497 = arith.index_cast %add3A_109 : i32 to index
        %get3A_498 = arith.constant 480 : index
        %get3A_499 = tpu.vector_load %arg15[%get3A_497, %get3A_498] {strides = array<i32>} : memref<32x512xi32, #tpu.memory_space<vmem>>, vector<16xi32>,
        %bitcast3A_500 = vector.bitcast %get3A_499 : vector<16xi32> to vector<32xbf16>
        %get3A_501 = arith.index_cast %add3A_109 : i32 to index
        %get3A_502 = arith.constant 480 : index
        %get3A_503 = tpu.vector_load %arg14[%get3A_501, %get3A_502] {strides = array<i32>} : memref<32x512xi32, #tpu.memory_space<vmem>>, vector<16xi32>,
        %bitcast3A_504 = vector.bitcast %get3A_503 : vector<16xi32> to vector<32xbf16>
        %add3A_505 = arith.addf %bitcast3A_500, %bitcast3A_504 : vector<32xbf16>
        %bitcast3A_506 = vector.bitcast %add3A_505 : vector<32xbf16> to vector<16xi32>
        %swap3A_507 = arith.index_cast %add3A_109 : i32 to index
        %swap3A_508 = arith.constant 480 : index
        %swap3A_509 = tpu.vector_load %arg15[%swap3A_507, %swap3A_508] {strides = array<i32>} : memref<32x512xi32, #tpu.memory_space<vmem>>, vector<16xi32>,
        tpu.vector_store %arg15[%swap3A_507, %swap3A_508], %bitcast3A_506 {strides = array<i32>} : memref<32x512xi32, #tpu.memory_space<vmem>>, vector<16xi32>,
        %get3A_510 = arith.index_cast %add3A_109 : i32 to index
        %get3A_511 = arith.constant 496 : index
        %get3A_512 = tpu.vector_load %arg15[%get3A_510, %get3A_511] {strides = array<i32>} : memref<32x512xi32, #tpu.memory_space<vmem>>, vector<16xi32>,
        %bitcast3A_513 = vector.bitcast %get3A_512 : vector<16xi32> to vector<32xbf16>
        %get3A_514 = arith.index_cast %add3A_109 : i32 to index
        %get3A_515 = arith.constant 496 : index
        %get3A_516 = tpu.vector_load %arg14[%get3A_514, %get3A_515] {strides = array<i32>} : memref<32x512xi32, #tpu.memory_space<vmem>>, vector<16xi32>,
        %bitcast3A_517 = vector.bitcast %get3A_516 : vector<16xi32> to vector<32xbf16>
        %add3A_518 = arith.addf %bitcast3A_513, %bitcast3A_517 : vector<32xbf16>
        %bitcast3A_519 = vector.bitcast %add3A_518 : vector<32xbf16> to vector<16xi32>
        %swap3A_520 = arith.index_cast %add3A_109 : i32 to index
        %swap3A_521 = arith.constant 496 : index
        %swap3A_522 = tpu.vector_load %arg15[%swap3A_520, %swap3A_521] {strides = array<i32>} : memref<32x512xi32, #tpu.memory_space<vmem>>, vector<16xi32>,
        tpu.vector_store %arg15[%swap3A_520, %swap3A_521], %bitcast3A_519 {strides = array<i32>} : memref<32x512xi32, #tpu.memory_space<vmem>>, vector<16xi32>,
      }
      %scan3A_97 = arith.constant 32 : i32
      %add3A_98 = arith.constant 3 : i32
      %add3A_99 = arith.addi %add3A_74, %add3A_98 : i32
      %lt3A_100 = arith.constant 26 : i32
      %lt3A_101 = arith.cmpi slt, %add3A_99, %lt3A_100 : i32
      %convert_element_type3A_102 = arith.extui %lt3A_101 : i1 to i32
      %cond3A_103 = arith.constant 0 : i32
      %cond3A_104 = arith.cmpi ne, %convert_element_type3A_102, %cond3A_103 : i32
      scf.if %cond3A_104 {
        %add3A_105 = arith.constant 3 : i32
        %add3A_106 = arith.addi %add3A_74, %add3A_105 : i32
        %mul3A_107 = arith.constant 32 : i32
        %mul3A_108 = arith.muli %add3A_106, %mul3A_107 : i32
        %dma_start3A_109 = tpu.memref_slice %arg10[%mul3A_108] : memref<1600xi32, #tpu.memory_space<vmem>> -> memref<32xi32, #tpu.memory_space<vmem>>
        %dma_start3A_110 = arith.constant 0 : i32
        %dma_start3A_111 = arith.constant 0 : i32
        %dma_start3A_112 = tpu.memref_slice %arg3[%dma_start3A_110, %dma_start3A_111] : memref<16384x512xi32, #tpu.memory_space<hbm>> -> memref<16384x512xi32, #tpu.memory_space<hbm>>
        tpu.enqueue_indirect_dma source(%dma_start3A_112 : memref<16384x512xi32, #tpu.memory_space<hbm>>) target(%arg14 : memref<32x512xi32, #tpu.memory_space<vmem>>) offsets(%dma_start3A_109 : memref<32xi32, #tpu.memory_space<vmem>>) semaphore(%arg17 : memref<!tpu.dma_semaphore, #tpu.memory_space<semaphore_mem>>)
      } else {
      }
    }
    %scan3A_25 = arith.constant 13 : i32
    "tpu.region"() ({
      %run_scoped3A = tpu.sem_alloc : memref<!tpu.dma_semaphore, #tpu.memory_space<semaphore_mem>>
      %dma_start3A_66 = arith.constant 0 : i32
      %dma_start3A_67 = tpu.memref_slice %arg7[%mul3A_2, %dma_start3A_66] : memref<1024x512xi32, #tpu.memory_space<hbm>> -> memref<32x512xi32, #tpu.memory_space<hbm>>
      %dma_start3A_68 = arith.constant 0 : i32
      %dma_start3A_69 = tpu.memref_slice %arg7[%mul3A_2, %dma_start3A_68] : memref<1024x512xi32, #tpu.memory_space<hbm>> -> memref<32x512xi32, #tpu.memory_space<hbm>>
      tpu.enqueue_dma source(%arg15 : memref<32x512xi32, #tpu.memory_space<vmem>>) target(%dma_start3A_69 : memref<32x512xi32, #tpu.memory_space<hbm>>) target_semaphore(%run_scoped3A : memref<!tpu.dma_semaphore, #tpu.memory_space<semaphore_mem>>)
      %dma_wait3A = arith.constant 0 : i32
      %dma_wait3A_70 = tpu.memref_slice %arg7[%mul3A_2, %dma_wait3A] : memref<1024x512xi32, #tpu.memory_space<hbm>> -> memref<32x512xi32, #tpu.memory_space<hbm>>
      %dma_wait3A_71 = arith.constant 0 : i32
      %dma_wait3A_72 = tpu.memref_slice %arg7[%mul3A_2, %dma_wait3A_71] : memref<1024x512xi32, #tpu.memory_space<hbm>> -> memref<32x512xi32, #tpu.memory_space<hbm>>
      tpu.wait_dma2 semaphore(%run_scoped3A : memref<!tpu.dma_semaphore, #tpu.memory_space<semaphore_mem>>) src(%arg15 : memref<32x512xi32, #tpu.memory_space<vmem>>) dst(%dma_wait3A_72 : memref<32x512xi32, #tpu.memory_space<hbm>>)
      tpu.yield
    }) : () -> ()
    %scan3A_26 = arith.constant 0 : i32
    %scan3A_27 = arith.constant 32 : i32
    %scan3A_28 = arith.addi %scan3A_26, %scan3A_27 : i32
    %scan3A_29 = arith.constant 1 : i32
    scf.for %scan3A_66 = %scan3A_26 to %scan3A_28 step %scan3A_29  : i32 {
      %mul3A_67 = arith.constant 1 : i32
      %mul3A_68 = arith.muli %scan3A_66, %mul3A_67 : i32
      %add3A_69 = arith.constant 0 : i32
      %add3A_70 = arith.addi %add3A_69, %mul3A_68 : i32
      %swap3A = arith.index_cast %add3A_70 : i32 to index
      %swap3A_71 = arith.constant 0 : index
      %swap3A_72 = tpu.vector_load %arg15[%swap3A, %swap3A_71] {strides = array<i32>} : memref<32x512xi32, #tpu.memory_space<vmem>>, vector<16xi32>,
      tpu.vector_store %arg15[%swap3A, %swap3A_71], %broadcast_in_dim3A_7 {strides = array<i32>} : memref<32x512xi32, #tpu.memory_space<vmem>>, vector<16xi32>,
      %swap3A_73 = arith.index_cast %add3A_70 : i32 to index
      %swap3A_74 = arith.constant 16 : index
      %swap3A_75 = tpu.vector_load %arg15[%swap3A_73, %swap3A_74] {strides = array<i32>} : memref<32x512xi32, #tpu.memory_space<vmem>>, vector<16xi32>,
      tpu.vector_store %arg15[%swap3A_73, %swap3A_74], %broadcast_in_dim3A_7 {strides = array<i32>} : memref<32x512xi32, #tpu.memory_space<vmem>>, vector<16xi32>,
      %swap3A_76 = arith.index_cast %add3A_70 : i32 to index
      %swap3A_77 = arith.constant 32 : index
      %swap3A_78 = tpu.vector_load %arg15[%swap3A_76, %swap3A_77] {strides = array<i32>} : memref<32x512xi32, #tpu.memory_space<vmem>>, vector<16xi32>,
      tpu.vector_store %arg15[%swap3A_76, %swap3A_77], %broadcast_in_dim3A_7 {strides = array<i32>} : memref<32x512xi32, #tpu.memory_space<vmem>>, vector<16xi32>,
      %swap3A_79 = arith.index_cast %add3A_70 : i32 to index
      %swap3A_80 = arith.constant 48 : index
      %swap3A_81 = tpu.vector_load %arg15[%swap3A_79, %swap3A_80] {strides = array<i32>} : memref<32x512xi32, #tpu.memory_space<vmem>>, vector<16xi32>,
      tpu.vector_store %arg15[%swap3A_79, %swap3A_80], %broadcast_in_dim3A_7 {strides = array<i32>} : memref<32x512xi32, #tpu.memory_space<vmem>>, vector<16xi32>,
      %swap3A_82 = arith.index_cast %add3A_70 : i32 to index
      %swap3A_83 = arith.constant 64 : index
      %swap3A_84 = tpu.vector_load %arg15[%swap3A_82, %swap3A_83] {strides = array<i32>} : memref<32x512xi32, #tpu.memory_space<vmem>>, vector<16xi32>,
      tpu.vector_store %arg15[%swap3A_82, %swap3A_83], %broadcast_in_dim3A_7 {strides = array<i32>} : memref<32x512xi32, #tpu.memory_space<vmem>>, vector<16xi32>,
      %swap3A_85 = arith.index_cast %add3A_70 : i32 to index
      %swap3A_86 = arith.constant 80 : index
      %swap3A_87 = tpu.vector_load %arg15[%swap3A_85, %swap3A_86] {strides = array<i32>} : memref<32x512xi32, #tpu.memory_space<vmem>>, vector<16xi32>,
      tpu.vector_store %arg15[%swap3A_85, %swap3A_86], %broadcast_in_dim3A_7 {strides = array<i32>} : memref<32x512xi32, #tpu.memory_space<vmem>>, vector<16xi32>,
      %swap3A_88 = arith.index_cast %add3A_70 : i32 to index
      %swap3A_89 = arith.constant 96 : index
      %swap3A_90 = tpu.vector_load %arg15[%swap3A_88, %swap3A_89] {strides = array<i32>} : memref<32x512xi32, #tpu.memory_space<vmem>>, vector<16xi32>,
      tpu.vector_store %arg15[%swap3A_88, %swap3A_89], %broadcast_in_dim3A_7 {strides = array<i32>} : memref<32x512xi32, #tpu.memory_space<vmem>>, vector<16xi32>,
      %swap3A_91 = arith.index_cast %add3A_70 : i32 to index
      %swap3A_92 = arith.constant 112 : index
      %swap3A_93 = tpu.vector_load %arg15[%swap3A_91, %swap3A_92] {strides = array<i32>} : memref<32x512xi32, #tpu.memory_space<vmem>>, vector<16xi32>,
      tpu.vector_store %arg15[%swap3A_91, %swap3A_92], %broadcast_in_dim3A_7 {strides = array<i32>} : memref<32x512xi32, #tpu.memory_space<vmem>>, vector<16xi32>,
      %swap3A_94 = arith.index_cast %add3A_70 : i32 to index
      %swap3A_95 = arith.constant 128 : index
      %swap3A_96 = tpu.vector_load %arg15[%swap3A_94, %swap3A_95] {strides = array<i32>} : memref<32x512xi32, #tpu.memory_space<vmem>>, vector<16xi32>,
      tpu.vector_store %arg15[%swap3A_94, %swap3A_95], %broadcast_in_dim3A_7 {strides = array<i32>} : memref<32x512xi32, #tpu.memory_space<vmem>>, vector<16xi32>,
      %swap3A_97 = arith.index_cast %add3A_70 : i32 to index
      %swap3A_98 = arith.constant 144 : index
      %swap3A_99 = tpu.vector_load %arg15[%swap3A_97, %swap3A_98] {strides = array<i32>} : memref<32x512xi32, #tpu.memory_space<vmem>>, vector<16xi32>,
      tpu.vector_store %arg15[%swap3A_97, %swap3A_98], %broadcast_in_dim3A_7 {strides = array<i32>} : memref<32x512xi32, #tpu.memory_space<vmem>>, vector<16xi32>,
      %swap3A_100 = arith.index_cast %add3A_70 : i32 to index
      %swap3A_101 = arith.constant 160 : index
      %swap3A_102 = tpu.vector_load %arg15[%swap3A_100, %swap3A_101] {strides = array<i32>} : memref<32x512xi32, #tpu.memory_space<vmem>>, vector<16xi32>,
      tpu.vector_store %arg15[%swap3A_100, %swap3A_101], %broadcast_in_dim3A_7 {strides = array<i32>} : memref<32x512xi32, #tpu.memory_space<vmem>>, vector<16xi32>,
      %swap3A_103 = arith.index_cast %add3A_70 : i32 to index
      %swap3A_104 = arith.constant 176 : index
      %swap3A_105 = tpu.vector_load %arg15[%swap3A_103, %swap3A_104] {strides = array<i32>} : memref<32x512xi32, #tpu.memory_space<vmem>>, vector<16xi32>,
      tpu.vector_store %arg15[%swap3A_103, %swap3A_104], %broadcast_in_dim3A_7 {strides = array<i32>} : memref<32x512xi32, #tpu.memory_space<vmem>>, vector<16xi32>,
      %swap3A_106 = arith.index_cast %add3A_70 : i32 to index
      %swap3A_107 = arith.constant 192 : index
      %swap3A_108 = tpu.vector_load %arg15[%swap3A_106, %swap3A_107] {strides = array<i32>} : memref<32x512xi32, #tpu.memory_space<vmem>>, vector<16xi32>,
      tpu.vector_store %arg15[%swap3A_106, %swap3A_107], %broadcast_in_dim3A_7 {strides = array<i32>} : memref<32x512xi32, #tpu.memory_space<vmem>>, vector<16xi32>,
      %swap3A_109 = arith.index_cast %add3A_70 : i32 to index
      %swap3A_110 = arith.constant 208 : index
      %swap3A_111 = tpu.vector_load %arg15[%swap3A_109, %swap3A_110] {strides = array<i32>} : memref<32x512xi32, #tpu.memory_space<vmem>>, vector<16xi32>,
      tpu.vector_store %arg15[%swap3A_109, %swap3A_110], %broadcast_in_dim3A_7 {strides = array<i32>} : memref<32x512xi32, #tpu.memory_space<vmem>>, vector<16xi32>,
      %swap3A_112 = arith.index_cast %add3A_70 : i32 to index
      %swap3A_113 = arith.constant 224 : index
      %swap3A_114 = tpu.vector_load %arg15[%swap3A_112, %swap3A_113] {strides = array<i32>} : memref<32x512xi32, #tpu.memory_space<vmem>>, vector<16xi32>,
      tpu.vector_store %arg15[%swap3A_112, %swap3A_113], %broadcast_in_dim3A_7 {strides = array<i32>} : memref<32x512xi32, #tpu.memory_space<vmem>>, vector<16xi32>,
      %swap3A_115 = arith.index_cast %add3A_70 : i32 to index
      %swap3A_116 = arith.constant 240 : index
      %swap3A_117 = tpu.vector_load %arg15[%swap3A_115, %swap3A_116] {strides = array<i32>} : memref<32x512xi32, #tpu.memory_space<vmem>>, vector<16xi32>,
      tpu.vector_store %arg15[%swap3A_115, %swap3A_116], %broadcast_in_dim3A_7 {strides = array<i32>} : memref<32x512xi32, #tpu.memory_space<vmem>>, vector<16xi32>,
      %swap3A_118 = arith.index_cast %add3A_70 : i32 to index
      %swap3A_119 = arith.constant 256 : index
      %swap3A_120 = tpu.vector_load %arg15[%swap3A_118, %swap3A_119] {strides = array<i32>} : memref<32x512xi32, #tpu.memory_space<vmem>>, vector<16xi32>,
      tpu.vector_store %arg15[%swap3A_118, %swap3A_119], %broadcast_in_dim3A_7 {strides = array<i32>} : memref<32x512xi32, #tpu.memory_space<vmem>>, vector<16xi32>,
      %swap3A_121 = arith.index_cast %add3A_70 : i32 to index
      %swap3A_122 = arith.constant 272 : index
      %swap3A_123 = tpu.vector_load %arg15[%swap3A_121, %swap3A_122] {strides = array<i32>} : memref<32x512xi32, #tpu.memory_space<vmem>>, vector<16xi32>,
      tpu.vector_store %arg15[%swap3A_121, %swap3A_122], %broadcast_in_dim3A_7 {strides = array<i32>} : memref<32x512xi32, #tpu.memory_space<vmem>>, vector<16xi32>,
      %swap3A_124 = arith.index_cast %add3A_70 : i32 to index
      %swap3A_125 = arith.constant 288 : index
      %swap3A_126 = tpu.vector_load %arg15[%swap3A_124, %swap3A_125] {strides = array<i32>} : memref<32x512xi32, #tpu.memory_space<vmem>>, vector<16xi32>,
      tpu.vector_store %arg15[%swap3A_124, %swap3A_125], %broadcast_in_dim3A_7 {strides = array<i32>} : memref<32x512xi32, #tpu.memory_space<vmem>>, vector<16xi32>,
      %swap3A_127 = arith.index_cast %add3A_70 : i32 to index
      %swap3A_128 = arith.constant 304 : index
      %swap3A_129 = tpu.vector_load %arg15[%swap3A_127, %swap3A_128] {strides = array<i32>} : memref<32x512xi32, #tpu.memory_space<vmem>>, vector<16xi32>,
      tpu.vector_store %arg15[%swap3A_127, %swap3A_128], %broadcast_in_dim3A_7 {strides = array<i32>} : memref<32x512xi32, #tpu.memory_space<vmem>>, vector<16xi32>,
      %swap3A_130 = arith.index_cast %add3A_70 : i32 to index
      %swap3A_131 = arith.constant 320 : index
      %swap3A_132 = tpu.vector_load %arg15[%swap3A_130, %swap3A_131] {strides = array<i32>} : memref<32x512xi32, #tpu.memory_space<vmem>>, vector<16xi32>,
      tpu.vector_store %arg15[%swap3A_130, %swap3A_131], %broadcast_in_dim3A_7 {strides = array<i32>} : memref<32x512xi32, #tpu.memory_space<vmem>>, vector<16xi32>,
      %swap3A_133 = arith.index_cast %add3A_70 : i32 to index
      %swap3A_134 = arith.constant 336 : index
      %swap3A_135 = tpu.vector_load %arg15[%swap3A_133, %swap3A_134] {strides = array<i32>} : memref<32x512xi32, #tpu.memory_space<vmem>>, vector<16xi32>,
      tpu.vector_store %arg15[%swap3A_133, %swap3A_134], %broadcast_in_dim3A_7 {strides = array<i32>} : memref<32x512xi32, #tpu.memory_space<vmem>>, vector<16xi32>,
      %swap3A_136 = arith.index_cast %add3A_70 : i32 to index
      %swap3A_137 = arith.constant 352 : index
      %swap3A_138 = tpu.vector_load %arg15[%swap3A_136, %swap3A_137] {strides = array<i32>} : memref<32x512xi32, #tpu.memory_space<vmem>>, vector<16xi32>,
      tpu.vector_store %arg15[%swap3A_136, %swap3A_137], %broadcast_in_dim3A_7 {strides = array<i32>} : memref<32x512xi32, #tpu.memory_space<vmem>>, vector<16xi32>,
      %swap3A_139 = arith.index_cast %add3A_70 : i32 to index
      %swap3A_140 = arith.constant 368 : index
      %swap3A_141 = tpu.vector_load %arg15[%swap3A_139, %swap3A_140] {strides = array<i32>} : memref<32x512xi32, #tpu.memory_space<vmem>>, vector<16xi32>,
      tpu.vector_store %arg15[%swap3A_139, %swap3A_140], %broadcast_in_dim3A_7 {strides = array<i32>} : memref<32x512xi32, #tpu.memory_space<vmem>>, vector<16xi32>,
      %swap3A_142 = arith.index_cast %add3A_70 : i32 to index
      %swap3A_143 = arith.constant 384 : index
      %swap3A_144 = tpu.vector_load %arg15[%swap3A_142, %swap3A_143] {strides = array<i32>} : memref<32x512xi32, #tpu.memory_space<vmem>>, vector<16xi32>,
      tpu.vector_store %arg15[%swap3A_142, %swap3A_143], %broadcast_in_dim3A_7 {strides = array<i32>} : memref<32x512xi32, #tpu.memory_space<vmem>>, vector<16xi32>,
      %swap3A_145 = arith.index_cast %add3A_70 : i32 to index
      %swap3A_146 = arith.constant 400 : index
      %swap3A_147 = tpu.vector_load %arg15[%swap3A_145, %swap3A_146] {strides = array<i32>} : memref<32x512xi32, #tpu.memory_space<vmem>>, vector<16xi32>,
      tpu.vector_store %arg15[%swap3A_145, %swap3A_146], %broadcast_in_dim3A_7 {strides = array<i32>} : memref<32x512xi32, #tpu.memory_space<vmem>>, vector<16xi32>,
      %swap3A_148 = arith.index_cast %add3A_70 : i32 to index
      %swap3A_149 = arith.constant 416 : index
      %swap3A_150 = tpu.vector_load %arg15[%swap3A_148, %swap3A_149] {strides = array<i32>} : memref<32x512xi32, #tpu.memory_space<vmem>>, vector<16xi32>,
      tpu.vector_store %arg15[%swap3A_148, %swap3A_149], %broadcast_in_dim3A_7 {strides = array<i32>} : memref<32x512xi32, #tpu.memory_space<vmem>>, vector<16xi32>,
      %swap3A_151 = arith.index_cast %add3A_70 : i32 to index
      %swap3A_152 = arith.constant 432 : index
      %swap3A_153 = tpu.vector_load %arg15[%swap3A_151, %swap3A_152] {strides = array<i32>} : memref<32x512xi32, #tpu.memory_space<vmem>>, vector<16xi32>,
      tpu.vector_store %arg15[%swap3A_151, %swap3A_152], %broadcast_in_dim3A_7 {strides = array<i32>} : memref<32x512xi32, #tpu.memory_space<vmem>>, vector<16xi32>,
      %swap3A_154 = arith.index_cast %add3A_70 : i32 to index
      %swap3A_155 = arith.constant 448 : index
      %swap3A_156 = tpu.vector_load %arg15[%swap3A_154, %swap3A_155] {strides = array<i32>} : memref<32x512xi32, #tpu.memory_space<vmem>>, vector<16xi32>,
      tpu.vector_store %arg15[%swap3A_154, %swap3A_155], %broadcast_in_dim3A_7 {strides = array<i32>} : memref<32x512xi32, #tpu.memory_space<vmem>>, vector<16xi32>,
      %swap3A_157 = arith.index_cast %add3A_70 : i32 to index
      %swap3A_158 = arith.constant 464 : index
      %swap3A_159 = tpu.vector_load %arg15[%swap3A_157, %swap3A_158] {strides = array<i32>} : memref<32x512xi32, #tpu.memory_space<vmem>>, vector<16xi32>,
      tpu.vector_store %arg15[%swap3A_157, %swap3A_158], %broadcast_in_dim3A_7 {strides = array<i32>} : memref<32x512xi32, #tpu.memory_space<vmem>>, vector<16xi32>,
      %swap3A_160 = arith.index_cast %add3A_70 : i32 to index
      %swap3A_161 = arith.constant 480 : index
      %swap3A_162 = tpu.vector_load %arg15[%swap3A_160, %swap3A_161] {strides = array<i32>} : memref<32x512xi32, #tpu.memory_space<vmem>>, vector<16xi32>,
      tpu.vector_store %arg15[%swap3A_160, %swap3A_161], %broadcast_in_dim3A_7 {strides = array<i32>} : memref<32x512xi32, #tpu.memory_space<vmem>>, vector<16xi32>,
      %swap3A_163 = arith.index_cast %add3A_70 : i32 to index
      %swap3A_164 = arith.constant 496 : index
      %swap3A_165 = tpu.vector_load %arg15[%swap3A_163, %swap3A_164] {strides = array<i32>} : memref<32x512xi32, #tpu.memory_space<vmem>>, vector<16xi32>,
      tpu.vector_store %arg15[%swap3A_163, %swap3A_164], %broadcast_in_dim3A_7 {strides = array<i32>} : memref<32x512xi32, #tpu.memory_space<vmem>>, vector<16xi32>,
    }
    %scan3A_30 = arith.constant 32 : i32
    %dma_start3A_31 = arith.constant 832 : i32
    %dma_start3A_32 = tpu.memref_slice %arg10[%dma_start3A_31] : memref<1600xi32, #tpu.memory_space<vmem>> -> memref<32xi32, #tpu.memory_space<vmem>>
    %dma_start3A_33 = arith.constant 0 : i32
    %dma_start3A_34 = arith.constant 0 : i32
    %dma_start3A_35 = tpu.memref_slice %arg3[%dma_start3A_33, %dma_start3A_34] : memref<16384x512xi32, #tpu.memory_space<hbm>> -> memref<16384x512xi32, #tpu.memory_space<hbm>>
    tpu.enqueue_indirect_dma source(%dma_start3A_35 : memref<16384x512xi32, #tpu.memory_space<hbm>>) target(%arg13 : memref<32x512xi32, #tpu.memory_space<vmem>>) offsets(%dma_start3A_32 : memref<32xi32, #tpu.memory_space<vmem>>) semaphore(%arg16 : memref<!tpu.dma_semaphore, #tpu.memory_space<semaphore_mem>>)
    %dma_start3A_36 = arith.constant 864 : i32
    %dma_start3A_37 = tpu.memref_slice %arg10[%dma_start3A_36] : memref<1600xi32, #tpu.memory_space<vmem>> -> memref<32xi32, #tpu.memory_space<vmem>>
    %dma_start3A_38 = arith.constant 0 : i32
    %dma_start3A_39 = arith.constant 0 : i32
    %dma_start3A_40 = tpu.memref_slice %arg3[%dma_start3A_38, %dma_start3A_39] : memref<16384x512xi32, #tpu.memory_space<hbm>> -> memref<16384x512xi32, #tpu.memory_space<hbm>>
    tpu.enqueue_indirect_dma source(%dma_start3A_40 : memref<16384x512xi32, #tpu.memory_space<hbm>>) target(%arg14 : memref<32x512xi32, #tpu.memory_space<vmem>>) offsets(%dma_start3A_37 : memref<32xi32, #tpu.memory_space<vmem>>) semaphore(%arg17 : memref<!tpu.dma_semaphore, #tpu.memory_space<semaphore_mem>>)
    %scan3A_41 = arith.constant 0 : i32
    %scan3A_42 = arith.constant 8 : i32
    %scan3A_43 = arith.addi %scan3A_41, %scan3A_42 : i32
    %scan3A_44 = arith.constant 1 : i32
    scf.for %scan3A_66 = %scan3A_41 to %scan3A_43 step %scan3A_44  : i32 {
      %mul3A_67 = arith.constant 1 : i32
      %mul3A_68 = arith.muli %scan3A_66, %mul3A_67 : i32
      %add3A_69 = arith.constant 0 : i32
      %add3A_70 = arith.addi %add3A_69, %mul3A_68 : i32
      %mul3A_71 = arith.constant 2 : i32
      %mul3A_72 = arith.muli %mul3A_71, %add3A_70 : i32
      %add3A_73 = arith.constant 26 : i32
      %add3A_74 = arith.addi %add3A_73, %mul3A_72 : i32
      %dma_wait3A = arith.constant 0 : i32
      %dma_wait3A_75 = tpu.memref_slice %arg10[%dma_wait3A] : memref<1600xi32, #tpu.memory_space<vmem>> -> memref<32xi32, #tpu.memory_space<vmem>>
      %dma_wait3A_76 = arith.constant 0 : i32
      %dma_wait3A_77 = arith.constant 0 : i32
      %dma_wait3A_78 = tpu.memref_slice %arg3[%dma_wait3A_76, %dma_wait3A_77] : memref<16384x512xi32, #tpu.memory_space<hbm>> -> memref<16384x512xi32, #tpu.memory_space<hbm>>
      tpu.wait_indirect_dma semaphore(%arg16 : memref<!tpu.dma_semaphore, #tpu.memory_space<semaphore_mem>>) src(%dma_wait3A_78 : memref<16384x512xi32, #tpu.memory_space<hbm>>) dst(%arg13 : memref<32x512xi32, #tpu.memory_space<vmem>>)
      %scan3A_79 = arith.constant 0 : i32
      %scan3A_80 = arith.constant 32 : i32
      %scan3A_81 = arith.addi %scan3A_79, %scan3A_80 : i32
      %scan3A_82 = arith.constant 1 : i32
      scf.for %scan3A_105 = %scan3A_79 to %scan3A_81 step %scan3A_82  : i32 {
        %mul3A_106 = arith.constant 1 : i32
        %mul3A_107 = arith.muli %scan3A_105, %mul3A_106 : i32
        %add3A_108 = arith.constant 0 : i32
        %add3A_109 = arith.addi %add3A_108, %mul3A_107 : i32
        %get3A = arith.index_cast %add3A_109 : i32 to index
        %get3A_110 = arith.constant 0 : index
        %get3A_111 = tpu.vector_load %arg15[%get3A, %get3A_110] {strides = array<i32>} : memref<32x512xi32, #tpu.memory_space<vmem>>, vector<16xi32>,
        %bitcast3A = vector.bitcast %get3A_111 : vector<16xi32> to vector<32xbf16>
        %get3A_112 = arith.index_cast %add3A_109 : i32 to index
        %get3A_113 = arith.constant 0 : index
        %get3A_114 = tpu.vector_load %arg13[%get3A_112, %get3A_113] {strides = array<i32>} : memref<32x512xi32, #tpu.memory_space<vmem>>, vector<16xi32>,
        %bitcast3A_115 = vector.bitcast %get3A_114 : vector<16xi32> to vector<32xbf16>
        %add3A_116 = arith.addf %bitcast3A, %bitcast3A_115 : vector<32xbf16>
        %bitcast3A_117 = vector.bitcast %add3A_116 : vector<32xbf16> to vector<16xi32>
        %swap3A = arith.index_cast %add3A_109 : i32 to index
        %swap3A_118 = arith.constant 0 : index
        %swap3A_119 = tpu.vector_load %arg15[%swap3A, %swap3A_118] {strides = array<i32>} : memref<32x512xi32, #tpu.memory_space<vmem>>, vector<16xi32>,
        tpu.vector_store %arg15[%swap3A, %swap3A_118], %bitcast3A_117 {strides = array<i32>} : memref<32x512xi32, #tpu.memory_space<vmem>>, vector<16xi32>,
        %get3A_120 = arith.index_cast %add3A_109 : i32 to index
        %get3A_121 = arith.constant 16 : index
        %get3A_122 = tpu.vector_load %arg15[%get3A_120, %get3A_121] {strides = array<i32>} : memref<32x512xi32, #tpu.memory_space<vmem>>, vector<16xi32>,
        %bitcast3A_123 = vector.bitcast %get3A_122 : vector<16xi32> to vector<32xbf16>
        %get3A_124 = arith.index_cast %add3A_109 : i32 to index
        %get3A_125 = arith.constant 16 : index
        %get3A_126 = tpu.vector_load %arg13[%get3A_124, %get3A_125] {strides = array<i32>} : memref<32x512xi32, #tpu.memory_space<vmem>>, vector<16xi32>,
        %bitcast3A_127 = vector.bitcast %get3A_126 : vector<16xi32> to vector<32xbf16>
        %add3A_128 = arith.addf %bitcast3A_123, %bitcast3A_127 : vector<32xbf16>
        %bitcast3A_129 = vector.bitcast %add3A_128 : vector<32xbf16> to vector<16xi32>
        %swap3A_130 = arith.index_cast %add3A_109 : i32 to index
        %swap3A_131 = arith.constant 16 : index
        %swap3A_132 = tpu.vector_load %arg15[%swap3A_130, %swap3A_131] {strides = array<i32>} : memref<32x512xi32, #tpu.memory_space<vmem>>, vector<16xi32>,
        tpu.vector_store %arg15[%swap3A_130, %swap3A_131], %bitcast3A_129 {strides = array<i32>} : memref<32x512xi32, #tpu.memory_space<vmem>>, vector<16xi32>,
        %get3A_133 = arith.index_cast %add3A_109 : i32 to index
        %get3A_134 = arith.constant 32 : index
        %get3A_135 = tpu.vector_load %arg15[%get3A_133, %get3A_134] {strides = array<i32>} : memref<32x512xi32, #tpu.memory_space<vmem>>, vector<16xi32>,
        %bitcast3A_136 = vector.bitcast %get3A_135 : vector<16xi32> to vector<32xbf16>
        %get3A_137 = arith.index_cast %add3A_109 : i32 to index
        %get3A_138 = arith.constant 32 : index
        %get3A_139 = tpu.vector_load %arg13[%get3A_137, %get3A_138] {strides = array<i32>} : memref<32x512xi32, #tpu.memory_space<vmem>>, vector<16xi32>,
        %bitcast3A_140 = vector.bitcast %get3A_139 : vector<16xi32> to vector<32xbf16>
        %add3A_141 = arith.addf %bitcast3A_136, %bitcast3A_140 : vector<32xbf16>
        %bitcast3A_142 = vector.bitcast %add3A_141 : vector<32xbf16> to vector<16xi32>
        %swap3A_143 = arith.index_cast %add3A_109 : i32 to index
        %swap3A_144 = arith.constant 32 : index
        %swap3A_145 = tpu.vector_load %arg15[%swap3A_143, %swap3A_144] {strides = array<i32>} : memref<32x512xi32, #tpu.memory_space<vmem>>, vector<16xi32>,
        tpu.vector_store %arg15[%swap3A_143, %swap3A_144], %bitcast3A_142 {strides = array<i32>} : memref<32x512xi32, #tpu.memory_space<vmem>>, vector<16xi32>,
        %get3A_146 = arith.index_cast %add3A_109 : i32 to index
        %get3A_147 = arith.constant 48 : index
        %get3A_148 = tpu.vector_load %arg15[%get3A_146, %get3A_147] {strides = array<i32>} : memref<32x512xi32, #tpu.memory_space<vmem>>, vector<16xi32>,
        %bitcast3A_149 = vector.bitcast %get3A_148 : vector<16xi32> to vector<32xbf16>
        %get3A_150 = arith.index_cast %add3A_109 : i32 to index
        %get3A_151 = arith.constant 48 : index
        %get3A_152 = tpu.vector_load %arg13[%get3A_150, %get3A_151] {strides = array<i32>} : memref<32x512xi32, #tpu.memory_space<vmem>>, vector<16xi32>,
        %bitcast3A_153 = vector.bitcast %get3A_152 : vector<16xi32> to vector<32xbf16>
        %add3A_154 = arith.addf %bitcast3A_149, %bitcast3A_153 : vector<32xbf16>
        %bitcast3A_155 = vector.bitcast %add3A_154 : vector<32xbf16> to vector<16xi32>
        %swap3A_156 = arith.index_cast %add3A_109 : i32 to index
        %swap3A_157 = arith.constant 48 : index
        %swap3A_158 = tpu.vector_load %arg15[%swap3A_156, %swap3A_157] {strides = array<i32>} : memref<32x512xi32, #tpu.memory_space<vmem>>, vector<16xi32>,
        tpu.vector_store %arg15[%swap3A_156, %swap3A_157], %bitcast3A_155 {strides = array<i32>} : memref<32x512xi32, #tpu.memory_space<vmem>>, vector<16xi32>,
        %get3A_159 = arith.index_cast %add3A_109 : i32 to index
        %get3A_160 = arith.constant 64 : index
        %get3A_161 = tpu.vector_load %arg15[%get3A_159, %get3A_160] {strides = array<i32>} : memref<32x512xi32, #tpu.memory_space<vmem>>, vector<16xi32>,
        %bitcast3A_162 = vector.bitcast %get3A_161 : vector<16xi32> to vector<32xbf16>
        %get3A_163 = arith.index_cast %add3A_109 : i32 to index
        %get3A_164 = arith.constant 64 : index
        %get3A_165 = tpu.vector_load %arg13[%get3A_163, %get3A_164] {strides = array<i32>} : memref<32x512xi32, #tpu.memory_space<vmem>>, vector<16xi32>,
        %bitcast3A_166 = vector.bitcast %get3A_165 : vector<16xi32> to vector<32xbf16>
        %add3A_167 = arith.addf %bitcast3A_162, %bitcast3A_166 : vector<32xbf16>
        %bitcast3A_168 = vector.bitcast %add3A_167 : vector<32xbf16> to vector<16xi32>
        %swap3A_169 = arith.index_cast %add3A_109 : i32 to index
        %swap3A_170 = arith.constant 64 : index
        %swap3A_171 = tpu.vector_load %arg15[%swap3A_169, %swap3A_170] {strides = array<i32>} : memref<32x512xi32, #tpu.memory_space<vmem>>, vector<16xi32>,
        tpu.vector_store %arg15[%swap3A_169, %swap3A_170], %bitcast3A_168 {strides = array<i32>} : memref<32x512xi32, #tpu.memory_space<vmem>>, vector<16xi32>,
        %get3A_172 = arith.index_cast %add3A_109 : i32 to index
        %get3A_173 = arith.constant 80 : index
        %get3A_174 = tpu.vector_load %arg15[%get3A_172, %get3A_173] {strides = array<i32>} : memref<32x512xi32, #tpu.memory_space<vmem>>, vector<16xi32>,
        %bitcast3A_175 = vector.bitcast %get3A_174 : vector<16xi32> to vector<32xbf16>
        %get3A_176 = arith.index_cast %add3A_109 : i32 to index
        %get3A_177 = arith.constant 80 : index
        %get3A_178 = tpu.vector_load %arg13[%get3A_176, %get3A_177] {strides = array<i32>} : memref<32x512xi32, #tpu.memory_space<vmem>>, vector<16xi32>,
        %bitcast3A_179 = vector.bitcast %get3A_178 : vector<16xi32> to vector<32xbf16>
        %add3A_180 = arith.addf %bitcast3A_175, %bitcast3A_179 : vector<32xbf16>
        %bitcast3A_181 = vector.bitcast %add3A_180 : vector<32xbf16> to vector<16xi32>
        %swap3A_182 = arith.index_cast %add3A_109 : i32 to index
        %swap3A_183 = arith.constant 80 : index
        %swap3A_184 = tpu.vector_load %arg15[%swap3A_182, %swap3A_183] {strides = array<i32>} : memref<32x512xi32, #tpu.memory_space<vmem>>, vector<16xi32>,
        tpu.vector_store %arg15[%swap3A_182, %swap3A_183], %bitcast3A_181 {strides = array<i32>} : memref<32x512xi32, #tpu.memory_space<vmem>>, vector<16xi32>,
        %get3A_185 = arith.index_cast %add3A_109 : i32 to index
        %get3A_186 = arith.constant 96 : index
        %get3A_187 = tpu.vector_load %arg15[%get3A_185, %get3A_186] {strides = array<i32>} : memref<32x512xi32, #tpu.memory_space<vmem>>, vector<16xi32>,
        %bitcast3A_188 = vector.bitcast %get3A_187 : vector<16xi32> to vector<32xbf16>
        %get3A_189 = arith.index_cast %add3A_109 : i32 to index
        %get3A_190 = arith.constant 96 : index
        %get3A_191 = tpu.vector_load %arg13[%get3A_189, %get3A_190] {strides = array<i32>} : memref<32x512xi32, #tpu.memory_space<vmem>>, vector<16xi32>,
        %bitcast3A_192 = vector.bitcast %get3A_191 : vector<16xi32> to vector<32xbf16>
        %add3A_193 = arith.addf %bitcast3A_188, %bitcast3A_192 : vector<32xbf16>
        %bitcast3A_194 = vector.bitcast %add3A_193 : vector<32xbf16> to vector<16xi32>
        %swap3A_195 = arith.index_cast %add3A_109 : i32 to index
        %swap3A_196 = arith.constant 96 : index
        %swap3A_197 = tpu.vector_load %arg15[%swap3A_195, %swap3A_196] {strides = array<i32>} : memref<32x512xi32, #tpu.memory_space<vmem>>, vector<16xi32>,
        tpu.vector_store %arg15[%swap3A_195, %swap3A_196], %bitcast3A_194 {strides = array<i32>} : memref<32x512xi32, #tpu.memory_space<vmem>>, vector<16xi32>,
        %get3A_198 = arith.index_cast %add3A_109 : i32 to index
        %get3A_199 = arith.constant 112 : index
        %get3A_200 = tpu.vector_load %arg15[%get3A_198, %get3A_199] {strides = array<i32>} : memref<32x512xi32, #tpu.memory_space<vmem>>, vector<16xi32>,
        %bitcast3A_201 = vector.bitcast %get3A_200 : vector<16xi32> to vector<32xbf16>
        %get3A_202 = arith.index_cast %add3A_109 : i32 to index
        %get3A_203 = arith.constant 112 : index
        %get3A_204 = tpu.vector_load %arg13[%get3A_202, %get3A_203] {strides = array<i32>} : memref<32x512xi32, #tpu.memory_space<vmem>>, vector<16xi32>,
        %bitcast3A_205 = vector.bitcast %get3A_204 : vector<16xi32> to vector<32xbf16>
        %add3A_206 = arith.addf %bitcast3A_201, %bitcast3A_205 : vector<32xbf16>
        %bitcast3A_207 = vector.bitcast %add3A_206 : vector<32xbf16> to vector<16xi32>
        %swap3A_208 = arith.index_cast %add3A_109 : i32 to index
        %swap3A_209 = arith.constant 112 : index
        %swap3A_210 = tpu.vector_load %arg15[%swap3A_208, %swap3A_209] {strides = array<i32>} : memref<32x512xi32, #tpu.memory_space<vmem>>, vector<16xi32>,
        tpu.vector_store %arg15[%swap3A_208, %swap3A_209], %bitcast3A_207 {strides = array<i32>} : memref<32x512xi32, #tpu.memory_space<vmem>>, vector<16xi32>,
        %get3A_211 = arith.index_cast %add3A_109 : i32 to index
        %get3A_212 = arith.constant 128 : index
        %get3A_213 = tpu.vector_load %arg15[%get3A_211, %get3A_212] {strides = array<i32>} : memref<32x512xi32, #tpu.memory_space<vmem>>, vector<16xi32>,
        %bitcast3A_214 = vector.bitcast %get3A_213 : vector<16xi32> to vector<32xbf16>
        %get3A_215 = arith.index_cast %add3A_109 : i32 to index
        %get3A_216 = arith.constant 128 : index
        %get3A_217 = tpu.vector_load %arg13[%get3A_215, %get3A_216] {strides = array<i32>} : memref<32x512xi32, #tpu.memory_space<vmem>>, vector<16xi32>,
        %bitcast3A_218 = vector.bitcast %get3A_217 : vector<16xi32> to vector<32xbf16>
        %add3A_219 = arith.addf %bitcast3A_214, %bitcast3A_218 : vector<32xbf16>
        %bitcast3A_220 = vector.bitcast %add3A_219 : vector<32xbf16> to vector<16xi32>
        %swap3A_221 = arith.index_cast %add3A_109 : i32 to index
        %swap3A_222 = arith.constant 128 : index
        %swap3A_223 = tpu.vector_load %arg15[%swap3A_221, %swap3A_222] {strides = array<i32>} : memref<32x512xi32, #tpu.memory_space<vmem>>, vector<16xi32>,
        tpu.vector_store %arg15[%swap3A_221, %swap3A_222], %bitcast3A_220 {strides = array<i32>} : memref<32x512xi32, #tpu.memory_space<vmem>>, vector<16xi32>,
        %get3A_224 = arith.index_cast %add3A_109 : i32 to index
        %get3A_225 = arith.constant 144 : index
        %get3A_226 = tpu.vector_load %arg15[%get3A_224, %get3A_225] {strides = array<i32>} : memref<32x512xi32, #tpu.memory_space<vmem>>, vector<16xi32>,
        %bitcast3A_227 = vector.bitcast %get3A_226 : vector<16xi32> to vector<32xbf16>
        %get3A_228 = arith.index_cast %add3A_109 : i32 to index
        %get3A_229 = arith.constant 144 : index
        %get3A_230 = tpu.vector_load %arg13[%get3A_228, %get3A_229] {strides = array<i32>} : memref<32x512xi32, #tpu.memory_space<vmem>>, vector<16xi32>,
        %bitcast3A_231 = vector.bitcast %get3A_230 : vector<16xi32> to vector<32xbf16>
        %add3A_232 = arith.addf %bitcast3A_227, %bitcast3A_231 : vector<32xbf16>
        %bitcast3A_233 = vector.bitcast %add3A_232 : vector<32xbf16> to vector<16xi32>
        %swap3A_234 = arith.index_cast %add3A_109 : i32 to index
        %swap3A_235 = arith.constant 144 : index
        %swap3A_236 = tpu.vector_load %arg15[%swap3A_234, %swap3A_235] {strides = array<i32>} : memref<32x512xi32, #tpu.memory_space<vmem>>, vector<16xi32>,
        tpu.vector_store %arg15[%swap3A_234, %swap3A_235], %bitcast3A_233 {strides = array<i32>} : memref<32x512xi32, #tpu.memory_space<vmem>>, vector<16xi32>,
        %get3A_237 = arith.index_cast %add3A_109 : i32 to index
        %get3A_238 = arith.constant 160 : index
        %get3A_239 = tpu.vector_load %arg15[%get3A_237, %get3A_238] {strides = array<i32>} : memref<32x512xi32, #tpu.memory_space<vmem>>, vector<16xi32>,
        %bitcast3A_240 = vector.bitcast %get3A_239 : vector<16xi32> to vector<32xbf16>
        %get3A_241 = arith.index_cast %add3A_109 : i32 to index
        %get3A_242 = arith.constant 160 : index
        %get3A_243 = tpu.vector_load %arg13[%get3A_241, %get3A_242] {strides = array<i32>} : memref<32x512xi32, #tpu.memory_space<vmem>>, vector<16xi32>,
        %bitcast3A_244 = vector.bitcast %get3A_243 : vector<16xi32> to vector<32xbf16>
        %add3A_245 = arith.addf %bitcast3A_240, %bitcast3A_244 : vector<32xbf16>
        %bitcast3A_246 = vector.bitcast %add3A_245 : vector<32xbf16> to vector<16xi32>
        %swap3A_247 = arith.index_cast %add3A_109 : i32 to index
        %swap3A_248 = arith.constant 160 : index
        %swap3A_249 = tpu.vector_load %arg15[%swap3A_247, %swap3A_248] {strides = array<i32>} : memref<32x512xi32, #tpu.memory_space<vmem>>, vector<16xi32>,
        tpu.vector_store %arg15[%swap3A_247, %swap3A_248], %bitcast3A_246 {strides = array<i32>} : memref<32x512xi32, #tpu.memory_space<vmem>>, vector<16xi32>,
        %get3A_250 = arith.index_cast %add3A_109 : i32 to index
        %get3A_251 = arith.constant 176 : index
        %get3A_252 = tpu.vector_load %arg15[%get3A_250, %get3A_251] {strides = array<i32>} : memref<32x512xi32, #tpu.memory_space<vmem>>, vector<16xi32>,
        %bitcast3A_253 = vector.bitcast %get3A_252 : vector<16xi32> to vector<32xbf16>
        %get3A_254 = arith.index_cast %add3A_109 : i32 to index
        %get3A_255 = arith.constant 176 : index
        %get3A_256 = tpu.vector_load %arg13[%get3A_254, %get3A_255] {strides = array<i32>} : memref<32x512xi32, #tpu.memory_space<vmem>>, vector<16xi32>,
        %bitcast3A_257 = vector.bitcast %get3A_256 : vector<16xi32> to vector<32xbf16>
        %add3A_258 = arith.addf %bitcast3A_253, %bitcast3A_257 : vector<32xbf16>
        %bitcast3A_259 = vector.bitcast %add3A_258 : vector<32xbf16> to vector<16xi32>
        %swap3A_260 = arith.index_cast %add3A_109 : i32 to index
        %swap3A_261 = arith.constant 176 : index
        %swap3A_262 = tpu.vector_load %arg15[%swap3A_260, %swap3A_261] {strides = array<i32>} : memref<32x512xi32, #tpu.memory_space<vmem>>, vector<16xi32>,
        tpu.vector_store %arg15[%swap3A_260, %swap3A_261], %bitcast3A_259 {strides = array<i32>} : memref<32x512xi32, #tpu.memory_space<vmem>>, vector<16xi32>,
        %get3A_263 = arith.index_cast %add3A_109 : i32 to index
        %get3A_264 = arith.constant 192 : index
        %get3A_265 = tpu.vector_load %arg15[%get3A_263, %get3A_264] {strides = array<i32>} : memref<32x512xi32, #tpu.memory_space<vmem>>, vector<16xi32>,
        %bitcast3A_266 = vector.bitcast %get3A_265 : vector<16xi32> to vector<32xbf16>
        %get3A_267 = arith.index_cast %add3A_109 : i32 to index
        %get3A_268 = arith.constant 192 : index
        %get3A_269 = tpu.vector_load %arg13[%get3A_267, %get3A_268] {strides = array<i32>} : memref<32x512xi32, #tpu.memory_space<vmem>>, vector<16xi32>,
        %bitcast3A_270 = vector.bitcast %get3A_269 : vector<16xi32> to vector<32xbf16>
        %add3A_271 = arith.addf %bitcast3A_266, %bitcast3A_270 : vector<32xbf16>
        %bitcast3A_272 = vector.bitcast %add3A_271 : vector<32xbf16> to vector<16xi32>
        %swap3A_273 = arith.index_cast %add3A_109 : i32 to index
        %swap3A_274 = arith.constant 192 : index
        %swap3A_275 = tpu.vector_load %arg15[%swap3A_273, %swap3A_274] {strides = array<i32>} : memref<32x512xi32, #tpu.memory_space<vmem>>, vector<16xi32>,
        tpu.vector_store %arg15[%swap3A_273, %swap3A_274], %bitcast3A_272 {strides = array<i32>} : memref<32x512xi32, #tpu.memory_space<vmem>>, vector<16xi32>,
        %get3A_276 = arith.index_cast %add3A_109 : i32 to index
        %get3A_277 = arith.constant 208 : index
        %get3A_278 = tpu.vector_load %arg15[%get3A_276, %get3A_277] {strides = array<i32>} : memref<32x512xi32, #tpu.memory_space<vmem>>, vector<16xi32>,
        %bitcast3A_279 = vector.bitcast %get3A_278 : vector<16xi32> to vector<32xbf16>
        %get3A_280 = arith.index_cast %add3A_109 : i32 to index
        %get3A_281 = arith.constant 208 : index
        %get3A_282 = tpu.vector_load %arg13[%get3A_280, %get3A_281] {strides = array<i32>} : memref<32x512xi32, #tpu.memory_space<vmem>>, vector<16xi32>,
        %bitcast3A_283 = vector.bitcast %get3A_282 : vector<16xi32> to vector<32xbf16>
        %add3A_284 = arith.addf %bitcast3A_279, %bitcast3A_283 : vector<32xbf16>
        %bitcast3A_285 = vector.bitcast %add3A_284 : vector<32xbf16> to vector<16xi32>
        %swap3A_286 = arith.index_cast %add3A_109 : i32 to index
        %swap3A_287 = arith.constant 208 : index
        %swap3A_288 = tpu.vector_load %arg15[%swap3A_286, %swap3A_287] {strides = array<i32>} : memref<32x512xi32, #tpu.memory_space<vmem>>, vector<16xi32>,
        tpu.vector_store %arg15[%swap3A_286, %swap3A_287], %bitcast3A_285 {strides = array<i32>} : memref<32x512xi32, #tpu.memory_space<vmem>>, vector<16xi32>,
        %get3A_289 = arith.index_cast %add3A_109 : i32 to index
        %get3A_290 = arith.constant 224 : index
        %get3A_291 = tpu.vector_load %arg15[%get3A_289, %get3A_290] {strides = array<i32>} : memref<32x512xi32, #tpu.memory_space<vmem>>, vector<16xi32>,
        %bitcast3A_292 = vector.bitcast %get3A_291 : vector<16xi32> to vector<32xbf16>
        %get3A_293 = arith.index_cast %add3A_109 : i32 to index
        %get3A_294 = arith.constant 224 : index
        %get3A_295 = tpu.vector_load %arg13[%get3A_293, %get3A_294] {strides = array<i32>} : memref<32x512xi32, #tpu.memory_space<vmem>>, vector<16xi32>,
        %bitcast3A_296 = vector.bitcast %get3A_295 : vector<16xi32> to vector<32xbf16>
        %add3A_297 = arith.addf %bitcast3A_292, %bitcast3A_296 : vector<32xbf16>
        %bitcast3A_298 = vector.bitcast %add3A_297 : vector<32xbf16> to vector<16xi32>
        %swap3A_299 = arith.index_cast %add3A_109 : i32 to index
        %swap3A_300 = arith.constant 224 : index
        %swap3A_301 = tpu.vector_load %arg15[%swap3A_299, %swap3A_300] {strides = array<i32>} : memref<32x512xi32, #tpu.memory_space<vmem>>, vector<16xi32>,
        tpu.vector_store %arg15[%swap3A_299, %swap3A_300], %bitcast3A_298 {strides = array<i32>} : memref<32x512xi32, #tpu.memory_space<vmem>>, vector<16xi32>,
        %get3A_302 = arith.index_cast %add3A_109 : i32 to index
        %get3A_303 = arith.constant 240 : index
        %get3A_304 = tpu.vector_load %arg15[%get3A_302, %get3A_303] {strides = array<i32>} : memref<32x512xi32, #tpu.memory_space<vmem>>, vector<16xi32>,
        %bitcast3A_305 = vector.bitcast %get3A_304 : vector<16xi32> to vector<32xbf16>
        %get3A_306 = arith.index_cast %add3A_109 : i32 to index
        %get3A_307 = arith.constant 240 : index
        %get3A_308 = tpu.vector_load %arg13[%get3A_306, %get3A_307] {strides = array<i32>} : memref<32x512xi32, #tpu.memory_space<vmem>>, vector<16xi32>,
        %bitcast3A_309 = vector.bitcast %get3A_308 : vector<16xi32> to vector<32xbf16>
        %add3A_310 = arith.addf %bitcast3A_305, %bitcast3A_309 : vector<32xbf16>
        %bitcast3A_311 = vector.bitcast %add3A_310 : vector<32xbf16> to vector<16xi32>
        %swap3A_312 = arith.index_cast %add3A_109 : i32 to index
        %swap3A_313 = arith.constant 240 : index
        %swap3A_314 = tpu.vector_load %arg15[%swap3A_312, %swap3A_313] {strides = array<i32>} : memref<32x512xi32, #tpu.memory_space<vmem>>, vector<16xi32>,
        tpu.vector_store %arg15[%swap3A_312, %swap3A_313], %bitcast3A_311 {strides = array<i32>} : memref<32x512xi32, #tpu.memory_space<vmem>>, vector<16xi32>,
        %get3A_315 = arith.index_cast %add3A_109 : i32 to index
        %get3A_316 = arith.constant 256 : index
        %get3A_317 = tpu.vector_load %arg15[%get3A_315, %get3A_316] {strides = array<i32>} : memref<32x512xi32, #tpu.memory_space<vmem>>, vector<16xi32>,
        %bitcast3A_318 = vector.bitcast %get3A_317 : vector<16xi32> to vector<32xbf16>
        %get3A_319 = arith.index_cast %add3A_109 : i32 to index
        %get3A_320 = arith.constant 256 : index
        %get3A_321 = tpu.vector_load %arg13[%get3A_319, %get3A_320] {strides = array<i32>} : memref<32x512xi32, #tpu.memory_space<vmem>>, vector<16xi32>,
        %bitcast3A_322 = vector.bitcast %get3A_321 : vector<16xi32> to vector<32xbf16>
        %add3A_323 = arith.addf %bitcast3A_318, %bitcast3A_322 : vector<32xbf16>
        %bitcast3A_324 = vector.bitcast %add3A_323 : vector<32xbf16> to vector<16xi32>
        %swap3A_325 = arith.index_cast %add3A_109 : i32 to index
        %swap3A_326 = arith.constant 256 : index
        %swap3A_327 = tpu.vector_load %arg15[%swap3A_325, %swap3A_326] {strides = array<i32>} : memref<32x512xi32, #tpu.memory_space<vmem>>, vector<16xi32>,
        tpu.vector_store %arg15[%swap3A_325, %swap3A_326], %bitcast3A_324 {strides = array<i32>} : memref<32x512xi32, #tpu.memory_space<vmem>>, vector<16xi32>,
        %get3A_328 = arith.index_cast %add3A_109 : i32 to index
        %get3A_329 = arith.constant 272 : index
        %get3A_330 = tpu.vector_load %arg15[%get3A_328, %get3A_329] {strides = array<i32>} : memref<32x512xi32, #tpu.memory_space<vmem>>, vector<16xi32>,
        %bitcast3A_331 = vector.bitcast %get3A_330 : vector<16xi32> to vector<32xbf16>
        %get3A_332 = arith.index_cast %add3A_109 : i32 to index
        %get3A_333 = arith.constant 272 : index
        %get3A_334 = tpu.vector_load %arg13[%get3A_332, %get3A_333] {strides = array<i32>} : memref<32x512xi32, #tpu.memory_space<vmem>>, vector<16xi32>,
        %bitcast3A_335 = vector.bitcast %get3A_334 : vector<16xi32> to vector<32xbf16>
        %add3A_336 = arith.addf %bitcast3A_331, %bitcast3A_335 : vector<32xbf16>
        %bitcast3A_337 = vector.bitcast %add3A_336 : vector<32xbf16> to vector<16xi32>
        %swap3A_338 = arith.index_cast %add3A_109 : i32 to index
        %swap3A_339 = arith.constant 272 : index
        %swap3A_340 = tpu.vector_load %arg15[%swap3A_338, %swap3A_339] {strides = array<i32>} : memref<32x512xi32, #tpu.memory_space<vmem>>, vector<16xi32>,
        tpu.vector_store %arg15[%swap3A_338, %swap3A_339], %bitcast3A_337 {strides = array<i32>} : memref<32x512xi32, #tpu.memory_space<vmem>>, vector<16xi32>,
        %get3A_341 = arith.index_cast %add3A_109 : i32 to index
        %get3A_342 = arith.constant 288 : index
        %get3A_343 = tpu.vector_load %arg15[%get3A_341, %get3A_342] {strides = array<i32>} : memref<32x512xi32, #tpu.memory_space<vmem>>, vector<16xi32>,
        %bitcast3A_344 = vector.bitcast %get3A_343 : vector<16xi32> to vector<32xbf16>
        %get3A_345 = arith.index_cast %add3A_109 : i32 to index
        %get3A_346 = arith.constant 288 : index
        %get3A_347 = tpu.vector_load %arg13[%get3A_345, %get3A_346] {strides = array<i32>} : memref<32x512xi32, #tpu.memory_space<vmem>>, vector<16xi32>,
        %bitcast3A_348 = vector.bitcast %get3A_347 : vector<16xi32> to vector<32xbf16>
        %add3A_349 = arith.addf %bitcast3A_344, %bitcast3A_348 : vector<32xbf16>
        %bitcast3A_350 = vector.bitcast %add3A_349 : vector<32xbf16> to vector<16xi32>
        %swap3A_351 = arith.index_cast %add3A_109 : i32 to index
        %swap3A_352 = arith.constant 288 : index
        %swap3A_353 = tpu.vector_load %arg15[%swap3A_351, %swap3A_352] {strides = array<i32>} : memref<32x512xi32, #tpu.memory_space<vmem>>, vector<16xi32>,
        tpu.vector_store %arg15[%swap3A_351, %swap3A_352], %bitcast3A_350 {strides = array<i32>} : memref<32x512xi32, #tpu.memory_space<vmem>>, vector<16xi32>,
        %get3A_354 = arith.index_cast %add3A_109 : i32 to index
        %get3A_355 = arith.constant 304 : index
        %get3A_356 = tpu.vector_load %arg15[%get3A_354, %get3A_355] {strides = array<i32>} : memref<32x512xi32, #tpu.memory_space<vmem>>, vector<16xi32>,
        %bitcast3A_357 = vector.bitcast %get3A_356 : vector<16xi32> to vector<32xbf16>
        %get3A_358 = arith.index_cast %add3A_109 : i32 to index
        %get3A_359 = arith.constant 304 : index
        %get3A_360 = tpu.vector_load %arg13[%get3A_358, %get3A_359] {strides = array<i32>} : memref<32x512xi32, #tpu.memory_space<vmem>>, vector<16xi32>,
        %bitcast3A_361 = vector.bitcast %get3A_360 : vector<16xi32> to vector<32xbf16>
        %add3A_362 = arith.addf %bitcast3A_357, %bitcast3A_361 : vector<32xbf16>
        %bitcast3A_363 = vector.bitcast %add3A_362 : vector<32xbf16> to vector<16xi32>
        %swap3A_364 = arith.index_cast %add3A_109 : i32 to index
        %swap3A_365 = arith.constant 304 : index
        %swap3A_366 = tpu.vector_load %arg15[%swap3A_364, %swap3A_365] {strides = array<i32>} : memref<32x512xi32, #tpu.memory_space<vmem>>, vector<16xi32>,
        tpu.vector_store %arg15[%swap3A_364, %swap3A_365], %bitcast3A_363 {strides = array<i32>} : memref<32x512xi32, #tpu.memory_space<vmem>>, vector<16xi32>,
        %get3A_367 = arith.index_cast %add3A_109 : i32 to index
        %get3A_368 = arith.constant 320 : index
        %get3A_369 = tpu.vector_load %arg15[%get3A_367, %get3A_368] {strides = array<i32>} : memref<32x512xi32, #tpu.memory_space<vmem>>, vector<16xi32>,
        %bitcast3A_370 = vector.bitcast %get3A_369 : vector<16xi32> to vector<32xbf16>
        %get3A_371 = arith.index_cast %add3A_109 : i32 to index
        %get3A_372 = arith.constant 320 : index
        %get3A_373 = tpu.vector_load %arg13[%get3A_371, %get3A_372] {strides = array<i32>} : memref<32x512xi32, #tpu.memory_space<vmem>>, vector<16xi32>,
        %bitcast3A_374 = vector.bitcast %get3A_373 : vector<16xi32> to vector<32xbf16>
        %add3A_375 = arith.addf %bitcast3A_370, %bitcast3A_374 : vector<32xbf16>
        %bitcast3A_376 = vector.bitcast %add3A_375 : vector<32xbf16> to vector<16xi32>
        %swap3A_377 = arith.index_cast %add3A_109 : i32 to index
        %swap3A_378 = arith.constant 320 : index
        %swap3A_379 = tpu.vector_load %arg15[%swap3A_377, %swap3A_378] {strides = array<i32>} : memref<32x512xi32, #tpu.memory_space<vmem>>, vector<16xi32>,
        tpu.vector_store %arg15[%swap3A_377, %swap3A_378], %bitcast3A_376 {strides = array<i32>} : memref<32x512xi32, #tpu.memory_space<vmem>>, vector<16xi32>,
        %get3A_380 = arith.index_cast %add3A_109 : i32 to index
        %get3A_381 = arith.constant 336 : index
        %get3A_382 = tpu.vector_load %arg15[%get3A_380, %get3A_381] {strides = array<i32>} : memref<32x512xi32, #tpu.memory_space<vmem>>, vector<16xi32>,
        %bitcast3A_383 = vector.bitcast %get3A_382 : vector<16xi32> to vector<32xbf16>
        %get3A_384 = arith.index_cast %add3A_109 : i32 to index
        %get3A_385 = arith.constant 336 : index
        %get3A_386 = tpu.vector_load %arg13[%get3A_384, %get3A_385] {strides = array<i32>} : memref<32x512xi32, #tpu.memory_space<vmem>>, vector<16xi32>,
        %bitcast3A_387 = vector.bitcast %get3A_386 : vector<16xi32> to vector<32xbf16>
        %add3A_388 = arith.addf %bitcast3A_383, %bitcast3A_387 : vector<32xbf16>
        %bitcast3A_389 = vector.bitcast %add3A_388 : vector<32xbf16> to vector<16xi32>
        %swap3A_390 = arith.index_cast %add3A_109 : i32 to index
        %swap3A_391 = arith.constant 336 : index
        %swap3A_392 = tpu.vector_load %arg15[%swap3A_390, %swap3A_391] {strides = array<i32>} : memref<32x512xi32, #tpu.memory_space<vmem>>, vector<16xi32>,
        tpu.vector_store %arg15[%swap3A_390, %swap3A_391], %bitcast3A_389 {strides = array<i32>} : memref<32x512xi32, #tpu.memory_space<vmem>>, vector<16xi32>,
        %get3A_393 = arith.index_cast %add3A_109 : i32 to index
        %get3A_394 = arith.constant 352 : index
        %get3A_395 = tpu.vector_load %arg15[%get3A_393, %get3A_394] {strides = array<i32>} : memref<32x512xi32, #tpu.memory_space<vmem>>, vector<16xi32>,
        %bitcast3A_396 = vector.bitcast %get3A_395 : vector<16xi32> to vector<32xbf16>
        %get3A_397 = arith.index_cast %add3A_109 : i32 to index
        %get3A_398 = arith.constant 352 : index
        %get3A_399 = tpu.vector_load %arg13[%get3A_397, %get3A_398] {strides = array<i32>} : memref<32x512xi32, #tpu.memory_space<vmem>>, vector<16xi32>,
        %bitcast3A_400 = vector.bitcast %get3A_399 : vector<16xi32> to vector<32xbf16>
        %add3A_401 = arith.addf %bitcast3A_396, %bitcast3A_400 : vector<32xbf16>
        %bitcast3A_402 = vector.bitcast %add3A_401 : vector<32xbf16> to vector<16xi32>
        %swap3A_403 = arith.index_cast %add3A_109 : i32 to index
        %swap3A_404 = arith.constant 352 : index
        %swap3A_405 = tpu.vector_load %arg15[%swap3A_403, %swap3A_404] {strides = array<i32>} : memref<32x512xi32, #tpu.memory_space<vmem>>, vector<16xi32>,
        tpu.vector_store %arg15[%swap3A_403, %swap3A_404], %bitcast3A_402 {strides = array<i32>} : memref<32x512xi32, #tpu.memory_space<vmem>>, vector<16xi32>,
        %get3A_406 = arith.index_cast %add3A_109 : i32 to index
        %get3A_407 = arith.constant 368 : index
        %get3A_408 = tpu.vector_load %arg15[%get3A_406, %get3A_407] {strides = array<i32>} : memref<32x512xi32, #tpu.memory_space<vmem>>, vector<16xi32>,
        %bitcast3A_409 = vector.bitcast %get3A_408 : vector<16xi32> to vector<32xbf16>
        %get3A_410 = arith.index_cast %add3A_109 : i32 to index
        %get3A_411 = arith.constant 368 : index
        %get3A_412 = tpu.vector_load %arg13[%get3A_410, %get3A_411] {strides = array<i32>} : memref<32x512xi32, #tpu.memory_space<vmem>>, vector<16xi32>,
        %bitcast3A_413 = vector.bitcast %get3A_412 : vector<16xi32> to vector<32xbf16>
        %add3A_414 = arith.addf %bitcast3A_409, %bitcast3A_413 : vector<32xbf16>
        %bitcast3A_415 = vector.bitcast %add3A_414 : vector<32xbf16> to vector<16xi32>
        %swap3A_416 = arith.index_cast %add3A_109 : i32 to index
        %swap3A_417 = arith.constant 368 : index
        %swap3A_418 = tpu.vector_load %arg15[%swap3A_416, %swap3A_417] {strides = array<i32>} : memref<32x512xi32, #tpu.memory_space<vmem>>, vector<16xi32>,
        tpu.vector_store %arg15[%swap3A_416, %swap3A_417], %bitcast3A_415 {strides = array<i32>} : memref<32x512xi32, #tpu.memory_space<vmem>>, vector<16xi32>,
        %get3A_419 = arith.index_cast %add3A_109 : i32 to index
        %get3A_420 = arith.constant 384 : index
        %get3A_421 = tpu.vector_load %arg15[%get3A_419, %get3A_420] {strides = array<i32>} : memref<32x512xi32, #tpu.memory_space<vmem>>, vector<16xi32>,
        %bitcast3A_422 = vector.bitcast %get3A_421 : vector<16xi32> to vector<32xbf16>
        %get3A_423 = arith.index_cast %add3A_109 : i32 to index
        %get3A_424 = arith.constant 384 : index
        %get3A_425 = tpu.vector_load %arg13[%get3A_423, %get3A_424] {strides = array<i32>} : memref<32x512xi32, #tpu.memory_space<vmem>>, vector<16xi32>,
        %bitcast3A_426 = vector.bitcast %get3A_425 : vector<16xi32> to vector<32xbf16>
        %add3A_427 = arith.addf %bitcast3A_422, %bitcast3A_426 : vector<32xbf16>
        %bitcast3A_428 = vector.bitcast %add3A_427 : vector<32xbf16> to vector<16xi32>
        %swap3A_429 = arith.index_cast %add3A_109 : i32 to index
        %swap3A_430 = arith.constant 384 : index
        %swap3A_431 = tpu.vector_load %arg15[%swap3A_429, %swap3A_430] {strides = array<i32>} : memref<32x512xi32, #tpu.memory_space<vmem>>, vector<16xi32>,
        tpu.vector_store %arg15[%swap3A_429, %swap3A_430], %bitcast3A_428 {strides = array<i32>} : memref<32x512xi32, #tpu.memory_space<vmem>>, vector<16xi32>,
        %get3A_432 = arith.index_cast %add3A_109 : i32 to index
        %get3A_433 = arith.constant 400 : index
        %get3A_434 = tpu.vector_load %arg15[%get3A_432, %get3A_433] {strides = array<i32>} : memref<32x512xi32, #tpu.memory_space<vmem>>, vector<16xi32>,
        %bitcast3A_435 = vector.bitcast %get3A_434 : vector<16xi32> to vector<32xbf16>
        %get3A_436 = arith.index_cast %add3A_109 : i32 to index
        %get3A_437 = arith.constant 400 : index
        %get3A_438 = tpu.vector_load %arg13[%get3A_436, %get3A_437] {strides = array<i32>} : memref<32x512xi32, #tpu.memory_space<vmem>>, vector<16xi32>,
        %bitcast3A_439 = vector.bitcast %get3A_438 : vector<16xi32> to vector<32xbf16>
        %add3A_440 = arith.addf %bitcast3A_435, %bitcast3A_439 : vector<32xbf16>
        %bitcast3A_441 = vector.bitcast %add3A_440 : vector<32xbf16> to vector<16xi32>
        %swap3A_442 = arith.index_cast %add3A_109 : i32 to index
        %swap3A_443 = arith.constant 400 : index
        %swap3A_444 = tpu.vector_load %arg15[%swap3A_442, %swap3A_443] {strides = array<i32>} : memref<32x512xi32, #tpu.memory_space<vmem>>, vector<16xi32>,
        tpu.vector_store %arg15[%swap3A_442, %swap3A_443], %bitcast3A_441 {strides = array<i32>} : memref<32x512xi32, #tpu.memory_space<vmem>>, vector<16xi32>,
        %get3A_445 = arith.index_cast %add3A_109 : i32 to index
        %get3A_446 = arith.constant 416 : index
        %get3A_447 = tpu.vector_load %arg15[%get3A_445, %get3A_446] {strides = array<i32>} : memref<32x512xi32, #tpu.memory_space<vmem>>, vector<16xi32>,
        %bitcast3A_448 = vector.bitcast %get3A_447 : vector<16xi32> to vector<32xbf16>
        %get3A_449 = arith.index_cast %add3A_109 : i32 to index
        %get3A_450 = arith.constant 416 : index
        %get3A_451 = tpu.vector_load %arg13[%get3A_449, %get3A_450] {strides = array<i32>} : memref<32x512xi32, #tpu.memory_space<vmem>>, vector<16xi32>,
        %bitcast3A_452 = vector.bitcast %get3A_451 : vector<16xi32> to vector<32xbf16>
        %add3A_453 = arith.addf %bitcast3A_448, %bitcast3A_452 : vector<32xbf16>
        %bitcast3A_454 = vector.bitcast %add3A_453 : vector<32xbf16> to vector<16xi32>
        %swap3A_455 = arith.index_cast %add3A_109 : i32 to index
        %swap3A_456 = arith.constant 416 : index
        %swap3A_457 = tpu.vector_load %arg15[%swap3A_455, %swap3A_456] {strides = array<i32>} : memref<32x512xi32, #tpu.memory_space<vmem>>, vector<16xi32>,
        tpu.vector_store %arg15[%swap3A_455, %swap3A_456], %bitcast3A_454 {strides = array<i32>} : memref<32x512xi32, #tpu.memory_space<vmem>>, vector<16xi32>,
        %get3A_458 = arith.index_cast %add3A_109 : i32 to index
        %get3A_459 = arith.constant 432 : index
        %get3A_460 = tpu.vector_load %arg15[%get3A_458, %get3A_459] {strides = array<i32>} : memref<32x512xi32, #tpu.memory_space<vmem>>, vector<16xi32>,
        %bitcast3A_461 = vector.bitcast %get3A_460 : vector<16xi32> to vector<32xbf16>
        %get3A_462 = arith.index_cast %add3A_109 : i32 to index
        %get3A_463 = arith.constant 432 : index
        %get3A_464 = tpu.vector_load %arg13[%get3A_462, %get3A_463] {strides = array<i32>} : memref<32x512xi32, #tpu.memory_space<vmem>>, vector<16xi32>,
        %bitcast3A_465 = vector.bitcast %get3A_464 : vector<16xi32> to vector<32xbf16>
        %add3A_466 = arith.addf %bitcast3A_461, %bitcast3A_465 : vector<32xbf16>
        %bitcast3A_467 = vector.bitcast %add3A_466 : vector<32xbf16> to vector<16xi32>
        %swap3A_468 = arith.index_cast %add3A_109 : i32 to index
        %swap3A_469 = arith.constant 432 : index
        %swap3A_470 = tpu.vector_load %arg15[%swap3A_468, %swap3A_469] {strides = array<i32>} : memref<32x512xi32, #tpu.memory_space<vmem>>, vector<16xi32>,
        tpu.vector_store %arg15[%swap3A_468, %swap3A_469], %bitcast3A_467 {strides = array<i32>} : memref<32x512xi32, #tpu.memory_space<vmem>>, vector<16xi32>,
        %get3A_471 = arith.index_cast %add3A_109 : i32 to index
        %get3A_472 = arith.constant 448 : index
        %get3A_473 = tpu.vector_load %arg15[%get3A_471, %get3A_472] {strides = array<i32>} : memref<32x512xi32, #tpu.memory_space<vmem>>, vector<16xi32>,
        %bitcast3A_474 = vector.bitcast %get3A_473 : vector<16xi32> to vector<32xbf16>
        %get3A_475 = arith.index_cast %add3A_109 : i32 to index
        %get3A_476 = arith.constant 448 : index
        %get3A_477 = tpu.vector_load %arg13[%get3A_475, %get3A_476] {strides = array<i32>} : memref<32x512xi32, #tpu.memory_space<vmem>>, vector<16xi32>,
        %bitcast3A_478 = vector.bitcast %get3A_477 : vector<16xi32> to vector<32xbf16>
        %add3A_479 = arith.addf %bitcast3A_474, %bitcast3A_478 : vector<32xbf16>
        %bitcast3A_480 = vector.bitcast %add3A_479 : vector<32xbf16> to vector<16xi32>
        %swap3A_481 = arith.index_cast %add3A_109 : i32 to index
        %swap3A_482 = arith.constant 448 : index
        %swap3A_483 = tpu.vector_load %arg15[%swap3A_481, %swap3A_482] {strides = array<i32>} : memref<32x512xi32, #tpu.memory_space<vmem>>, vector<16xi32>,
        tpu.vector_store %arg15[%swap3A_481, %swap3A_482], %bitcast3A_480 {strides = array<i32>} : memref<32x512xi32, #tpu.memory_space<vmem>>, vector<16xi32>,
        %get3A_484 = arith.index_cast %add3A_109 : i32 to index
        %get3A_485 = arith.constant 464 : index
        %get3A_486 = tpu.vector_load %arg15[%get3A_484, %get3A_485] {strides = array<i32>} : memref<32x512xi32, #tpu.memory_space<vmem>>, vector<16xi32>,
        %bitcast3A_487 = vector.bitcast %get3A_486 : vector<16xi32> to vector<32xbf16>
        %get3A_488 = arith.index_cast %add3A_109 : i32 to index
        %get3A_489 = arith.constant 464 : index
        %get3A_490 = tpu.vector_load %arg13[%get3A_488, %get3A_489] {strides = array<i32>} : memref<32x512xi32, #tpu.memory_space<vmem>>, vector<16xi32>,
        %bitcast3A_491 = vector.bitcast %get3A_490 : vector<16xi32> to vector<32xbf16>
        %add3A_492 = arith.addf %bitcast3A_487, %bitcast3A_491 : vector<32xbf16>
        %bitcast3A_493 = vector.bitcast %add3A_492 : vector<32xbf16> to vector<16xi32>
        %swap3A_494 = arith.index_cast %add3A_109 : i32 to index
        %swap3A_495 = arith.constant 464 : index
        %swap3A_496 = tpu.vector_load %arg15[%swap3A_494, %swap3A_495] {strides = array<i32>} : memref<32x512xi32, #tpu.memory_space<vmem>>, vector<16xi32>,
        tpu.vector_store %arg15[%swap3A_494, %swap3A_495], %bitcast3A_493 {strides = array<i32>} : memref<32x512xi32, #tpu.memory_space<vmem>>, vector<16xi32>,
        %get3A_497 = arith.index_cast %add3A_109 : i32 to index
        %get3A_498 = arith.constant 480 : index
        %get3A_499 = tpu.vector_load %arg15[%get3A_497, %get3A_498] {strides = array<i32>} : memref<32x512xi32, #tpu.memory_space<vmem>>, vector<16xi32>,
        %bitcast3A_500 = vector.bitcast %get3A_499 : vector<16xi32> to vector<32xbf16>
        %get3A_501 = arith.index_cast %add3A_109 : i32 to index
        %get3A_502 = arith.constant 480 : index
        %get3A_503 = tpu.vector_load %arg13[%get3A_501, %get3A_502] {strides = array<i32>} : memref<32x512xi32, #tpu.memory_space<vmem>>, vector<16xi32>,
        %bitcast3A_504 = vector.bitcast %get3A_503 : vector<16xi32> to vector<32xbf16>
        %add3A_505 = arith.addf %bitcast3A_500, %bitcast3A_504 : vector<32xbf16>
        %bitcast3A_506 = vector.bitcast %add3A_505 : vector<32xbf16> to vector<16xi32>
        %swap3A_507 = arith.index_cast %add3A_109 : i32 to index
        %swap3A_508 = arith.constant 480 : index
        %swap3A_509 = tpu.vector_load %arg15[%swap3A_507, %swap3A_508] {strides = array<i32>} : memref<32x512xi32, #tpu.memory_space<vmem>>, vector<16xi32>,
        tpu.vector_store %arg15[%swap3A_507, %swap3A_508], %bitcast3A_506 {strides = array<i32>} : memref<32x512xi32, #tpu.memory_space<vmem>>, vector<16xi32>,
        %get3A_510 = arith.index_cast %add3A_109 : i32 to index
        %get3A_511 = arith.constant 496 : index
        %get3A_512 = tpu.vector_load %arg15[%get3A_510, %get3A_511] {strides = array<i32>} : memref<32x512xi32, #tpu.memory_space<vmem>>, vector<16xi32>,
        %bitcast3A_513 = vector.bitcast %get3A_512 : vector<16xi32> to vector<32xbf16>
        %get3A_514 = arith.index_cast %add3A_109 : i32 to index
        %get3A_515 = arith.constant 496 : index
        %get3A_516 = tpu.vector_load %arg13[%get3A_514, %get3A_515] {strides = array<i32>} : memref<32x512xi32, #tpu.memory_space<vmem>>, vector<16xi32>,
        %bitcast3A_517 = vector.bitcast %get3A_516 : vector<16xi32> to vector<32xbf16>
        %add3A_518 = arith.addf %bitcast3A_513, %bitcast3A_517 : vector<32xbf16>
        %bitcast3A_519 = vector.bitcast %add3A_518 : vector<32xbf16> to vector<16xi32>
        %swap3A_520 = arith.index_cast %add3A_109 : i32 to index
        %swap3A_521 = arith.constant 496 : index
        %swap3A_522 = tpu.vector_load %arg15[%swap3A_520, %swap3A_521] {strides = array<i32>} : memref<32x512xi32, #tpu.memory_space<vmem>>, vector<16xi32>,
        tpu.vector_store %arg15[%swap3A_520, %swap3A_521], %bitcast3A_519 {strides = array<i32>} : memref<32x512xi32, #tpu.memory_space<vmem>>, vector<16xi32>,
      }
      %scan3A_83 = arith.constant 32 : i32
      %add3A_84 = arith.constant 2 : i32
      %add3A_85 = arith.addi %add3A_74, %add3A_84 : i32
      %lt3A = arith.constant 42 : i32
      %lt3A_86 = arith.cmpi slt, %add3A_85, %lt3A : i32
      %convert_element_type3A = arith.extui %lt3A_86 : i1 to i32
      %cond3A = arith.constant 0 : i32
      %cond3A_87 = arith.cmpi ne, %convert_element_type3A, %cond3A : i32
      scf.if %cond3A_87 {
        %add3A_105 = arith.constant 2 : i32
        %add3A_106 = arith.addi %add3A_74, %add3A_105 : i32
        %mul3A_107 = arith.constant 32 : i32
        %mul3A_108 = arith.muli %add3A_106, %mul3A_107 : i32
        %dma_start3A_109 = tpu.memref_slice %arg10[%mul3A_108] : memref<1600xi32, #tpu.memory_space<vmem>> -> memref<32xi32, #tpu.memory_space<vmem>>
        %dma_start3A_110 = arith.constant 0 : i32
        %dma_start3A_111 = arith.constant 0 : i32
        %dma_start3A_112 = tpu.memref_slice %arg3[%dma_start3A_110, %dma_start3A_111] : memref<16384x512xi32, #tpu.memory_space<hbm>> -> memref<16384x512xi32, #tpu.memory_space<hbm>>
        tpu.enqueue_indirect_dma source(%dma_start3A_112 : memref<16384x512xi32, #tpu.memory_space<hbm>>) target(%arg13 : memref<32x512xi32, #tpu.memory_space<vmem>>) offsets(%dma_start3A_109 : memref<32xi32, #tpu.memory_space<vmem>>) semaphore(%arg16 : memref<!tpu.dma_semaphore, #tpu.memory_space<semaphore_mem>>)
      } else {
      }
      %dma_wait3A_88 = arith.constant 0 : i32
      %dma_wait3A_89 = tpu.memref_slice %arg10[%dma_wait3A_88] : memref<1600xi32, #tpu.memory_space<vmem>> -> memref<32xi32, #tpu.memory_space<vmem>>
      %dma_wait3A_90 = arith.constant 0 : i32
      %dma_wait3A_91 = arith.constant 0 : i32
      %dma_wait3A_92 = tpu.memref_slice %arg3[%dma_wait3A_90, %dma_wait3A_91] : memref<16384x512xi32, #tpu.memory_space<hbm>> -> memref<16384x512xi32, #tpu.memory_space<hbm>>
      tpu.wait_indirect_dma semaphore(%arg17 : memref<!tpu.dma_semaphore, #tpu.memory_space<semaphore_mem>>) src(%dma_wait3A_92 : memref<16384x512xi32, #tpu.memory_space<hbm>>) dst(%arg14 : memref<32x512xi32, #tpu.memory_space<vmem>>)
      %scan3A_93 = arith.constant 0 : i32
      %scan3A_94 = arith.constant 32 : i32
      %scan3A_95 = arith.addi %scan3A_93, %scan3A_94 : i32
      %scan3A_96 = arith.constant 1 : i32
      scf.for %scan3A_105 = %scan3A_93 to %scan3A_95 step %scan3A_96  : i32 {
        %mul3A_106 = arith.constant 1 : i32
        %mul3A_107 = arith.muli %scan3A_105, %mul3A_106 : i32
        %add3A_108 = arith.constant 0 : i32
        %add3A_109 = arith.addi %add3A_108, %mul3A_107 : i32
        %get3A = arith.index_cast %add3A_109 : i32 to index
        %get3A_110 = arith.constant 0 : index
        %get3A_111 = tpu.vector_load %arg15[%get3A, %get3A_110] {strides = array<i32>} : memref<32x512xi32, #tpu.memory_space<vmem>>, vector<16xi32>,
        %bitcast3A = vector.bitcast %get3A_111 : vector<16xi32> to vector<32xbf16>
        %get3A_112 = arith.index_cast %add3A_109 : i32 to index
        %get3A_113 = arith.constant 0 : index
        %get3A_114 = tpu.vector_load %arg14[%get3A_112, %get3A_113] {strides = array<i32>} : memref<32x512xi32, #tpu.memory_space<vmem>>, vector<16xi32>,
        %bitcast3A_115 = vector.bitcast %get3A_114 : vector<16xi32> to vector<32xbf16>
        %add3A_116 = arith.addf %bitcast3A, %bitcast3A_115 : vector<32xbf16>
        %bitcast3A_117 = vector.bitcast %add3A_116 : vector<32xbf16> to vector<16xi32>
        %swap3A = arith.index_cast %add3A_109 : i32 to index
        %swap3A_118 = arith.constant 0 : index
        %swap3A_119 = tpu.vector_load %arg15[%swap3A, %swap3A_118] {strides = array<i32>} : memref<32x512xi32, #tpu.memory_space<vmem>>, vector<16xi32>,
        tpu.vector_store %arg15[%swap3A, %swap3A_118], %bitcast3A_117 {strides = array<i32>} : memref<32x512xi32, #tpu.memory_space<vmem>>, vector<16xi32>,
        %get3A_120 = arith.index_cast %add3A_109 : i32 to index
        %get3A_121 = arith.constant 16 : index
        %get3A_122 = tpu.vector_load %arg15[%get3A_120, %get3A_121] {strides = array<i32>} : memref<32x512xi32, #tpu.memory_space<vmem>>, vector<16xi32>,
        %bitcast3A_123 = vector.bitcast %get3A_122 : vector<16xi32> to vector<32xbf16>
        %get3A_124 = arith.index_cast %add3A_109 : i32 to index
        %get3A_125 = arith.constant 16 : index
        %get3A_126 = tpu.vector_load %arg14[%get3A_124, %get3A_125] {strides = array<i32>} : memref<32x512xi32, #tpu.memory_space<vmem>>, vector<16xi32>,
        %bitcast3A_127 = vector.bitcast %get3A_126 : vector<16xi32> to vector<32xbf16>
        %add3A_128 = arith.addf %bitcast3A_123, %bitcast3A_127 : vector<32xbf16>
        %bitcast3A_129 = vector.bitcast %add3A_128 : vector<32xbf16> to vector<16xi32>
        %swap3A_130 = arith.index_cast %add3A_109 : i32 to index
        %swap3A_131 = arith.constant 16 : index
        %swap3A_132 = tpu.vector_load %arg15[%swap3A_130, %swap3A_131] {strides = array<i32>} : memref<32x512xi32, #tpu.memory_space<vmem>>, vector<16xi32>,
        tpu.vector_store %arg15[%swap3A_130, %swap3A_131], %bitcast3A_129 {strides = array<i32>} : memref<32x512xi32, #tpu.memory_space<vmem>>, vector<16xi32>,
        %get3A_133 = arith.index_cast %add3A_109 : i32 to index
        %get3A_134 = arith.constant 32 : index
        %get3A_135 = tpu.vector_load %arg15[%get3A_133, %get3A_134] {strides = array<i32>} : memref<32x512xi32, #tpu.memory_space<vmem>>, vector<16xi32>,
        %bitcast3A_136 = vector.bitcast %get3A_135 : vector<16xi32> to vector<32xbf16>
        %get3A_137 = arith.index_cast %add3A_109 : i32 to index
        %get3A_138 = arith.constant 32 : index
        %get3A_139 = tpu.vector_load %arg14[%get3A_137, %get3A_138] {strides = array<i32>} : memref<32x512xi32, #tpu.memory_space<vmem>>, vector<16xi32>,
        %bitcast3A_140 = vector.bitcast %get3A_139 : vector<16xi32> to vector<32xbf16>
        %add3A_141 = arith.addf %bitcast3A_136, %bitcast3A_140 : vector<32xbf16>
        %bitcast3A_142 = vector.bitcast %add3A_141 : vector<32xbf16> to vector<16xi32>
        %swap3A_143 = arith.index_cast %add3A_109 : i32 to index
        %swap3A_144 = arith.constant 32 : index
        %swap3A_145 = tpu.vector_load %arg15[%swap3A_143, %swap3A_144] {strides = array<i32>} : memref<32x512xi32, #tpu.memory_space<vmem>>, vector<16xi32>,
        tpu.vector_store %arg15[%swap3A_143, %swap3A_144], %bitcast3A_142 {strides = array<i32>} : memref<32x512xi32, #tpu.memory_space<vmem>>, vector<16xi32>,
        %get3A_146 = arith.index_cast %add3A_109 : i32 to index
        %get3A_147 = arith.constant 48 : index
        %get3A_148 = tpu.vector_load %arg15[%get3A_146, %get3A_147] {strides = array<i32>} : memref<32x512xi32, #tpu.memory_space<vmem>>, vector<16xi32>,
        %bitcast3A_149 = vector.bitcast %get3A_148 : vector<16xi32> to vector<32xbf16>
        %get3A_150 = arith.index_cast %add3A_109 : i32 to index
        %get3A_151 = arith.constant 48 : index
        %get3A_152 = tpu.vector_load %arg14[%get3A_150, %get3A_151] {strides = array<i32>} : memref<32x512xi32, #tpu.memory_space<vmem>>, vector<16xi32>,
        %bitcast3A_153 = vector.bitcast %get3A_152 : vector<16xi32> to vector<32xbf16>
        %add3A_154 = arith.addf %bitcast3A_149, %bitcast3A_153 : vector<32xbf16>
        %bitcast3A_155 = vector.bitcast %add3A_154 : vector<32xbf16> to vector<16xi32>
        %swap3A_156 = arith.index_cast %add3A_109 : i32 to index
        %swap3A_157 = arith.constant 48 : index
        %swap3A_158 = tpu.vector_load %arg15[%swap3A_156, %swap3A_157] {strides = array<i32>} : memref<32x512xi32, #tpu.memory_space<vmem>>, vector<16xi32>,
        tpu.vector_store %arg15[%swap3A_156, %swap3A_157], %bitcast3A_155 {strides = array<i32>} : memref<32x512xi32, #tpu.memory_space<vmem>>, vector<16xi32>,
        %get3A_159 = arith.index_cast %add3A_109 : i32 to index
        %get3A_160 = arith.constant 64 : index
        %get3A_161 = tpu.vector_load %arg15[%get3A_159, %get3A_160] {strides = array<i32>} : memref<32x512xi32, #tpu.memory_space<vmem>>, vector<16xi32>,
        %bitcast3A_162 = vector.bitcast %get3A_161 : vector<16xi32> to vector<32xbf16>
        %get3A_163 = arith.index_cast %add3A_109 : i32 to index
        %get3A_164 = arith.constant 64 : index
        %get3A_165 = tpu.vector_load %arg14[%get3A_163, %get3A_164] {strides = array<i32>} : memref<32x512xi32, #tpu.memory_space<vmem>>, vector<16xi32>,
        %bitcast3A_166 = vector.bitcast %get3A_165 : vector<16xi32> to vector<32xbf16>
        %add3A_167 = arith.addf %bitcast3A_162, %bitcast3A_166 : vector<32xbf16>
        %bitcast3A_168 = vector.bitcast %add3A_167 : vector<32xbf16> to vector<16xi32>
        %swap3A_169 = arith.index_cast %add3A_109 : i32 to index
        %swap3A_170 = arith.constant 64 : index
        %swap3A_171 = tpu.vector_load %arg15[%swap3A_169, %swap3A_170] {strides = array<i32>} : memref<32x512xi32, #tpu.memory_space<vmem>>, vector<16xi32>,
        tpu.vector_store %arg15[%swap3A_169, %swap3A_170], %bitcast3A_168 {strides = array<i32>} : memref<32x512xi32, #tpu.memory_space<vmem>>, vector<16xi32>,
        %get3A_172 = arith.index_cast %add3A_109 : i32 to index
        %get3A_173 = arith.constant 80 : index
        %get3A_174 = tpu.vector_load %arg15[%get3A_172, %get3A_173] {strides = array<i32>} : memref<32x512xi32, #tpu.memory_space<vmem>>, vector<16xi32>,
        %bitcast3A_175 = vector.bitcast %get3A_174 : vector<16xi32> to vector<32xbf16>
        %get3A_176 = arith.index_cast %add3A_109 : i32 to index
        %get3A_177 = arith.constant 80 : index
        %get3A_178 = tpu.vector_load %arg14[%get3A_176, %get3A_177] {strides = array<i32>} : memref<32x512xi32, #tpu.memory_space<vmem>>, vector<16xi32>,
        %bitcast3A_179 = vector.bitcast %get3A_178 : vector<16xi32> to vector<32xbf16>
        %add3A_180 = arith.addf %bitcast3A_175, %bitcast3A_179 : vector<32xbf16>
        %bitcast3A_181 = vector.bitcast %add3A_180 : vector<32xbf16> to vector<16xi32>
        %swap3A_182 = arith.index_cast %add3A_109 : i32 to index
        %swap3A_183 = arith.constant 80 : index
        %swap3A_184 = tpu.vector_load %arg15[%swap3A_182, %swap3A_183] {strides = array<i32>} : memref<32x512xi32, #tpu.memory_space<vmem>>, vector<16xi32>,
        tpu.vector_store %arg15[%swap3A_182, %swap3A_183], %bitcast3A_181 {strides = array<i32>} : memref<32x512xi32, #tpu.memory_space<vmem>>, vector<16xi32>,
        %get3A_185 = arith.index_cast %add3A_109 : i32 to index
        %get3A_186 = arith.constant 96 : index
        %get3A_187 = tpu.vector_load %arg15[%get3A_185, %get3A_186] {strides = array<i32>} : memref<32x512xi32, #tpu.memory_space<vmem>>, vector<16xi32>,
        %bitcast3A_188 = vector.bitcast %get3A_187 : vector<16xi32> to vector<32xbf16>
        %get3A_189 = arith.index_cast %add3A_109 : i32 to index
        %get3A_190 = arith.constant 96 : index
        %get3A_191 = tpu.vector_load %arg14[%get3A_189, %get3A_190] {strides = array<i32>} : memref<32x512xi32, #tpu.memory_space<vmem>>, vector<16xi32>,
        %bitcast3A_192 = vector.bitcast %get3A_191 : vector<16xi32> to vector<32xbf16>
        %add3A_193 = arith.addf %bitcast3A_188, %bitcast3A_192 : vector<32xbf16>
        %bitcast3A_194 = vector.bitcast %add3A_193 : vector<32xbf16> to vector<16xi32>
        %swap3A_195 = arith.index_cast %add3A_109 : i32 to index
        %swap3A_196 = arith.constant 96 : index
        %swap3A_197 = tpu.vector_load %arg15[%swap3A_195, %swap3A_196] {strides = array<i32>} : memref<32x512xi32, #tpu.memory_space<vmem>>, vector<16xi32>,
        tpu.vector_store %arg15[%swap3A_195, %swap3A_196], %bitcast3A_194 {strides = array<i32>} : memref<32x512xi32, #tpu.memory_space<vmem>>, vector<16xi32>,
        %get3A_198 = arith.index_cast %add3A_109 : i32 to index
        %get3A_199 = arith.constant 112 : index
        %get3A_200 = tpu.vector_load %arg15[%get3A_198, %get3A_199] {strides = array<i32>} : memref<32x512xi32, #tpu.memory_space<vmem>>, vector<16xi32>,
        %bitcast3A_201 = vector.bitcast %get3A_200 : vector<16xi32> to vector<32xbf16>
        %get3A_202 = arith.index_cast %add3A_109 : i32 to index
        %get3A_203 = arith.constant 112 : index
        %get3A_204 = tpu.vector_load %arg14[%get3A_202, %get3A_203] {strides = array<i32>} : memref<32x512xi32, #tpu.memory_space<vmem>>, vector<16xi32>,
        %bitcast3A_205 = vector.bitcast %get3A_204 : vector<16xi32> to vector<32xbf16>
        %add3A_206 = arith.addf %bitcast3A_201, %bitcast3A_205 : vector<32xbf16>
        %bitcast3A_207 = vector.bitcast %add3A_206 : vector<32xbf16> to vector<16xi32>
        %swap3A_208 = arith.index_cast %add3A_109 : i32 to index
        %swap3A_209 = arith.constant 112 : index
        %swap3A_210 = tpu.vector_load %arg15[%swap3A_208, %swap3A_209] {strides = array<i32>} : memref<32x512xi32, #tpu.memory_space<vmem>>, vector<16xi32>,
        tpu.vector_store %arg15[%swap3A_208, %swap3A_209], %bitcast3A_207 {strides = array<i32>} : memref<32x512xi32, #tpu.memory_space<vmem>>, vector<16xi32>,
        %get3A_211 = arith.index_cast %add3A_109 : i32 to index
        %get3A_212 = arith.constant 128 : index
        %get3A_213 = tpu.vector_load %arg15[%get3A_211, %get3A_212] {strides = array<i32>} : memref<32x512xi32, #tpu.memory_space<vmem>>, vector<16xi32>,
        %bitcast3A_214 = vector.bitcast %get3A_213 : vector<16xi32> to vector<32xbf16>
        %get3A_215 = arith.index_cast %add3A_109 : i32 to index
        %get3A_216 = arith.constant 128 : index
        %get3A_217 = tpu.vector_load %arg14[%get3A_215, %get3A_216] {strides = array<i32>} : memref<32x512xi32, #tpu.memory_space<vmem>>, vector<16xi32>,
        %bitcast3A_218 = vector.bitcast %get3A_217 : vector<16xi32> to vector<32xbf16>
        %add3A_219 = arith.addf %bitcast3A_214, %bitcast3A_218 : vector<32xbf16>
        %bitcast3A_220 = vector.bitcast %add3A_219 : vector<32xbf16> to vector<16xi32>
        %swap3A_221 = arith.index_cast %add3A_109 : i32 to index
        %swap3A_222 = arith.constant 128 : index
        %swap3A_223 = tpu.vector_load %arg15[%swap3A_221, %swap3A_222] {strides = array<i32>} : memref<32x512xi32, #tpu.memory_space<vmem>>, vector<16xi32>,
        tpu.vector_store %arg15[%swap3A_221, %swap3A_222], %bitcast3A_220 {strides = array<i32>} : memref<32x512xi32, #tpu.memory_space<vmem>>, vector<16xi32>,
        %get3A_224 = arith.index_cast %add3A_109 : i32 to index
        %get3A_225 = arith.constant 144 : index
        %get3A_226 = tpu.vector_load %arg15[%get3A_224, %get3A_225] {strides = array<i32>} : memref<32x512xi32, #tpu.memory_space<vmem>>, vector<16xi32>,
        %bitcast3A_227 = vector.bitcast %get3A_226 : vector<16xi32> to vector<32xbf16>
        %get3A_228 = arith.index_cast %add3A_109 : i32 to index
        %get3A_229 = arith.constant 144 : index
        %get3A_230 = tpu.vector_load %arg14[%get3A_228, %get3A_229] {strides = array<i32>} : memref<32x512xi32, #tpu.memory_space<vmem>>, vector<16xi32>,
        %bitcast3A_231 = vector.bitcast %get3A_230 : vector<16xi32> to vector<32xbf16>
        %add3A_232 = arith.addf %bitcast3A_227, %bitcast3A_231 : vector<32xbf16>
        %bitcast3A_233 = vector.bitcast %add3A_232 : vector<32xbf16> to vector<16xi32>
        %swap3A_234 = arith.index_cast %add3A_109 : i32 to index
        %swap3A_235 = arith.constant 144 : index
        %swap3A_236 = tpu.vector_load %arg15[%swap3A_234, %swap3A_235] {strides = array<i32>} : memref<32x512xi32, #tpu.memory_space<vmem>>, vector<16xi32>,
        tpu.vector_store %arg15[%swap3A_234, %swap3A_235], %bitcast3A_233 {strides = array<i32>} : memref<32x512xi32, #tpu.memory_space<vmem>>, vector<16xi32>,
        %get3A_237 = arith.index_cast %add3A_109 : i32 to index
        %get3A_238 = arith.constant 160 : index
        %get3A_239 = tpu.vector_load %arg15[%get3A_237, %get3A_238] {strides = array<i32>} : memref<32x512xi32, #tpu.memory_space<vmem>>, vector<16xi32>,
        %bitcast3A_240 = vector.bitcast %get3A_239 : vector<16xi32> to vector<32xbf16>
        %get3A_241 = arith.index_cast %add3A_109 : i32 to index
        %get3A_242 = arith.constant 160 : index
        %get3A_243 = tpu.vector_load %arg14[%get3A_241, %get3A_242] {strides = array<i32>} : memref<32x512xi32, #tpu.memory_space<vmem>>, vector<16xi32>,
        %bitcast3A_244 = vector.bitcast %get3A_243 : vector<16xi32> to vector<32xbf16>
        %add3A_245 = arith.addf %bitcast3A_240, %bitcast3A_244 : vector<32xbf16>
        %bitcast3A_246 = vector.bitcast %add3A_245 : vector<32xbf16> to vector<16xi32>
        %swap3A_247 = arith.index_cast %add3A_109 : i32 to index
        %swap3A_248 = arith.constant 160 : index
        %swap3A_249 = tpu.vector_load %arg15[%swap3A_247, %swap3A_248] {strides = array<i32>} : memref<32x512xi32, #tpu.memory_space<vmem>>, vector<16xi32>,
        tpu.vector_store %arg15[%swap3A_247, %swap3A_248], %bitcast3A_246 {strides = array<i32>} : memref<32x512xi32, #tpu.memory_space<vmem>>, vector<16xi32>,
        %get3A_250 = arith.index_cast %add3A_109 : i32 to index
        %get3A_251 = arith.constant 176 : index
        %get3A_252 = tpu.vector_load %arg15[%get3A_250, %get3A_251] {strides = array<i32>} : memref<32x512xi32, #tpu.memory_space<vmem>>, vector<16xi32>,
        %bitcast3A_253 = vector.bitcast %get3A_252 : vector<16xi32> to vector<32xbf16>
        %get3A_254 = arith.index_cast %add3A_109 : i32 to index
        %get3A_255 = arith.constant 176 : index
        %get3A_256 = tpu.vector_load %arg14[%get3A_254, %get3A_255] {strides = array<i32>} : memref<32x512xi32, #tpu.memory_space<vmem>>, vector<16xi32>,
        %bitcast3A_257 = vector.bitcast %get3A_256 : vector<16xi32> to vector<32xbf16>
        %add3A_258 = arith.addf %bitcast3A_253, %bitcast3A_257 : vector<32xbf16>
        %bitcast3A_259 = vector.bitcast %add3A_258 : vector<32xbf16> to vector<16xi32>
        %swap3A_260 = arith.index_cast %add3A_109 : i32 to index
        %swap3A_261 = arith.constant 176 : index
        %swap3A_262 = tpu.vector_load %arg15[%swap3A_260, %swap3A_261] {strides = array<i32>} : memref<32x512xi32, #tpu.memory_space<vmem>>, vector<16xi32>,
        tpu.vector_store %arg15[%swap3A_260, %swap3A_261], %bitcast3A_259 {strides = array<i32>} : memref<32x512xi32, #tpu.memory_space<vmem>>, vector<16xi32>,
        %get3A_263 = arith.index_cast %add3A_109 : i32 to index
        %get3A_264 = arith.constant 192 : index
        %get3A_265 = tpu.vector_load %arg15[%get3A_263, %get3A_264] {strides = array<i32>} : memref<32x512xi32, #tpu.memory_space<vmem>>, vector<16xi32>,
        %bitcast3A_266 = vector.bitcast %get3A_265 : vector<16xi32> to vector<32xbf16>
        %get3A_267 = arith.index_cast %add3A_109 : i32 to index
        %get3A_268 = arith.constant 192 : index
        %get3A_269 = tpu.vector_load %arg14[%get3A_267, %get3A_268] {strides = array<i32>} : memref<32x512xi32, #tpu.memory_space<vmem>>, vector<16xi32>,
        %bitcast3A_270 = vector.bitcast %get3A_269 : vector<16xi32> to vector<32xbf16>
        %add3A_271 = arith.addf %bitcast3A_266, %bitcast3A_270 : vector<32xbf16>
        %bitcast3A_272 = vector.bitcast %add3A_271 : vector<32xbf16> to vector<16xi32>
        %swap3A_273 = arith.index_cast %add3A_109 : i32 to index
        %swap3A_274 = arith.constant 192 : index
        %swap3A_275 = tpu.vector_load %arg15[%swap3A_273, %swap3A_274] {strides = array<i32>} : memref<32x512xi32, #tpu.memory_space<vmem>>, vector<16xi32>,
        tpu.vector_store %arg15[%swap3A_273, %swap3A_274], %bitcast3A_272 {strides = array<i32>} : memref<32x512xi32, #tpu.memory_space<vmem>>, vector<16xi32>,
        %get3A_276 = arith.index_cast %add3A_109 : i32 to index
        %get3A_277 = arith.constant 208 : index
        %get3A_278 = tpu.vector_load %arg15[%get3A_276, %get3A_277] {strides = array<i32>} : memref<32x512xi32, #tpu.memory_space<vmem>>, vector<16xi32>,
        %bitcast3A_279 = vector.bitcast %get3A_278 : vector<16xi32> to vector<32xbf16>
        %get3A_280 = arith.index_cast %add3A_109 : i32 to index
        %get3A_281 = arith.constant 208 : index
        %get3A_282 = tpu.vector_load %arg14[%get3A_280, %get3A_281] {strides = array<i32>} : memref<32x512xi32, #tpu.memory_space<vmem>>, vector<16xi32>,
        %bitcast3A_283 = vector.bitcast %get3A_282 : vector<16xi32> to vector<32xbf16>
        %add3A_284 = arith.addf %bitcast3A_279, %bitcast3A_283 : vector<32xbf16>
        %bitcast3A_285 = vector.bitcast %add3A_284 : vector<32xbf16> to vector<16xi32>
        %swap3A_286 = arith.index_cast %add3A_109 : i32 to index
        %swap3A_287 = arith.constant 208 : index
        %swap3A_288 = tpu.vector_load %arg15[%swap3A_286, %swap3A_287] {strides = array<i32>} : memref<32x512xi32, #tpu.memory_space<vmem>>, vector<16xi32>,
        tpu.vector_store %arg15[%swap3A_286, %swap3A_287], %bitcast3A_285 {strides = array<i32>} : memref<32x512xi32, #tpu.memory_space<vmem>>, vector<16xi32>,
        %get3A_289 = arith.index_cast %add3A_109 : i32 to index
        %get3A_290 = arith.constant 224 : index
        %get3A_291 = tpu.vector_load %arg15[%get3A_289, %get3A_290] {strides = array<i32>} : memref<32x512xi32, #tpu.memory_space<vmem>>, vector<16xi32>,
        %bitcast3A_292 = vector.bitcast %get3A_291 : vector<16xi32> to vector<32xbf16>
        %get3A_293 = arith.index_cast %add3A_109 : i32 to index
        %get3A_294 = arith.constant 224 : index
        %get3A_295 = tpu.vector_load %arg14[%get3A_293, %get3A_294] {strides = array<i32>} : memref<32x512xi32, #tpu.memory_space<vmem>>, vector<16xi32>,
        %bitcast3A_296 = vector.bitcast %get3A_295 : vector<16xi32> to vector<32xbf16>
        %add3A_297 = arith.addf %bitcast3A_292, %bitcast3A_296 : vector<32xbf16>
        %bitcast3A_298 = vector.bitcast %add3A_297 : vector<32xbf16> to vector<16xi32>
        %swap3A_299 = arith.index_cast %add3A_109 : i32 to index
        %swap3A_300 = arith.constant 224 : index
        %swap3A_301 = tpu.vector_load %arg15[%swap3A_299, %swap3A_300] {strides = array<i32>} : memref<32x512xi32, #tpu.memory_space<vmem>>, vector<16xi32>,
        tpu.vector_store %arg15[%swap3A_299, %swap3A_300], %bitcast3A_298 {strides = array<i32>} : memref<32x512xi32, #tpu.memory_space<vmem>>, vector<16xi32>,
        %get3A_302 = arith.index_cast %add3A_109 : i32 to index
        %get3A_303 = arith.constant 240 : index
        %get3A_304 = tpu.vector_load %arg15[%get3A_302, %get3A_303] {strides = array<i32>} : memref<32x512xi32, #tpu.memory_space<vmem>>, vector<16xi32>,
        %bitcast3A_305 = vector.bitcast %get3A_304 : vector<16xi32> to vector<32xbf16>
        %get3A_306 = arith.index_cast %add3A_109 : i32 to index
        %get3A_307 = arith.constant 240 : index
        %get3A_308 = tpu.vector_load %arg14[%get3A_306, %get3A_307] {strides = array<i32>} : memref<32x512xi32, #tpu.memory_space<vmem>>, vector<16xi32>,
        %bitcast3A_309 = vector.bitcast %get3A_308 : vector<16xi32> to vector<32xbf16>
        %add3A_310 = arith.addf %bitcast3A_305, %bitcast3A_309 : vector<32xbf16>
        %bitcast3A_311 = vector.bitcast %add3A_310 : vector<32xbf16> to vector<16xi32>
        %swap3A_312 = arith.index_cast %add3A_109 : i32 to index
        %swap3A_313 = arith.constant 240 : index
        %swap3A_314 = tpu.vector_load %arg15[%swap3A_312, %swap3A_313] {strides = array<i32>} : memref<32x512xi32, #tpu.memory_space<vmem>>, vector<16xi32>,
        tpu.vector_store %arg15[%swap3A_312, %swap3A_313], %bitcast3A_311 {strides = array<i32>} : memref<32x512xi32, #tpu.memory_space<vmem>>, vector<16xi32>,
        %get3A_315 = arith.index_cast %add3A_109 : i32 to index
        %get3A_316 = arith.constant 256 : index
        %get3A_317 = tpu.vector_load %arg15[%get3A_315, %get3A_316] {strides = array<i32>} : memref<32x512xi32, #tpu.memory_space<vmem>>, vector<16xi32>,
        %bitcast3A_318 = vector.bitcast %get3A_317 : vector<16xi32> to vector<32xbf16>
        %get3A_319 = arith.index_cast %add3A_109 : i32 to index
        %get3A_320 = arith.constant 256 : index
        %get3A_321 = tpu.vector_load %arg14[%get3A_319, %get3A_320] {strides = array<i32>} : memref<32x512xi32, #tpu.memory_space<vmem>>, vector<16xi32>,
        %bitcast3A_322 = vector.bitcast %get3A_321 : vector<16xi32> to vector<32xbf16>
        %add3A_323 = arith.addf %bitcast3A_318, %bitcast3A_322 : vector<32xbf16>
        %bitcast3A_324 = vector.bitcast %add3A_323 : vector<32xbf16> to vector<16xi32>
        %swap3A_325 = arith.index_cast %add3A_109 : i32 to index
        %swap3A_326 = arith.constant 256 : index
        %swap3A_327 = tpu.vector_load %arg15[%swap3A_325, %swap3A_326] {strides = array<i32>} : memref<32x512xi32, #tpu.memory_space<vmem>>, vector<16xi32>,
        tpu.vector_store %arg15[%swap3A_325, %swap3A_326], %bitcast3A_324 {strides = array<i32>} : memref<32x512xi32, #tpu.memory_space<vmem>>, vector<16xi32>,
        %get3A_328 = arith.index_cast %add3A_109 : i32 to index
        %get3A_329 = arith.constant 272 : index
        %get3A_330 = tpu.vector_load %arg15[%get3A_328, %get3A_329] {strides = array<i32>} : memref<32x512xi32, #tpu.memory_space<vmem>>, vector<16xi32>,
        %bitcast3A_331 = vector.bitcast %get3A_330 : vector<16xi32> to vector<32xbf16>
        %get3A_332 = arith.index_cast %add3A_109 : i32 to index
        %get3A_333 = arith.constant 272 : index
        %get3A_334 = tpu.vector_load %arg14[%get3A_332, %get3A_333] {strides = array<i32>} : memref<32x512xi32, #tpu.memory_space<vmem>>, vector<16xi32>,
        %bitcast3A_335 = vector.bitcast %get3A_334 : vector<16xi32> to vector<32xbf16>
        %add3A_336 = arith.addf %bitcast3A_331, %bitcast3A_335 : vector<32xbf16>
        %bitcast3A_337 = vector.bitcast %add3A_336 : vector<32xbf16> to vector<16xi32>
        %swap3A_338 = arith.index_cast %add3A_109 : i32 to index
        %swap3A_339 = arith.constant 272 : index
        %swap3A_340 = tpu.vector_load %arg15[%swap3A_338, %swap3A_339] {strides = array<i32>} : memref<32x512xi32, #tpu.memory_space<vmem>>, vector<16xi32>,
        tpu.vector_store %arg15[%swap3A_338, %swap3A_339], %bitcast3A_337 {strides = array<i32>} : memref<32x512xi32, #tpu.memory_space<vmem>>, vector<16xi32>,
        %get3A_341 = arith.index_cast %add3A_109 : i32 to index
        %get3A_342 = arith.constant 288 : index
        %get3A_343 = tpu.vector_load %arg15[%get3A_341, %get3A_342] {strides = array<i32>} : memref<32x512xi32, #tpu.memory_space<vmem>>, vector<16xi32>,
        %bitcast3A_344 = vector.bitcast %get3A_343 : vector<16xi32> to vector<32xbf16>
        %get3A_345 = arith.index_cast %add3A_109 : i32 to index
        %get3A_346 = arith.constant 288 : index
        %get3A_347 = tpu.vector_load %arg14[%get3A_345, %get3A_346] {strides = array<i32>} : memref<32x512xi32, #tpu.memory_space<vmem>>, vector<16xi32>,
        %bitcast3A_348 = vector.bitcast %get3A_347 : vector<16xi32> to vector<32xbf16>
        %add3A_349 = arith.addf %bitcast3A_344, %bitcast3A_348 : vector<32xbf16>
        %bitcast3A_350 = vector.bitcast %add3A_349 : vector<32xbf16> to vector<16xi32>
        %swap3A_351 = arith.index_cast %add3A_109 : i32 to index
        %swap3A_352 = arith.constant 288 : index
        %swap3A_353 = tpu.vector_load %arg15[%swap3A_351, %swap3A_352] {strides = array<i32>} : memref<32x512xi32, #tpu.memory_space<vmem>>, vector<16xi32>,
        tpu.vector_store %arg15[%swap3A_351, %swap3A_352], %bitcast3A_350 {strides = array<i32>} : memref<32x512xi32, #tpu.memory_space<vmem>>, vector<16xi32>,
        %get3A_354 = arith.index_cast %add3A_109 : i32 to index
        %get3A_355 = arith.constant 304 : index
        %get3A_356 = tpu.vector_load %arg15[%get3A_354, %get3A_355] {strides = array<i32>} : memref<32x512xi32, #tpu.memory_space<vmem>>, vector<16xi32>,
        %bitcast3A_357 = vector.bitcast %get3A_356 : vector<16xi32> to vector<32xbf16>
        %get3A_358 = arith.index_cast %add3A_109 : i32 to index
        %get3A_359 = arith.constant 304 : index
        %get3A_360 = tpu.vector_load %arg14[%get3A_358, %get3A_359] {strides = array<i32>} : memref<32x512xi32, #tpu.memory_space<vmem>>, vector<16xi32>,
        %bitcast3A_361 = vector.bitcast %get3A_360 : vector<16xi32> to vector<32xbf16>
        %add3A_362 = arith.addf %bitcast3A_357, %bitcast3A_361 : vector<32xbf16>
        %bitcast3A_363 = vector.bitcast %add3A_362 : vector<32xbf16> to vector<16xi32>
        %swap3A_364 = arith.index_cast %add3A_109 : i32 to index
        %swap3A_365 = arith.constant 304 : index
        %swap3A_366 = tpu.vector_load %arg15[%swap3A_364, %swap3A_365] {strides = array<i32>} : memref<32x512xi32, #tpu.memory_space<vmem>>, vector<16xi32>,
        tpu.vector_store %arg15[%swap3A_364, %swap3A_365], %bitcast3A_363 {strides = array<i32>} : memref<32x512xi32, #tpu.memory_space<vmem>>, vector<16xi32>,
        %get3A_367 = arith.index_cast %add3A_109 : i32 to index
        %get3A_368 = arith.constant 320 : index
        %get3A_369 = tpu.vector_load %arg15[%get3A_367, %get3A_368] {strides = array<i32>} : memref<32x512xi32, #tpu.memory_space<vmem>>, vector<16xi32>,
        %bitcast3A_370 = vector.bitcast %get3A_369 : vector<16xi32> to vector<32xbf16>
        %get3A_371 = arith.index_cast %add3A_109 : i32 to index
        %get3A_372 = arith.constant 320 : index
        %get3A_373 = tpu.vector_load %arg14[%get3A_371, %get3A_372] {strides = array<i32>} : memref<32x512xi32, #tpu.memory_space<vmem>>, vector<16xi32>,
        %bitcast3A_374 = vector.bitcast %get3A_373 : vector<16xi32> to vector<32xbf16>
        %add3A_375 = arith.addf %bitcast3A_370, %bitcast3A_374 : vector<32xbf16>
        %bitcast3A_376 = vector.bitcast %add3A_375 : vector<32xbf16> to vector<16xi32>
        %swap3A_377 = arith.index_cast %add3A_109 : i32 to index
        %swap3A_378 = arith.constant 320 : index
        %swap3A_379 = tpu.vector_load %arg15[%swap3A_377, %swap3A_378] {strides = array<i32>} : memref<32x512xi32, #tpu.memory_space<vmem>>, vector<16xi32>,
        tpu.vector_store %arg15[%swap3A_377, %swap3A_378], %bitcast3A_376 {strides = array<i32>} : memref<32x512xi32, #tpu.memory_space<vmem>>, vector<16xi32>,
        %get3A_380 = arith.index_cast %add3A_109 : i32 to index
        %get3A_381 = arith.constant 336 : index
        %get3A_382 = tpu.vector_load %arg15[%get3A_380, %get3A_381] {strides = array<i32>} : memref<32x512xi32, #tpu.memory_space<vmem>>, vector<16xi32>,
        %bitcast3A_383 = vector.bitcast %get3A_382 : vector<16xi32> to vector<32xbf16>
        %get3A_384 = arith.index_cast %add3A_109 : i32 to index
        %get3A_385 = arith.constant 336 : index
        %get3A_386 = tpu.vector_load %arg14[%get3A_384, %get3A_385] {strides = array<i32>} : memref<32x512xi32, #tpu.memory_space<vmem>>, vector<16xi32>,
        %bitcast3A_387 = vector.bitcast %get3A_386 : vector<16xi32> to vector<32xbf16>
        %add3A_388 = arith.addf %bitcast3A_383, %bitcast3A_387 : vector<32xbf16>
        %bitcast3A_389 = vector.bitcast %add3A_388 : vector<32xbf16> to vector<16xi32>
        %swap3A_390 = arith.index_cast %add3A_109 : i32 to index
        %swap3A_391 = arith.constant 336 : index
        %swap3A_392 = tpu.vector_load %arg15[%swap3A_390, %swap3A_391] {strides = array<i32>} : memref<32x512xi32, #tpu.memory_space<vmem>>, vector<16xi32>,
        tpu.vector_store %arg15[%swap3A_390, %swap3A_391], %bitcast3A_389 {strides = array<i32>} : memref<32x512xi32, #tpu.memory_space<vmem>>, vector<16xi32>,
        %get3A_393 = arith.index_cast %add3A_109 : i32 to index
        %get3A_394 = arith.constant 352 : index
        %get3A_395 = tpu.vector_load %arg15[%get3A_393, %get3A_394] {strides = array<i32>} : memref<32x512xi32, #tpu.memory_space<vmem>>, vector<16xi32>,
        %bitcast3A_396 = vector.bitcast %get3A_395 : vector<16xi32> to vector<32xbf16>
        %get3A_397 = arith.index_cast %add3A_109 : i32 to index
        %get3A_398 = arith.constant 352 : index
        %get3A_399 = tpu.vector_load %arg14[%get3A_397, %get3A_398] {strides = array<i32>} : memref<32x512xi32, #tpu.memory_space<vmem>>, vector<16xi32>,
        %bitcast3A_400 = vector.bitcast %get3A_399 : vector<16xi32> to vector<32xbf16>
        %add3A_401 = arith.addf %bitcast3A_396, %bitcast3A_400 : vector<32xbf16>
        %bitcast3A_402 = vector.bitcast %add3A_401 : vector<32xbf16> to vector<16xi32>
        %swap3A_403 = arith.index_cast %add3A_109 : i32 to index
        %swap3A_404 = arith.constant 352 : index
        %swap3A_405 = tpu.vector_load %arg15[%swap3A_403, %swap3A_404] {strides = array<i32>} : memref<32x512xi32, #tpu.memory_space<vmem>>, vector<16xi32>,
        tpu.vector_store %arg15[%swap3A_403, %swap3A_404], %bitcast3A_402 {strides = array<i32>} : memref<32x512xi32, #tpu.memory_space<vmem>>, vector<16xi32>,
        %get3A_406 = arith.index_cast %add3A_109 : i32 to index
        %get3A_407 = arith.constant 368 : index
        %get3A_408 = tpu.vector_load %arg15[%get3A_406, %get3A_407] {strides = array<i32>} : memref<32x512xi32, #tpu.memory_space<vmem>>, vector<16xi32>,
        %bitcast3A_409 = vector.bitcast %get3A_408 : vector<16xi32> to vector<32xbf16>
        %get3A_410 = arith.index_cast %add3A_109 : i32 to index
        %get3A_411 = arith.constant 368 : index
        %get3A_412 = tpu.vector_load %arg14[%get3A_410, %get3A_411] {strides = array<i32>} : memref<32x512xi32, #tpu.memory_space<vmem>>, vector<16xi32>,
        %bitcast3A_413 = vector.bitcast %get3A_412 : vector<16xi32> to vector<32xbf16>
        %add3A_414 = arith.addf %bitcast3A_409, %bitcast3A_413 : vector<32xbf16>
        %bitcast3A_415 = vector.bitcast %add3A_414 : vector<32xbf16> to vector<16xi32>
        %swap3A_416 = arith.index_cast %add3A_109 : i32 to index
        %swap3A_417 = arith.constant 368 : index
        %swap3A_418 = tpu.vector_load %arg15[%swap3A_416, %swap3A_417] {strides = array<i32>} : memref<32x512xi32, #tpu.memory_space<vmem>>, vector<16xi32>,
        tpu.vector_store %arg15[%swap3A_416, %swap3A_417], %bitcast3A_415 {strides = array<i32>} : memref<32x512xi32, #tpu.memory_space<vmem>>, vector<16xi32>,
        %get3A_419 = arith.index_cast %add3A_109 : i32 to index
        %get3A_420 = arith.constant 384 : index
        %get3A_421 = tpu.vector_load %arg15[%get3A_419, %get3A_420] {strides = array<i32>} : memref<32x512xi32, #tpu.memory_space<vmem>>, vector<16xi32>,
        %bitcast3A_422 = vector.bitcast %get3A_421 : vector<16xi32> to vector<32xbf16>
        %get3A_423 = arith.index_cast %add3A_109 : i32 to index
        %get3A_424 = arith.constant 384 : index
        %get3A_425 = tpu.vector_load %arg14[%get3A_423, %get3A_424] {strides = array<i32>} : memref<32x512xi32, #tpu.memory_space<vmem>>, vector<16xi32>,
        %bitcast3A_426 = vector.bitcast %get3A_425 : vector<16xi32> to vector<32xbf16>
        %add3A_427 = arith.addf %bitcast3A_422, %bitcast3A_426 : vector<32xbf16>
        %bitcast3A_428 = vector.bitcast %add3A_427 : vector<32xbf16> to vector<16xi32>
        %swap3A_429 = arith.index_cast %add3A_109 : i32 to index
        %swap3A_430 = arith.constant 384 : index
        %swap3A_431 = tpu.vector_load %arg15[%swap3A_429, %swap3A_430] {strides = array<i32>} : memref<32x512xi32, #tpu.memory_space<vmem>>, vector<16xi32>,
        tpu.vector_store %arg15[%swap3A_429, %swap3A_430], %bitcast3A_428 {strides = array<i32>} : memref<32x512xi32, #tpu.memory_space<vmem>>, vector<16xi32>,
        %get3A_432 = arith.index_cast %add3A_109 : i32 to index
        %get3A_433 = arith.constant 400 : index
        %get3A_434 = tpu.vector_load %arg15[%get3A_432, %get3A_433] {strides = array<i32>} : memref<32x512xi32, #tpu.memory_space<vmem>>, vector<16xi32>,
        %bitcast3A_435 = vector.bitcast %get3A_434 : vector<16xi32> to vector<32xbf16>
        %get3A_436 = arith.index_cast %add3A_109 : i32 to index
        %get3A_437 = arith.constant 400 : index
        %get3A_438 = tpu.vector_load %arg14[%get3A_436, %get3A_437] {strides = array<i32>} : memref<32x512xi32, #tpu.memory_space<vmem>>, vector<16xi32>,
        %bitcast3A_439 = vector.bitcast %get3A_438 : vector<16xi32> to vector<32xbf16>
        %add3A_440 = arith.addf %bitcast3A_435, %bitcast3A_439 : vector<32xbf16>
        %bitcast3A_441 = vector.bitcast %add3A_440 : vector<32xbf16> to vector<16xi32>
        %swap3A_442 = arith.index_cast %add3A_109 : i32 to index
        %swap3A_443 = arith.constant 400 : index
        %swap3A_444 = tpu.vector_load %arg15[%swap3A_442, %swap3A_443] {strides = array<i32>} : memref<32x512xi32, #tpu.memory_space<vmem>>, vector<16xi32>,
        tpu.vector_store %arg15[%swap3A_442, %swap3A_443], %bitcast3A_441 {strides = array<i32>} : memref<32x512xi32, #tpu.memory_space<vmem>>, vector<16xi32>,
        %get3A_445 = arith.index_cast %add3A_109 : i32 to index
        %get3A_446 = arith.constant 416 : index
        %get3A_447 = tpu.vector_load %arg15[%get3A_445, %get3A_446] {strides = array<i32>} : memref<32x512xi32, #tpu.memory_space<vmem>>, vector<16xi32>,
        %bitcast3A_448 = vector.bitcast %get3A_447 : vector<16xi32> to vector<32xbf16>
        %get3A_449 = arith.index_cast %add3A_109 : i32 to index
        %get3A_450 = arith.constant 416 : index
        %get3A_451 = tpu.vector_load %arg14[%get3A_449, %get3A_450] {strides = array<i32>} : memref<32x512xi32, #tpu.memory_space<vmem>>, vector<16xi32>,
        %bitcast3A_452 = vector.bitcast %get3A_451 : vector<16xi32> to vector<32xbf16>
        %add3A_453 = arith.addf %bitcast3A_448, %bitcast3A_452 : vector<32xbf16>
        %bitcast3A_454 = vector.bitcast %add3A_453 : vector<32xbf16> to vector<16xi32>
        %swap3A_455 = arith.index_cast %add3A_109 : i32 to index
        %swap3A_456 = arith.constant 416 : index
        %swap3A_457 = tpu.vector_load %arg15[%swap3A_455, %swap3A_456] {strides = array<i32>} : memref<32x512xi32, #tpu.memory_space<vmem>>, vector<16xi32>,
        tpu.vector_store %arg15[%swap3A_455, %swap3A_456], %bitcast3A_454 {strides = array<i32>} : memref<32x512xi32, #tpu.memory_space<vmem>>, vector<16xi32>,
        %get3A_458 = arith.index_cast %add3A_109 : i32 to index
        %get3A_459 = arith.constant 432 : index
        %get3A_460 = tpu.vector_load %arg15[%get3A_458, %get3A_459] {strides = array<i32>} : memref<32x512xi32, #tpu.memory_space<vmem>>, vector<16xi32>,
        %bitcast3A_461 = vector.bitcast %get3A_460 : vector<16xi32> to vector<32xbf16>
        %get3A_462 = arith.index_cast %add3A_109 : i32 to index
        %get3A_463 = arith.constant 432 : index
        %get3A_464 = tpu.vector_load %arg14[%get3A_462, %get3A_463] {strides = array<i32>} : memref<32x512xi32, #tpu.memory_space<vmem>>, vector<16xi32>,
        %bitcast3A_465 = vector.bitcast %get3A_464 : vector<16xi32> to vector<32xbf16>
        %add3A_466 = arith.addf %bitcast3A_461, %bitcast3A_465 : vector<32xbf16>
        %bitcast3A_467 = vector.bitcast %add3A_466 : vector<32xbf16> to vector<16xi32>
        %swap3A_468 = arith.index_cast %add3A_109 : i32 to index
        %swap3A_469 = arith.constant 432 : index
        %swap3A_470 = tpu.vector_load %arg15[%swap3A_468, %swap3A_469] {strides = array<i32>} : memref<32x512xi32, #tpu.memory_space<vmem>>, vector<16xi32>,
        tpu.vector_store %arg15[%swap3A_468, %swap3A_469], %bitcast3A_467 {strides = array<i32>} : memref<32x512xi32, #tpu.memory_space<vmem>>, vector<16xi32>,
        %get3A_471 = arith.index_cast %add3A_109 : i32 to index
        %get3A_472 = arith.constant 448 : index
        %get3A_473 = tpu.vector_load %arg15[%get3A_471, %get3A_472] {strides = array<i32>} : memref<32x512xi32, #tpu.memory_space<vmem>>, vector<16xi32>,
        %bitcast3A_474 = vector.bitcast %get3A_473 : vector<16xi32> to vector<32xbf16>
        %get3A_475 = arith.index_cast %add3A_109 : i32 to index
        %get3A_476 = arith.constant 448 : index
        %get3A_477 = tpu.vector_load %arg14[%get3A_475, %get3A_476] {strides = array<i32>} : memref<32x512xi32, #tpu.memory_space<vmem>>, vector<16xi32>,
        %bitcast3A_478 = vector.bitcast %get3A_477 : vector<16xi32> to vector<32xbf16>
        %add3A_479 = arith.addf %bitcast3A_474, %bitcast3A_478 : vector<32xbf16>
        %bitcast3A_480 = vector.bitcast %add3A_479 : vector<32xbf16> to vector<16xi32>
        %swap3A_481 = arith.index_cast %add3A_109 : i32 to index
        %swap3A_482 = arith.constant 448 : index
        %swap3A_483 = tpu.vector_load %arg15[%swap3A_481, %swap3A_482] {strides = array<i32>} : memref<32x512xi32, #tpu.memory_space<vmem>>, vector<16xi32>,
        tpu.vector_store %arg15[%swap3A_481, %swap3A_482], %bitcast3A_480 {strides = array<i32>} : memref<32x512xi32, #tpu.memory_space<vmem>>, vector<16xi32>,
        %get3A_484 = arith.index_cast %add3A_109 : i32 to index
        %get3A_485 = arith.constant 464 : index
        %get3A_486 = tpu.vector_load %arg15[%get3A_484, %get3A_485] {strides = array<i32>} : memref<32x512xi32, #tpu.memory_space<vmem>>, vector<16xi32>,
        %bitcast3A_487 = vector.bitcast %get3A_486 : vector<16xi32> to vector<32xbf16>
        %get3A_488 = arith.index_cast %add3A_109 : i32 to index
        %get3A_489 = arith.constant 464 : index
        %get3A_490 = tpu.vector_load %arg14[%get3A_488, %get3A_489] {strides = array<i32>} : memref<32x512xi32, #tpu.memory_space<vmem>>, vector<16xi32>,
        %bitcast3A_491 = vector.bitcast %get3A_490 : vector<16xi32> to vector<32xbf16>
        %add3A_492 = arith.addf %bitcast3A_487, %bitcast3A_491 : vector<32xbf16>
        %bitcast3A_493 = vector.bitcast %add3A_492 : vector<32xbf16> to vector<16xi32>
        %swap3A_494 = arith.index_cast %add3A_109 : i32 to index
        %swap3A_495 = arith.constant 464 : index
        %swap3A_496 = tpu.vector_load %arg15[%swap3A_494, %swap3A_495] {strides = array<i32>} : memref<32x512xi32, #tpu.memory_space<vmem>>, vector<16xi32>,
        tpu.vector_store %arg15[%swap3A_494, %swap3A_495], %bitcast3A_493 {strides = array<i32>} : memref<32x512xi32, #tpu.memory_space<vmem>>, vector<16xi32>,
        %get3A_497 = arith.index_cast %add3A_109 : i32 to index
        %get3A_498 = arith.constant 480 : index
        %get3A_499 = tpu.vector_load %arg15[%get3A_497, %get3A_498] {strides = array<i32>} : memref<32x512xi32, #tpu.memory_space<vmem>>, vector<16xi32>,
        %bitcast3A_500 = vector.bitcast %get3A_499 : vector<16xi32> to vector<32xbf16>
        %get3A_501 = arith.index_cast %add3A_109 : i32 to index
        %get3A_502 = arith.constant 480 : index
        %get3A_503 = tpu.vector_load %arg14[%get3A_501, %get3A_502] {strides = array<i32>} : memref<32x512xi32, #tpu.memory_space<vmem>>, vector<16xi32>,
        %bitcast3A_504 = vector.bitcast %get3A_503 : vector<16xi32> to vector<32xbf16>
        %add3A_505 = arith.addf %bitcast3A_500, %bitcast3A_504 : vector<32xbf16>
        %bitcast3A_506 = vector.bitcast %add3A_505 : vector<32xbf16> to vector<16xi32>
        %swap3A_507 = arith.index_cast %add3A_109 : i32 to index
        %swap3A_508 = arith.constant 480 : index
        %swap3A_509 = tpu.vector_load %arg15[%swap3A_507, %swap3A_508] {strides = array<i32>} : memref<32x512xi32, #tpu.memory_space<vmem>>, vector<16xi32>,
        tpu.vector_store %arg15[%swap3A_507, %swap3A_508], %bitcast3A_506 {strides = array<i32>} : memref<32x512xi32, #tpu.memory_space<vmem>>, vector<16xi32>,
        %get3A_510 = arith.index_cast %add3A_109 : i32 to index
        %get3A_511 = arith.constant 496 : index
        %get3A_512 = tpu.vector_load %arg15[%get3A_510, %get3A_511] {strides = array<i32>} : memref<32x512xi32, #tpu.memory_space<vmem>>, vector<16xi32>,
        %bitcast3A_513 = vector.bitcast %get3A_512 : vector<16xi32> to vector<32xbf16>
        %get3A_514 = arith.index_cast %add3A_109 : i32 to index
        %get3A_515 = arith.constant 496 : index
        %get3A_516 = tpu.vector_load %arg14[%get3A_514, %get3A_515] {strides = array<i32>} : memref<32x512xi32, #tpu.memory_space<vmem>>, vector<16xi32>,
        %bitcast3A_517 = vector.bitcast %get3A_516 : vector<16xi32> to vector<32xbf16>
        %add3A_518 = arith.addf %bitcast3A_513, %bitcast3A_517 : vector<32xbf16>
        %bitcast3A_519 = vector.bitcast %add3A_518 : vector<32xbf16> to vector<16xi32>
        %swap3A_520 = arith.index_cast %add3A_109 : i32 to index
        %swap3A_521 = arith.constant 496 : index
        %swap3A_522 = tpu.vector_load %arg15[%swap3A_520, %swap3A_521] {strides = array<i32>} : memref<32x512xi32, #tpu.memory_space<vmem>>, vector<16xi32>,
        tpu.vector_store %arg15[%swap3A_520, %swap3A_521], %bitcast3A_519 {strides = array<i32>} : memref<32x512xi32, #tpu.memory_space<vmem>>, vector<16xi32>,
      }
      %scan3A_97 = arith.constant 32 : i32
      %add3A_98 = arith.constant 3 : i32
      %add3A_99 = arith.addi %add3A_74, %add3A_98 : i32
      %lt3A_100 = arith.constant 42 : i32
      %lt3A_101 = arith.cmpi slt, %add3A_99, %lt3A_100 : i32
      %convert_element_type3A_102 = arith.extui %lt3A_101 : i1 to i32
      %cond3A_103 = arith.constant 0 : i32
      %cond3A_104 = arith.cmpi ne, %convert_element_type3A_102, %cond3A_103 : i32
      scf.if %cond3A_104 {
        %add3A_105 = arith.constant 3 : i32
        %add3A_106 = arith.addi %add3A_74, %add3A_105 : i32
        %mul3A_107 = arith.constant 32 : i32
        %mul3A_108 = arith.muli %add3A_106, %mul3A_107 : i32
        %dma_start3A_109 = tpu.memref_slice %arg10[%mul3A_108] : memref<1600xi32, #tpu.memory_space<vmem>> -> memref<32xi32, #tpu.memory_space<vmem>>
        %dma_start3A_110 = arith.constant 0 : i32
        %dma_start3A_111 = arith.constant 0 : i32
        %dma_start3A_112 = tpu.memref_slice %arg3[%dma_start3A_110, %dma_start3A_111] : memref<16384x512xi32, #tpu.memory_space<hbm>> -> memref<16384x512xi32, #tpu.memory_space<hbm>>
        tpu.enqueue_indirect_dma source(%dma_start3A_112 : memref<16384x512xi32, #tpu.memory_space<hbm>>) target(%arg14 : memref<32x512xi32, #tpu.memory_space<vmem>>) offsets(%dma_start3A_109 : memref<32xi32, #tpu.memory_space<vmem>>) semaphore(%arg17 : memref<!tpu.dma_semaphore, #tpu.memory_space<semaphore_mem>>)
      } else {
      }
    }
    %scan3A_45 = arith.constant 8 : i32
    "tpu.region"() ({
      %run_scoped3A = tpu.sem_alloc : memref<!tpu.dma_semaphore, #tpu.memory_space<semaphore_mem>>
      %dma_start3A_66 = arith.constant 0 : i32
      %dma_start3A_67 = tpu.memref_slice %arg8[%mul3A_2, %dma_start3A_66] : memref<1024x512xi32, #tpu.memory_space<hbm>> -> memref<32x512xi32, #tpu.memory_space<hbm>>
      %dma_start3A_68 = arith.constant 0 : i32
      %dma_start3A_69 = tpu.memref_slice %arg8[%mul3A_2, %dma_start3A_68] : memref<1024x512xi32, #tpu.memory_space<hbm>> -> memref<32x512xi32, #tpu.memory_space<hbm>>
      tpu.enqueue_dma source(%arg15 : memref<32x512xi32, #tpu.memory_space<vmem>>) target(%dma_start3A_69 : memref<32x512xi32, #tpu.memory_space<hbm>>) target_semaphore(%run_scoped3A : memref<!tpu.dma_semaphore, #tpu.memory_space<semaphore_mem>>)
      %dma_wait3A = arith.constant 0 : i32
      %dma_wait3A_70 = tpu.memref_slice %arg8[%mul3A_2, %dma_wait3A] : memref<1024x512xi32, #tpu.memory_space<hbm>> -> memref<32x512xi32, #tpu.memory_space<hbm>>
      %dma_wait3A_71 = arith.constant 0 : i32
      %dma_wait3A_72 = tpu.memref_slice %arg8[%mul3A_2, %dma_wait3A_71] : memref<1024x512xi32, #tpu.memory_space<hbm>> -> memref<32x512xi32, #tpu.memory_space<hbm>>
      tpu.wait_dma2 semaphore(%run_scoped3A : memref<!tpu.dma_semaphore, #tpu.memory_space<semaphore_mem>>) src(%arg15 : memref<32x512xi32, #tpu.memory_space<vmem>>) dst(%dma_wait3A_72 : memref<32x512xi32, #tpu.memory_space<hbm>>)
      tpu.yield
    }) : () -> ()
    %scan3A_46 = arith.constant 0 : i32
    %scan3A_47 = arith.constant 32 : i32
    %scan3A_48 = arith.addi %scan3A_46, %scan3A_47 : i32
    %scan3A_49 = arith.constant 1 : i32
    scf.for %scan3A_66 = %scan3A_46 to %scan3A_48 step %scan3A_49  : i32 {
      %mul3A_67 = arith.constant 1 : i32
      %mul3A_68 = arith.muli %scan3A_66, %mul3A_67 : i32
      %add3A_69 = arith.constant 0 : i32
      %add3A_70 = arith.addi %add3A_69, %mul3A_68 : i32
      %swap3A = arith.index_cast %add3A_70 : i32 to index
      %swap3A_71 = arith.constant 0 : index
      %swap3A_72 = tpu.vector_load %arg15[%swap3A, %swap3A_71] {strides = array<i32>} : memref<32x512xi32, #tpu.memory_space<vmem>>, vector<16xi32>,
      tpu.vector_store %arg15[%swap3A, %swap3A_71], %broadcast_in_dim3A_7 {strides = array<i32>} : memref<32x512xi32, #tpu.memory_space<vmem>>, vector<16xi32>,
      %swap3A_73 = arith.index_cast %add3A_70 : i32 to index
      %swap3A_74 = arith.constant 16 : index
      %swap3A_75 = tpu.vector_load %arg15[%swap3A_73, %swap3A_74] {strides = array<i32>} : memref<32x512xi32, #tpu.memory_space<vmem>>, vector<16xi32>,
      tpu.vector_store %arg15[%swap3A_73, %swap3A_74], %broadcast_in_dim3A_7 {strides = array<i32>} : memref<32x512xi32, #tpu.memory_space<vmem>>, vector<16xi32>,
      %swap3A_76 = arith.index_cast %add3A_70 : i32 to index
      %swap3A_77 = arith.constant 32 : index
      %swap3A_78 = tpu.vector_load %arg15[%swap3A_76, %swap3A_77] {strides = array<i32>} : memref<32x512xi32, #tpu.memory_space<vmem>>, vector<16xi32>,
      tpu.vector_store %arg15[%swap3A_76, %swap3A_77], %broadcast_in_dim3A_7 {strides = array<i32>} : memref<32x512xi32, #tpu.memory_space<vmem>>, vector<16xi32>,
      %swap3A_79 = arith.index_cast %add3A_70 : i32 to index
      %swap3A_80 = arith.constant 48 : index
      %swap3A_81 = tpu.vector_load %arg15[%swap3A_79, %swap3A_80] {strides = array<i32>} : memref<32x512xi32, #tpu.memory_space<vmem>>, vector<16xi32>,
      tpu.vector_store %arg15[%swap3A_79, %swap3A_80], %broadcast_in_dim3A_7 {strides = array<i32>} : memref<32x512xi32, #tpu.memory_space<vmem>>, vector<16xi32>,
      %swap3A_82 = arith.index_cast %add3A_70 : i32 to index
      %swap3A_83 = arith.constant 64 : index
      %swap3A_84 = tpu.vector_load %arg15[%swap3A_82, %swap3A_83] {strides = array<i32>} : memref<32x512xi32, #tpu.memory_space<vmem>>, vector<16xi32>,
      tpu.vector_store %arg15[%swap3A_82, %swap3A_83], %broadcast_in_dim3A_7 {strides = array<i32>} : memref<32x512xi32, #tpu.memory_space<vmem>>, vector<16xi32>,
      %swap3A_85 = arith.index_cast %add3A_70 : i32 to index
      %swap3A_86 = arith.constant 80 : index
      %swap3A_87 = tpu.vector_load %arg15[%swap3A_85, %swap3A_86] {strides = array<i32>} : memref<32x512xi32, #tpu.memory_space<vmem>>, vector<16xi32>,
      tpu.vector_store %arg15[%swap3A_85, %swap3A_86], %broadcast_in_dim3A_7 {strides = array<i32>} : memref<32x512xi32, #tpu.memory_space<vmem>>, vector<16xi32>,
      %swap3A_88 = arith.index_cast %add3A_70 : i32 to index
      %swap3A_89 = arith.constant 96 : index
      %swap3A_90 = tpu.vector_load %arg15[%swap3A_88, %swap3A_89] {strides = array<i32>} : memref<32x512xi32, #tpu.memory_space<vmem>>, vector<16xi32>,
      tpu.vector_store %arg15[%swap3A_88, %swap3A_89], %broadcast_in_dim3A_7 {strides = array<i32>} : memref<32x512xi32, #tpu.memory_space<vmem>>, vector<16xi32>,
      %swap3A_91 = arith.index_cast %add3A_70 : i32 to index
      %swap3A_92 = arith.constant 112 : index
      %swap3A_93 = tpu.vector_load %arg15[%swap3A_91, %swap3A_92] {strides = array<i32>} : memref<32x512xi32, #tpu.memory_space<vmem>>, vector<16xi32>,
      tpu.vector_store %arg15[%swap3A_91, %swap3A_92], %broadcast_in_dim3A_7 {strides = array<i32>} : memref<32x512xi32, #tpu.memory_space<vmem>>, vector<16xi32>,
      %swap3A_94 = arith.index_cast %add3A_70 : i32 to index
      %swap3A_95 = arith.constant 128 : index
      %swap3A_96 = tpu.vector_load %arg15[%swap3A_94, %swap3A_95] {strides = array<i32>} : memref<32x512xi32, #tpu.memory_space<vmem>>, vector<16xi32>,
      tpu.vector_store %arg15[%swap3A_94, %swap3A_95], %broadcast_in_dim3A_7 {strides = array<i32>} : memref<32x512xi32, #tpu.memory_space<vmem>>, vector<16xi32>,
      %swap3A_97 = arith.index_cast %add3A_70 : i32 to index
      %swap3A_98 = arith.constant 144 : index
      %swap3A_99 = tpu.vector_load %arg15[%swap3A_97, %swap3A_98] {strides = array<i32>} : memref<32x512xi32, #tpu.memory_space<vmem>>, vector<16xi32>,
      tpu.vector_store %arg15[%swap3A_97, %swap3A_98], %broadcast_in_dim3A_7 {strides = array<i32>} : memref<32x512xi32, #tpu.memory_space<vmem>>, vector<16xi32>,
      %swap3A_100 = arith.index_cast %add3A_70 : i32 to index
      %swap3A_101 = arith.constant 160 : index
      %swap3A_102 = tpu.vector_load %arg15[%swap3A_100, %swap3A_101] {strides = array<i32>} : memref<32x512xi32, #tpu.memory_space<vmem>>, vector<16xi32>,
      tpu.vector_store %arg15[%swap3A_100, %swap3A_101], %broadcast_in_dim3A_7 {strides = array<i32>} : memref<32x512xi32, #tpu.memory_space<vmem>>, vector<16xi32>,
      %swap3A_103 = arith.index_cast %add3A_70 : i32 to index
      %swap3A_104 = arith.constant 176 : index
      %swap3A_105 = tpu.vector_load %arg15[%swap3A_103, %swap3A_104] {strides = array<i32>} : memref<32x512xi32, #tpu.memory_space<vmem>>, vector<16xi32>,
      tpu.vector_store %arg15[%swap3A_103, %swap3A_104], %broadcast_in_dim3A_7 {strides = array<i32>} : memref<32x512xi32, #tpu.memory_space<vmem>>, vector<16xi32>,
      %swap3A_106 = arith.index_cast %add3A_70 : i32 to index
      %swap3A_107 = arith.constant 192 : index
      %swap3A_108 = tpu.vector_load %arg15[%swap3A_106, %swap3A_107] {strides = array<i32>} : memref<32x512xi32, #tpu.memory_space<vmem>>, vector<16xi32>,
      tpu.vector_store %arg15[%swap3A_106, %swap3A_107], %broadcast_in_dim3A_7 {strides = array<i32>} : memref<32x512xi32, #tpu.memory_space<vmem>>, vector<16xi32>,
      %swap3A_109 = arith.index_cast %add3A_70 : i32 to index
      %swap3A_110 = arith.constant 208 : index
      %swap3A_111 = tpu.vector_load %arg15[%swap3A_109, %swap3A_110] {strides = array<i32>} : memref<32x512xi32, #tpu.memory_space<vmem>>, vector<16xi32>,
      tpu.vector_store %arg15[%swap3A_109, %swap3A_110], %broadcast_in_dim3A_7 {strides = array<i32>} : memref<32x512xi32, #tpu.memory_space<vmem>>, vector<16xi32>,
      %swap3A_112 = arith.index_cast %add3A_70 : i32 to index
      %swap3A_113 = arith.constant 224 : index
      %swap3A_114 = tpu.vector_load %arg15[%swap3A_112, %swap3A_113] {strides = array<i32>} : memref<32x512xi32, #tpu.memory_space<vmem>>, vector<16xi32>,
      tpu.vector_store %arg15[%swap3A_112, %swap3A_113], %broadcast_in_dim3A_7 {strides = array<i32>} : memref<32x512xi32, #tpu.memory_space<vmem>>, vector<16xi32>,
      %swap3A_115 = arith.index_cast %add3A_70 : i32 to index
      %swap3A_116 = arith.constant 240 : index
      %swap3A_117 = tpu.vector_load %arg15[%swap3A_115, %swap3A_116] {strides = array<i32>} : memref<32x512xi32, #tpu.memory_space<vmem>>, vector<16xi32>,
      tpu.vector_store %arg15[%swap3A_115, %swap3A_116], %broadcast_in_dim3A_7 {strides = array<i32>} : memref<32x512xi32, #tpu.memory_space<vmem>>, vector<16xi32>,
      %swap3A_118 = arith.index_cast %add3A_70 : i32 to index
      %swap3A_119 = arith.constant 256 : index
      %swap3A_120 = tpu.vector_load %arg15[%swap3A_118, %swap3A_119] {strides = array<i32>} : memref<32x512xi32, #tpu.memory_space<vmem>>, vector<16xi32>,
      tpu.vector_store %arg15[%swap3A_118, %swap3A_119], %broadcast_in_dim3A_7 {strides = array<i32>} : memref<32x512xi32, #tpu.memory_space<vmem>>, vector<16xi32>,
      %swap3A_121 = arith.index_cast %add3A_70 : i32 to index
      %swap3A_122 = arith.constant 272 : index
      %swap3A_123 = tpu.vector_load %arg15[%swap3A_121, %swap3A_122] {strides = array<i32>} : memref<32x512xi32, #tpu.memory_space<vmem>>, vector<16xi32>,
      tpu.vector_store %arg15[%swap3A_121, %swap3A_122], %broadcast_in_dim3A_7 {strides = array<i32>} : memref<32x512xi32, #tpu.memory_space<vmem>>, vector<16xi32>,
      %swap3A_124 = arith.index_cast %add3A_70 : i32 to index
      %swap3A_125 = arith.constant 288 : index
      %swap3A_126 = tpu.vector_load %arg15[%swap3A_124, %swap3A_125] {strides = array<i32>} : memref<32x512xi32, #tpu.memory_space<vmem>>, vector<16xi32>,
      tpu.vector_store %arg15[%swap3A_124, %swap3A_125], %broadcast_in_dim3A_7 {strides = array<i32>} : memref<32x512xi32, #tpu.memory_space<vmem>>, vector<16xi32>,
      %swap3A_127 = arith.index_cast %add3A_70 : i32 to index
      %swap3A_128 = arith.constant 304 : index
      %swap3A_129 = tpu.vector_load %arg15[%swap3A_127, %swap3A_128] {strides = array<i32>} : memref<32x512xi32, #tpu.memory_space<vmem>>, vector<16xi32>,
      tpu.vector_store %arg15[%swap3A_127, %swap3A_128], %broadcast_in_dim3A_7 {strides = array<i32>} : memref<32x512xi32, #tpu.memory_space<vmem>>, vector<16xi32>,
      %swap3A_130 = arith.index_cast %add3A_70 : i32 to index
      %swap3A_131 = arith.constant 320 : index
      %swap3A_132 = tpu.vector_load %arg15[%swap3A_130, %swap3A_131] {strides = array<i32>} : memref<32x512xi32, #tpu.memory_space<vmem>>, vector<16xi32>,
      tpu.vector_store %arg15[%swap3A_130, %swap3A_131], %broadcast_in_dim3A_7 {strides = array<i32>} : memref<32x512xi32, #tpu.memory_space<vmem>>, vector<16xi32>,
      %swap3A_133 = arith.index_cast %add3A_70 : i32 to index
      %swap3A_134 = arith.constant 336 : index
      %swap3A_135 = tpu.vector_load %arg15[%swap3A_133, %swap3A_134] {strides = array<i32>} : memref<32x512xi32, #tpu.memory_space<vmem>>, vector<16xi32>,
      tpu.vector_store %arg15[%swap3A_133, %swap3A_134], %broadcast_in_dim3A_7 {strides = array<i32>} : memref<32x512xi32, #tpu.memory_space<vmem>>, vector<16xi32>,
      %swap3A_136 = arith.index_cast %add3A_70 : i32 to index
      %swap3A_137 = arith.constant 352 : index
      %swap3A_138 = tpu.vector_load %arg15[%swap3A_136, %swap3A_137] {strides = array<i32>} : memref<32x512xi32, #tpu.memory_space<vmem>>, vector<16xi32>,
      tpu.vector_store %arg15[%swap3A_136, %swap3A_137], %broadcast_in_dim3A_7 {strides = array<i32>} : memref<32x512xi32, #tpu.memory_space<vmem>>, vector<16xi32>,
      %swap3A_139 = arith.index_cast %add3A_70 : i32 to index
      %swap3A_140 = arith.constant 368 : index
      %swap3A_141 = tpu.vector_load %arg15[%swap3A_139, %swap3A_140] {strides = array<i32>} : memref<32x512xi32, #tpu.memory_space<vmem>>, vector<16xi32>,
      tpu.vector_store %arg15[%swap3A_139, %swap3A_140], %broadcast_in_dim3A_7 {strides = array<i32>} : memref<32x512xi32, #tpu.memory_space<vmem>>, vector<16xi32>,
      %swap3A_142 = arith.index_cast %add3A_70 : i32 to index
      %swap3A_143 = arith.constant 384 : index
      %swap3A_144 = tpu.vector_load %arg15[%swap3A_142, %swap3A_143] {strides = array<i32>} : memref<32x512xi32, #tpu.memory_space<vmem>>, vector<16xi32>,
      tpu.vector_store %arg15[%swap3A_142, %swap3A_143], %broadcast_in_dim3A_7 {strides = array<i32>} : memref<32x512xi32, #tpu.memory_space<vmem>>, vector<16xi32>,
      %swap3A_145 = arith.index_cast %add3A_70 : i32 to index
      %swap3A_146 = arith.constant 400 : index
      %swap3A_147 = tpu.vector_load %arg15[%swap3A_145, %swap3A_146] {strides = array<i32>} : memref<32x512xi32, #tpu.memory_space<vmem>>, vector<16xi32>,
      tpu.vector_store %arg15[%swap3A_145, %swap3A_146], %broadcast_in_dim3A_7 {strides = array<i32>} : memref<32x512xi32, #tpu.memory_space<vmem>>, vector<16xi32>,
      %swap3A_148 = arith.index_cast %add3A_70 : i32 to index
      %swap3A_149 = arith.constant 416 : index
      %swap3A_150 = tpu.vector_load %arg15[%swap3A_148, %swap3A_149] {strides = array<i32>} : memref<32x512xi32, #tpu.memory_space<vmem>>, vector<16xi32>,
      tpu.vector_store %arg15[%swap3A_148, %swap3A_149], %broadcast_in_dim3A_7 {strides = array<i32>} : memref<32x512xi32, #tpu.memory_space<vmem>>, vector<16xi32>,
      %swap3A_151 = arith.index_cast %add3A_70 : i32 to index
      %swap3A_152 = arith.constant 432 : index
      %swap3A_153 = tpu.vector_load %arg15[%swap3A_151, %swap3A_152] {strides = array<i32>} : memref<32x512xi32, #tpu.memory_space<vmem>>, vector<16xi32>,
      tpu.vector_store %arg15[%swap3A_151, %swap3A_152], %broadcast_in_dim3A_7 {strides = array<i32>} : memref<32x512xi32, #tpu.memory_space<vmem>>, vector<16xi32>,
      %swap3A_154 = arith.index_cast %add3A_70 : i32 to index
      %swap3A_155 = arith.constant 448 : index
      %swap3A_156 = tpu.vector_load %arg15[%swap3A_154, %swap3A_155] {strides = array<i32>} : memref<32x512xi32, #tpu.memory_space<vmem>>, vector<16xi32>,
      tpu.vector_store %arg15[%swap3A_154, %swap3A_155], %broadcast_in_dim3A_7 {strides = array<i32>} : memref<32x512xi32, #tpu.memory_space<vmem>>, vector<16xi32>,
      %swap3A_157 = arith.index_cast %add3A_70 : i32 to index
      %swap3A_158 = arith.constant 464 : index
      %swap3A_159 = tpu.vector_load %arg15[%swap3A_157, %swap3A_158] {strides = array<i32>} : memref<32x512xi32, #tpu.memory_space<vmem>>, vector<16xi32>,
      tpu.vector_store %arg15[%swap3A_157, %swap3A_158], %broadcast_in_dim3A_7 {strides = array<i32>} : memref<32x512xi32, #tpu.memory_space<vmem>>, vector<16xi32>,
      %swap3A_160 = arith.index_cast %add3A_70 : i32 to index
      %swap3A_161 = arith.constant 480 : index
      %swap3A_162 = tpu.vector_load %arg15[%swap3A_160, %swap3A_161] {strides = array<i32>} : memref<32x512xi32, #tpu.memory_space<vmem>>, vector<16xi32>,
      tpu.vector_store %arg15[%swap3A_160, %swap3A_161], %broadcast_in_dim3A_7 {strides = array<i32>} : memref<32x512xi32, #tpu.memory_space<vmem>>, vector<16xi32>,
      %swap3A_163 = arith.index_cast %add3A_70 : i32 to index
      %swap3A_164 = arith.constant 496 : index
      %swap3A_165 = tpu.vector_load %arg15[%swap3A_163, %swap3A_164] {strides = array<i32>} : memref<32x512xi32, #tpu.memory_space<vmem>>, vector<16xi32>,
      tpu.vector_store %arg15[%swap3A_163, %swap3A_164], %broadcast_in_dim3A_7 {strides = array<i32>} : memref<32x512xi32, #tpu.memory_space<vmem>>, vector<16xi32>,
    }
    %scan3A_50 = arith.constant 32 : i32
    %dma_start3A_51 = arith.constant 1344 : i32
    %dma_start3A_52 = tpu.memref_slice %arg10[%dma_start3A_51] : memref<1600xi32, #tpu.memory_space<vmem>> -> memref<32xi32, #tpu.memory_space<vmem>>
    %dma_start3A_53 = arith.constant 0 : i32
    %dma_start3A_54 = arith.constant 0 : i32
    %dma_start3A_55 = tpu.memref_slice %arg3[%dma_start3A_53, %dma_start3A_54] : memref<16384x512xi32, #tpu.memory_space<hbm>> -> memref<16384x512xi32, #tpu.memory_space<hbm>>
    tpu.enqueue_indirect_dma source(%dma_start3A_55 : memref<16384x512xi32, #tpu.memory_space<hbm>>) target(%arg13 : memref<32x512xi32, #tpu.memory_space<vmem>>) offsets(%dma_start3A_52 : memref<32xi32, #tpu.memory_space<vmem>>) semaphore(%arg16 : memref<!tpu.dma_semaphore, #tpu.memory_space<semaphore_mem>>)
    %dma_start3A_56 = arith.constant 1376 : i32
    %dma_start3A_57 = tpu.memref_slice %arg10[%dma_start3A_56] : memref<1600xi32, #tpu.memory_space<vmem>> -> memref<32xi32, #tpu.memory_space<vmem>>
    %dma_start3A_58 = arith.constant 0 : i32
    %dma_start3A_59 = arith.constant 0 : i32
    %dma_start3A_60 = tpu.memref_slice %arg3[%dma_start3A_58, %dma_start3A_59] : memref<16384x512xi32, #tpu.memory_space<hbm>> -> memref<16384x512xi32, #tpu.memory_space<hbm>>
    tpu.enqueue_indirect_dma source(%dma_start3A_60 : memref<16384x512xi32, #tpu.memory_space<hbm>>) target(%arg14 : memref<32x512xi32, #tpu.memory_space<vmem>>) offsets(%dma_start3A_57 : memref<32xi32, #tpu.memory_space<vmem>>) semaphore(%arg17 : memref<!tpu.dma_semaphore, #tpu.memory_space<semaphore_mem>>)
    %scan3A_61 = arith.constant 0 : i32
    %scan3A_62 = arith.constant 4 : i32
    %scan3A_63 = arith.addi %scan3A_61, %scan3A_62 : i32
    %scan3A_64 = arith.constant 1 : i32
    scf.for %scan3A_66 = %scan3A_61 to %scan3A_63 step %scan3A_64  : i32 {
      %mul3A_67 = arith.constant 1 : i32
      %mul3A_68 = arith.muli %scan3A_66, %mul3A_67 : i32
      %add3A_69 = arith.constant 0 : i32
      %add3A_70 = arith.addi %add3A_69, %mul3A_68 : i32
      %mul3A_71 = arith.constant 2 : i32
      %mul3A_72 = arith.muli %mul3A_71, %add3A_70 : i32
      %add3A_73 = arith.constant 42 : i32
      %add3A_74 = arith.addi %add3A_73, %mul3A_72 : i32
      %dma_wait3A = arith.constant 0 : i32
      %dma_wait3A_75 = tpu.memref_slice %arg10[%dma_wait3A] : memref<1600xi32, #tpu.memory_space<vmem>> -> memref<32xi32, #tpu.memory_space<vmem>>
      %dma_wait3A_76 = arith.constant 0 : i32
      %dma_wait3A_77 = arith.constant 0 : i32
      %dma_wait3A_78 = tpu.memref_slice %arg3[%dma_wait3A_76, %dma_wait3A_77] : memref<16384x512xi32, #tpu.memory_space<hbm>> -> memref<16384x512xi32, #tpu.memory_space<hbm>>
      tpu.wait_indirect_dma semaphore(%arg16 : memref<!tpu.dma_semaphore, #tpu.memory_space<semaphore_mem>>) src(%dma_wait3A_78 : memref<16384x512xi32, #tpu.memory_space<hbm>>) dst(%arg13 : memref<32x512xi32, #tpu.memory_space<vmem>>)
      %scan3A_79 = arith.constant 0 : i32
      %scan3A_80 = arith.constant 32 : i32
      %scan3A_81 = arith.addi %scan3A_79, %scan3A_80 : i32
      %scan3A_82 = arith.constant 1 : i32
      scf.for %scan3A_105 = %scan3A_79 to %scan3A_81 step %scan3A_82  : i32 {
        %mul3A_106 = arith.constant 1 : i32
        %mul3A_107 = arith.muli %scan3A_105, %mul3A_106 : i32
        %add3A_108 = arith.constant 0 : i32
        %add3A_109 = arith.addi %add3A_108, %mul3A_107 : i32
        %get3A = arith.index_cast %add3A_109 : i32 to index
        %get3A_110 = arith.constant 0 : index
        %get3A_111 = tpu.vector_load %arg15[%get3A, %get3A_110] {strides = array<i32>} : memref<32x512xi32, #tpu.memory_space<vmem>>, vector<16xi32>,
        %bitcast3A = vector.bitcast %get3A_111 : vector<16xi32> to vector<32xbf16>
        %get3A_112 = arith.index_cast %add3A_109 : i32 to index
        %get3A_113 = arith.constant 0 : index
        %get3A_114 = tpu.vector_load %arg13[%get3A_112, %get3A_113] {strides = array<i32>} : memref<32x512xi32, #tpu.memory_space<vmem>>, vector<16xi32>,
        %bitcast3A_115 = vector.bitcast %get3A_114 : vector<16xi32> to vector<32xbf16>
        %add3A_116 = arith.addf %bitcast3A, %bitcast3A_115 : vector<32xbf16>
        %bitcast3A_117 = vector.bitcast %add3A_116 : vector<32xbf16> to vector<16xi32>
        %swap3A = arith.index_cast %add3A_109 : i32 to index
        %swap3A_118 = arith.constant 0 : index
        %swap3A_119 = tpu.vector_load %arg15[%swap3A, %swap3A_118] {strides = array<i32>} : memref<32x512xi32, #tpu.memory_space<vmem>>, vector<16xi32>,
        tpu.vector_store %arg15[%swap3A, %swap3A_118], %bitcast3A_117 {strides = array<i32>} : memref<32x512xi32, #tpu.memory_space<vmem>>, vector<16xi32>,
        %get3A_120 = arith.index_cast %add3A_109 : i32 to index
        %get3A_121 = arith.constant 16 : index
        %get3A_122 = tpu.vector_load %arg15[%get3A_120, %get3A_121] {strides = array<i32>} : memref<32x512xi32, #tpu.memory_space<vmem>>, vector<16xi32>,
        %bitcast3A_123 = vector.bitcast %get3A_122 : vector<16xi32> to vector<32xbf16>
        %get3A_124 = arith.index_cast %add3A_109 : i32 to index
        %get3A_125 = arith.constant 16 : index
        %get3A_126 = tpu.vector_load %arg13[%get3A_124, %get3A_125] {strides = array<i32>} : memref<32x512xi32, #tpu.memory_space<vmem>>, vector<16xi32>,
        %bitcast3A_127 = vector.bitcast %get3A_126 : vector<16xi32> to vector<32xbf16>
        %add3A_128 = arith.addf %bitcast3A_123, %bitcast3A_127 : vector<32xbf16>
        %bitcast3A_129 = vector.bitcast %add3A_128 : vector<32xbf16> to vector<16xi32>
        %swap3A_130 = arith.index_cast %add3A_109 : i32 to index
        %swap3A_131 = arith.constant 16 : index
        %swap3A_132 = tpu.vector_load %arg15[%swap3A_130, %swap3A_131] {strides = array<i32>} : memref<32x512xi32, #tpu.memory_space<vmem>>, vector<16xi32>,
        tpu.vector_store %arg15[%swap3A_130, %swap3A_131], %bitcast3A_129 {strides = array<i32>} : memref<32x512xi32, #tpu.memory_space<vmem>>, vector<16xi32>,
        %get3A_133 = arith.index_cast %add3A_109 : i32 to index
        %get3A_134 = arith.constant 32 : index
        %get3A_135 = tpu.vector_load %arg15[%get3A_133, %get3A_134] {strides = array<i32>} : memref<32x512xi32, #tpu.memory_space<vmem>>, vector<16xi32>,
        %bitcast3A_136 = vector.bitcast %get3A_135 : vector<16xi32> to vector<32xbf16>
        %get3A_137 = arith.index_cast %add3A_109 : i32 to index
        %get3A_138 = arith.constant 32 : index
        %get3A_139 = tpu.vector_load %arg13[%get3A_137, %get3A_138] {strides = array<i32>} : memref<32x512xi32, #tpu.memory_space<vmem>>, vector<16xi32>,
        %bitcast3A_140 = vector.bitcast %get3A_139 : vector<16xi32> to vector<32xbf16>
        %add3A_141 = arith.addf %bitcast3A_136, %bitcast3A_140 : vector<32xbf16>
        %bitcast3A_142 = vector.bitcast %add3A_141 : vector<32xbf16> to vector<16xi32>
        %swap3A_143 = arith.index_cast %add3A_109 : i32 to index
        %swap3A_144 = arith.constant 32 : index
        %swap3A_145 = tpu.vector_load %arg15[%swap3A_143, %swap3A_144] {strides = array<i32>} : memref<32x512xi32, #tpu.memory_space<vmem>>, vector<16xi32>,
        tpu.vector_store %arg15[%swap3A_143, %swap3A_144], %bitcast3A_142 {strides = array<i32>} : memref<32x512xi32, #tpu.memory_space<vmem>>, vector<16xi32>,
        %get3A_146 = arith.index_cast %add3A_109 : i32 to index
        %get3A_147 = arith.constant 48 : index
        %get3A_148 = tpu.vector_load %arg15[%get3A_146, %get3A_147] {strides = array<i32>} : memref<32x512xi32, #tpu.memory_space<vmem>>, vector<16xi32>,
        %bitcast3A_149 = vector.bitcast %get3A_148 : vector<16xi32> to vector<32xbf16>
        %get3A_150 = arith.index_cast %add3A_109 : i32 to index
        %get3A_151 = arith.constant 48 : index
        %get3A_152 = tpu.vector_load %arg13[%get3A_150, %get3A_151] {strides = array<i32>} : memref<32x512xi32, #tpu.memory_space<vmem>>, vector<16xi32>,
        %bitcast3A_153 = vector.bitcast %get3A_152 : vector<16xi32> to vector<32xbf16>
        %add3A_154 = arith.addf %bitcast3A_149, %bitcast3A_153 : vector<32xbf16>
        %bitcast3A_155 = vector.bitcast %add3A_154 : vector<32xbf16> to vector<16xi32>
        %swap3A_156 = arith.index_cast %add3A_109 : i32 to index
        %swap3A_157 = arith.constant 48 : index
        %swap3A_158 = tpu.vector_load %arg15[%swap3A_156, %swap3A_157] {strides = array<i32>} : memref<32x512xi32, #tpu.memory_space<vmem>>, vector<16xi32>,
        tpu.vector_store %arg15[%swap3A_156, %swap3A_157], %bitcast3A_155 {strides = array<i32>} : memref<32x512xi32, #tpu.memory_space<vmem>>, vector<16xi32>,
        %get3A_159 = arith.index_cast %add3A_109 : i32 to index
        %get3A_160 = arith.constant 64 : index
        %get3A_161 = tpu.vector_load %arg15[%get3A_159, %get3A_160] {strides = array<i32>} : memref<32x512xi32, #tpu.memory_space<vmem>>, vector<16xi32>,
        %bitcast3A_162 = vector.bitcast %get3A_161 : vector<16xi32> to vector<32xbf16>
        %get3A_163 = arith.index_cast %add3A_109 : i32 to index
        %get3A_164 = arith.constant 64 : index
        %get3A_165 = tpu.vector_load %arg13[%get3A_163, %get3A_164] {strides = array<i32>} : memref<32x512xi32, #tpu.memory_space<vmem>>, vector<16xi32>,
        %bitcast3A_166 = vector.bitcast %get3A_165 : vector<16xi32> to vector<32xbf16>
        %add3A_167 = arith.addf %bitcast3A_162, %bitcast3A_166 : vector<32xbf16>
        %bitcast3A_168 = vector.bitcast %add3A_167 : vector<32xbf16> to vector<16xi32>
        %swap3A_169 = arith.index_cast %add3A_109 : i32 to index
        %swap3A_170 = arith.constant 64 : index
        %swap3A_171 = tpu.vector_load %arg15[%swap3A_169, %swap3A_170] {strides = array<i32>} : memref<32x512xi32, #tpu.memory_space<vmem>>, vector<16xi32>,
        tpu.vector_store %arg15[%swap3A_169, %swap3A_170], %bitcast3A_168 {strides = array<i32>} : memref<32x512xi32, #tpu.memory_space<vmem>>, vector<16xi32>,
        %get3A_172 = arith.index_cast %add3A_109 : i32 to index
        %get3A_173 = arith.constant 80 : index
        %get3A_174 = tpu.vector_load %arg15[%get3A_172, %get3A_173] {strides = array<i32>} : memref<32x512xi32, #tpu.memory_space<vmem>>, vector<16xi32>,
        %bitcast3A_175 = vector.bitcast %get3A_174 : vector<16xi32> to vector<32xbf16>
        %get3A_176 = arith.index_cast %add3A_109 : i32 to index
        %get3A_177 = arith.constant 80 : index
        %get3A_178 = tpu.vector_load %arg13[%get3A_176, %get3A_177] {strides = array<i32>} : memref<32x512xi32, #tpu.memory_space<vmem>>, vector<16xi32>,
        %bitcast3A_179 = vector.bitcast %get3A_178 : vector<16xi32> to vector<32xbf16>
        %add3A_180 = arith.addf %bitcast3A_175, %bitcast3A_179 : vector<32xbf16>
        %bitcast3A_181 = vector.bitcast %add3A_180 : vector<32xbf16> to vector<16xi32>
        %swap3A_182 = arith.index_cast %add3A_109 : i32 to index
        %swap3A_183 = arith.constant 80 : index
        %swap3A_184 = tpu.vector_load %arg15[%swap3A_182, %swap3A_183] {strides = array<i32>} : memref<32x512xi32, #tpu.memory_space<vmem>>, vector<16xi32>,
        tpu.vector_store %arg15[%swap3A_182, %swap3A_183], %bitcast3A_181 {strides = array<i32>} : memref<32x512xi32, #tpu.memory_space<vmem>>, vector<16xi32>,
        %get3A_185 = arith.index_cast %add3A_109 : i32 to index
        %get3A_186 = arith.constant 96 : index
        %get3A_187 = tpu.vector_load %arg15[%get3A_185, %get3A_186] {strides = array<i32>} : memref<32x512xi32, #tpu.memory_space<vmem>>, vector<16xi32>,
        %bitcast3A_188 = vector.bitcast %get3A_187 : vector<16xi32> to vector<32xbf16>
        %get3A_189 = arith.index_cast %add3A_109 : i32 to index
        %get3A_190 = arith.constant 96 : index
        %get3A_191 = tpu.vector_load %arg13[%get3A_189, %get3A_190] {strides = array<i32>} : memref<32x512xi32, #tpu.memory_space<vmem>>, vector<16xi32>,
        %bitcast3A_192 = vector.bitcast %get3A_191 : vector<16xi32> to vector<32xbf16>
        %add3A_193 = arith.addf %bitcast3A_188, %bitcast3A_192 : vector<32xbf16>
        %bitcast3A_194 = vector.bitcast %add3A_193 : vector<32xbf16> to vector<16xi32>
        %swap3A_195 = arith.index_cast %add3A_109 : i32 to index
        %swap3A_196 = arith.constant 96 : index
        %swap3A_197 = tpu.vector_load %arg15[%swap3A_195, %swap3A_196] {strides = array<i32>} : memref<32x512xi32, #tpu.memory_space<vmem>>, vector<16xi32>,
        tpu.vector_store %arg15[%swap3A_195, %swap3A_196], %bitcast3A_194 {strides = array<i32>} : memref<32x512xi32, #tpu.memory_space<vmem>>, vector<16xi32>,
        %get3A_198 = arith.index_cast %add3A_109 : i32 to index
        %get3A_199 = arith.constant 112 : index
        %get3A_200 = tpu.vector_load %arg15[%get3A_198, %get3A_199] {strides = array<i32>} : memref<32x512xi32, #tpu.memory_space<vmem>>, vector<16xi32>,
        %bitcast3A_201 = vector.bitcast %get3A_200 : vector<16xi32> to vector<32xbf16>
        %get3A_202 = arith.index_cast %add3A_109 : i32 to index
        %get3A_203 = arith.constant 112 : index
        %get3A_204 = tpu.vector_load %arg13[%get3A_202, %get3A_203] {strides = array<i32>} : memref<32x512xi32, #tpu.memory_space<vmem>>, vector<16xi32>,
        %bitcast3A_205 = vector.bitcast %get3A_204 : vector<16xi32> to vector<32xbf16>
        %add3A_206 = arith.addf %bitcast3A_201, %bitcast3A_205 : vector<32xbf16>
        %bitcast3A_207 = vector.bitcast %add3A_206 : vector<32xbf16> to vector<16xi32>
        %swap3A_208 = arith.index_cast %add3A_109 : i32 to index
        %swap3A_209 = arith.constant 112 : index
        %swap3A_210 = tpu.vector_load %arg15[%swap3A_208, %swap3A_209] {strides = array<i32>} : memref<32x512xi32, #tpu.memory_space<vmem>>, vector<16xi32>,
        tpu.vector_store %arg15[%swap3A_208, %swap3A_209], %bitcast3A_207 {strides = array<i32>} : memref<32x512xi32, #tpu.memory_space<vmem>>, vector<16xi32>,
        %get3A_211 = arith.index_cast %add3A_109 : i32 to index
        %get3A_212 = arith.constant 128 : index
        %get3A_213 = tpu.vector_load %arg15[%get3A_211, %get3A_212] {strides = array<i32>} : memref<32x512xi32, #tpu.memory_space<vmem>>, vector<16xi32>,
        %bitcast3A_214 = vector.bitcast %get3A_213 : vector<16xi32> to vector<32xbf16>
        %get3A_215 = arith.index_cast %add3A_109 : i32 to index
        %get3A_216 = arith.constant 128 : index
        %get3A_217 = tpu.vector_load %arg13[%get3A_215, %get3A_216] {strides = array<i32>} : memref<32x512xi32, #tpu.memory_space<vmem>>, vector<16xi32>,
        %bitcast3A_218 = vector.bitcast %get3A_217 : vector<16xi32> to vector<32xbf16>
        %add3A_219 = arith.addf %bitcast3A_214, %bitcast3A_218 : vector<32xbf16>
        %bitcast3A_220 = vector.bitcast %add3A_219 : vector<32xbf16> to vector<16xi32>
        %swap3A_221 = arith.index_cast %add3A_109 : i32 to index
        %swap3A_222 = arith.constant 128 : index
        %swap3A_223 = tpu.vector_load %arg15[%swap3A_221, %swap3A_222] {strides = array<i32>} : memref<32x512xi32, #tpu.memory_space<vmem>>, vector<16xi32>,
        tpu.vector_store %arg15[%swap3A_221, %swap3A_222], %bitcast3A_220 {strides = array<i32>} : memref<32x512xi32, #tpu.memory_space<vmem>>, vector<16xi32>,
        %get3A_224 = arith.index_cast %add3A_109 : i32 to index
        %get3A_225 = arith.constant 144 : index
        %get3A_226 = tpu.vector_load %arg15[%get3A_224, %get3A_225] {strides = array<i32>} : memref<32x512xi32, #tpu.memory_space<vmem>>, vector<16xi32>,
        %bitcast3A_227 = vector.bitcast %get3A_226 : vector<16xi32> to vector<32xbf16>
        %get3A_228 = arith.index_cast %add3A_109 : i32 to index
        %get3A_229 = arith.constant 144 : index
        %get3A_230 = tpu.vector_load %arg13[%get3A_228, %get3A_229] {strides = array<i32>} : memref<32x512xi32, #tpu.memory_space<vmem>>, vector<16xi32>,
        %bitcast3A_231 = vector.bitcast %get3A_230 : vector<16xi32> to vector<32xbf16>
        %add3A_232 = arith.addf %bitcast3A_227, %bitcast3A_231 : vector<32xbf16>
        %bitcast3A_233 = vector.bitcast %add3A_232 : vector<32xbf16> to vector<16xi32>
        %swap3A_234 = arith.index_cast %add3A_109 : i32 to index
        %swap3A_235 = arith.constant 144 : index
        %swap3A_236 = tpu.vector_load %arg15[%swap3A_234, %swap3A_235] {strides = array<i32>} : memref<32x512xi32, #tpu.memory_space<vmem>>, vector<16xi32>,
        tpu.vector_store %arg15[%swap3A_234, %swap3A_235], %bitcast3A_233 {strides = array<i32>} : memref<32x512xi32, #tpu.memory_space<vmem>>, vector<16xi32>,
        %get3A_237 = arith.index_cast %add3A_109 : i32 to index
        %get3A_238 = arith.constant 160 : index
        %get3A_239 = tpu.vector_load %arg15[%get3A_237, %get3A_238] {strides = array<i32>} : memref<32x512xi32, #tpu.memory_space<vmem>>, vector<16xi32>,
        %bitcast3A_240 = vector.bitcast %get3A_239 : vector<16xi32> to vector<32xbf16>
        %get3A_241 = arith.index_cast %add3A_109 : i32 to index
        %get3A_242 = arith.constant 160 : index
        %get3A_243 = tpu.vector_load %arg13[%get3A_241, %get3A_242] {strides = array<i32>} : memref<32x512xi32, #tpu.memory_space<vmem>>, vector<16xi32>,
        %bitcast3A_244 = vector.bitcast %get3A_243 : vector<16xi32> to vector<32xbf16>
        %add3A_245 = arith.addf %bitcast3A_240, %bitcast3A_244 : vector<32xbf16>
        %bitcast3A_246 = vector.bitcast %add3A_245 : vector<32xbf16> to vector<16xi32>
        %swap3A_247 = arith.index_cast %add3A_109 : i32 to index
        %swap3A_248 = arith.constant 160 : index
        %swap3A_249 = tpu.vector_load %arg15[%swap3A_247, %swap3A_248] {strides = array<i32>} : memref<32x512xi32, #tpu.memory_space<vmem>>, vector<16xi32>,
        tpu.vector_store %arg15[%swap3A_247, %swap3A_248], %bitcast3A_246 {strides = array<i32>} : memref<32x512xi32, #tpu.memory_space<vmem>>, vector<16xi32>,
        %get3A_250 = arith.index_cast %add3A_109 : i32 to index
        %get3A_251 = arith.constant 176 : index
        %get3A_252 = tpu.vector_load %arg15[%get3A_250, %get3A_251] {strides = array<i32>} : memref<32x512xi32, #tpu.memory_space<vmem>>, vector<16xi32>,
        %bitcast3A_253 = vector.bitcast %get3A_252 : vector<16xi32> to vector<32xbf16>
        %get3A_254 = arith.index_cast %add3A_109 : i32 to index
        %get3A_255 = arith.constant 176 : index
        %get3A_256 = tpu.vector_load %arg13[%get3A_254, %get3A_255] {strides = array<i32>} : memref<32x512xi32, #tpu.memory_space<vmem>>, vector<16xi32>,
        %bitcast3A_257 = vector.bitcast %get3A_256 : vector<16xi32> to vector<32xbf16>
        %add3A_258 = arith.addf %bitcast3A_253, %bitcast3A_257 : vector<32xbf16>
        %bitcast3A_259 = vector.bitcast %add3A_258 : vector<32xbf16> to vector<16xi32>
        %swap3A_260 = arith.index_cast %add3A_109 : i32 to index
        %swap3A_261 = arith.constant 176 : index
        %swap3A_262 = tpu.vector_load %arg15[%swap3A_260, %swap3A_261] {strides = array<i32>} : memref<32x512xi32, #tpu.memory_space<vmem>>, vector<16xi32>,
        tpu.vector_store %arg15[%swap3A_260, %swap3A_261], %bitcast3A_259 {strides = array<i32>} : memref<32x512xi32, #tpu.memory_space<vmem>>, vector<16xi32>,
        %get3A_263 = arith.index_cast %add3A_109 : i32 to index
        %get3A_264 = arith.constant 192 : index
        %get3A_265 = tpu.vector_load %arg15[%get3A_263, %get3A_264] {strides = array<i32>} : memref<32x512xi32, #tpu.memory_space<vmem>>, vector<16xi32>,
        %bitcast3A_266 = vector.bitcast %get3A_265 : vector<16xi32> to vector<32xbf16>
        %get3A_267 = arith.index_cast %add3A_109 : i32 to index
        %get3A_268 = arith.constant 192 : index
        %get3A_269 = tpu.vector_load %arg13[%get3A_267, %get3A_268] {strides = array<i32>} : memref<32x512xi32, #tpu.memory_space<vmem>>, vector<16xi32>,
        %bitcast3A_270 = vector.bitcast %get3A_269 : vector<16xi32> to vector<32xbf16>
        %add3A_271 = arith.addf %bitcast3A_266, %bitcast3A_270 : vector<32xbf16>
        %bitcast3A_272 = vector.bitcast %add3A_271 : vector<32xbf16> to vector<16xi32>
        %swap3A_273 = arith.index_cast %add3A_109 : i32 to index
        %swap3A_274 = arith.constant 192 : index
        %swap3A_275 = tpu.vector_load %arg15[%swap3A_273, %swap3A_274] {strides = array<i32>} : memref<32x512xi32, #tpu.memory_space<vmem>>, vector<16xi32>,
        tpu.vector_store %arg15[%swap3A_273, %swap3A_274], %bitcast3A_272 {strides = array<i32>} : memref<32x512xi32, #tpu.memory_space<vmem>>, vector<16xi32>,
        %get3A_276 = arith.index_cast %add3A_109 : i32 to index
        %get3A_277 = arith.constant 208 : index
        %get3A_278 = tpu.vector_load %arg15[%get3A_276, %get3A_277] {strides = array<i32>} : memref<32x512xi32, #tpu.memory_space<vmem>>, vector<16xi32>,
        %bitcast3A_279 = vector.bitcast %get3A_278 : vector<16xi32> to vector<32xbf16>
        %get3A_280 = arith.index_cast %add3A_109 : i32 to index
        %get3A_281 = arith.constant 208 : index
        %get3A_282 = tpu.vector_load %arg13[%get3A_280, %get3A_281] {strides = array<i32>} : memref<32x512xi32, #tpu.memory_space<vmem>>, vector<16xi32>,
        %bitcast3A_283 = vector.bitcast %get3A_282 : vector<16xi32> to vector<32xbf16>
        %add3A_284 = arith.addf %bitcast3A_279, %bitcast3A_283 : vector<32xbf16>
        %bitcast3A_285 = vector.bitcast %add3A_284 : vector<32xbf16> to vector<16xi32>
        %swap3A_286 = arith.index_cast %add3A_109 : i32 to index
        %swap3A_287 = arith.constant 208 : index
        %swap3A_288 = tpu.vector_load %arg15[%swap3A_286, %swap3A_287] {strides = array<i32>} : memref<32x512xi32, #tpu.memory_space<vmem>>, vector<16xi32>,
        tpu.vector_store %arg15[%swap3A_286, %swap3A_287], %bitcast3A_285 {strides = array<i32>} : memref<32x512xi32, #tpu.memory_space<vmem>>, vector<16xi32>,
        %get3A_289 = arith.index_cast %add3A_109 : i32 to index
        %get3A_290 = arith.constant 224 : index
        %get3A_291 = tpu.vector_load %arg15[%get3A_289, %get3A_290] {strides = array<i32>} : memref<32x512xi32, #tpu.memory_space<vmem>>, vector<16xi32>,
        %bitcast3A_292 = vector.bitcast %get3A_291 : vector<16xi32> to vector<32xbf16>
        %get3A_293 = arith.index_cast %add3A_109 : i32 to index
        %get3A_294 = arith.constant 224 : index
        %get3A_295 = tpu.vector_load %arg13[%get3A_293, %get3A_294] {strides = array<i32>} : memref<32x512xi32, #tpu.memory_space<vmem>>, vector<16xi32>,
        %bitcast3A_296 = vector.bitcast %get3A_295 : vector<16xi32> to vector<32xbf16>
        %add3A_297 = arith.addf %bitcast3A_292, %bitcast3A_296 : vector<32xbf16>
        %bitcast3A_298 = vector.bitcast %add3A_297 : vector<32xbf16> to vector<16xi32>
        %swap3A_299 = arith.index_cast %add3A_109 : i32 to index
        %swap3A_300 = arith.constant 224 : index
        %swap3A_301 = tpu.vector_load %arg15[%swap3A_299, %swap3A_300] {strides = array<i32>} : memref<32x512xi32, #tpu.memory_space<vmem>>, vector<16xi32>,
        tpu.vector_store %arg15[%swap3A_299, %swap3A_300], %bitcast3A_298 {strides = array<i32>} : memref<32x512xi32, #tpu.memory_space<vmem>>, vector<16xi32>,
        %get3A_302 = arith.index_cast %add3A_109 : i32 to index
        %get3A_303 = arith.constant 240 : index
        %get3A_304 = tpu.vector_load %arg15[%get3A_302, %get3A_303] {strides = array<i32>} : memref<32x512xi32, #tpu.memory_space<vmem>>, vector<16xi32>,
        %bitcast3A_305 = vector.bitcast %get3A_304 : vector<16xi32> to vector<32xbf16>
        %get3A_306 = arith.index_cast %add3A_109 : i32 to index
        %get3A_307 = arith.constant 240 : index
        %get3A_308 = tpu.vector_load %arg13[%get3A_306, %get3A_307] {strides = array<i32>} : memref<32x512xi32, #tpu.memory_space<vmem>>, vector<16xi32>,
        %bitcast3A_309 = vector.bitcast %get3A_308 : vector<16xi32> to vector<32xbf16>
        %add3A_310 = arith.addf %bitcast3A_305, %bitcast3A_309 : vector<32xbf16>
        %bitcast3A_311 = vector.bitcast %add3A_310 : vector<32xbf16> to vector<16xi32>
        %swap3A_312 = arith.index_cast %add3A_109 : i32 to index
        %swap3A_313 = arith.constant 240 : index
        %swap3A_314 = tpu.vector_load %arg15[%swap3A_312, %swap3A_313] {strides = array<i32>} : memref<32x512xi32, #tpu.memory_space<vmem>>, vector<16xi32>,
        tpu.vector_store %arg15[%swap3A_312, %swap3A_313], %bitcast3A_311 {strides = array<i32>} : memref<32x512xi32, #tpu.memory_space<vmem>>, vector<16xi32>,
        %get3A_315 = arith.index_cast %add3A_109 : i32 to index
        %get3A_316 = arith.constant 256 : index
        %get3A_317 = tpu.vector_load %arg15[%get3A_315, %get3A_316] {strides = array<i32>} : memref<32x512xi32, #tpu.memory_space<vmem>>, vector<16xi32>,
        %bitcast3A_318 = vector.bitcast %get3A_317 : vector<16xi32> to vector<32xbf16>
        %get3A_319 = arith.index_cast %add3A_109 : i32 to index
        %get3A_320 = arith.constant 256 : index
        %get3A_321 = tpu.vector_load %arg13[%get3A_319, %get3A_320] {strides = array<i32>} : memref<32x512xi32, #tpu.memory_space<vmem>>, vector<16xi32>,
        %bitcast3A_322 = vector.bitcast %get3A_321 : vector<16xi32> to vector<32xbf16>
        %add3A_323 = arith.addf %bitcast3A_318, %bitcast3A_322 : vector<32xbf16>
        %bitcast3A_324 = vector.bitcast %add3A_323 : vector<32xbf16> to vector<16xi32>
        %swap3A_325 = arith.index_cast %add3A_109 : i32 to index
        %swap3A_326 = arith.constant 256 : index
        %swap3A_327 = tpu.vector_load %arg15[%swap3A_325, %swap3A_326] {strides = array<i32>} : memref<32x512xi32, #tpu.memory_space<vmem>>, vector<16xi32>,
        tpu.vector_store %arg15[%swap3A_325, %swap3A_326], %bitcast3A_324 {strides = array<i32>} : memref<32x512xi32, #tpu.memory_space<vmem>>, vector<16xi32>,
        %get3A_328 = arith.index_cast %add3A_109 : i32 to index
        %get3A_329 = arith.constant 272 : index
        %get3A_330 = tpu.vector_load %arg15[%get3A_328, %get3A_329] {strides = array<i32>} : memref<32x512xi32, #tpu.memory_space<vmem>>, vector<16xi32>,
        %bitcast3A_331 = vector.bitcast %get3A_330 : vector<16xi32> to vector<32xbf16>
        %get3A_332 = arith.index_cast %add3A_109 : i32 to index
        %get3A_333 = arith.constant 272 : index
        %get3A_334 = tpu.vector_load %arg13[%get3A_332, %get3A_333] {strides = array<i32>} : memref<32x512xi32, #tpu.memory_space<vmem>>, vector<16xi32>,
        %bitcast3A_335 = vector.bitcast %get3A_334 : vector<16xi32> to vector<32xbf16>
        %add3A_336 = arith.addf %bitcast3A_331, %bitcast3A_335 : vector<32xbf16>
        %bitcast3A_337 = vector.bitcast %add3A_336 : vector<32xbf16> to vector<16xi32>
        %swap3A_338 = arith.index_cast %add3A_109 : i32 to index
        %swap3A_339 = arith.constant 272 : index
        %swap3A_340 = tpu.vector_load %arg15[%swap3A_338, %swap3A_339] {strides = array<i32>} : memref<32x512xi32, #tpu.memory_space<vmem>>, vector<16xi32>,
        tpu.vector_store %arg15[%swap3A_338, %swap3A_339], %bitcast3A_337 {strides = array<i32>} : memref<32x512xi32, #tpu.memory_space<vmem>>, vector<16xi32>,
        %get3A_341 = arith.index_cast %add3A_109 : i32 to index
        %get3A_342 = arith.constant 288 : index
        %get3A_343 = tpu.vector_load %arg15[%get3A_341, %get3A_342] {strides = array<i32>} : memref<32x512xi32, #tpu.memory_space<vmem>>, vector<16xi32>,
        %bitcast3A_344 = vector.bitcast %get3A_343 : vector<16xi32> to vector<32xbf16>
        %get3A_345 = arith.index_cast %add3A_109 : i32 to index
        %get3A_346 = arith.constant 288 : index
        %get3A_347 = tpu.vector_load %arg13[%get3A_345, %get3A_346] {strides = array<i32>} : memref<32x512xi32, #tpu.memory_space<vmem>>, vector<16xi32>,
        %bitcast3A_348 = vector.bitcast %get3A_347 : vector<16xi32> to vector<32xbf16>
        %add3A_349 = arith.addf %bitcast3A_344, %bitcast3A_348 : vector<32xbf16>
        %bitcast3A_350 = vector.bitcast %add3A_349 : vector<32xbf16> to vector<16xi32>
        %swap3A_351 = arith.index_cast %add3A_109 : i32 to index
        %swap3A_352 = arith.constant 288 : index
        %swap3A_353 = tpu.vector_load %arg15[%swap3A_351, %swap3A_352] {strides = array<i32>} : memref<32x512xi32, #tpu.memory_space<vmem>>, vector<16xi32>,
        tpu.vector_store %arg15[%swap3A_351, %swap3A_352], %bitcast3A_350 {strides = array<i32>} : memref<32x512xi32, #tpu.memory_space<vmem>>, vector<16xi32>,
        %get3A_354 = arith.index_cast %add3A_109 : i32 to index
        %get3A_355 = arith.constant 304 : index
        %get3A_356 = tpu.vector_load %arg15[%get3A_354, %get3A_355] {strides = array<i32>} : memref<32x512xi32, #tpu.memory_space<vmem>>, vector<16xi32>,
        %bitcast3A_357 = vector.bitcast %get3A_356 : vector<16xi32> to vector<32xbf16>
        %get3A_358 = arith.index_cast %add3A_109 : i32 to index
        %get3A_359 = arith.constant 304 : index
        %get3A_360 = tpu.vector_load %arg13[%get3A_358, %get3A_359] {strides = array<i32>} : memref<32x512xi32, #tpu.memory_space<vmem>>, vector<16xi32>,
        %bitcast3A_361 = vector.bitcast %get3A_360 : vector<16xi32> to vector<32xbf16>
        %add3A_362 = arith.addf %bitcast3A_357, %bitcast3A_361 : vector<32xbf16>
        %bitcast3A_363 = vector.bitcast %add3A_362 : vector<32xbf16> to vector<16xi32>
        %swap3A_364 = arith.index_cast %add3A_109 : i32 to index
        %swap3A_365 = arith.constant 304 : index
        %swap3A_366 = tpu.vector_load %arg15[%swap3A_364, %swap3A_365] {strides = array<i32>} : memref<32x512xi32, #tpu.memory_space<vmem>>, vector<16xi32>,
        tpu.vector_store %arg15[%swap3A_364, %swap3A_365], %bitcast3A_363 {strides = array<i32>} : memref<32x512xi32, #tpu.memory_space<vmem>>, vector<16xi32>,
        %get3A_367 = arith.index_cast %add3A_109 : i32 to index
        %get3A_368 = arith.constant 320 : index
        %get3A_369 = tpu.vector_load %arg15[%get3A_367, %get3A_368] {strides = array<i32>} : memref<32x512xi32, #tpu.memory_space<vmem>>, vector<16xi32>,
        %bitcast3A_370 = vector.bitcast %get3A_369 : vector<16xi32> to vector<32xbf16>
        %get3A_371 = arith.index_cast %add3A_109 : i32 to index
        %get3A_372 = arith.constant 320 : index
        %get3A_373 = tpu.vector_load %arg13[%get3A_371, %get3A_372] {strides = array<i32>} : memref<32x512xi32, #tpu.memory_space<vmem>>, vector<16xi32>,
        %bitcast3A_374 = vector.bitcast %get3A_373 : vector<16xi32> to vector<32xbf16>
        %add3A_375 = arith.addf %bitcast3A_370, %bitcast3A_374 : vector<32xbf16>
        %bitcast3A_376 = vector.bitcast %add3A_375 : vector<32xbf16> to vector<16xi32>
        %swap3A_377 = arith.index_cast %add3A_109 : i32 to index
        %swap3A_378 = arith.constant 320 : index
        %swap3A_379 = tpu.vector_load %arg15[%swap3A_377, %swap3A_378] {strides = array<i32>} : memref<32x512xi32, #tpu.memory_space<vmem>>, vector<16xi32>,
        tpu.vector_store %arg15[%swap3A_377, %swap3A_378], %bitcast3A_376 {strides = array<i32>} : memref<32x512xi32, #tpu.memory_space<vmem>>, vector<16xi32>,
        %get3A_380 = arith.index_cast %add3A_109 : i32 to index
        %get3A_381 = arith.constant 336 : index
        %get3A_382 = tpu.vector_load %arg15[%get3A_380, %get3A_381] {strides = array<i32>} : memref<32x512xi32, #tpu.memory_space<vmem>>, vector<16xi32>,
        %bitcast3A_383 = vector.bitcast %get3A_382 : vector<16xi32> to vector<32xbf16>
        %get3A_384 = arith.index_cast %add3A_109 : i32 to index
        %get3A_385 = arith.constant 336 : index
        %get3A_386 = tpu.vector_load %arg13[%get3A_384, %get3A_385] {strides = array<i32>} : memref<32x512xi32, #tpu.memory_space<vmem>>, vector<16xi32>,
        %bitcast3A_387 = vector.bitcast %get3A_386 : vector<16xi32> to vector<32xbf16>
        %add3A_388 = arith.addf %bitcast3A_383, %bitcast3A_387 : vector<32xbf16>
        %bitcast3A_389 = vector.bitcast %add3A_388 : vector<32xbf16> to vector<16xi32>
        %swap3A_390 = arith.index_cast %add3A_109 : i32 to index
        %swap3A_391 = arith.constant 336 : index
        %swap3A_392 = tpu.vector_load %arg15[%swap3A_390, %swap3A_391] {strides = array<i32>} : memref<32x512xi32, #tpu.memory_space<vmem>>, vector<16xi32>,
        tpu.vector_store %arg15[%swap3A_390, %swap3A_391], %bitcast3A_389 {strides = array<i32>} : memref<32x512xi32, #tpu.memory_space<vmem>>, vector<16xi32>,
        %get3A_393 = arith.index_cast %add3A_109 : i32 to index
        %get3A_394 = arith.constant 352 : index
        %get3A_395 = tpu.vector_load %arg15[%get3A_393, %get3A_394] {strides = array<i32>} : memref<32x512xi32, #tpu.memory_space<vmem>>, vector<16xi32>,
        %bitcast3A_396 = vector.bitcast %get3A_395 : vector<16xi32> to vector<32xbf16>
        %get3A_397 = arith.index_cast %add3A_109 : i32 to index
        %get3A_398 = arith.constant 352 : index
        %get3A_399 = tpu.vector_load %arg13[%get3A_397, %get3A_398] {strides = array<i32>} : memref<32x512xi32, #tpu.memory_space<vmem>>, vector<16xi32>,
        %bitcast3A_400 = vector.bitcast %get3A_399 : vector<16xi32> to vector<32xbf16>
        %add3A_401 = arith.addf %bitcast3A_396, %bitcast3A_400 : vector<32xbf16>
        %bitcast3A_402 = vector.bitcast %add3A_401 : vector<32xbf16> to vector<16xi32>
        %swap3A_403 = arith.index_cast %add3A_109 : i32 to index
        %swap3A_404 = arith.constant 352 : index
        %swap3A_405 = tpu.vector_load %arg15[%swap3A_403, %swap3A_404] {strides = array<i32>} : memref<32x512xi32, #tpu.memory_space<vmem>>, vector<16xi32>,
        tpu.vector_store %arg15[%swap3A_403, %swap3A_404], %bitcast3A_402 {strides = array<i32>} : memref<32x512xi32, #tpu.memory_space<vmem>>, vector<16xi32>,
        %get3A_406 = arith.index_cast %add3A_109 : i32 to index
        %get3A_407 = arith.constant 368 : index
        %get3A_408 = tpu.vector_load %arg15[%get3A_406, %get3A_407] {strides = array<i32>} : memref<32x512xi32, #tpu.memory_space<vmem>>, vector<16xi32>,
        %bitcast3A_409 = vector.bitcast %get3A_408 : vector<16xi32> to vector<32xbf16>
        %get3A_410 = arith.index_cast %add3A_109 : i32 to index
        %get3A_411 = arith.constant 368 : index
        %get3A_412 = tpu.vector_load %arg13[%get3A_410, %get3A_411] {strides = array<i32>} : memref<32x512xi32, #tpu.memory_space<vmem>>, vector<16xi32>,
        %bitcast3A_413 = vector.bitcast %get3A_412 : vector<16xi32> to vector<32xbf16>
        %add3A_414 = arith.addf %bitcast3A_409, %bitcast3A_413 : vector<32xbf16>
        %bitcast3A_415 = vector.bitcast %add3A_414 : vector<32xbf16> to vector<16xi32>
        %swap3A_416 = arith.index_cast %add3A_109 : i32 to index
        %swap3A_417 = arith.constant 368 : index
        %swap3A_418 = tpu.vector_load %arg15[%swap3A_416, %swap3A_417] {strides = array<i32>} : memref<32x512xi32, #tpu.memory_space<vmem>>, vector<16xi32>,
        tpu.vector_store %arg15[%swap3A_416, %swap3A_417], %bitcast3A_415 {strides = array<i32>} : memref<32x512xi32, #tpu.memory_space<vmem>>, vector<16xi32>,
        %get3A_419 = arith.index_cast %add3A_109 : i32 to index
        %get3A_420 = arith.constant 384 : index
        %get3A_421 = tpu.vector_load %arg15[%get3A_419, %get3A_420] {strides = array<i32>} : memref<32x512xi32, #tpu.memory_space<vmem>>, vector<16xi32>,
        %bitcast3A_422 = vector.bitcast %get3A_421 : vector<16xi32> to vector<32xbf16>
        %get3A_423 = arith.index_cast %add3A_109 : i32 to index
        %get3A_424 = arith.constant 384 : index
        %get3A_425 = tpu.vector_load %arg13[%get3A_423, %get3A_424] {strides = array<i32>} : memref<32x512xi32, #tpu.memory_space<vmem>>, vector<16xi32>,
        %bitcast3A_426 = vector.bitcast %get3A_425 : vector<16xi32> to vector<32xbf16>
        %add3A_427 = arith.addf %bitcast3A_422, %bitcast3A_426 : vector<32xbf16>
        %bitcast3A_428 = vector.bitcast %add3A_427 : vector<32xbf16> to vector<16xi32>
        %swap3A_429 = arith.index_cast %add3A_109 : i32 to index
        %swap3A_430 = arith.constant 384 : index
        %swap3A_431 = tpu.vector_load %arg15[%swap3A_429, %swap3A_430] {strides = array<i32>} : memref<32x512xi32, #tpu.memory_space<vmem>>, vector<16xi32>,
        tpu.vector_store %arg15[%swap3A_429, %swap3A_430], %bitcast3A_428 {strides = array<i32>} : memref<32x512xi32, #tpu.memory_space<vmem>>, vector<16xi32>,
        %get3A_432 = arith.index_cast %add3A_109 : i32 to index
        %get3A_433 = arith.constant 400 : index
        %get3A_434 = tpu.vector_load %arg15[%get3A_432, %get3A_433] {strides = array<i32>} : memref<32x512xi32, #tpu.memory_space<vmem>>, vector<16xi32>,
        %bitcast3A_435 = vector.bitcast %get3A_434 : vector<16xi32> to vector<32xbf16>
        %get3A_436 = arith.index_cast %add3A_109 : i32 to index
        %get3A_437 = arith.constant 400 : index
        %get3A_438 = tpu.vector_load %arg13[%get3A_436, %get3A_437] {strides = array<i32>} : memref<32x512xi32, #tpu.memory_space<vmem>>, vector<16xi32>,
        %bitcast3A_439 = vector.bitcast %get3A_438 : vector<16xi32> to vector<32xbf16>
        %add3A_440 = arith.addf %bitcast3A_435, %bitcast3A_439 : vector<32xbf16>
        %bitcast3A_441 = vector.bitcast %add3A_440 : vector<32xbf16> to vector<16xi32>
        %swap3A_442 = arith.index_cast %add3A_109 : i32 to index
        %swap3A_443 = arith.constant 400 : index
        %swap3A_444 = tpu.vector_load %arg15[%swap3A_442, %swap3A_443] {strides = array<i32>} : memref<32x512xi32, #tpu.memory_space<vmem>>, vector<16xi32>,
        tpu.vector_store %arg15[%swap3A_442, %swap3A_443], %bitcast3A_441 {strides = array<i32>} : memref<32x512xi32, #tpu.memory_space<vmem>>, vector<16xi32>,
        %get3A_445 = arith.index_cast %add3A_109 : i32 to index
        %get3A_446 = arith.constant 416 : index
        %get3A_447 = tpu.vector_load %arg15[%get3A_445, %get3A_446] {strides = array<i32>} : memref<32x512xi32, #tpu.memory_space<vmem>>, vector<16xi32>,
        %bitcast3A_448 = vector.bitcast %get3A_447 : vector<16xi32> to vector<32xbf16>
        %get3A_449 = arith.index_cast %add3A_109 : i32 to index
        %get3A_450 = arith.constant 416 : index
        %get3A_451 = tpu.vector_load %arg13[%get3A_449, %get3A_450] {strides = array<i32>} : memref<32x512xi32, #tpu.memory_space<vmem>>, vector<16xi32>,
        %bitcast3A_452 = vector.bitcast %get3A_451 : vector<16xi32> to vector<32xbf16>
        %add3A_453 = arith.addf %bitcast3A_448, %bitcast3A_452 : vector<32xbf16>
        %bitcast3A_454 = vector.bitcast %add3A_453 : vector<32xbf16> to vector<16xi32>
        %swap3A_455 = arith.index_cast %add3A_109 : i32 to index
        %swap3A_456 = arith.constant 416 : index
        %swap3A_457 = tpu.vector_load %arg15[%swap3A_455, %swap3A_456] {strides = array<i32>} : memref<32x512xi32, #tpu.memory_space<vmem>>, vector<16xi32>,
        tpu.vector_store %arg15[%swap3A_455, %swap3A_456], %bitcast3A_454 {strides = array<i32>} : memref<32x512xi32, #tpu.memory_space<vmem>>, vector<16xi32>,
        %get3A_458 = arith.index_cast %add3A_109 : i32 to index
        %get3A_459 = arith.constant 432 : index
        %get3A_460 = tpu.vector_load %arg15[%get3A_458, %get3A_459] {strides = array<i32>} : memref<32x512xi32, #tpu.memory_space<vmem>>, vector<16xi32>,
        %bitcast3A_461 = vector.bitcast %get3A_460 : vector<16xi32> to vector<32xbf16>
        %get3A_462 = arith.index_cast %add3A_109 : i32 to index
        %get3A_463 = arith.constant 432 : index
        %get3A_464 = tpu.vector_load %arg13[%get3A_462, %get3A_463] {strides = array<i32>} : memref<32x512xi32, #tpu.memory_space<vmem>>, vector<16xi32>,
        %bitcast3A_465 = vector.bitcast %get3A_464 : vector<16xi32> to vector<32xbf16>
        %add3A_466 = arith.addf %bitcast3A_461, %bitcast3A_465 : vector<32xbf16>
        %bitcast3A_467 = vector.bitcast %add3A_466 : vector<32xbf16> to vector<16xi32>
        %swap3A_468 = arith.index_cast %add3A_109 : i32 to index
        %swap3A_469 = arith.constant 432 : index
        %swap3A_470 = tpu.vector_load %arg15[%swap3A_468, %swap3A_469] {strides = array<i32>} : memref<32x512xi32, #tpu.memory_space<vmem>>, vector<16xi32>,
        tpu.vector_store %arg15[%swap3A_468, %swap3A_469], %bitcast3A_467 {strides = array<i32>} : memref<32x512xi32, #tpu.memory_space<vmem>>, vector<16xi32>,
        %get3A_471 = arith.index_cast %add3A_109 : i32 to index
        %get3A_472 = arith.constant 448 : index
        %get3A_473 = tpu.vector_load %arg15[%get3A_471, %get3A_472] {strides = array<i32>} : memref<32x512xi32, #tpu.memory_space<vmem>>, vector<16xi32>,
        %bitcast3A_474 = vector.bitcast %get3A_473 : vector<16xi32> to vector<32xbf16>
        %get3A_475 = arith.index_cast %add3A_109 : i32 to index
        %get3A_476 = arith.constant 448 : index
        %get3A_477 = tpu.vector_load %arg13[%get3A_475, %get3A_476] {strides = array<i32>} : memref<32x512xi32, #tpu.memory_space<vmem>>, vector<16xi32>,
        %bitcast3A_478 = vector.bitcast %get3A_477 : vector<16xi32> to vector<32xbf16>
        %add3A_479 = arith.addf %bitcast3A_474, %bitcast3A_478 : vector<32xbf16>
        %bitcast3A_480 = vector.bitcast %add3A_479 : vector<32xbf16> to vector<16xi32>
        %swap3A_481 = arith.index_cast %add3A_109 : i32 to index
        %swap3A_482 = arith.constant 448 : index
        %swap3A_483 = tpu.vector_load %arg15[%swap3A_481, %swap3A_482] {strides = array<i32>} : memref<32x512xi32, #tpu.memory_space<vmem>>, vector<16xi32>,
        tpu.vector_store %arg15[%swap3A_481, %swap3A_482], %bitcast3A_480 {strides = array<i32>} : memref<32x512xi32, #tpu.memory_space<vmem>>, vector<16xi32>,
        %get3A_484 = arith.index_cast %add3A_109 : i32 to index
        %get3A_485 = arith.constant 464 : index
        %get3A_486 = tpu.vector_load %arg15[%get3A_484, %get3A_485] {strides = array<i32>} : memref<32x512xi32, #tpu.memory_space<vmem>>, vector<16xi32>,
        %bitcast3A_487 = vector.bitcast %get3A_486 : vector<16xi32> to vector<32xbf16>
        %get3A_488 = arith.index_cast %add3A_109 : i32 to index
        %get3A_489 = arith.constant 464 : index
        %get3A_490 = tpu.vector_load %arg13[%get3A_488, %get3A_489] {strides = array<i32>} : memref<32x512xi32, #tpu.memory_space<vmem>>, vector<16xi32>,
        %bitcast3A_491 = vector.bitcast %get3A_490 : vector<16xi32> to vector<32xbf16>
        %add3A_492 = arith.addf %bitcast3A_487, %bitcast3A_491 : vector<32xbf16>
        %bitcast3A_493 = vector.bitcast %add3A_492 : vector<32xbf16> to vector<16xi32>
        %swap3A_494 = arith.index_cast %add3A_109 : i32 to index
        %swap3A_495 = arith.constant 464 : index
        %swap3A_496 = tpu.vector_load %arg15[%swap3A_494, %swap3A_495] {strides = array<i32>} : memref<32x512xi32, #tpu.memory_space<vmem>>, vector<16xi32>,
        tpu.vector_store %arg15[%swap3A_494, %swap3A_495], %bitcast3A_493 {strides = array<i32>} : memref<32x512xi32, #tpu.memory_space<vmem>>, vector<16xi32>,
        %get3A_497 = arith.index_cast %add3A_109 : i32 to index
        %get3A_498 = arith.constant 480 : index
        %get3A_499 = tpu.vector_load %arg15[%get3A_497, %get3A_498] {strides = array<i32>} : memref<32x512xi32, #tpu.memory_space<vmem>>, vector<16xi32>,
        %bitcast3A_500 = vector.bitcast %get3A_499 : vector<16xi32> to vector<32xbf16>
        %get3A_501 = arith.index_cast %add3A_109 : i32 to index
        %get3A_502 = arith.constant 480 : index
        %get3A_503 = tpu.vector_load %arg13[%get3A_501, %get3A_502] {strides = array<i32>} : memref<32x512xi32, #tpu.memory_space<vmem>>, vector<16xi32>,
        %bitcast3A_504 = vector.bitcast %get3A_503 : vector<16xi32> to vector<32xbf16>
        %add3A_505 = arith.addf %bitcast3A_500, %bitcast3A_504 : vector<32xbf16>
        %bitcast3A_506 = vector.bitcast %add3A_505 : vector<32xbf16> to vector<16xi32>
        %swap3A_507 = arith.index_cast %add3A_109 : i32 to index
        %swap3A_508 = arith.constant 480 : index
        %swap3A_509 = tpu.vector_load %arg15[%swap3A_507, %swap3A_508] {strides = array<i32>} : memref<32x512xi32, #tpu.memory_space<vmem>>, vector<16xi32>,
        tpu.vector_store %arg15[%swap3A_507, %swap3A_508], %bitcast3A_506 {strides = array<i32>} : memref<32x512xi32, #tpu.memory_space<vmem>>, vector<16xi32>,
        %get3A_510 = arith.index_cast %add3A_109 : i32 to index
        %get3A_511 = arith.constant 496 : index
        %get3A_512 = tpu.vector_load %arg15[%get3A_510, %get3A_511] {strides = array<i32>} : memref<32x512xi32, #tpu.memory_space<vmem>>, vector<16xi32>,
        %bitcast3A_513 = vector.bitcast %get3A_512 : vector<16xi32> to vector<32xbf16>
        %get3A_514 = arith.index_cast %add3A_109 : i32 to index
        %get3A_515 = arith.constant 496 : index
        %get3A_516 = tpu.vector_load %arg13[%get3A_514, %get3A_515] {strides = array<i32>} : memref<32x512xi32, #tpu.memory_space<vmem>>, vector<16xi32>,
        %bitcast3A_517 = vector.bitcast %get3A_516 : vector<16xi32> to vector<32xbf16>
        %add3A_518 = arith.addf %bitcast3A_513, %bitcast3A_517 : vector<32xbf16>
        %bitcast3A_519 = vector.bitcast %add3A_518 : vector<32xbf16> to vector<16xi32>
        %swap3A_520 = arith.index_cast %add3A_109 : i32 to index
        %swap3A_521 = arith.constant 496 : index
        %swap3A_522 = tpu.vector_load %arg15[%swap3A_520, %swap3A_521] {strides = array<i32>} : memref<32x512xi32, #tpu.memory_space<vmem>>, vector<16xi32>,
        tpu.vector_store %arg15[%swap3A_520, %swap3A_521], %bitcast3A_519 {strides = array<i32>} : memref<32x512xi32, #tpu.memory_space<vmem>>, vector<16xi32>,
      }
      %scan3A_83 = arith.constant 32 : i32
      %add3A_84 = arith.constant 2 : i32
      %add3A_85 = arith.addi %add3A_74, %add3A_84 : i32
      %lt3A = arith.constant 50 : i32
      %lt3A_86 = arith.cmpi slt, %add3A_85, %lt3A : i32
      %convert_element_type3A = arith.extui %lt3A_86 : i1 to i32
      %cond3A = arith.constant 0 : i32
      %cond3A_87 = arith.cmpi ne, %convert_element_type3A, %cond3A : i32
      scf.if %cond3A_87 {
        %add3A_105 = arith.constant 2 : i32
        %add3A_106 = arith.addi %add3A_74, %add3A_105 : i32
        %mul3A_107 = arith.constant 32 : i32
        %mul3A_108 = arith.muli %add3A_106, %mul3A_107 : i32
        %dma_start3A_109 = tpu.memref_slice %arg10[%mul3A_108] : memref<1600xi32, #tpu.memory_space<vmem>> -> memref<32xi32, #tpu.memory_space<vmem>>
        %dma_start3A_110 = arith.constant 0 : i32
        %dma_start3A_111 = arith.constant 0 : i32
        %dma_start3A_112 = tpu.memref_slice %arg3[%dma_start3A_110, %dma_start3A_111] : memref<16384x512xi32, #tpu.memory_space<hbm>> -> memref<16384x512xi32, #tpu.memory_space<hbm>>
        tpu.enqueue_indirect_dma source(%dma_start3A_112 : memref<16384x512xi32, #tpu.memory_space<hbm>>) target(%arg13 : memref<32x512xi32, #tpu.memory_space<vmem>>) offsets(%dma_start3A_109 : memref<32xi32, #tpu.memory_space<vmem>>) semaphore(%arg16 : memref<!tpu.dma_semaphore, #tpu.memory_space<semaphore_mem>>)
      } else {
      }
      %dma_wait3A_88 = arith.constant 0 : i32
      %dma_wait3A_89 = tpu.memref_slice %arg10[%dma_wait3A_88] : memref<1600xi32, #tpu.memory_space<vmem>> -> memref<32xi32, #tpu.memory_space<vmem>>
      %dma_wait3A_90 = arith.constant 0 : i32
      %dma_wait3A_91 = arith.constant 0 : i32
      %dma_wait3A_92 = tpu.memref_slice %arg3[%dma_wait3A_90, %dma_wait3A_91] : memref<16384x512xi32, #tpu.memory_space<hbm>> -> memref<16384x512xi32, #tpu.memory_space<hbm>>
      tpu.wait_indirect_dma semaphore(%arg17 : memref<!tpu.dma_semaphore, #tpu.memory_space<semaphore_mem>>) src(%dma_wait3A_92 : memref<16384x512xi32, #tpu.memory_space<hbm>>) dst(%arg14 : memref<32x512xi32, #tpu.memory_space<vmem>>)
      %scan3A_93 = arith.constant 0 : i32
      %scan3A_94 = arith.constant 32 : i32
      %scan3A_95 = arith.addi %scan3A_93, %scan3A_94 : i32
      %scan3A_96 = arith.constant 1 : i32
      scf.for %scan3A_105 = %scan3A_93 to %scan3A_95 step %scan3A_96  : i32 {
        %mul3A_106 = arith.constant 1 : i32
        %mul3A_107 = arith.muli %scan3A_105, %mul3A_106 : i32
        %add3A_108 = arith.constant 0 : i32
        %add3A_109 = arith.addi %add3A_108, %mul3A_107 : i32
        %get3A = arith.index_cast %add3A_109 : i32 to index
        %get3A_110 = arith.constant 0 : index
        %get3A_111 = tpu.vector_load %arg15[%get3A, %get3A_110] {strides = array<i32>} : memref<32x512xi32, #tpu.memory_space<vmem>>, vector<16xi32>,
        %bitcast3A = vector.bitcast %get3A_111 : vector<16xi32> to vector<32xbf16>
        %get3A_112 = arith.index_cast %add3A_109 : i32 to index
        %get3A_113 = arith.constant 0 : index
        %get3A_114 = tpu.vector_load %arg14[%get3A_112, %get3A_113] {strides = array<i32>} : memref<32x512xi32, #tpu.memory_space<vmem>>, vector<16xi32>,
        %bitcast3A_115 = vector.bitcast %get3A_114 : vector<16xi32> to vector<32xbf16>
        %add3A_116 = arith.addf %bitcast3A, %bitcast3A_115 : vector<32xbf16>
        %bitcast3A_117 = vector.bitcast %add3A_116 : vector<32xbf16> to vector<16xi32>
        %swap3A = arith.index_cast %add3A_109 : i32 to index
        %swap3A_118 = arith.constant 0 : index
        %swap3A_119 = tpu.vector_load %arg15[%swap3A, %swap3A_118] {strides = array<i32>} : memref<32x512xi32, #tpu.memory_space<vmem>>, vector<16xi32>,
        tpu.vector_store %arg15[%swap3A, %swap3A_118], %bitcast3A_117 {strides = array<i32>} : memref<32x512xi32, #tpu.memory_space<vmem>>, vector<16xi32>,
        %get3A_120 = arith.index_cast %add3A_109 : i32 to index
        %get3A_121 = arith.constant 16 : index
        %get3A_122 = tpu.vector_load %arg15[%get3A_120, %get3A_121] {strides = array<i32>} : memref<32x512xi32, #tpu.memory_space<vmem>>, vector<16xi32>,
        %bitcast3A_123 = vector.bitcast %get3A_122 : vector<16xi32> to vector<32xbf16>
        %get3A_124 = arith.index_cast %add3A_109 : i32 to index
        %get3A_125 = arith.constant 16 : index
        %get3A_126 = tpu.vector_load %arg14[%get3A_124, %get3A_125] {strides = array<i32>} : memref<32x512xi32, #tpu.memory_space<vmem>>, vector<16xi32>,
        %bitcast3A_127 = vector.bitcast %get3A_126 : vector<16xi32> to vector<32xbf16>
        %add3A_128 = arith.addf %bitcast3A_123, %bitcast3A_127 : vector<32xbf16>
        %bitcast3A_129 = vector.bitcast %add3A_128 : vector<32xbf16> to vector<16xi32>
        %swap3A_130 = arith.index_cast %add3A_109 : i32 to index
        %swap3A_131 = arith.constant 16 : index
        %swap3A_132 = tpu.vector_load %arg15[%swap3A_130, %swap3A_131] {strides = array<i32>} : memref<32x512xi32, #tpu.memory_space<vmem>>, vector<16xi32>,
        tpu.vector_store %arg15[%swap3A_130, %swap3A_131], %bitcast3A_129 {strides = array<i32>} : memref<32x512xi32, #tpu.memory_space<vmem>>, vector<16xi32>,
        %get3A_133 = arith.index_cast %add3A_109 : i32 to index
        %get3A_134 = arith.constant 32 : index
        %get3A_135 = tpu.vector_load %arg15[%get3A_133, %get3A_134] {strides = array<i32>} : memref<32x512xi32, #tpu.memory_space<vmem>>, vector<16xi32>,
        %bitcast3A_136 = vector.bitcast %get3A_135 : vector<16xi32> to vector<32xbf16>
        %get3A_137 = arith.index_cast %add3A_109 : i32 to index
        %get3A_138 = arith.constant 32 : index
        %get3A_139 = tpu.vector_load %arg14[%get3A_137, %get3A_138] {strides = array<i32>} : memref<32x512xi32, #tpu.memory_space<vmem>>, vector<16xi32>,
        %bitcast3A_140 = vector.bitcast %get3A_139 : vector<16xi32> to vector<32xbf16>
        %add3A_141 = arith.addf %bitcast3A_136, %bitcast3A_140 : vector<32xbf16>
        %bitcast3A_142 = vector.bitcast %add3A_141 : vector<32xbf16> to vector<16xi32>
        %swap3A_143 = arith.index_cast %add3A_109 : i32 to index
        %swap3A_144 = arith.constant 32 : index
        %swap3A_145 = tpu.vector_load %arg15[%swap3A_143, %swap3A_144] {strides = array<i32>} : memref<32x512xi32, #tpu.memory_space<vmem>>, vector<16xi32>,
        tpu.vector_store %arg15[%swap3A_143, %swap3A_144], %bitcast3A_142 {strides = array<i32>} : memref<32x512xi32, #tpu.memory_space<vmem>>, vector<16xi32>,
        %get3A_146 = arith.index_cast %add3A_109 : i32 to index
        %get3A_147 = arith.constant 48 : index
        %get3A_148 = tpu.vector_load %arg15[%get3A_146, %get3A_147] {strides = array<i32>} : memref<32x512xi32, #tpu.memory_space<vmem>>, vector<16xi32>,
        %bitcast3A_149 = vector.bitcast %get3A_148 : vector<16xi32> to vector<32xbf16>
        %get3A_150 = arith.index_cast %add3A_109 : i32 to index
        %get3A_151 = arith.constant 48 : index
        %get3A_152 = tpu.vector_load %arg14[%get3A_150, %get3A_151] {strides = array<i32>} : memref<32x512xi32, #tpu.memory_space<vmem>>, vector<16xi32>,
        %bitcast3A_153 = vector.bitcast %get3A_152 : vector<16xi32> to vector<32xbf16>
        %add3A_154 = arith.addf %bitcast3A_149, %bitcast3A_153 : vector<32xbf16>
        %bitcast3A_155 = vector.bitcast %add3A_154 : vector<32xbf16> to vector<16xi32>
        %swap3A_156 = arith.index_cast %add3A_109 : i32 to index
        %swap3A_157 = arith.constant 48 : index
        %swap3A_158 = tpu.vector_load %arg15[%swap3A_156, %swap3A_157] {strides = array<i32>} : memref<32x512xi32, #tpu.memory_space<vmem>>, vector<16xi32>,
        tpu.vector_store %arg15[%swap3A_156, %swap3A_157], %bitcast3A_155 {strides = array<i32>} : memref<32x512xi32, #tpu.memory_space<vmem>>, vector<16xi32>,
        %get3A_159 = arith.index_cast %add3A_109 : i32 to index
        %get3A_160 = arith.constant 64 : index
        %get3A_161 = tpu.vector_load %arg15[%get3A_159, %get3A_160] {strides = array<i32>} : memref<32x512xi32, #tpu.memory_space<vmem>>, vector<16xi32>,
        %bitcast3A_162 = vector.bitcast %get3A_161 : vector<16xi32> to vector<32xbf16>
        %get3A_163 = arith.index_cast %add3A_109 : i32 to index
        %get3A_164 = arith.constant 64 : index
        %get3A_165 = tpu.vector_load %arg14[%get3A_163, %get3A_164] {strides = array<i32>} : memref<32x512xi32, #tpu.memory_space<vmem>>, vector<16xi32>,
        %bitcast3A_166 = vector.bitcast %get3A_165 : vector<16xi32> to vector<32xbf16>
        %add3A_167 = arith.addf %bitcast3A_162, %bitcast3A_166 : vector<32xbf16>
        %bitcast3A_168 = vector.bitcast %add3A_167 : vector<32xbf16> to vector<16xi32>
        %swap3A_169 = arith.index_cast %add3A_109 : i32 to index
        %swap3A_170 = arith.constant 64 : index
        %swap3A_171 = tpu.vector_load %arg15[%swap3A_169, %swap3A_170] {strides = array<i32>} : memref<32x512xi32, #tpu.memory_space<vmem>>, vector<16xi32>,
        tpu.vector_store %arg15[%swap3A_169, %swap3A_170], %bitcast3A_168 {strides = array<i32>} : memref<32x512xi32, #tpu.memory_space<vmem>>, vector<16xi32>,
        %get3A_172 = arith.index_cast %add3A_109 : i32 to index
        %get3A_173 = arith.constant 80 : index
        %get3A_174 = tpu.vector_load %arg15[%get3A_172, %get3A_173] {strides = array<i32>} : memref<32x512xi32, #tpu.memory_space<vmem>>, vector<16xi32>,
        %bitcast3A_175 = vector.bitcast %get3A_174 : vector<16xi32> to vector<32xbf16>
        %get3A_176 = arith.index_cast %add3A_109 : i32 to index
        %get3A_177 = arith.constant 80 : index
        %get3A_178 = tpu.vector_load %arg14[%get3A_176, %get3A_177] {strides = array<i32>} : memref<32x512xi32, #tpu.memory_space<vmem>>, vector<16xi32>,
        %bitcast3A_179 = vector.bitcast %get3A_178 : vector<16xi32> to vector<32xbf16>
        %add3A_180 = arith.addf %bitcast3A_175, %bitcast3A_179 : vector<32xbf16>
        %bitcast3A_181 = vector.bitcast %add3A_180 : vector<32xbf16> to vector<16xi32>
        %swap3A_182 = arith.index_cast %add3A_109 : i32 to index
        %swap3A_183 = arith.constant 80 : index
        %swap3A_184 = tpu.vector_load %arg15[%swap3A_182, %swap3A_183] {strides = array<i32>} : memref<32x512xi32, #tpu.memory_space<vmem>>, vector<16xi32>,
        tpu.vector_store %arg15[%swap3A_182, %swap3A_183], %bitcast3A_181 {strides = array<i32>} : memref<32x512xi32, #tpu.memory_space<vmem>>, vector<16xi32>,
        %get3A_185 = arith.index_cast %add3A_109 : i32 to index
        %get3A_186 = arith.constant 96 : index
        %get3A_187 = tpu.vector_load %arg15[%get3A_185, %get3A_186] {strides = array<i32>} : memref<32x512xi32, #tpu.memory_space<vmem>>, vector<16xi32>,
        %bitcast3A_188 = vector.bitcast %get3A_187 : vector<16xi32> to vector<32xbf16>
        %get3A_189 = arith.index_cast %add3A_109 : i32 to index
        %get3A_190 = arith.constant 96 : index
        %get3A_191 = tpu.vector_load %arg14[%get3A_189, %get3A_190] {strides = array<i32>} : memref<32x512xi32, #tpu.memory_space<vmem>>, vector<16xi32>,
        %bitcast3A_192 = vector.bitcast %get3A_191 : vector<16xi32> to vector<32xbf16>
        %add3A_193 = arith.addf %bitcast3A_188, %bitcast3A_192 : vector<32xbf16>
        %bitcast3A_194 = vector.bitcast %add3A_193 : vector<32xbf16> to vector<16xi32>
        %swap3A_195 = arith.index_cast %add3A_109 : i32 to index
        %swap3A_196 = arith.constant 96 : index
        %swap3A_197 = tpu.vector_load %arg15[%swap3A_195, %swap3A_196] {strides = array<i32>} : memref<32x512xi32, #tpu.memory_space<vmem>>, vector<16xi32>,
        tpu.vector_store %arg15[%swap3A_195, %swap3A_196], %bitcast3A_194 {strides = array<i32>} : memref<32x512xi32, #tpu.memory_space<vmem>>, vector<16xi32>,
        %get3A_198 = arith.index_cast %add3A_109 : i32 to index
        %get3A_199 = arith.constant 112 : index
        %get3A_200 = tpu.vector_load %arg15[%get3A_198, %get3A_199] {strides = array<i32>} : memref<32x512xi32, #tpu.memory_space<vmem>>, vector<16xi32>,
        %bitcast3A_201 = vector.bitcast %get3A_200 : vector<16xi32> to vector<32xbf16>
        %get3A_202 = arith.index_cast %add3A_109 : i32 to index
        %get3A_203 = arith.constant 112 : index
        %get3A_204 = tpu.vector_load %arg14[%get3A_202, %get3A_203] {strides = array<i32>} : memref<32x512xi32, #tpu.memory_space<vmem>>, vector<16xi32>,
        %bitcast3A_205 = vector.bitcast %get3A_204 : vector<16xi32> to vector<32xbf16>
        %add3A_206 = arith.addf %bitcast3A_201, %bitcast3A_205 : vector<32xbf16>
        %bitcast3A_207 = vector.bitcast %add3A_206 : vector<32xbf16> to vector<16xi32>
        %swap3A_208 = arith.index_cast %add3A_109 : i32 to index
        %swap3A_209 = arith.constant 112 : index
        %swap3A_210 = tpu.vector_load %arg15[%swap3A_208, %swap3A_209] {strides = array<i32>} : memref<32x512xi32, #tpu.memory_space<vmem>>, vector<16xi32>,
        tpu.vector_store %arg15[%swap3A_208, %swap3A_209], %bitcast3A_207 {strides = array<i32>} : memref<32x512xi32, #tpu.memory_space<vmem>>, vector<16xi32>,
        %get3A_211 = arith.index_cast %add3A_109 : i32 to index
        %get3A_212 = arith.constant 128 : index
        %get3A_213 = tpu.vector_load %arg15[%get3A_211, %get3A_212] {strides = array<i32>} : memref<32x512xi32, #tpu.memory_space<vmem>>, vector<16xi32>,
        %bitcast3A_214 = vector.bitcast %get3A_213 : vector<16xi32> to vector<32xbf16>
        %get3A_215 = arith.index_cast %add3A_109 : i32 to index
        %get3A_216 = arith.constant 128 : index
        %get3A_217 = tpu.vector_load %arg14[%get3A_215, %get3A_216] {strides = array<i32>} : memref<32x512xi32, #tpu.memory_space<vmem>>, vector<16xi32>,
        %bitcast3A_218 = vector.bitcast %get3A_217 : vector<16xi32> to vector<32xbf16>
        %add3A_219 = arith.addf %bitcast3A_214, %bitcast3A_218 : vector<32xbf16>
        %bitcast3A_220 = vector.bitcast %add3A_219 : vector<32xbf16> to vector<16xi32>
        %swap3A_221 = arith.index_cast %add3A_109 : i32 to index
        %swap3A_222 = arith.constant 128 : index
        %swap3A_223 = tpu.vector_load %arg15[%swap3A_221, %swap3A_222] {strides = array<i32>} : memref<32x512xi32, #tpu.memory_space<vmem>>, vector<16xi32>,
        tpu.vector_store %arg15[%swap3A_221, %swap3A_222], %bitcast3A_220 {strides = array<i32>} : memref<32x512xi32, #tpu.memory_space<vmem>>, vector<16xi32>,
        %get3A_224 = arith.index_cast %add3A_109 : i32 to index
        %get3A_225 = arith.constant 144 : index
        %get3A_226 = tpu.vector_load %arg15[%get3A_224, %get3A_225] {strides = array<i32>} : memref<32x512xi32, #tpu.memory_space<vmem>>, vector<16xi32>,
        %bitcast3A_227 = vector.bitcast %get3A_226 : vector<16xi32> to vector<32xbf16>
        %get3A_228 = arith.index_cast %add3A_109 : i32 to index
        %get3A_229 = arith.constant 144 : index
        %get3A_230 = tpu.vector_load %arg14[%get3A_228, %get3A_229] {strides = array<i32>} : memref<32x512xi32, #tpu.memory_space<vmem>>, vector<16xi32>,
        %bitcast3A_231 = vector.bitcast %get3A_230 : vector<16xi32> to vector<32xbf16>
        %add3A_232 = arith.addf %bitcast3A_227, %bitcast3A_231 : vector<32xbf16>
        %bitcast3A_233 = vector.bitcast %add3A_232 : vector<32xbf16> to vector<16xi32>
        %swap3A_234 = arith.index_cast %add3A_109 : i32 to index
        %swap3A_235 = arith.constant 144 : index
        %swap3A_236 = tpu.vector_load %arg15[%swap3A_234, %swap3A_235] {strides = array<i32>} : memref<32x512xi32, #tpu.memory_space<vmem>>, vector<16xi32>,
        tpu.vector_store %arg15[%swap3A_234, %swap3A_235], %bitcast3A_233 {strides = array<i32>} : memref<32x512xi32, #tpu.memory_space<vmem>>, vector<16xi32>,
        %get3A_237 = arith.index_cast %add3A_109 : i32 to index
        %get3A_238 = arith.constant 160 : index
        %get3A_239 = tpu.vector_load %arg15[%get3A_237, %get3A_238] {strides = array<i32>} : memref<32x512xi32, #tpu.memory_space<vmem>>, vector<16xi32>,
        %bitcast3A_240 = vector.bitcast %get3A_239 : vector<16xi32> to vector<32xbf16>
        %get3A_241 = arith.index_cast %add3A_109 : i32 to index
        %get3A_242 = arith.constant 160 : index
        %get3A_243 = tpu.vector_load %arg14[%get3A_241, %get3A_242] {strides = array<i32>} : memref<32x512xi32, #tpu.memory_space<vmem>>, vector<16xi32>,
        %bitcast3A_244 = vector.bitcast %get3A_243 : vector<16xi32> to vector<32xbf16>
        %add3A_245 = arith.addf %bitcast3A_240, %bitcast3A_244 : vector<32xbf16>
        %bitcast3A_246 = vector.bitcast %add3A_245 : vector<32xbf16> to vector<16xi32>
        %swap3A_247 = arith.index_cast %add3A_109 : i32 to index
        %swap3A_248 = arith.constant 160 : index
        %swap3A_249 = tpu.vector_load %arg15[%swap3A_247, %swap3A_248] {strides = array<i32>} : memref<32x512xi32, #tpu.memory_space<vmem>>, vector<16xi32>,
        tpu.vector_store %arg15[%swap3A_247, %swap3A_248], %bitcast3A_246 {strides = array<i32>} : memref<32x512xi32, #tpu.memory_space<vmem>>, vector<16xi32>,
        %get3A_250 = arith.index_cast %add3A_109 : i32 to index
        %get3A_251 = arith.constant 176 : index
        %get3A_252 = tpu.vector_load %arg15[%get3A_250, %get3A_251] {strides = array<i32>} : memref<32x512xi32, #tpu.memory_space<vmem>>, vector<16xi32>,
        %bitcast3A_253 = vector.bitcast %get3A_252 : vector<16xi32> to vector<32xbf16>
        %get3A_254 = arith.index_cast %add3A_109 : i32 to index
        %get3A_255 = arith.constant 176 : index
        %get3A_256 = tpu.vector_load %arg14[%get3A_254, %get3A_255] {strides = array<i32>} : memref<32x512xi32, #tpu.memory_space<vmem>>, vector<16xi32>,
        %bitcast3A_257 = vector.bitcast %get3A_256 : vector<16xi32> to vector<32xbf16>
        %add3A_258 = arith.addf %bitcast3A_253, %bitcast3A_257 : vector<32xbf16>
        %bitcast3A_259 = vector.bitcast %add3A_258 : vector<32xbf16> to vector<16xi32>
        %swap3A_260 = arith.index_cast %add3A_109 : i32 to index
        %swap3A_261 = arith.constant 176 : index
        %swap3A_262 = tpu.vector_load %arg15[%swap3A_260, %swap3A_261] {strides = array<i32>} : memref<32x512xi32, #tpu.memory_space<vmem>>, vector<16xi32>,
        tpu.vector_store %arg15[%swap3A_260, %swap3A_261], %bitcast3A_259 {strides = array<i32>} : memref<32x512xi32, #tpu.memory_space<vmem>>, vector<16xi32>,
        %get3A_263 = arith.index_cast %add3A_109 : i32 to index
        %get3A_264 = arith.constant 192 : index
        %get3A_265 = tpu.vector_load %arg15[%get3A_263, %get3A_264] {strides = array<i32>} : memref<32x512xi32, #tpu.memory_space<vmem>>, vector<16xi32>,
        %bitcast3A_266 = vector.bitcast %get3A_265 : vector<16xi32> to vector<32xbf16>
        %get3A_267 = arith.index_cast %add3A_109 : i32 to index
        %get3A_268 = arith.constant 192 : index
        %get3A_269 = tpu.vector_load %arg14[%get3A_267, %get3A_268] {strides = array<i32>} : memref<32x512xi32, #tpu.memory_space<vmem>>, vector<16xi32>,
        %bitcast3A_270 = vector.bitcast %get3A_269 : vector<16xi32> to vector<32xbf16>
        %add3A_271 = arith.addf %bitcast3A_266, %bitcast3A_270 : vector<32xbf16>
        %bitcast3A_272 = vector.bitcast %add3A_271 : vector<32xbf16> to vector<16xi32>
        %swap3A_273 = arith.index_cast %add3A_109 : i32 to index
        %swap3A_274 = arith.constant 192 : index
        %swap3A_275 = tpu.vector_load %arg15[%swap3A_273, %swap3A_274] {strides = array<i32>} : memref<32x512xi32, #tpu.memory_space<vmem>>, vector<16xi32>,
        tpu.vector_store %arg15[%swap3A_273, %swap3A_274], %bitcast3A_272 {strides = array<i32>} : memref<32x512xi32, #tpu.memory_space<vmem>>, vector<16xi32>,
        %get3A_276 = arith.index_cast %add3A_109 : i32 to index
        %get3A_277 = arith.constant 208 : index
        %get3A_278 = tpu.vector_load %arg15[%get3A_276, %get3A_277] {strides = array<i32>} : memref<32x512xi32, #tpu.memory_space<vmem>>, vector<16xi32>,
        %bitcast3A_279 = vector.bitcast %get3A_278 : vector<16xi32> to vector<32xbf16>
        %get3A_280 = arith.index_cast %add3A_109 : i32 to index
        %get3A_281 = arith.constant 208 : index
        %get3A_282 = tpu.vector_load %arg14[%get3A_280, %get3A_281] {strides = array<i32>} : memref<32x512xi32, #tpu.memory_space<vmem>>, vector<16xi32>,
        %bitcast3A_283 = vector.bitcast %get3A_282 : vector<16xi32> to vector<32xbf16>
        %add3A_284 = arith.addf %bitcast3A_279, %bitcast3A_283 : vector<32xbf16>
        %bitcast3A_285 = vector.bitcast %add3A_284 : vector<32xbf16> to vector<16xi32>
        %swap3A_286 = arith.index_cast %add3A_109 : i32 to index
        %swap3A_287 = arith.constant 208 : index
        %swap3A_288 = tpu.vector_load %arg15[%swap3A_286, %swap3A_287] {strides = array<i32>} : memref<32x512xi32, #tpu.memory_space<vmem>>, vector<16xi32>,
        tpu.vector_store %arg15[%swap3A_286, %swap3A_287], %bitcast3A_285 {strides = array<i32>} : memref<32x512xi32, #tpu.memory_space<vmem>>, vector<16xi32>,
        %get3A_289 = arith.index_cast %add3A_109 : i32 to index
        %get3A_290 = arith.constant 224 : index
        %get3A_291 = tpu.vector_load %arg15[%get3A_289, %get3A_290] {strides = array<i32>} : memref<32x512xi32, #tpu.memory_space<vmem>>, vector<16xi32>,
        %bitcast3A_292 = vector.bitcast %get3A_291 : vector<16xi32> to vector<32xbf16>
        %get3A_293 = arith.index_cast %add3A_109 : i32 to index
        %get3A_294 = arith.constant 224 : index
        %get3A_295 = tpu.vector_load %arg14[%get3A_293, %get3A_294] {strides = array<i32>} : memref<32x512xi32, #tpu.memory_space<vmem>>, vector<16xi32>,
        %bitcast3A_296 = vector.bitcast %get3A_295 : vector<16xi32> to vector<32xbf16>
        %add3A_297 = arith.addf %bitcast3A_292, %bitcast3A_296 : vector<32xbf16>
        %bitcast3A_298 = vector.bitcast %add3A_297 : vector<32xbf16> to vector<16xi32>
        %swap3A_299 = arith.index_cast %add3A_109 : i32 to index
        %swap3A_300 = arith.constant 224 : index
        %swap3A_301 = tpu.vector_load %arg15[%swap3A_299, %swap3A_300] {strides = array<i32>} : memref<32x512xi32, #tpu.memory_space<vmem>>, vector<16xi32>,
        tpu.vector_store %arg15[%swap3A_299, %swap3A_300], %bitcast3A_298 {strides = array<i32>} : memref<32x512xi32, #tpu.memory_space<vmem>>, vector<16xi32>,
        %get3A_302 = arith.index_cast %add3A_109 : i32 to index
        %get3A_303 = arith.constant 240 : index
        %get3A_304 = tpu.vector_load %arg15[%get3A_302, %get3A_303] {strides = array<i32>} : memref<32x512xi32, #tpu.memory_space<vmem>>, vector<16xi32>,
        %bitcast3A_305 = vector.bitcast %get3A_304 : vector<16xi32> to vector<32xbf16>
        %get3A_306 = arith.index_cast %add3A_109 : i32 to index
        %get3A_307 = arith.constant 240 : index
        %get3A_308 = tpu.vector_load %arg14[%get3A_306, %get3A_307] {strides = array<i32>} : memref<32x512xi32, #tpu.memory_space<vmem>>, vector<16xi32>,
        %bitcast3A_309 = vector.bitcast %get3A_308 : vector<16xi32> to vector<32xbf16>
        %add3A_310 = arith.addf %bitcast3A_305, %bitcast3A_309 : vector<32xbf16>
        %bitcast3A_311 = vector.bitcast %add3A_310 : vector<32xbf16> to vector<16xi32>
        %swap3A_312 = arith.index_cast %add3A_109 : i32 to index
        %swap3A_313 = arith.constant 240 : index
        %swap3A_314 = tpu.vector_load %arg15[%swap3A_312, %swap3A_313] {strides = array<i32>} : memref<32x512xi32, #tpu.memory_space<vmem>>, vector<16xi32>,
        tpu.vector_store %arg15[%swap3A_312, %swap3A_313], %bitcast3A_311 {strides = array<i32>} : memref<32x512xi32, #tpu.memory_space<vmem>>, vector<16xi32>,
        %get3A_315 = arith.index_cast %add3A_109 : i32 to index
        %get3A_316 = arith.constant 256 : index
        %get3A_317 = tpu.vector_load %arg15[%get3A_315, %get3A_316] {strides = array<i32>} : memref<32x512xi32, #tpu.memory_space<vmem>>, vector<16xi32>,
        %bitcast3A_318 = vector.bitcast %get3A_317 : vector<16xi32> to vector<32xbf16>
        %get3A_319 = arith.index_cast %add3A_109 : i32 to index
        %get3A_320 = arith.constant 256 : index
        %get3A_321 = tpu.vector_load %arg14[%get3A_319, %get3A_320] {strides = array<i32>} : memref<32x512xi32, #tpu.memory_space<vmem>>, vector<16xi32>,
        %bitcast3A_322 = vector.bitcast %get3A_321 : vector<16xi32> to vector<32xbf16>
        %add3A_323 = arith.addf %bitcast3A_318, %bitcast3A_322 : vector<32xbf16>
        %bitcast3A_324 = vector.bitcast %add3A_323 : vector<32xbf16> to vector<16xi32>
        %swap3A_325 = arith.index_cast %add3A_109 : i32 to index
        %swap3A_326 = arith.constant 256 : index
        %swap3A_327 = tpu.vector_load %arg15[%swap3A_325, %swap3A_326] {strides = array<i32>} : memref<32x512xi32, #tpu.memory_space<vmem>>, vector<16xi32>,
        tpu.vector_store %arg15[%swap3A_325, %swap3A_326], %bitcast3A_324 {strides = array<i32>} : memref<32x512xi32, #tpu.memory_space<vmem>>, vector<16xi32>,
        %get3A_328 = arith.index_cast %add3A_109 : i32 to index
        %get3A_329 = arith.constant 272 : index
        %get3A_330 = tpu.vector_load %arg15[%get3A_328, %get3A_329] {strides = array<i32>} : memref<32x512xi32, #tpu.memory_space<vmem>>, vector<16xi32>,
        %bitcast3A_331 = vector.bitcast %get3A_330 : vector<16xi32> to vector<32xbf16>
        %get3A_332 = arith.index_cast %add3A_109 : i32 to index
        %get3A_333 = arith.constant 272 : index
        %get3A_334 = tpu.vector_load %arg14[%get3A_332, %get3A_333] {strides = array<i32>} : memref<32x512xi32, #tpu.memory_space<vmem>>, vector<16xi32>,
        %bitcast3A_335 = vector.bitcast %get3A_334 : vector<16xi32> to vector<32xbf16>
        %add3A_336 = arith.addf %bitcast3A_331, %bitcast3A_335 : vector<32xbf16>
        %bitcast3A_337 = vector.bitcast %add3A_336 : vector<32xbf16> to vector<16xi32>
        %swap3A_338 = arith.index_cast %add3A_109 : i32 to index
        %swap3A_339 = arith.constant 272 : index
        %swap3A_340 = tpu.vector_load %arg15[%swap3A_338, %swap3A_339] {strides = array<i32>} : memref<32x512xi32, #tpu.memory_space<vmem>>, vector<16xi32>,
        tpu.vector_store %arg15[%swap3A_338, %swap3A_339], %bitcast3A_337 {strides = array<i32>} : memref<32x512xi32, #tpu.memory_space<vmem>>, vector<16xi32>,
        %get3A_341 = arith.index_cast %add3A_109 : i32 to index
        %get3A_342 = arith.constant 288 : index
        %get3A_343 = tpu.vector_load %arg15[%get3A_341, %get3A_342] {strides = array<i32>} : memref<32x512xi32, #tpu.memory_space<vmem>>, vector<16xi32>,
        %bitcast3A_344 = vector.bitcast %get3A_343 : vector<16xi32> to vector<32xbf16>
        %get3A_345 = arith.index_cast %add3A_109 : i32 to index
        %get3A_346 = arith.constant 288 : index
        %get3A_347 = tpu.vector_load %arg14[%get3A_345, %get3A_346] {strides = array<i32>} : memref<32x512xi32, #tpu.memory_space<vmem>>, vector<16xi32>,
        %bitcast3A_348 = vector.bitcast %get3A_347 : vector<16xi32> to vector<32xbf16>
        %add3A_349 = arith.addf %bitcast3A_344, %bitcast3A_348 : vector<32xbf16>
        %bitcast3A_350 = vector.bitcast %add3A_349 : vector<32xbf16> to vector<16xi32>
        %swap3A_351 = arith.index_cast %add3A_109 : i32 to index
        %swap3A_352 = arith.constant 288 : index
        %swap3A_353 = tpu.vector_load %arg15[%swap3A_351, %swap3A_352] {strides = array<i32>} : memref<32x512xi32, #tpu.memory_space<vmem>>, vector<16xi32>,
        tpu.vector_store %arg15[%swap3A_351, %swap3A_352], %bitcast3A_350 {strides = array<i32>} : memref<32x512xi32, #tpu.memory_space<vmem>>, vector<16xi32>,
        %get3A_354 = arith.index_cast %add3A_109 : i32 to index
        %get3A_355 = arith.constant 304 : index
        %get3A_356 = tpu.vector_load %arg15[%get3A_354, %get3A_355] {strides = array<i32>} : memref<32x512xi32, #tpu.memory_space<vmem>>, vector<16xi32>,
        %bitcast3A_357 = vector.bitcast %get3A_356 : vector<16xi32> to vector<32xbf16>
        %get3A_358 = arith.index_cast %add3A_109 : i32 to index
        %get3A_359 = arith.constant 304 : index
        %get3A_360 = tpu.vector_load %arg14[%get3A_358, %get3A_359] {strides = array<i32>} : memref<32x512xi32, #tpu.memory_space<vmem>>, vector<16xi32>,
        %bitcast3A_361 = vector.bitcast %get3A_360 : vector<16xi32> to vector<32xbf16>
        %add3A_362 = arith.addf %bitcast3A_357, %bitcast3A_361 : vector<32xbf16>
        %bitcast3A_363 = vector.bitcast %add3A_362 : vector<32xbf16> to vector<16xi32>
        %swap3A_364 = arith.index_cast %add3A_109 : i32 to index
        %swap3A_365 = arith.constant 304 : index
        %swap3A_366 = tpu.vector_load %arg15[%swap3A_364, %swap3A_365] {strides = array<i32>} : memref<32x512xi32, #tpu.memory_space<vmem>>, vector<16xi32>,
        tpu.vector_store %arg15[%swap3A_364, %swap3A_365], %bitcast3A_363 {strides = array<i32>} : memref<32x512xi32, #tpu.memory_space<vmem>>, vector<16xi32>,
        %get3A_367 = arith.index_cast %add3A_109 : i32 to index
        %get3A_368 = arith.constant 320 : index
        %get3A_369 = tpu.vector_load %arg15[%get3A_367, %get3A_368] {strides = array<i32>} : memref<32x512xi32, #tpu.memory_space<vmem>>, vector<16xi32>,
        %bitcast3A_370 = vector.bitcast %get3A_369 : vector<16xi32> to vector<32xbf16>
        %get3A_371 = arith.index_cast %add3A_109 : i32 to index
        %get3A_372 = arith.constant 320 : index
        %get3A_373 = tpu.vector_load %arg14[%get3A_371, %get3A_372] {strides = array<i32>} : memref<32x512xi32, #tpu.memory_space<vmem>>, vector<16xi32>,
        %bitcast3A_374 = vector.bitcast %get3A_373 : vector<16xi32> to vector<32xbf16>
        %add3A_375 = arith.addf %bitcast3A_370, %bitcast3A_374 : vector<32xbf16>
        %bitcast3A_376 = vector.bitcast %add3A_375 : vector<32xbf16> to vector<16xi32>
        %swap3A_377 = arith.index_cast %add3A_109 : i32 to index
        %swap3A_378 = arith.constant 320 : index
        %swap3A_379 = tpu.vector_load %arg15[%swap3A_377, %swap3A_378] {strides = array<i32>} : memref<32x512xi32, #tpu.memory_space<vmem>>, vector<16xi32>,
        tpu.vector_store %arg15[%swap3A_377, %swap3A_378], %bitcast3A_376 {strides = array<i32>} : memref<32x512xi32, #tpu.memory_space<vmem>>, vector<16xi32>,
        %get3A_380 = arith.index_cast %add3A_109 : i32 to index
        %get3A_381 = arith.constant 336 : index
        %get3A_382 = tpu.vector_load %arg15[%get3A_380, %get3A_381] {strides = array<i32>} : memref<32x512xi32, #tpu.memory_space<vmem>>, vector<16xi32>,
        %bitcast3A_383 = vector.bitcast %get3A_382 : vector<16xi32> to vector<32xbf16>
        %get3A_384 = arith.index_cast %add3A_109 : i32 to index
        %get3A_385 = arith.constant 336 : index
        %get3A_386 = tpu.vector_load %arg14[%get3A_384, %get3A_385] {strides = array<i32>} : memref<32x512xi32, #tpu.memory_space<vmem>>, vector<16xi32>,
        %bitcast3A_387 = vector.bitcast %get3A_386 : vector<16xi32> to vector<32xbf16>
        %add3A_388 = arith.addf %bitcast3A_383, %bitcast3A_387 : vector<32xbf16>
        %bitcast3A_389 = vector.bitcast %add3A_388 : vector<32xbf16> to vector<16xi32>
        %swap3A_390 = arith.index_cast %add3A_109 : i32 to index
        %swap3A_391 = arith.constant 336 : index
        %swap3A_392 = tpu.vector_load %arg15[%swap3A_390, %swap3A_391] {strides = array<i32>} : memref<32x512xi32, #tpu.memory_space<vmem>>, vector<16xi32>,
        tpu.vector_store %arg15[%swap3A_390, %swap3A_391], %bitcast3A_389 {strides = array<i32>} : memref<32x512xi32, #tpu.memory_space<vmem>>, vector<16xi32>,
        %get3A_393 = arith.index_cast %add3A_109 : i32 to index
        %get3A_394 = arith.constant 352 : index
        %get3A_395 = tpu.vector_load %arg15[%get3A_393, %get3A_394] {strides = array<i32>} : memref<32x512xi32, #tpu.memory_space<vmem>>, vector<16xi32>,
        %bitcast3A_396 = vector.bitcast %get3A_395 : vector<16xi32> to vector<32xbf16>
        %get3A_397 = arith.index_cast %add3A_109 : i32 to index
        %get3A_398 = arith.constant 352 : index
        %get3A_399 = tpu.vector_load %arg14[%get3A_397, %get3A_398] {strides = array<i32>} : memref<32x512xi32, #tpu.memory_space<vmem>>, vector<16xi32>,
        %bitcast3A_400 = vector.bitcast %get3A_399 : vector<16xi32> to vector<32xbf16>
        %add3A_401 = arith.addf %bitcast3A_396, %bitcast3A_400 : vector<32xbf16>
        %bitcast3A_402 = vector.bitcast %add3A_401 : vector<32xbf16> to vector<16xi32>
        %swap3A_403 = arith.index_cast %add3A_109 : i32 to index
        %swap3A_404 = arith.constant 352 : index
        %swap3A_405 = tpu.vector_load %arg15[%swap3A_403, %swap3A_404] {strides = array<i32>} : memref<32x512xi32, #tpu.memory_space<vmem>>, vector<16xi32>,
        tpu.vector_store %arg15[%swap3A_403, %swap3A_404], %bitcast3A_402 {strides = array<i32>} : memref<32x512xi32, #tpu.memory_space<vmem>>, vector<16xi32>,
        %get3A_406 = arith.index_cast %add3A_109 : i32 to index
        %get3A_407 = arith.constant 368 : index
        %get3A_408 = tpu.vector_load %arg15[%get3A_406, %get3A_407] {strides = array<i32>} : memref<32x512xi32, #tpu.memory_space<vmem>>, vector<16xi32>,
        %bitcast3A_409 = vector.bitcast %get3A_408 : vector<16xi32> to vector<32xbf16>
        %get3A_410 = arith.index_cast %add3A_109 : i32 to index
        %get3A_411 = arith.constant 368 : index
        %get3A_412 = tpu.vector_load %arg14[%get3A_410, %get3A_411] {strides = array<i32>} : memref<32x512xi32, #tpu.memory_space<vmem>>, vector<16xi32>,
        %bitcast3A_413 = vector.bitcast %get3A_412 : vector<16xi32> to vector<32xbf16>
        %add3A_414 = arith.addf %bitcast3A_409, %bitcast3A_413 : vector<32xbf16>
        %bitcast3A_415 = vector.bitcast %add3A_414 : vector<32xbf16> to vector<16xi32>
        %swap3A_416 = arith.index_cast %add3A_109 : i32 to index
        %swap3A_417 = arith.constant 368 : index
        %swap3A_418 = tpu.vector_load %arg15[%swap3A_416, %swap3A_417] {strides = array<i32>} : memref<32x512xi32, #tpu.memory_space<vmem>>, vector<16xi32>,
        tpu.vector_store %arg15[%swap3A_416, %swap3A_417], %bitcast3A_415 {strides = array<i32>} : memref<32x512xi32, #tpu.memory_space<vmem>>, vector<16xi32>,
        %get3A_419 = arith.index_cast %add3A_109 : i32 to index
        %get3A_420 = arith.constant 384 : index
        %get3A_421 = tpu.vector_load %arg15[%get3A_419, %get3A_420] {strides = array<i32>} : memref<32x512xi32, #tpu.memory_space<vmem>>, vector<16xi32>,
        %bitcast3A_422 = vector.bitcast %get3A_421 : vector<16xi32> to vector<32xbf16>
        %get3A_423 = arith.index_cast %add3A_109 : i32 to index
        %get3A_424 = arith.constant 384 : index
        %get3A_425 = tpu.vector_load %arg14[%get3A_423, %get3A_424] {strides = array<i32>} : memref<32x512xi32, #tpu.memory_space<vmem>>, vector<16xi32>,
        %bitcast3A_426 = vector.bitcast %get3A_425 : vector<16xi32> to vector<32xbf16>
        %add3A_427 = arith.addf %bitcast3A_422, %bitcast3A_426 : vector<32xbf16>
        %bitcast3A_428 = vector.bitcast %add3A_427 : vector<32xbf16> to vector<16xi32>
        %swap3A_429 = arith.index_cast %add3A_109 : i32 to index
        %swap3A_430 = arith.constant 384 : index
        %swap3A_431 = tpu.vector_load %arg15[%swap3A_429, %swap3A_430] {strides = array<i32>} : memref<32x512xi32, #tpu.memory_space<vmem>>, vector<16xi32>,
        tpu.vector_store %arg15[%swap3A_429, %swap3A_430], %bitcast3A_428 {strides = array<i32>} : memref<32x512xi32, #tpu.memory_space<vmem>>, vector<16xi32>,
        %get3A_432 = arith.index_cast %add3A_109 : i32 to index
        %get3A_433 = arith.constant 400 : index
        %get3A_434 = tpu.vector_load %arg15[%get3A_432, %get3A_433] {strides = array<i32>} : memref<32x512xi32, #tpu.memory_space<vmem>>, vector<16xi32>,
        %bitcast3A_435 = vector.bitcast %get3A_434 : vector<16xi32> to vector<32xbf16>
        %get3A_436 = arith.index_cast %add3A_109 : i32 to index
        %get3A_437 = arith.constant 400 : index
        %get3A_438 = tpu.vector_load %arg14[%get3A_436, %get3A_437] {strides = array<i32>} : memref<32x512xi32, #tpu.memory_space<vmem>>, vector<16xi32>,
        %bitcast3A_439 = vector.bitcast %get3A_438 : vector<16xi32> to vector<32xbf16>
        %add3A_440 = arith.addf %bitcast3A_435, %bitcast3A_439 : vector<32xbf16>
        %bitcast3A_441 = vector.bitcast %add3A_440 : vector<32xbf16> to vector<16xi32>
        %swap3A_442 = arith.index_cast %add3A_109 : i32 to index
        %swap3A_443 = arith.constant 400 : index
        %swap3A_444 = tpu.vector_load %arg15[%swap3A_442, %swap3A_443] {strides = array<i32>} : memref<32x512xi32, #tpu.memory_space<vmem>>, vector<16xi32>,
        tpu.vector_store %arg15[%swap3A_442, %swap3A_443], %bitcast3A_441 {strides = array<i32>} : memref<32x512xi32, #tpu.memory_space<vmem>>, vector<16xi32>,
        %get3A_445 = arith.index_cast %add3A_109 : i32 to index
        %get3A_446 = arith.constant 416 : index
        %get3A_447 = tpu.vector_load %arg15[%get3A_445, %get3A_446] {strides = array<i32>} : memref<32x512xi32, #tpu.memory_space<vmem>>, vector<16xi32>,
        %bitcast3A_448 = vector.bitcast %get3A_447 : vector<16xi32> to vector<32xbf16>
        %get3A_449 = arith.index_cast %add3A_109 : i32 to index
        %get3A_450 = arith.constant 416 : index
        %get3A_451 = tpu.vector_load %arg14[%get3A_449, %get3A_450] {strides = array<i32>} : memref<32x512xi32, #tpu.memory_space<vmem>>, vector<16xi32>,
        %bitcast3A_452 = vector.bitcast %get3A_451 : vector<16xi32> to vector<32xbf16>
        %add3A_453 = arith.addf %bitcast3A_448, %bitcast3A_452 : vector<32xbf16>
        %bitcast3A_454 = vector.bitcast %add3A_453 : vector<32xbf16> to vector<16xi32>
        %swap3A_455 = arith.index_cast %add3A_109 : i32 to index
        %swap3A_456 = arith.constant 416 : index
        %swap3A_457 = tpu.vector_load %arg15[%swap3A_455, %swap3A_456] {strides = array<i32>} : memref<32x512xi32, #tpu.memory_space<vmem>>, vector<16xi32>,
        tpu.vector_store %arg15[%swap3A_455, %swap3A_456], %bitcast3A_454 {strides = array<i32>} : memref<32x512xi32, #tpu.memory_space<vmem>>, vector<16xi32>,
        %get3A_458 = arith.index_cast %add3A_109 : i32 to index
        %get3A_459 = arith.constant 432 : index
        %get3A_460 = tpu.vector_load %arg15[%get3A_458, %get3A_459] {strides = array<i32>} : memref<32x512xi32, #tpu.memory_space<vmem>>, vector<16xi32>,
        %bitcast3A_461 = vector.bitcast %get3A_460 : vector<16xi32> to vector<32xbf16>
        %get3A_462 = arith.index_cast %add3A_109 : i32 to index
        %get3A_463 = arith.constant 432 : index
        %get3A_464 = tpu.vector_load %arg14[%get3A_462, %get3A_463] {strides = array<i32>} : memref<32x512xi32, #tpu.memory_space<vmem>>, vector<16xi32>,
        %bitcast3A_465 = vector.bitcast %get3A_464 : vector<16xi32> to vector<32xbf16>
        %add3A_466 = arith.addf %bitcast3A_461, %bitcast3A_465 : vector<32xbf16>
        %bitcast3A_467 = vector.bitcast %add3A_466 : vector<32xbf16> to vector<16xi32>
        %swap3A_468 = arith.index_cast %add3A_109 : i32 to index
        %swap3A_469 = arith.constant 432 : index
        %swap3A_470 = tpu.vector_load %arg15[%swap3A_468, %swap3A_469] {strides = array<i32>} : memref<32x512xi32, #tpu.memory_space<vmem>>, vector<16xi32>,
        tpu.vector_store %arg15[%swap3A_468, %swap3A_469], %bitcast3A_467 {strides = array<i32>} : memref<32x512xi32, #tpu.memory_space<vmem>>, vector<16xi32>,
        %get3A_471 = arith.index_cast %add3A_109 : i32 to index
        %get3A_472 = arith.constant 448 : index
        %get3A_473 = tpu.vector_load %arg15[%get3A_471, %get3A_472] {strides = array<i32>} : memref<32x512xi32, #tpu.memory_space<vmem>>, vector<16xi32>,
        %bitcast3A_474 = vector.bitcast %get3A_473 : vector<16xi32> to vector<32xbf16>
        %get3A_475 = arith.index_cast %add3A_109 : i32 to index
        %get3A_476 = arith.constant 448 : index
        %get3A_477 = tpu.vector_load %arg14[%get3A_475, %get3A_476] {strides = array<i32>} : memref<32x512xi32, #tpu.memory_space<vmem>>, vector<16xi32>,
        %bitcast3A_478 = vector.bitcast %get3A_477 : vector<16xi32> to vector<32xbf16>
        %add3A_479 = arith.addf %bitcast3A_474, %bitcast3A_478 : vector<32xbf16>
        %bitcast3A_480 = vector.bitcast %add3A_479 : vector<32xbf16> to vector<16xi32>
        %swap3A_481 = arith.index_cast %add3A_109 : i32 to index
        %swap3A_482 = arith.constant 448 : index
        %swap3A_483 = tpu.vector_load %arg15[%swap3A_481, %swap3A_482] {strides = array<i32>} : memref<32x512xi32, #tpu.memory_space<vmem>>, vector<16xi32>,
        tpu.vector_store %arg15[%swap3A_481, %swap3A_482], %bitcast3A_480 {strides = array<i32>} : memref<32x512xi32, #tpu.memory_space<vmem>>, vector<16xi32>,
        %get3A_484 = arith.index_cast %add3A_109 : i32 to index
        %get3A_485 = arith.constant 464 : index
        %get3A_486 = tpu.vector_load %arg15[%get3A_484, %get3A_485] {strides = array<i32>} : memref<32x512xi32, #tpu.memory_space<vmem>>, vector<16xi32>,
        %bitcast3A_487 = vector.bitcast %get3A_486 : vector<16xi32> to vector<32xbf16>
        %get3A_488 = arith.index_cast %add3A_109 : i32 to index
        %get3A_489 = arith.constant 464 : index
        %get3A_490 = tpu.vector_load %arg14[%get3A_488, %get3A_489] {strides = array<i32>} : memref<32x512xi32, #tpu.memory_space<vmem>>, vector<16xi32>,
        %bitcast3A_491 = vector.bitcast %get3A_490 : vector<16xi32> to vector<32xbf16>
        %add3A_492 = arith.addf %bitcast3A_487, %bitcast3A_491 : vector<32xbf16>
        %bitcast3A_493 = vector.bitcast %add3A_492 : vector<32xbf16> to vector<16xi32>
        %swap3A_494 = arith.index_cast %add3A_109 : i32 to index
        %swap3A_495 = arith.constant 464 : index
        %swap3A_496 = tpu.vector_load %arg15[%swap3A_494, %swap3A_495] {strides = array<i32>} : memref<32x512xi32, #tpu.memory_space<vmem>>, vector<16xi32>,
        tpu.vector_store %arg15[%swap3A_494, %swap3A_495], %bitcast3A_493 {strides = array<i32>} : memref<32x512xi32, #tpu.memory_space<vmem>>, vector<16xi32>,
        %get3A_497 = arith.index_cast %add3A_109 : i32 to index
        %get3A_498 = arith.constant 480 : index
        %get3A_499 = tpu.vector_load %arg15[%get3A_497, %get3A_498] {strides = array<i32>} : memref<32x512xi32, #tpu.memory_space<vmem>>, vector<16xi32>,
        %bitcast3A_500 = vector.bitcast %get3A_499 : vector<16xi32> to vector<32xbf16>
        %get3A_501 = arith.index_cast %add3A_109 : i32 to index
        %get3A_502 = arith.constant 480 : index
        %get3A_503 = tpu.vector_load %arg14[%get3A_501, %get3A_502] {strides = array<i32>} : memref<32x512xi32, #tpu.memory_space<vmem>>, vector<16xi32>,
        %bitcast3A_504 = vector.bitcast %get3A_503 : vector<16xi32> to vector<32xbf16>
        %add3A_505 = arith.addf %bitcast3A_500, %bitcast3A_504 : vector<32xbf16>
        %bitcast3A_506 = vector.bitcast %add3A_505 : vector<32xbf16> to vector<16xi32>
        %swap3A_507 = arith.index_cast %add3A_109 : i32 to index
        %swap3A_508 = arith.constant 480 : index
        %swap3A_509 = tpu.vector_load %arg15[%swap3A_507, %swap3A_508] {strides = array<i32>} : memref<32x512xi32, #tpu.memory_space<vmem>>, vector<16xi32>,
        tpu.vector_store %arg15[%swap3A_507, %swap3A_508], %bitcast3A_506 {strides = array<i32>} : memref<32x512xi32, #tpu.memory_space<vmem>>, vector<16xi32>,
        %get3A_510 = arith.index_cast %add3A_109 : i32 to index
        %get3A_511 = arith.constant 496 : index
        %get3A_512 = tpu.vector_load %arg15[%get3A_510, %get3A_511] {strides = array<i32>} : memref<32x512xi32, #tpu.memory_space<vmem>>, vector<16xi32>,
        %bitcast3A_513 = vector.bitcast %get3A_512 : vector<16xi32> to vector<32xbf16>
        %get3A_514 = arith.index_cast %add3A_109 : i32 to index
        %get3A_515 = arith.constant 496 : index
        %get3A_516 = tpu.vector_load %arg14[%get3A_514, %get3A_515] {strides = array<i32>} : memref<32x512xi32, #tpu.memory_space<vmem>>, vector<16xi32>,
        %bitcast3A_517 = vector.bitcast %get3A_516 : vector<16xi32> to vector<32xbf16>
        %add3A_518 = arith.addf %bitcast3A_513, %bitcast3A_517 : vector<32xbf16>
        %bitcast3A_519 = vector.bitcast %add3A_518 : vector<32xbf16> to vector<16xi32>
        %swap3A_520 = arith.index_cast %add3A_109 : i32 to index
        %swap3A_521 = arith.constant 496 : index
        %swap3A_522 = tpu.vector_load %arg15[%swap3A_520, %swap3A_521] {strides = array<i32>} : memref<32x512xi32, #tpu.memory_space<vmem>>, vector<16xi32>,
        tpu.vector_store %arg15[%swap3A_520, %swap3A_521], %bitcast3A_519 {strides = array<i32>} : memref<32x512xi32, #tpu.memory_space<vmem>>, vector<16xi32>,
      }
      %scan3A_97 = arith.constant 32 : i32
      %add3A_98 = arith.constant 3 : i32
      %add3A_99 = arith.addi %add3A_74, %add3A_98 : i32
      %lt3A_100 = arith.constant 50 : i32
      %lt3A_101 = arith.cmpi slt, %add3A_99, %lt3A_100 : i32
      %convert_element_type3A_102 = arith.extui %lt3A_101 : i1 to i32
      %cond3A_103 = arith.constant 0 : i32
      %cond3A_104 = arith.cmpi ne, %convert_element_type3A_102, %cond3A_103 : i32
      scf.if %cond3A_104 {
        %add3A_105 = arith.constant 3 : i32
        %add3A_106 = arith.addi %add3A_74, %add3A_105 : i32
        %mul3A_107 = arith.constant 32 : i32
        %mul3A_108 = arith.muli %add3A_106, %mul3A_107 : i32
        %dma_start3A_109 = tpu.memref_slice %arg10[%mul3A_108] : memref<1600xi32, #tpu.memory_space<vmem>> -> memref<32xi32, #tpu.memory_space<vmem>>
        %dma_start3A_110 = arith.constant 0 : i32
        %dma_start3A_111 = arith.constant 0 : i32
        %dma_start3A_112 = tpu.memref_slice %arg3[%dma_start3A_110, %dma_start3A_111] : memref<16384x512xi32, #tpu.memory_space<hbm>> -> memref<16384x512xi32, #tpu.memory_space<hbm>>
        tpu.enqueue_indirect_dma source(%dma_start3A_112 : memref<16384x512xi32, #tpu.memory_space<hbm>>) target(%arg14 : memref<32x512xi32, #tpu.memory_space<vmem>>) offsets(%dma_start3A_109 : memref<32xi32, #tpu.memory_space<vmem>>) semaphore(%arg17 : memref<!tpu.dma_semaphore, #tpu.memory_space<semaphore_mem>>)
      } else {
      }
    }
    %scan3A_65 = arith.constant 4 : i32
    "tpu.region"() ({
      %run_scoped3A = tpu.sem_alloc : memref<!tpu.dma_semaphore, #tpu.memory_space<semaphore_mem>>
      %dma_start3A_66 = arith.constant 0 : i32
      %dma_start3A_67 = tpu.memref_slice %arg9[%mul3A_2, %dma_start3A_66] : memref<1024x512xi32, #tpu.memory_space<hbm>> -> memref<32x512xi32, #tpu.memory_space<hbm>>
      %dma_start3A_68 = arith.constant 0 : i32
      %dma_start3A_69 = tpu.memref_slice %arg9[%mul3A_2, %dma_start3A_68] : memref<1024x512xi32, #tpu.memory_space<hbm>> -> memref<32x512xi32, #tpu.memory_space<hbm>>
      tpu.enqueue_dma source(%arg15 : memref<32x512xi32, #tpu.memory_space<vmem>>) target(%dma_start3A_69 : memref<32x512xi32, #tpu.memory_space<hbm>>) target_semaphore(%run_scoped3A : memref<!tpu.dma_semaphore, #tpu.memory_space<semaphore_mem>>)
      %dma_wait3A = arith.constant 0 : i32
      %dma_wait3A_70 = tpu.memref_slice %arg9[%mul3A_2, %dma_wait3A] : memref<1024x512xi32, #tpu.memory_space<hbm>> -> memref<32x512xi32, #tpu.memory_space<hbm>>
      %dma_wait3A_71 = arith.constant 0 : i32
      %dma_wait3A_72 = tpu.memref_slice %arg9[%mul3A_2, %dma_wait3A_71] : memref<1024x512xi32, #tpu.memory_space<hbm>> -> memref<32x512xi32, #tpu.memory_space<hbm>>
      tpu.wait_dma2 semaphore(%run_scoped3A : memref<!tpu.dma_semaphore, #tpu.memory_space<semaphore_mem>>) src(%arg15 : memref<32x512xi32, #tpu.memory_space<vmem>>) dst(%dma_wait3A_72 : memref<32x512xi32, #tpu.memory_space<hbm>>)
      tpu.yield
    }) : () -> ()
    return
  }
}

module attributes {stable_mosaic.version = 14 : i64} {
  func.func @_pack_body(%arg0: i32, %arg1: memref<2048x1024xf32, #tpu.memory_space<vmem>>, %arg2: memref<2048x512xi32, #tpu.memory_space<vmem>>) attributes {dimension_semantics = [#tpu.dimension_semantics<arbitrary>], iteration_bounds = array<i64: 8>, scalar_prefetch = 0 : i64, scratch_operands = 0 : i64, tpu.core_type = #tpu.core_type<tc>, window_params = [{transform_indices = @transform_0, window_bounds = array<i64: 2048, 1024>}, {transform_indices = @transform_1, window_bounds = array<i64: 2048, 512>}]} {
    %get3A = arith.constant 0 : index
    %get3A_0 = arith.constant 0 : index
    %get3A_1 = vector.load %arg1[%get3A, %get3A_0] : memref<2048x1024xf32, #tpu.memory_space<vmem>>, vector<2048x1024xf32>
    %convert_element_type3A = arith.truncf %get3A_1 : vector<2048x1024xf32> to vector<2048x1024xbf16>
    %convert_element_type3A_2 = arith.extf %convert_element_type3A : vector<2048x1024xbf16> to vector<2048x1024xf32>
    %bitcast_convert_type3A = tpu.bitcast %convert_element_type3A_2 : vector<2048x1024xf32> -> vector<2048x1024xi32>
    %slice3A = vector.extract_strided_slice %bitcast_convert_type3A {offsets = [0, 0], sizes = [2048, 512], strides = [1, 1]} : vector<2048x1024xi32> to vector<2048x512xi32>
    %shift_right_logical3A = arith.constant 16 : i32
    %shift_right_logical3A_3 = vector.broadcast %shift_right_logical3A : i32 to vector<2048x512xi32>
    %shift_right_logical3A_4 = arith.shrui %slice3A, %shift_right_logical3A_3 : vector<2048x512xi32>
    %slice3A_5 = vector.extract_strided_slice %bitcast_convert_type3A {offsets = [0, 512], sizes = [2048, 512], strides = [1, 1]} : vector<2048x1024xi32> to vector<2048x512xi32>
    %or3A = arith.ori %shift_right_logical3A_4, %slice3A_5 : vector<2048x512xi32>
    %swap3A = arith.constant 0 : index
    %swap3A_6 = arith.constant 0 : index
    %swap3A_7 = vector.load %arg2[%swap3A, %swap3A_6] : memref<2048x512xi32, #tpu.memory_space<vmem>>, vector<2048x512xi32>
    tpu.vector_store %arg2[%swap3A, %swap3A_6], %or3A {strides = array<i32>} : memref<2048x512xi32, #tpu.memory_space<vmem>>, vector<2048x512xi32>,
    return
  }
  func.func @transform_0(%arg0: i32) -> (i32, i32) {
    %c0_i32 = arith.constant 0 : i32
    %c0_i32_0 = arith.constant 0 : i32
    return %arg0, %c0_i32 : i32, i32
  }
  func.func @transform_1(%arg0: i32) -> (i32, i32) {
    %c0_i32 = arith.constant 0 : i32
    %c0_i32_0 = arith.constant 0 : i32
    return %arg0, %c0_i32 : i32, i32
  }
}

module attributes {stable_mosaic.version = 14 : i64} {
  func.func @_tc_moe_body(%arg0: i32, %arg1: memref<1024x1024xbf16, #tpu.memory_space<vmem>>, %arg2: memref<1024x512xi32, #tpu.memory_space<vmem>>, %arg3: memref<1024x512xi32, #tpu.memory_space<vmem>>, %arg4: memref<1024x512xi32, #tpu.memory_space<vmem>>, %arg5: memref<2048x512xbf16, #tpu.memory_space<vmem>>, %arg6: memref<2048x512xbf16, #tpu.memory_space<vmem>>, %arg7: memref<2048x512xbf16, #tpu.memory_space<vmem>>, %arg8: memref<512x1024xbf16, #tpu.memory_space<vmem>>, %arg9: memref<512x1024xbf16, #tpu.memory_space<vmem>>, %arg10: memref<512x1024xbf16, #tpu.memory_space<vmem>>, %arg11: memref<1x512xf32, #tpu.memory_space<vmem>>, %arg12: memref<1x512xf32, #tpu.memory_space<vmem>>, %arg13: memref<1x512xf32, #tpu.memory_space<vmem>>, %arg14: memref<1x1024xf32, #tpu.memory_space<vmem>>, %arg15: memref<1x1024xf32, #tpu.memory_space<vmem>>, %arg16: memref<1x1024xf32, #tpu.memory_space<vmem>>, %arg17: memref<1024x128xbf16, #tpu.memory_space<vmem>>, %arg18: memref<1x128xf32, #tpu.memory_space<vmem>>, %arg19: memref<1024x1024xf32, #tpu.memory_space<vmem>>, %arg20: memref<1024x128xf32, #tpu.memory_space<vmem>>, %arg21: memref<1024x1024xbf16, #tpu.memory_space<vmem>>, %arg22: memref<1024x1024xbf16, #tpu.memory_space<vmem>>, %arg23: memref<1024x1024xbf16, #tpu.memory_space<vmem>>, %arg24: memref<1024x1024xf32, #tpu.memory_space<vmem>>, %arg25: memref<1024x1024xf32, #tpu.memory_space<vmem>>, %arg26: memref<1024x1024xf32, #tpu.memory_space<vmem>>) attributes {dimension_semantics = [#tpu.dimension_semantics<arbitrary>], iteration_bounds = array<i64: 8>, scalar_prefetch = 0 : i64, scratch_operands = 7 : i64, tpu.core_type = #tpu.core_type<tc>, window_params = [{pipeline_mode = #tpu.pipeline_mode<synchronous>, transform_indices = @transform_0, window_bounds = array<i64: 1024, 1024>}, {pipeline_mode = #tpu.pipeline_mode<synchronous>, transform_indices = @transform_1, window_bounds = array<i64: 1024, 512>}, {pipeline_mode = #tpu.pipeline_mode<synchronous>, transform_indices = @transform_2, window_bounds = array<i64: 1024, 512>}, {pipeline_mode = #tpu.pipeline_mode<synchronous>, transform_indices = @transform_3, window_bounds = array<i64: 1024, 512>}, {transform_indices = @transform_4, window_bounds = array<i64: 2048, 512>}, {transform_indices = @transform_5, window_bounds = array<i64: 2048, 512>}, {transform_indices = @transform_6, window_bounds = array<i64: 2048, 512>}, {transform_indices = @transform_7, window_bounds = array<i64: 512, 1024>}, {transform_indices = @transform_8, window_bounds = array<i64: 512, 1024>}, {transform_indices = @transform_9, window_bounds = array<i64: 512, 1024>}, {transform_indices = @transform_10, window_bounds = array<i64: 1, 512>}, {transform_indices = @transform_11, window_bounds = array<i64: 1, 512>}, {transform_indices = @transform_12, window_bounds = array<i64: 1, 512>}, {pipeline_mode = #tpu.pipeline_mode<synchronous>, transform_indices = @transform_13, window_bounds = array<i64: 1, 1024>}, {pipeline_mode = #tpu.pipeline_mode<synchronous>, transform_indices = @transform_14, window_bounds = array<i64: 1, 1024>}, {pipeline_mode = #tpu.pipeline_mode<synchronous>, transform_indices = @transform_15, window_bounds = array<i64: 1, 1024>}, {pipeline_mode = #tpu.pipeline_mode<synchronous>, transform_indices = @transform_16, window_bounds = array<i64: 1024, 128>}, {pipeline_mode = #tpu.pipeline_mode<synchronous>, transform_indices = @transform_17, window_bounds = array<i64: 1, 128>}, {pipeline_mode = #tpu.pipeline_mode<synchronous>, transform_indices = @transform_18, window_bounds = array<i64: 1024, 1024>}]} {
    %eq3A = arith.constant 0 : i32
    %eq3A_0 = arith.cmpi eq, %arg0, %eq3A : i32
    %convert_element_type3A = arith.extui %eq3A_0 : i1 to i32
    %cond3A = arith.constant 0 : i32
    %cond3A_1 = arith.cmpi ne, %convert_element_type3A, %cond3A : i32
    scf.if %cond3A_1 {
      %get3A_125 = arith.constant 0 : index
      %get3A_126 = arith.constant 0 : index
      %get3A_127 = vector.load %arg2[%get3A_125, %get3A_126] : memref<1024x512xi32, #tpu.memory_space<vmem>>, vector<1024x512xi32>
      %shift_left3A = arith.constant 16 : i32
      %shift_left3A_128 = vector.broadcast %shift_left3A : i32 to vector<1024x512xi32>
      %shift_left3A_129 = arith.shli %get3A_127, %shift_left3A_128 : vector<1024x512xi32>
      %bitcast_convert_type3A = tpu.bitcast %shift_left3A_129 : vector<1024x512xi32> -> vector<1024x512xf32>
      %and3A = arith.constant -65536 : i32
      %and3A_130 = vector.broadcast %and3A : i32 to vector<1024x512xi32>
      %and3A_131 = arith.andi %get3A_127, %and3A_130 : vector<1024x512xi32>
      %bitcast_convert_type3A_132 = tpu.bitcast %and3A_131 : vector<1024x512xi32> -> vector<1024x512xf32>
      %mul3A = arith.constant 0.0384615399 : f32
      %mul3A_133 = vector.broadcast %mul3A : f32 to vector<1024x512xf32>
      %mul3A_134 = arith.mulf %bitcast_convert_type3A, %mul3A_133 : vector<1024x512xf32>
      %convert_element_type3A_135 = arith.truncf %mul3A_134 : vector<1024x512xf32> to vector<1024x512xbf16>
      %swap3A = arith.constant 0 : index
      %swap3A_136 = arith.constant 0 : index
      %swap3A_137 = vector.load %arg21[%swap3A, %swap3A_136] : memref<1024x1024xbf16, #tpu.memory_space<vmem>>, vector<1024x512xbf16>
      tpu.vector_store %arg21[%swap3A, %swap3A_136], %convert_element_type3A_135 {strides = array<i32>} : memref<1024x1024xbf16, #tpu.memory_space<vmem>>, vector<1024x512xbf16>,
      %mul3A_138 = arith.constant 0.0384615399 : f32
      %mul3A_139 = vector.broadcast %mul3A_138 : f32 to vector<1024x512xf32>
      %mul3A_140 = arith.mulf %bitcast_convert_type3A_132, %mul3A_139 : vector<1024x512xf32>
      %convert_element_type3A_141 = arith.truncf %mul3A_140 : vector<1024x512xf32> to vector<1024x512xbf16>
      %swap3A_142 = arith.constant 0 : index
      %swap3A_143 = arith.constant 512 : index
      %swap3A_144 = vector.load %arg21[%swap3A_142, %swap3A_143] : memref<1024x1024xbf16, #tpu.memory_space<vmem>>, vector<1024x512xbf16>
      tpu.vector_store %arg21[%swap3A_142, %swap3A_143], %convert_element_type3A_141 {strides = array<i32>} : memref<1024x1024xbf16, #tpu.memory_space<vmem>>, vector<1024x512xbf16>,
      %get3A_145 = arith.constant 0 : index
      %get3A_146 = arith.constant 0 : index
      %get3A_147 = vector.load %arg3[%get3A_145, %get3A_146] : memref<1024x512xi32, #tpu.memory_space<vmem>>, vector<1024x512xi32>
      %shift_left3A_148 = arith.constant 16 : i32
      %shift_left3A_149 = vector.broadcast %shift_left3A_148 : i32 to vector<1024x512xi32>
      %shift_left3A_150 = arith.shli %get3A_147, %shift_left3A_149 : vector<1024x512xi32>
      %bitcast_convert_type3A_151 = tpu.bitcast %shift_left3A_150 : vector<1024x512xi32> -> vector<1024x512xf32>
      %and3A_152 = arith.constant -65536 : i32
      %and3A_153 = vector.broadcast %and3A_152 : i32 to vector<1024x512xi32>
      %and3A_154 = arith.andi %get3A_147, %and3A_153 : vector<1024x512xi32>
      %bitcast_convert_type3A_155 = tpu.bitcast %and3A_154 : vector<1024x512xi32> -> vector<1024x512xf32>
      %mul3A_156 = arith.constant 6.250000e-02 : f32
      %mul3A_157 = vector.broadcast %mul3A_156 : f32 to vector<1024x512xf32>
      %mul3A_158 = arith.mulf %bitcast_convert_type3A_151, %mul3A_157 : vector<1024x512xf32>
      %convert_element_type3A_159 = arith.truncf %mul3A_158 : vector<1024x512xf32> to vector<1024x512xbf16>
      %swap3A_160 = arith.constant 0 : index
      %swap3A_161 = arith.constant 0 : index
      %swap3A_162 = vector.load %arg22[%swap3A_160, %swap3A_161] : memref<1024x1024xbf16, #tpu.memory_space<vmem>>, vector<1024x512xbf16>
      tpu.vector_store %arg22[%swap3A_160, %swap3A_161], %convert_element_type3A_159 {strides = array<i32>} : memref<1024x1024xbf16, #tpu.memory_space<vmem>>, vector<1024x512xbf16>,
      %mul3A_163 = arith.constant 6.250000e-02 : f32
      %mul3A_164 = vector.broadcast %mul3A_163 : f32 to vector<1024x512xf32>
      %mul3A_165 = arith.mulf %bitcast_convert_type3A_155, %mul3A_164 : vector<1024x512xf32>
      %convert_element_type3A_166 = arith.truncf %mul3A_165 : vector<1024x512xf32> to vector<1024x512xbf16>
      %swap3A_167 = arith.constant 0 : index
      %swap3A_168 = arith.constant 512 : index
      %swap3A_169 = vector.load %arg22[%swap3A_167, %swap3A_168] : memref<1024x1024xbf16, #tpu.memory_space<vmem>>, vector<1024x512xbf16>
      tpu.vector_store %arg22[%swap3A_167, %swap3A_168], %convert_element_type3A_166 {strides = array<i32>} : memref<1024x1024xbf16, #tpu.memory_space<vmem>>, vector<1024x512xbf16>,
      %get3A_170 = arith.constant 0 : index
      %get3A_171 = arith.constant 0 : index
      %get3A_172 = vector.load %arg4[%get3A_170, %get3A_171] : memref<1024x512xi32, #tpu.memory_space<vmem>>, vector<1024x512xi32>
      %shift_left3A_173 = arith.constant 16 : i32
      %shift_left3A_174 = vector.broadcast %shift_left3A_173 : i32 to vector<1024x512xi32>
      %shift_left3A_175 = arith.shli %get3A_172, %shift_left3A_174 : vector<1024x512xi32>
      %bitcast_convert_type3A_176 = tpu.bitcast %shift_left3A_175 : vector<1024x512xi32> -> vector<1024x512xf32>
      %and3A_177 = arith.constant -65536 : i32
      %and3A_178 = vector.broadcast %and3A_177 : i32 to vector<1024x512xi32>
      %and3A_179 = arith.andi %get3A_172, %and3A_178 : vector<1024x512xi32>
      %bitcast_convert_type3A_180 = tpu.bitcast %and3A_179 : vector<1024x512xi32> -> vector<1024x512xf32>
      %mul3A_181 = arith.constant 1.250000e-01 : f32
      %mul3A_182 = vector.broadcast %mul3A_181 : f32 to vector<1024x512xf32>
      %mul3A_183 = arith.mulf %bitcast_convert_type3A_176, %mul3A_182 : vector<1024x512xf32>
      %convert_element_type3A_184 = arith.truncf %mul3A_183 : vector<1024x512xf32> to vector<1024x512xbf16>
      %swap3A_185 = arith.constant 0 : index
      %swap3A_186 = arith.constant 0 : index
      %swap3A_187 = vector.load %arg23[%swap3A_185, %swap3A_186] : memref<1024x1024xbf16, #tpu.memory_space<vmem>>, vector<1024x512xbf16>
      tpu.vector_store %arg23[%swap3A_185, %swap3A_186], %convert_element_type3A_184 {strides = array<i32>} : memref<1024x1024xbf16, #tpu.memory_space<vmem>>, vector<1024x512xbf16>,
      %mul3A_188 = arith.constant 1.250000e-01 : f32
      %mul3A_189 = vector.broadcast %mul3A_188 : f32 to vector<1024x512xf32>
      %mul3A_190 = arith.mulf %bitcast_convert_type3A_180, %mul3A_189 : vector<1024x512xf32>
      %convert_element_type3A_191 = arith.truncf %mul3A_190 : vector<1024x512xf32> to vector<1024x512xbf16>
      %swap3A_192 = arith.constant 0 : index
      %swap3A_193 = arith.constant 512 : index
      %swap3A_194 = vector.load %arg23[%swap3A_192, %swap3A_193] : memref<1024x1024xbf16, #tpu.memory_space<vmem>>, vector<1024x512xbf16>
      tpu.vector_store %arg23[%swap3A_192, %swap3A_193], %convert_element_type3A_191 {strides = array<i32>} : memref<1024x1024xbf16, #tpu.memory_space<vmem>>, vector<1024x512xbf16>,
      %get3A_195 = arith.constant 0 : index
      %get3A_196 = arith.constant 0 : index
      %get3A_197 = vector.load %arg1[%get3A_195, %get3A_196] : memref<1024x1024xbf16, #tpu.memory_space<vmem>>, vector<1024x1024xbf16>
      %get3A_198 = arith.constant 0 : index
      %get3A_199 = arith.constant 0 : index
      %get3A_200 = vector.load %arg17[%get3A_198, %get3A_199] : memref<1024x128xbf16, #tpu.memory_space<vmem>>, vector<1024x128xbf16>
      %dot_general3A_201 = arith.constant dense<0.000000e+00> : vector<1024x128xf32>
      %dot_general3A_202 = tpu.matmul %get3A_197, %get3A_200, %dot_general3A_201 {dimension_numbers = #tpu.dot_dimension_numbers<[1], [0], [0], [1], [0, 0, 1, 1], [], []>, transpose_lhs_hint = false} : vector<1024x1024xbf16>, vector<1024x128xbf16>, vector<1024x128xf32> -> vector<1024x128xf32>
      %get3A_203 = arith.constant 0 : index
      %get3A_204 = arith.constant 0 : index
      %get3A_205 = vector.load %arg18[%get3A_203, %get3A_204] : memref<1x128xf32, #tpu.memory_space<vmem>>, vector<1x128xf32>
      %add3A_206 = vector.broadcast %get3A_205 : vector<1x128xf32> to vector<1024x128xf32>
      %add3A_207 = arith.addf %dot_general3A_202, %add3A_206 : vector<1024x128xf32>
      %reduce_max3A = arith.constant dense<0xFF800000> : vector<1024xf32>
      %reduce_max3A_208 = vector.multi_reduction <maximumf>, %add3A_207, %reduce_max3A [1] : vector<1024x128xf32> to vector<1024xf32>
      %broadcast_in_dim3A = vector.shape_cast %reduce_max3A_208 : vector<1024xf32> to vector<1024x1xf32>
      %sub3A = vector.broadcast %broadcast_in_dim3A : vector<1024x1xf32> to vector<1024x128xf32>
      %sub3A_209 = arith.subf %add3A_207, %sub3A : vector<1024x128xf32>
      %exp3A = math.exp %sub3A_209 : vector<1024x128xf32>
      %reduce_sum3A = arith.constant dense<0.000000e+00> : vector<1024xf32>
      %reduce_sum3A_210 = vector.multi_reduction <add>, %exp3A, %reduce_sum3A [1] : vector<1024x128xf32> to vector<1024xf32>
      %broadcast_in_dim3A_211 = vector.shape_cast %reduce_sum3A_210 : vector<1024xf32> to vector<1024x1xf32>
      %div3A = vector.broadcast %broadcast_in_dim3A_211 : vector<1024x1xf32> to vector<1024x128xf32>
      %div3A_212 = arith.divf %exp3A, %div3A : vector<1024x128xf32>
      %swap3A_213 = arith.constant 0 : index
      %swap3A_214 = arith.constant 0 : index
      %swap3A_215 = vector.load %arg20[%swap3A_213, %swap3A_214] : memref<1024x128xf32, #tpu.memory_space<vmem>>, vector<1024x128xf32>
      tpu.vector_store %arg20[%swap3A_213, %swap3A_214], %div3A_212 {strides = array<i32>} : memref<1024x128xf32, #tpu.memory_space<vmem>>, vector<1024x128xf32>,
    } else {
    }
    %get3A = arith.constant 0 : index
    %get3A_2 = arith.constant 0 : index
    %get3A_3 = vector.load %arg1[%get3A, %get3A_2] : memref<1024x1024xbf16, #tpu.memory_space<vmem>>, vector<1024x1024xbf16>
    %get3A_4 = arith.constant 0 : index
    %get3A_5 = arith.constant 0 : index
    %get3A_6 = vector.load %arg5[%get3A_4, %get3A_5] : memref<2048x512xbf16, #tpu.memory_space<vmem>>, vector<1024x512xbf16>
    %dot_general3A = arith.constant dense<0.000000e+00> : vector<1024x512xf32>
    %dot_general3A_7 = tpu.matmul %get3A_3, %get3A_6, %dot_general3A {dimension_numbers = #tpu.dot_dimension_numbers<[1], [0], [0], [1], [0, 0, 1, 1], [], []>, transpose_lhs_hint = false} : vector<1024x1024xbf16>, vector<1024x512xbf16>, vector<1024x512xf32> -> vector<1024x512xf32>
    %get3A_8 = arith.constant 0 : index
    %get3A_9 = arith.constant 0 : index
    %get3A_10 = vector.load %arg21[%get3A_8, %get3A_9] : memref<1024x1024xbf16, #tpu.memory_space<vmem>>, vector<1024x1024xbf16>
    %get3A_11 = arith.constant 1024 : index
    %get3A_12 = arith.constant 0 : index
    %get3A_13 = vector.load %arg5[%get3A_11, %get3A_12] : memref<2048x512xbf16, #tpu.memory_space<vmem>>, vector<1024x512xbf16>
    %dot_general3A_14 = arith.constant dense<0.000000e+00> : vector<1024x512xf32>
    %dot_general3A_15 = tpu.matmul %get3A_10, %get3A_13, %dot_general3A_14 {dimension_numbers = #tpu.dot_dimension_numbers<[1], [0], [0], [1], [0, 0, 1, 1], [], []>, transpose_lhs_hint = false} : vector<1024x1024xbf16>, vector<1024x512xbf16>, vector<1024x512xf32> -> vector<1024x512xf32>
    %add3A = arith.addf %dot_general3A_7, %dot_general3A_15 : vector<1024x512xf32>
    %get3A_16 = arith.constant 0 : index
    %get3A_17 = arith.constant 0 : index
    %get3A_18 = vector.load %arg11[%get3A_16, %get3A_17] : memref<1x512xf32, #tpu.memory_space<vmem>>, vector<1x512xf32>
    %add3A_19 = vector.broadcast %get3A_18 : vector<1x512xf32> to vector<1024x512xf32>
    %add3A_20 = arith.addf %add3A, %add3A_19 : vector<1024x512xf32>
    %max3A = arith.constant 0.000000e+00 : f32
    %max3A_21 = vector.broadcast %max3A : f32 to vector<1024x512xf32>
    %max3A_22 = arith.maximumf %add3A_20, %max3A_21 : vector<1024x512xf32>
    %convert_element_type3A_23 = arith.truncf %max3A_22 : vector<1024x512xf32> to vector<1024x512xbf16>
    %get3A_24 = arith.constant 0 : index
    %get3A_25 = arith.constant 0 : index
    %get3A_26 = vector.load %arg8[%get3A_24, %get3A_25] : memref<512x1024xbf16, #tpu.memory_space<vmem>>, vector<512x1024xbf16>
    %dot_general3A_27 = arith.constant dense<0.000000e+00> : vector<1024x1024xf32>
    %dot_general3A_28 = tpu.matmul %convert_element_type3A_23, %get3A_26, %dot_general3A_27 {dimension_numbers = #tpu.dot_dimension_numbers<[1], [0], [0], [1], [0, 0, 1, 1], [], []>, transpose_lhs_hint = false} : vector<1024x512xbf16>, vector<512x1024xbf16>, vector<1024x1024xf32> -> vector<1024x1024xf32>
    %eq3A_29 = arith.constant 0 : i32
    %eq3A_30 = arith.cmpi eq, %arg0, %eq3A_29 : i32
    %convert_element_type3A_31 = arith.extui %eq3A_30 : i1 to i32
    %cond3A_32 = arith.constant 0 : i32
    %cond3A_33 = arith.cmpi ne, %convert_element_type3A_31, %cond3A_32 : i32
    scf.if %cond3A_33 {
      %swap3A = arith.constant 0 : index
      %swap3A_125 = arith.constant 0 : index
      %swap3A_126 = vector.load %arg24[%swap3A, %swap3A_125] : memref<1024x1024xf32, #tpu.memory_space<vmem>>, vector<1024x1024xf32>
      tpu.vector_store %arg24[%swap3A, %swap3A_125], %dot_general3A_28 {strides = array<i32>} : memref<1024x1024xf32, #tpu.memory_space<vmem>>, vector<1024x1024xf32>,
    } else {
    }
    %ne3A = arith.constant 0 : i32
    %ne3A_34 = arith.cmpi ne, %arg0, %ne3A : i32
    %convert_element_type3A_35 = arith.extui %ne3A_34 : i1 to i32
    %cond3A_36 = arith.constant 0 : i32
    %cond3A_37 = arith.cmpi ne, %convert_element_type3A_35, %cond3A_36 : i32
    scf.if %cond3A_37 {
      %get3A_125 = arith.constant 0 : index
      %get3A_126 = arith.constant 0 : index
      %get3A_127 = vector.load %arg24[%get3A_125, %get3A_126] : memref<1024x1024xf32, #tpu.memory_space<vmem>>, vector<1024x1024xf32>
      %add3A_128 = arith.addf %get3A_127, %dot_general3A_28 : vector<1024x1024xf32>
      %swap3A = arith.constant 0 : index
      %swap3A_129 = arith.constant 0 : index
      %swap3A_130 = vector.load %arg24[%swap3A, %swap3A_129] : memref<1024x1024xf32, #tpu.memory_space<vmem>>, vector<1024x1024xf32>
      tpu.vector_store %arg24[%swap3A, %swap3A_129], %add3A_128 {strides = array<i32>} : memref<1024x1024xf32, #tpu.memory_space<vmem>>, vector<1024x1024xf32>,
    } else {
    }
    %get3A_38 = arith.constant 0 : index
    %get3A_39 = arith.constant 0 : index
    %get3A_40 = vector.load %arg1[%get3A_38, %get3A_39] : memref<1024x1024xbf16, #tpu.memory_space<vmem>>, vector<1024x1024xbf16>
    %get3A_41 = arith.constant 0 : index
    %get3A_42 = arith.constant 0 : index
    %get3A_43 = vector.load %arg6[%get3A_41, %get3A_42] : memref<2048x512xbf16, #tpu.memory_space<vmem>>, vector<1024x512xbf16>
    %dot_general3A_44 = arith.constant dense<0.000000e+00> : vector<1024x512xf32>
    %dot_general3A_45 = tpu.matmul %get3A_40, %get3A_43, %dot_general3A_44 {dimension_numbers = #tpu.dot_dimension_numbers<[1], [0], [0], [1], [0, 0, 1, 1], [], []>, transpose_lhs_hint = false} : vector<1024x1024xbf16>, vector<1024x512xbf16>, vector<1024x512xf32> -> vector<1024x512xf32>
    %get3A_46 = arith.constant 0 : index
    %get3A_47 = arith.constant 0 : index
    %get3A_48 = vector.load %arg22[%get3A_46, %get3A_47] : memref<1024x1024xbf16, #tpu.memory_space<vmem>>, vector<1024x1024xbf16>
    %get3A_49 = arith.constant 1024 : index
    %get3A_50 = arith.constant 0 : index
    %get3A_51 = vector.load %arg6[%get3A_49, %get3A_50] : memref<2048x512xbf16, #tpu.memory_space<vmem>>, vector<1024x512xbf16>
    %dot_general3A_52 = arith.constant dense<0.000000e+00> : vector<1024x512xf32>
    %dot_general3A_53 = tpu.matmul %get3A_48, %get3A_51, %dot_general3A_52 {dimension_numbers = #tpu.dot_dimension_numbers<[1], [0], [0], [1], [0, 0, 1, 1], [], []>, transpose_lhs_hint = false} : vector<1024x1024xbf16>, vector<1024x512xbf16>, vector<1024x512xf32> -> vector<1024x512xf32>
    %add3A_54 = arith.addf %dot_general3A_45, %dot_general3A_53 : vector<1024x512xf32>
    %get3A_55 = arith.constant 0 : index
    %get3A_56 = arith.constant 0 : index
    %get3A_57 = vector.load %arg12[%get3A_55, %get3A_56] : memref<1x512xf32, #tpu.memory_space<vmem>>, vector<1x512xf32>
    %add3A_58 = vector.broadcast %get3A_57 : vector<1x512xf32> to vector<1024x512xf32>
    %add3A_59 = arith.addf %add3A_54, %add3A_58 : vector<1024x512xf32>
    %max3A_60 = arith.constant 0.000000e+00 : f32
    %max3A_61 = vector.broadcast %max3A_60 : f32 to vector<1024x512xf32>
    %max3A_62 = arith.maximumf %add3A_59, %max3A_61 : vector<1024x512xf32>
    %convert_element_type3A_63 = arith.truncf %max3A_62 : vector<1024x512xf32> to vector<1024x512xbf16>
    %get3A_64 = arith.constant 0 : index
    %get3A_65 = arith.constant 0 : index
    %get3A_66 = vector.load %arg9[%get3A_64, %get3A_65] : memref<512x1024xbf16, #tpu.memory_space<vmem>>, vector<512x1024xbf16>
    %dot_general3A_67 = arith.constant dense<0.000000e+00> : vector<1024x1024xf32>
    %dot_general3A_68 = tpu.matmul %convert_element_type3A_63, %get3A_66, %dot_general3A_67 {dimension_numbers = #tpu.dot_dimension_numbers<[1], [0], [0], [1], [0, 0, 1, 1], [], []>, transpose_lhs_hint = false} : vector<1024x512xbf16>, vector<512x1024xbf16>, vector<1024x1024xf32> -> vector<1024x1024xf32>
    %eq3A_69 = arith.constant 0 : i32
    %eq3A_70 = arith.cmpi eq, %arg0, %eq3A_69 : i32
    %convert_element_type3A_71 = arith.extui %eq3A_70 : i1 to i32
    %cond3A_72 = arith.constant 0 : i32
    %cond3A_73 = arith.cmpi ne, %convert_element_type3A_71, %cond3A_72 : i32
    scf.if %cond3A_73 {
      %swap3A = arith.constant 0 : index
      %swap3A_125 = arith.constant 0 : index
      %swap3A_126 = vector.load %arg25[%swap3A, %swap3A_125] : memref<1024x1024xf32, #tpu.memory_space<vmem>>, vector<1024x1024xf32>
      tpu.vector_store %arg25[%swap3A, %swap3A_125], %dot_general3A_68 {strides = array<i32>} : memref<1024x1024xf32, #tpu.memory_space<vmem>>, vector<1024x1024xf32>,
    } else {
    }
    %ne3A_74 = arith.constant 0 : i32
    %ne3A_75 = arith.cmpi ne, %arg0, %ne3A_74 : i32
    %convert_element_type3A_76 = arith.extui %ne3A_75 : i1 to i32
    %cond3A_77 = arith.constant 0 : i32
    %cond3A_78 = arith.cmpi ne, %convert_element_type3A_76, %cond3A_77 : i32
    scf.if %cond3A_78 {
      %get3A_125 = arith.constant 0 : index
      %get3A_126 = arith.constant 0 : index
      %get3A_127 = vector.load %arg25[%get3A_125, %get3A_126] : memref<1024x1024xf32, #tpu.memory_space<vmem>>, vector<1024x1024xf32>
      %add3A_128 = arith.addf %get3A_127, %dot_general3A_68 : vector<1024x1024xf32>
      %swap3A = arith.constant 0 : index
      %swap3A_129 = arith.constant 0 : index
      %swap3A_130 = vector.load %arg25[%swap3A, %swap3A_129] : memref<1024x1024xf32, #tpu.memory_space<vmem>>, vector<1024x1024xf32>
      tpu.vector_store %arg25[%swap3A, %swap3A_129], %add3A_128 {strides = array<i32>} : memref<1024x1024xf32, #tpu.memory_space<vmem>>, vector<1024x1024xf32>,
    } else {
    }
    %get3A_79 = arith.constant 0 : index
    %get3A_80 = arith.constant 0 : index
    %get3A_81 = vector.load %arg1[%get3A_79, %get3A_80] : memref<1024x1024xbf16, #tpu.memory_space<vmem>>, vector<1024x1024xbf16>
    %get3A_82 = arith.constant 0 : index
    %get3A_83 = arith.constant 0 : index
    %get3A_84 = vector.load %arg7[%get3A_82, %get3A_83] : memref<2048x512xbf16, #tpu.memory_space<vmem>>, vector<1024x512xbf16>
    %dot_general3A_85 = arith.constant dense<0.000000e+00> : vector<1024x512xf32>
    %dot_general3A_86 = tpu.matmul %get3A_81, %get3A_84, %dot_general3A_85 {dimension_numbers = #tpu.dot_dimension_numbers<[1], [0], [0], [1], [0, 0, 1, 1], [], []>, transpose_lhs_hint = false} : vector<1024x1024xbf16>, vector<1024x512xbf16>, vector<1024x512xf32> -> vector<1024x512xf32>
    %get3A_87 = arith.constant 0 : index
    %get3A_88 = arith.constant 0 : index
    %get3A_89 = vector.load %arg23[%get3A_87, %get3A_88] : memref<1024x1024xbf16, #tpu.memory_space<vmem>>, vector<1024x1024xbf16>
    %get3A_90 = arith.constant 1024 : index
    %get3A_91 = arith.constant 0 : index
    %get3A_92 = vector.load %arg7[%get3A_90, %get3A_91] : memref<2048x512xbf16, #tpu.memory_space<vmem>>, vector<1024x512xbf16>
    %dot_general3A_93 = arith.constant dense<0.000000e+00> : vector<1024x512xf32>
    %dot_general3A_94 = tpu.matmul %get3A_89, %get3A_92, %dot_general3A_93 {dimension_numbers = #tpu.dot_dimension_numbers<[1], [0], [0], [1], [0, 0, 1, 1], [], []>, transpose_lhs_hint = false} : vector<1024x1024xbf16>, vector<1024x512xbf16>, vector<1024x512xf32> -> vector<1024x512xf32>
    %add3A_95 = arith.addf %dot_general3A_86, %dot_general3A_94 : vector<1024x512xf32>
    %get3A_96 = arith.constant 0 : index
    %get3A_97 = arith.constant 0 : index
    %get3A_98 = vector.load %arg13[%get3A_96, %get3A_97] : memref<1x512xf32, #tpu.memory_space<vmem>>, vector<1x512xf32>
    %add3A_99 = vector.broadcast %get3A_98 : vector<1x512xf32> to vector<1024x512xf32>
    %add3A_100 = arith.addf %add3A_95, %add3A_99 : vector<1024x512xf32>
    %max3A_101 = arith.constant 0.000000e+00 : f32
    %max3A_102 = vector.broadcast %max3A_101 : f32 to vector<1024x512xf32>
    %max3A_103 = arith.maximumf %add3A_100, %max3A_102 : vector<1024x512xf32>
    %convert_element_type3A_104 = arith.truncf %max3A_103 : vector<1024x512xf32> to vector<1024x512xbf16>
    %get3A_105 = arith.constant 0 : index
    %get3A_106 = arith.constant 0 : index
    %get3A_107 = vector.load %arg10[%get3A_105, %get3A_106] : memref<512x1024xbf16, #tpu.memory_space<vmem>>, vector<512x1024xbf16>
    %dot_general3A_108 = arith.constant dense<0.000000e+00> : vector<1024x1024xf32>
    %dot_general3A_109 = tpu.matmul %convert_element_type3A_104, %get3A_107, %dot_general3A_108 {dimension_numbers = #tpu.dot_dimension_numbers<[1], [0], [0], [1], [0, 0, 1, 1], [], []>, transpose_lhs_hint = false} : vector<1024x512xbf16>, vector<512x1024xbf16>, vector<1024x1024xf32> -> vector<1024x1024xf32>
    %eq3A_110 = arith.constant 0 : i32
    %eq3A_111 = arith.cmpi eq, %arg0, %eq3A_110 : i32
    %convert_element_type3A_112 = arith.extui %eq3A_111 : i1 to i32
    %cond3A_113 = arith.constant 0 : i32
    %cond3A_114 = arith.cmpi ne, %convert_element_type3A_112, %cond3A_113 : i32
    scf.if %cond3A_114 {
      %swap3A = arith.constant 0 : index
      %swap3A_125 = arith.constant 0 : index
      %swap3A_126 = vector.load %arg26[%swap3A, %swap3A_125] : memref<1024x1024xf32, #tpu.memory_space<vmem>>, vector<1024x1024xf32>
      tpu.vector_store %arg26[%swap3A, %swap3A_125], %dot_general3A_109 {strides = array<i32>} : memref<1024x1024xf32, #tpu.memory_space<vmem>>, vector<1024x1024xf32>,
    } else {
    }
    %ne3A_115 = arith.constant 0 : i32
    %ne3A_116 = arith.cmpi ne, %arg0, %ne3A_115 : i32
    %convert_element_type3A_117 = arith.extui %ne3A_116 : i1 to i32
    %cond3A_118 = arith.constant 0 : i32
    %cond3A_119 = arith.cmpi ne, %convert_element_type3A_117, %cond3A_118 : i32
    scf.if %cond3A_119 {
      %get3A_125 = arith.constant 0 : index
      %get3A_126 = arith.constant 0 : index
      %get3A_127 = vector.load %arg26[%get3A_125, %get3A_126] : memref<1024x1024xf32, #tpu.memory_space<vmem>>, vector<1024x1024xf32>
      %add3A_128 = arith.addf %get3A_127, %dot_general3A_109 : vector<1024x1024xf32>
      %swap3A = arith.constant 0 : index
      %swap3A_129 = arith.constant 0 : index
      %swap3A_130 = vector.load %arg26[%swap3A, %swap3A_129] : memref<1024x1024xf32, #tpu.memory_space<vmem>>, vector<1024x1024xf32>
      tpu.vector_store %arg26[%swap3A, %swap3A_129], %add3A_128 {strides = array<i32>} : memref<1024x1024xf32, #tpu.memory_space<vmem>>, vector<1024x1024xf32>,
    } else {
    }
    %eq3A_120 = arith.constant 7 : i32
    %eq3A_121 = arith.cmpi eq, %arg0, %eq3A_120 : i32
    %convert_element_type3A_122 = arith.extui %eq3A_121 : i1 to i32
    %cond3A_123 = arith.constant 0 : i32
    %cond3A_124 = arith.cmpi ne, %convert_element_type3A_122, %cond3A_123 : i32
    scf.if %cond3A_124 {
      %get3A_125 = arith.constant 0 : index
      %get3A_126 = arith.constant 0 : index
      %get3A_127 = vector.load %arg20[%get3A_125, %get3A_126] : memref<1024x128xf32, #tpu.memory_space<vmem>>, vector<1024x1xf32>
      %get3A_128 = arith.constant 0 : index
      %get3A_129 = arith.constant 0 : index
      %get3A_130 = vector.load %arg24[%get3A_128, %get3A_129] : memref<1024x1024xf32, #tpu.memory_space<vmem>>, vector<1024x1024xf32>
      %get3A_131 = arith.constant 0 : index
      %get3A_132 = arith.constant 0 : index
      %get3A_133 = vector.load %arg14[%get3A_131, %get3A_132] : memref<1x1024xf32, #tpu.memory_space<vmem>>, vector<1x1024xf32>
      %add3A_134 = vector.broadcast %get3A_133 : vector<1x1024xf32> to vector<1024x1024xf32>
      %add3A_135 = arith.addf %get3A_130, %add3A_134 : vector<1024x1024xf32>
      %tanh3A = math.tanh %add3A_135 : vector<1024x1024xf32>
      %mul3A = vector.broadcast %get3A_127 : vector<1024x1xf32> to vector<1024x1024xf32>
      %mul3A_136 = arith.mulf %mul3A, %tanh3A : vector<1024x1024xf32>
      %get3A_137 = arith.constant 0 : index
      %get3A_138 = arith.constant 1 : index
      %get3A_139 = vector.load %arg20[%get3A_137, %get3A_138] : memref<1024x128xf32, #tpu.memory_space<vmem>>, vector<1024x1xf32>
      %get3A_140 = arith.constant 0 : index
      %get3A_141 = arith.constant 0 : index
      %get3A_142 = vector.load %arg25[%get3A_140, %get3A_141] : memref<1024x1024xf32, #tpu.memory_space<vmem>>, vector<1024x1024xf32>
      %get3A_143 = arith.constant 0 : index
      %get3A_144 = arith.constant 0 : index
      %get3A_145 = vector.load %arg15[%get3A_143, %get3A_144] : memref<1x1024xf32, #tpu.memory_space<vmem>>, vector<1x1024xf32>
      %add3A_146 = vector.broadcast %get3A_145 : vector<1x1024xf32> to vector<1024x1024xf32>
      %add3A_147 = arith.addf %get3A_142, %add3A_146 : vector<1024x1024xf32>
      %tanh3A_148 = math.tanh %add3A_147 : vector<1024x1024xf32>
      %mul3A_149 = vector.broadcast %get3A_139 : vector<1024x1xf32> to vector<1024x1024xf32>
      %mul3A_150 = arith.mulf %mul3A_149, %tanh3A_148 : vector<1024x1024xf32>
      %add3A_151 = arith.addf %mul3A_136, %mul3A_150 : vector<1024x1024xf32>
      %get3A_152 = arith.constant 0 : index
      %get3A_153 = arith.constant 2 : index
      %get3A_154 = vector.load %arg20[%get3A_152, %get3A_153] : memref<1024x128xf32, #tpu.memory_space<vmem>>, vector<1024x1xf32>
      %get3A_155 = arith.constant 0 : index
      %get3A_156 = arith.constant 0 : index
      %get3A_157 = vector.load %arg26[%get3A_155, %get3A_156] : memref<1024x1024xf32, #tpu.memory_space<vmem>>, vector<1024x1024xf32>
      %get3A_158 = arith.constant 0 : index
      %get3A_159 = arith.constant 0 : index
      %get3A_160 = vector.load %arg16[%get3A_158, %get3A_159] : memref<1x1024xf32, #tpu.memory_space<vmem>>, vector<1x1024xf32>
      %add3A_161 = vector.broadcast %get3A_160 : vector<1x1024xf32> to vector<1024x1024xf32>
      %add3A_162 = arith.addf %get3A_157, %add3A_161 : vector<1024x1024xf32>
      %tanh3A_163 = math.tanh %add3A_162 : vector<1024x1024xf32>
      %mul3A_164 = vector.broadcast %get3A_154 : vector<1024x1xf32> to vector<1024x1024xf32>
      %mul3A_165 = arith.mulf %mul3A_164, %tanh3A_163 : vector<1024x1024xf32>
      %add3A_166 = arith.addf %add3A_151, %mul3A_165 : vector<1024x1024xf32>
      %swap3A = arith.constant 0 : index
      %swap3A_167 = arith.constant 0 : index
      %swap3A_168 = vector.load %arg19[%swap3A, %swap3A_167] : memref<1024x1024xf32, #tpu.memory_space<vmem>>, vector<1024x1024xf32>
      tpu.vector_store %arg19[%swap3A, %swap3A_167], %add3A_166 {strides = array<i32>} : memref<1024x1024xf32, #tpu.memory_space<vmem>>, vector<1024x1024xf32>,
    } else {
    }
    return
  }
  func.func @transform_0(%arg0: i32) -> (i32, i32) {
    %c0_i32 = arith.constant 0 : i32
    %c0_i32_0 = arith.constant 0 : i32
    %c0_i32_1 = arith.constant 0 : i32
    return %c0_i32, %c0_i32_0 : i32, i32
  }
  func.func @transform_1(%arg0: i32) -> (i32, i32) {
    %c0_i32 = arith.constant 0 : i32
    %c0_i32_0 = arith.constant 0 : i32
    %c0_i32_1 = arith.constant 0 : i32
    return %c0_i32, %c0_i32_0 : i32, i32
  }
  func.func @transform_2(%arg0: i32) -> (i32, i32) {
    %c0_i32 = arith.constant 0 : i32
    %c0_i32_0 = arith.constant 0 : i32
    %c0_i32_1 = arith.constant 0 : i32
    return %c0_i32, %c0_i32_0 : i32, i32
  }
  func.func @transform_3(%arg0: i32) -> (i32, i32) {
    %c0_i32 = arith.constant 0 : i32
    %c0_i32_0 = arith.constant 0 : i32
    %c0_i32_1 = arith.constant 0 : i32
    return %c0_i32, %c0_i32_0 : i32, i32
  }
  func.func @transform_4(%arg0: i32) -> (i32, i32) {
    %c0_i32 = arith.constant 0 : i32
    %c0_i32_0 = arith.constant 0 : i32
    return %c0_i32, %arg0 : i32, i32
  }
  func.func @transform_5(%arg0: i32) -> (i32, i32) {
    %c0_i32 = arith.constant 0 : i32
    %c0_i32_0 = arith.constant 0 : i32
    return %c0_i32, %arg0 : i32, i32
  }
  func.func @transform_6(%arg0: i32) -> (i32, i32) {
    %c0_i32 = arith.constant 0 : i32
    %c0_i32_0 = arith.constant 0 : i32
    return %c0_i32, %arg0 : i32, i32
  }
  func.func @transform_7(%arg0: i32) -> (i32, i32) {
    %c0_i32 = arith.constant 0 : i32
    %c0_i32_0 = arith.constant 0 : i32
    return %arg0, %c0_i32 : i32, i32
  }
  func.func @transform_8(%arg0: i32) -> (i32, i32) {
    %c0_i32 = arith.constant 0 : i32
    %c0_i32_0 = arith.constant 0 : i32
    return %arg0, %c0_i32 : i32, i32
  }
  func.func @transform_9(%arg0: i32) -> (i32, i32) {
    %c0_i32 = arith.constant 0 : i32
    %c0_i32_0 = arith.constant 0 : i32
    return %arg0, %c0_i32 : i32, i32
  }
  func.func @transform_10(%arg0: i32) -> (i32, i32) {
    %c0_i32 = arith.constant 0 : i32
    %c0_i32_0 = arith.constant 0 : i32
    return %c0_i32, %arg0 : i32, i32
  }
  func.func @transform_11(%arg0: i32) -> (i32, i32) {
    %c0_i32 = arith.constant 0 : i32
    %c0_i32_0 = arith.constant 0 : i32
    return %c0_i32, %arg0 : i32, i32
  }
  func.func @transform_12(%arg0: i32) -> (i32, i32) {
    %c0_i32 = arith.constant 0 : i32
    %c0_i32_0 = arith.constant 0 : i32
    return %c0_i32, %arg0 : i32, i32
  }
  func.func @transform_13(%arg0: i32) -> (i32, i32) {
    %c0_i32 = arith.constant 0 : i32
    %c0_i32_0 = arith.constant 0 : i32
    %c0_i32_1 = arith.constant 0 : i32
    return %c0_i32, %c0_i32_0 : i32, i32
  }
  func.func @transform_14(%arg0: i32) -> (i32, i32) {
    %c0_i32 = arith.constant 0 : i32
    %c0_i32_0 = arith.constant 0 : i32
    %c0_i32_1 = arith.constant 0 : i32
    return %c0_i32, %c0_i32_0 : i32, i32
  }
  func.func @transform_15(%arg0: i32) -> (i32, i32) {
    %c0_i32 = arith.constant 0 : i32
    %c0_i32_0 = arith.constant 0 : i32
    %c0_i32_1 = arith.constant 0 : i32
    return %c0_i32, %c0_i32_0 : i32, i32
  }
  func.func @transform_16(%arg0: i32) -> (i32, i32) {
    %c0_i32 = arith.constant 0 : i32
    %c0_i32_0 = arith.constant 0 : i32
    %c0_i32_1 = arith.constant 0 : i32
    return %c0_i32, %c0_i32_0 : i32, i32
  }
  func.func @transform_17(%arg0: i32) -> (i32, i32) {
    %c0_i32 = arith.constant 0 : i32
    %c0_i32_0 = arith.constant 0 : i32
    %c0_i32_1 = arith.constant 0 : i32
    return %c0_i32, %c0_i32_0 : i32, i32
  }
  func.func @transform_18(%arg0: i32) -> (i32, i32) {
    %c0_i32 = arith.constant 0 : i32
    %c0_i32_0 = arith.constant 0 : i32
    %c0_i32_1 = arith.constant 0 : i32
    return %c0_i32, %c0_i32_0 : i32, i32
  }
}

</mosaic_0001>

<sc_bundles>
// kernel: kernel.5.cloned.1.call-start
scs
__scs_entry_jumppad:
0x0: {  	(pc) =	sbr.rel $0x88, $3  }
0x1: {  	(tag) =	ssettag $0x0;
	lr =	simm.s32 $0x1  }
0x2: {  	[smem:$0x3F8E] =	sst lr;
	_ =	strace $0xD0000000  }
0x3: {  	_ = 	snop  }
0x4: {  	_ = 	snop  }
0x5: {  	_ = 	snop  }
0x6: {  	_ = 	snop  }
0x7: {  	_ = 	snop  }
__scs_overlays_trampoline_lowered:
0x8: {  	[smem:$0x3F9D] =	sst s0  }
0x9: {  	[smem:$0x3F9E] =	sst s1  }
0xa: {  	[smem:$0x3F9F] =	sst s2  }
0xb: {  	[smem:$0x3FA0] =	sst s3  }
0xc: {  	[smem:$0x3FA1] =	sst s4  }
0xd: {  	[smem:$0x3FA2] =	sst s5  }
0xe: {  	[smem:$0x3FA3] =	sst s6  }
0xf: {  	[smem:$0x3FA4] =	sst s7  }
0x10: {  	[smem:$0x3FA5] =	sst s8  }
0x11: {  	[smem:$0x3FA6] =	sst s9;
	s0 =	simm.s32 @!p0 $0x0  }
0x12: {  	s1 =	sld [smem:$0x3F8C];
	s0 =	simm.s32 @p0 $0x1  }
0x13: {  	[smem:$0x3FA7] =	sst s0;
	s0 =	simm.s32 @!p1 $0x0  }
0x14: {  	s2 =	sld [smem:$0x3F8B];
	s0 =	simm.s32 @p1 $0x1  }
0x15: {  	[smem:$0x3FA8] =	sst s0;
	s0 =	simm.s32 @!p2 $0x0  }
0x16: {  	s3 =	sld [smem:$0x3FDB];
	s0 =	simm.s32 @p2 $0x1  }
0x17: {  	s4 =	simm.s32 $0x1BF5;
	[smem:$0x3FAA] =	sst s0  }
0x18: {  	s0 =	sld [smem:$0x3F8D];
	_ =	swait.ge [sflag:s4], $0x0  }
0x19: {  	s7 =	sld [smem:$0x3F8E]  }
0x1a: {  	s8 =	sadd.s32 $0xFFFFE003, lr  }
0x1b: {  	s9 =	sadd.s32 $0xFFFFFEF7, lr;
	s5 =	simm.s32 $0xFFFFFFFF;
	p2 =	slt.u32 s8, $0xFFFFF086  }
0x1c: {  	p1 =	slt.u32 s9, $0xF7A;
	s5 =	simm.s32 @!p2 $0x0  }
0x1d: {  	s5 =	simm.s32 @p1 $0x1;
	p0 =	seq.s32 s7, s2  }
0x1e: {  	s7 =	smul.u32 @!p0 $0xF7A, s2;
	p2 =	seq.s32 @!p0 s5, $0x0  }
0x1f: {  	s9 =	smul.u32 $0xF7A, s1;
	s8 =	simm.s32 @!p0 $0x1BF5;
	p2 =	por !p2, p0  }
0x20: {  	[sflag:s8] =	ssyncset.s32 @!p0 $0xFFFFF086;
	s6 =	sadd.s32 @!p0 s3, s7;
	s7 =	simm.s32 @!p0 $0x108  }
0x21: {  	s3 =	sadd.s32 s3, s9;
	s6 =	sadd.s32 @!p0 $0x88, s6;
	s7 =	simm.s32 @p2 $0x1082  }
0x22: {  	[simem:s7], [sflag:s8] =	dma.local @!p0 [hbm:s6], $0xF7A  }
0x23: {  	s9 =	sor.u32 $0xD0000000, s2;
	s6 =	simm.s32 $0x108;
	_ =	swait.ge @!p0 [sflag:s8], $0x0  }
0x24: {  	s3 =	sadd.s32 $0x88, s3;
	s6 =	simm.s32 @!p1 $0x1082;
	[sflag:s4] =	ssyncset.s32 $0xFFFFF086  }
0x25: {  	[simem:s6], [sflag:s4] =	dma.local [hbm:s3], $0xF7A  }
0x26: {  	[smem:$0x3F8E] =	sst s1;
	(tag) =	ssettag s2;
	_ =	strace s9  }
0x27: {  	s1 =	sld [smem:$0x3F9E]  }
0x28: {  	s2 =	sld [smem:$0x3F9F]  }
0x29: {  	s4 =	sld [smem:$0x3FA1]  }
0x2a: {  	p0 =	seq.s32 s5, $0x0;
	s5 =	sld [smem:$0x3FA2]  }
0x2b: {  	s6 =	sld [smem:$0x3FA3]  }
0x2c: {  	s7 =	sld [smem:$0x3FA4]  }
0x2d: {  	s3 =	simm.s32 $0x108;
	s8 =	sld [smem:$0x3FA5]  }
0x2e: {  	s3 =	simm.s32 @!p0 $0x1082;
	s9 =	sld [smem:$0x3FA6]  }
0x2f: {  	lr =	sadd.s32 s0, s3;
	s0 =	sld [smem:$0x3F9D]  }
0x30: {  	s3 =	sld [smem:$0x3FA0]  }
0x31: {  	[smem:$0x3FA9] =	sst s10  }
0x32: {  	s10 =	sld [smem:$0x3FA7];
	_ =	sdelay $0x3  }
0x33: {  	p0 =	seq.s32 s10, $0x1;
	s10 =	sld [smem:$0x3FA9];
	_ =	sdelay $0x3  }
0x34: {  	[smem:$0x3FA9] =	sst s10  }
0x35: {  	s10 =	sld [smem:$0x3FA8];
	_ =	sdelay $0x3  }
0x36: {  	p1 =	seq.s32 s10, $0x1;
	s10 =	sld [smem:$0x3FA9];
	_ =	sdelay $0x3  }
0x37: {  	[smem:$0x3FA9] =	sst s10  }
0x38: {  	s10 =	sld [smem:$0x3FAA]  }
0x39: {  	_ = 	snop;
	(pc) =	sbr.ind lr, $3  }
0x3a: {  	_ = 	snop  }
0x3b: {  	_ = 	snop  }
0x3c: {  	p2 =	seq.s32 s10, $0x1;
	s10 =	sld [smem:$0x3FA9]  }
0x3d: {  	_ =	shalt  }
0x3e: {  	_ =	shalt  }
0x3f: {  	_ =	shalt  }
0x40: {  	_ =	shalt  }
0x41: {  	_ =	shalt  }
0x42: {  	_ =	shalt  }
0x43: {  	_ =	shalt  }
0x44: {  	_ =	shalt  }
0x45: {  	_ =	shalt  }
0x46: {  	_ =	shalt  }
0x47: {  	_ =	shalt  }
0x48: {  	_ =	shalt  }
0x49: {  	_ =	shalt  }
0x4a: {  	_ =	shalt  }
0x4b: {  	_ =	shalt  }
0x4c: {  	_ =	shalt  }
0x4d: {  	_ =	shalt  }
0x4e: {  	_ =	shalt  }
0x4f: {  	_ =	shalt  }
0x50: {  	_ =	shalt  }
0x51: {  	_ =	shalt  }
0x52: {  	_ =	shalt  }
0x53: {  	_ =	shalt  }
0x54: {  	_ =	shalt  }
0x55: {  	_ =	shalt  }
0x56: {  	_ =	shalt  }
0x57: {  	_ =	shalt  }
0x58: {  	_ =	shalt  }
0x59: {  	_ =	shalt  }
0x5a: {  	_ =	shalt  }
0x5b: {  	_ =	shalt  }
0x5c: {  	_ =	shalt  }
0x5d: {  	_ =	shalt  }
0x5e: {  	_ =	shalt  }
0x5f: {  	_ =	shalt  }
0x60: {  	_ =	shalt  }
0x61: {  	_ =	shalt  }
0x62: {  	_ =	shalt  }
0x63: {  	_ =	shalt  }
0x64: {  	_ =	shalt  }
0x65: {  	_ =	shalt  }
0x66: {  	_ =	shalt  }
0x67: {  	_ =	shalt  }
0x68: {  	_ =	shalt  }
0x69: {  	_ =	shalt  }
0x6a: {  	_ =	shalt  }
0x6b: {  	_ =	shalt  }
0x6c: {  	_ =	shalt  }
0x6d: {  	_ =	shalt  }
0x6e: {  	_ =	shalt  }
0x6f: {  	_ =	shalt  }
0x70: {  	_ =	shalt  }
0x71: {  	_ =	shalt  }
0x72: {  	_ =	shalt  }
0x73: {  	_ =	shalt  }
0x74: {  	_ =	shalt  }
0x75: {  	_ =	shalt  }
0x76: {  	_ =	shalt  }
0x77: {  	_ =	shalt  }
0x78: {  	_ =	shalt  }
0x79: {  	_ =	shalt  }
0x7a: {  	_ =	shalt  }
0x7b: {  	_ =	shalt  }
0x7c: {  	_ =	shalt  }
0x7d: {  	_ =	shalt  }
0x7e: {  	_ =	shalt  }
0x7f: {  	_ =	shalt  }
0x80: {  	_ =	shalt  }
0x81: {  	_ =	shalt  }
0x82: {  	_ =	shalt  }
0x83: {  	_ =	shalt  }
0x84: {  	_ =	shalt  }
0x85: {  	_ =	shalt  }
0x86: {  	_ =	shalt  }
0x87: {  	_ =	shalt  }
.Lfunc_end0:
.L_simem_size_0:
called_computation_lowered:
.L_overlay_start_0:
0x88: {  	s2 =	sld [smem:$0x3FD9]  }
0x89: {  	s3 =	sld [smem:$0x3FFE];
	_ =	sdelay $0x1  }
0x8a: {  	s1 =	srdreg.scid  }
0x8b: {  	s0 =	sand.u32 $0x1, s1  }
0x8c: {  	s17 =	sshll.u32 s0, $0xA;
	s2 =	sadd.s32 s3, s2  }
0x8d: {  	s2 =	sadd.s32 s2, s17  }
0x8e: {  	[smem:$0x3FB5] =	sst s2  }
0x8f: {  	_ = 	snop  }
0x90: {  	s2 =	sld [smem:$0x3FC9]  }
0x91: {  	s18 =	sld [smem:$0x3FC8]  }
0x92: {  	s4 =	sld [smem:$0x3FD0];
	(tm) =	ssettm $0x1  }
0x93: {  	s5 =	sld [smem:$0x3FFB];
	_ =	sdelay $0x3  }
0x94: {  	_ =	strace s5  }
0x95: {  	s5 =	sld [smem:$0x3FFC];
	_ =	sdelay $0x3  }
0x96: {  	_ =	strace s5  }
0x97: {  	s5 =	sld [smem:$0x3FFD];
	_ =	sdelay $0x3  }
0x98: {  	_ =	strace s5  }
0x99: {  	_ =	strace $0x8FFFFFFF  }
0x9a: {  	s19 =	sld [smem:$0x3FDB];
	_ =	sdelay $0x1  }
0x9b: {  	s6 =	simm.s32 $_scs_section_size  }
0x9c: {  	s7 =	simm.s32 $_size__tile_overlayer_lowered;
	s8 =	simm.s32 $_tile_overlayer_lowered  }
0x9d: {  	s22 =	simm.s32 $0x1BFF;
	s21 =	sshll.u32 s8, $0x1;
	s5 =	sadd.s32 s6, s19  }
0x9e: {  	s9 =	simm.s32 $0x0;
	s20 =	sshll.u32 s7, $0x1;
	s7 =	sadd.s32 s21, s5  }
0x9f: {  	[timem:s9], [sflag:s22] =	dma.local [hbm:s7], s20  }
0xa0: {  	_ =	swait.ge [sflag:s22], s20  }
0xa1: {  	s6 =	ssub.s32 $0x0, s20;
	[sflag:s22] =	ssyncset.done $0x0  }
0xa2: {  	[sflag:s22] =	ssyncadd.s32 s6;
	_ =	sdelay $0x1  }
0xa3: {  	s23 =	simm.s32 $0x1B8B  }
0xa4: {  	_ =	swait.ge [sflag:s23], $0x1  }
0xa5: {  	[sflag:s23] =	ssyncset.done $0x0  }
0xa6: {  	s25 =	simm.s32 $0x1B8E;
	s24 =	sld [smem:$0x3FFE];
	[sflag:s23] =	ssyncadd.s32 $0xFFFFFFFF  }
0xa7: {  	s26 =	simm.s32 $execute0_lowered;
	[smem:$0x3FD2] =	sst s25  }
0xa8: {  	s7 =	sshll.u32 s26, $0x1;
	_ =	strace $0x80000046;
	[dreg:$0x1] =	wrdreg $0xFFFFFFFF  }
0xa9: {  	s28 =	simm.s32 $_size_execute0_lowered;
	s5 =	sadd.s32 s5, s7;
	[dreg:$0x0] =	wrdreg $0x0  }
0xaa: {  	s7 =	sshll.u32 s28, $0x1;
	[dreg:$0x2] =	wrdreg s5  }
0xab: {  	[dreg:$0x3] =	wrdreg s7  }
0xac: {  	[dreg:$0x4] =	wrdreg $0xC0  }
0xad: {  	_ =	task [dreg:s9], $0x5FFFF  }
0xae: {  	[dreg:$0x1] =	wrdreg $0xFFFFFFFF  }
0xaf: {  	[dreg:$0x0] =	wrdreg $0x60  }
0xb0: {  	[dreg:$0x2] =	wrdreg s18  }
0xb1: {  	[dreg:$0x3] =	wrdreg s24  }
0xb2: {  	[dreg:$0x4] =	wrdreg s4  }
0xb3: {  	[dreg:$0x5] =	wrdreg s2  }
0xb4: {  	[dreg:$0x6] =	wrdreg $0x9  }
0xb5: {  	_ =	task.clear_ibuf [dreg:s9], $0x7FFFF;
	_ =	strace $0x90000046  }
0xb6: {  	s29 =	simm.s32 $0x9;
	_ =	strace $0x80000048  }
0xb7: {  	_ =	swait.ge [sflag:s29], $0x1  }
0xb8: {  	[sflag:s29] =	ssyncadd.s32 $0xFFFFFFFF  }
0xb9: {  	_ =	strace $0x90000048  }
0xba: {  	_ =	sfence  }
0xbb: {  	s30 =	sld [smem:$0x0];
	_ =	sdelay $0x2  }
0xbc: {  	s31 =	sshll.u32 s1, $0xD;
	s1 =	sshrl.u32 s1, $0x2  }
0xbd: {  	s3 =	sand.u32 $0x4000, s31;
	s1 =	sadd.s32 s1, s30  }
0xbe: {  	s0 =	sor.u32 s3, s0;
	s1 =	sshll.u32 s1, $0x11  }
0xbf: {  	s0 =	sor.u32 s1, s0  }
0xc0: {  	s0 =	sadd.s32 $0x8F2B, s0  }
0xc1: {  	[sflag:s0] =	ssyncadd.remote.s32 $0x1  }
0xc2: {  	_ =	sfence.sel $0xFFFF  }
0xc3: {  	[dreg:$0x0] =	wrdreg $0xFFFFFFFF;
	(pc) =	sbr.abs _section_cstart, $3  }
0xc4: {  	[dreg:$0x1] =	wrdreg $0xFFFFFFFF  }
0xc5: {  	_ =	task.clear_ibuf [dreg:s9], $0x2FFFF;
	_ =	strace $0x9FFFFFFF  }
0xc6: {  	(tm) =	ssettm $0x7FFFFFFF  }
0xc7: {  	_ =	shalt  }
tec
execute0_lowered:
.L_overlay_start_1:
0x0: {  	(tag) =	ssettag $0x1  }
0x1: {  	s1 =	rddreg [dreg:$0x0]  }
0x2: {  	s0 =	rddreg [dreg:$0x1]  }
0x3: {  	s2 =	rddreg [dreg:$0x2]  }
0x4: {  	s5 =	rddreg [dreg:$0x3]  }
0x5: {  	s4 =	srdreg.scid;
	s7 =	stileid.u32  }
0x6: {  	s3 =	simm.s32 $0x0;
	s16 =	simm.s32 $0x3;
	s28 =	simm.s32 $0xC700  }
0x7: {  	s29 =	simm.s32 $0xCF00;
	s30 =	simm.s32 $0xD700;
	s31 =	simm.s32 $0xDF00  }
0x8: {  	s17 =	simm.s32 $0xF700;
	s18 =	simm.s32 $0xFF00;
	s6 =	sand.u32 $0x1, s4  }
0x9: {  	s19 =	sshll.u32 s7, $0x1;
	[smem:$0x7FF] =	sst s3;
	s4 =	sadd.s32 $0x5200, s0  }
0xa: {  	s12 =	sadd.s32 $0x100, s1;
	s7 =	sor.u32 s6, s19;
	_ =	strace $0x80000047  }
0xb: {  	s6 =	ssub.s32 $0x2, s6;
	s8 =	sshll.u32 s7, $0xC;
	s9 =	sshll.u32 s7, $0xB  }
0xc: {  	s10 =	smul.u32 $0xC8, s7;
	s20 =	sshrl.u32 s6, $0x1;
	s21 =	sshll.u32 s7, $0x2  }
0xd: {  	s7 =	sadd.s32 $0x200, s1;
	s8 =	sadd.s32 s8, s0;
	s11 =	sadd.s32 s9, s0  }
0xe: {  	s6 =	ssub.s32 s6, s20;
	s9 =	sadd.s32 $0x300, s1;
	s2 =	sadd.s32 s2, s10  }
0xf: {  	s22 =	sadd.s32 $0x135200, s8;
	s10 =	sadd.s32 $0x5300, s0;
	[dreg:$0x5] =	wrdreg s2  }
0x10: {  	s23 =	sadd.s32 $0x105200, s11;
	s24 =	sadd.s32 $0x115200, s11;
	[dreg:$0x7] =	wrdreg s22  }
0x11: {  	s25 =	sadd.s32 $0x125200, s11;
	s26 =	smax.u32 s6, $0x1;
	[dreg:$0x8] =	wrdreg s23  }
.Ltmp0:
0x12: {  	s0 =	simm.s32 $0xE700;
	[dreg:$0x9] =	wrdreg s24;
	(pc) =	sbr.rel .LBB2_1-.Ltmp0, $4  }
0x13: {  	s6 =	simm.s32 $0x2;
	s8 =	simm.s32 $0x10700;
	[dreg:$0xa] =	wrdreg s25  }
0x14: {  	v2 =	vlaneseq.u32;
	s11 =	simm.s32 $0x0;
	s2 =	sadd.s32 s5, s21;
	[dreg:$0xb] =	wrdreg s26  }
0x15: {  	vm0 =	vmmov $0xffff;
	v3 =	vimm.s32 $0x0;
	v1 =	vshrl.u32 v2, $0x3;
	s24 =	simm.s32 $0xAF00;
	s25 =	simm.s32 $0xB700;
	s26 =	simm.s32 $0xBF00  }
0x16: {  	v0 =	vand.u32 $0x7, v2;
	v2 =	vor.u32 $0x8, v2;
	v1 =	vmul.u32 $0x8, v1;
	s5 =	simm.s32 $0x1;
	[dreg:$0x6] =	wrdreg s2;
	s2 =	simm.s32 $0xEF00  }
.LBB2_28:
0x17: {  	s13 =	rddreg [dreg:$0xa]  }
0x18: {  	[hbm4b:s13+s3] =	stream.linear.scatter [tilespmem:s8], [sflag:$0x3], $0x4000, $0x38;
	[tilespmem:$0x14700] =	vst v63  }
0x19: {  	_ =	swait.ge [sflag:s16], $0x4000  }
0x1a: {  	s11 =	sadd.s32 $0x1, s11;
	s23 =	rddreg [dreg:$0xb]  }
0x1b: {  	p0 =	sne.s32 s11, s23  }
.Ltmp1:
0x1c: {  	_ = 	snop;
	(pc) =	sbr.rel @!p0 .LBB2_29-.Ltmp1, $3  }
0x1d: {  	_ =	sdelay $0x1  }
0x1e: {  	[sflag:s16] =	ssyncset.done $0x0  }
0x1f: {  	[sflag:s16] =	ssyncadd.s32 $0xFFFFC000  }
.LBB2_1:
0x20: {  	s13 =	rddreg [dreg:$0x5]  }
0x21: {  	[tilespmem:s3], [sflag:$0x3] =	stream.linear.gather [hbm4b:s13+s3], $0x640, $0x38;
	[tilespmem:$0x14700] =	vst v63  }
0x22: {  	_ =	swait.ge [sflag:s16], $0x640  }
0x23: {  	[sflag:s16] =	ssyncset.done $0x0  }
0x24: {  	s14 =	simm.s32 $0x680;
	s23 =	rddreg [dreg:$0x6];
	[sflag:s16] =	ssyncadd.s32 $0xFFFFF9C0  }
0x25: {  	[tilespmem:s14], [sflag:$0x3] =	stream.linear.gather [hbm4b:s23+s3], $0x20, $0x38;
	[tilespmem:$0x14700] =	vst v63  }
0x26: {  	_ =	swait.ge [sflag:s16], $0x20  }
0x27: {  	[sflag:s16] =	ssyncset.done $0x0  }
0x28: {  	[sflag:s16] =	ssyncadd.s32 $0xFFFFFFE0  }
0x29: {  	v4 =	vld [tilespmem:$0x680];
	_ =	sdelay $0x4  }
0x2a: {  	v5 =	vshll.u32 v4, $0x3  }
0x2b: {  	v4 =	vand.u32 $0x7, v4;
	v5 =	vand.u32 $0xFFFFFFC0, v5  }
0x2c: {  	v4 =	vor.u32 v4, v5  }
0x2d: {  	v5 =	vperm.xlane v4, v0;
	_ =	sdelay $0x1  }
0x2e: {  	v5 =	vadd.s32 v1, v5;
	_ =	sdelay $0x3  }
0x2f: {  	s14 =	simm.s32 $0x700  }
0x30: {  	[tilespmem:s14], [sflag:$0x3] =	stream.indirect_vreg.gather [hbm4b:s1+s3], $0x80, v5, vm0, $0xb8;
	[tilespmem:$0x14700] =	vst v63  }
0x31: {  	s15 =	simm.s32 $0xF00;
	v4 =	vperm.xlane v4, v2  }
0x32: {  	[tilespmem:s15], [sflag:$0x3] =	stream.indirect_vreg.gather [hbm4b:s12+s3], $0x80, v5, vm0, $0xb8;
	[tilespmem:$0x14700] =	vst v63  }
0x33: {  	s19 =	simm.s32 $0x1700;
	v4 =	vadd.s32 v1, v4  }
0x34: {  	[tilespmem:s19], [sflag:$0x3] =	stream.indirect_vreg.gather [hbm4b:s7+s3], $0x80, v5, vm0, $0xb8;
	[tilespmem:$0x14700] =	vst v63  }
0x35: {  	s20 =	simm.s32 $0x1F00  }
0x36: {  	[tilespmem:s20], [sflag:$0x3] =	stream.indirect_vreg.gather [hbm4b:s9+s3], $0x80, v5, vm0, $0xb8;
	[tilespmem:$0x14700] =	vst v63  }
0x37: {  	s21 =	simm.s32 $0x2700  }
0x38: {  	[tilespmem:s21], [sflag:$0x3] =	stream.indirect_vreg.gather [hbm4b:s1+s3], $0x80, v4, vm0, $0xb8;
	[tilespmem:$0x14700] =	vst v63  }
0x39: {  	s22 =	simm.s32 $0x2F00  }
0x3a: {  	[tilespmem:s22], [sflag:$0x3] =	stream.indirect_vreg.gather [hbm4b:s12+s3], $0x80, v4, vm0, $0xb8;
	[tilespmem:$0x14700] =	vst v63  }
0x3b: {  	s23 =	simm.s32 $0x3700  }
0x3c: {  	[tilespmem:s23], [sflag:$0x3] =	stream.indirect_vreg.gather [hbm4b:s7+s3], $0x80, v4, vm0, $0xb8;
	[tilespmem:$0x14700] =	vst v63  }
0x3d: {  	s15 =	simm.s32 $0x3F00  }
0x3e: {  	[tilespmem:s15], [sflag:$0x3] =	stream.indirect_vreg.gather [hbm4b:s9+s3], $0x80, v4, vm0, $0xb8;
	[tilespmem:$0x14700] =	vst v63  }
0x3f: {  	v4 =	vld [tilespmem:$0x690];
	_ =	sdelay $0x4  }
0x40: {  	v5 =	vshll.u32 v4, $0x3  }
0x41: {  	v4 =	vand.u32 $0x7, v4;
	v5 =	vand.u32 $0xFFFFFFC0, v5  }
0x42: {  	v4 =	vor.u32 v4, v5  }
0x43: {  	v5 =	vperm.xlane v4, v0;
	_ =	sdelay $0x1  }
0x44: {  	v5 =	vadd.s32 v1, v5;
	_ =	sdelay $0x3  }
0x45: {  	s19 =	simm.s32 $0x4700  }
0x46: {  	[tilespmem:s19], [sflag:$0x3] =	stream.indirect_vreg.gather [hbm4b:s1+s3], $0x80, v5, vm0, $0xb8;
	[tilespmem:$0x14700] =	vst v63  }
0x47: {  	s20 =	simm.s32 $0x4F00;
	v4 =	vperm.xlane v4, v2  }
0x48: {  	[tilespmem:s20], [sflag:$0x3] =	stream.indirect_vreg.gather [hbm4b:s12+s3], $0x80, v5, vm0, $0xb8;
	[tilespmem:$0x14700] =	vst v63  }
0x49: {  	s21 =	simm.s32 $0x5700;
	v4 =	vadd.s32 v1, v4  }
0x4a: {  	[tilespmem:s21], [sflag:$0x3] =	stream.indirect_vreg.gather [hbm4b:s7+s3], $0x80, v5, vm0, $0xb8;
	[tilespmem:$0x14700] =	vst v63  }
0x4b: {  	s22 =	simm.s32 $0x5F00  }
0x4c: {  	[tilespmem:s22], [sflag:$0x3] =	stream.indirect_vreg.gather [hbm4b:s9+s3], $0x80, v5, vm0, $0xb8;
	[tilespmem:$0x14700] =	vst v63  }
0x4d: {  	s23 =	simm.s32 $0x6700  }
0x4e: {  	[tilespmem:s23], [sflag:$0x3] =	stream.indirect_vreg.gather [hbm4b:s1+s3], $0x80, v4, vm0, $0xb8;
	[tilespmem:$0x14700] =	vst v63  }
0x4f: {  	s15 =	simm.s32 $0x6F00  }
0x50: {  	[tilespmem:s15], [sflag:$0x3] =	stream.indirect_vreg.gather [hbm4b:s12+s3], $0x80, v4, vm0, $0xb8;
	[tilespmem:$0x14700] =	vst v63  }
0x51: {  	s19 =	simm.s32 $0x7700  }
0x52: {  	[tilespmem:s19], [sflag:$0x3] =	stream.indirect_vreg.gather [hbm4b:s7+s3], $0x80, v4, vm0, $0xb8;
	[tilespmem:$0x14700] =	vst v63  }
0x53: {  	s20 =	simm.s32 $0x7F00  }
0x54: {  	[tilespmem:s20], [sflag:$0x3] =	stream.indirect_vreg.gather [hbm4b:s9+s3], $0x80, v4, vm0, $0xb8;
	[tilespmem:$0x14700] =	vst v63  }
0x55: {  	_ =	swait.ge [sflag:s16], $0x8000  }
0x56: {  	[sflag:s16] =	ssyncset.done $0x0  }
0x57: {  	s21 =	rddreg [dreg:$0x7];
	[sflag:s16] =	ssyncadd.s32 $0xFFFF8000  }
0x58: {  	[hbm4b:s21+s3] =	stream.linear.scatter [tilespmem:s14], [sflag:$0x3], $0x8000, $0x38;
	[tilespmem:$0x14700] =	vst v63  }
0x59: {  	_ =	swait.ge [sflag:s16], $0x8000  }
0x5a: {  	s22 =	sand.u32 $0x3000, s3;
	s23 =	sand.u32 $0x380, s3;
	[sflag:s16] =	ssyncset.done $0x0  }
0x5b: {  	s14 =	sor.u32 s23, s22;
	[sflag:s16] =	ssyncadd.s32 $0xFFFF8000  }
0x5c: {  	s13 =	sadd.s32 $0x10700, s14;
	[tilespmem:s14+$0x10700] =	vst v3  }
0x5d: {  	[tilespmem:s13+$0x40] =	vst v3  }
0x5e: {  	[tilespmem:s13+$0x50] =	vst v3  }
0x5f: {  	[tilespmem:s13+$0x60] =	vst v3  }
0x60: {  	[tilespmem:s13+$0x70] =	vst v3  }
0x61: {  	[tilespmem:s13+$0x400] =	vst v3  }
0x62: {  	[tilespmem:s13+$0x410] =	vst v3  }
0x63: {  	[tilespmem:s13+$0x420] =	vst v3  }
0x64: {  	[tilespmem:s13+$0x430] =	vst v3  }
0x65: {  	[tilespmem:s13+$0x440] =	vst v3  }
0x66: {  	[tilespmem:s13+$0x450] =	vst v3  }
0x67: {  	[tilespmem:s13+$0x460] =	vst v3  }
0x68: {  	[tilespmem:s13+$0x470] =	vst v3  }
0x69: {  	[tilespmem:s13+$0x800] =	vst v3  }
0x6a: {  	[tilespmem:s13+$0x810] =	vst v3  }
0x6b: {  	[tilespmem:s13+$0x820] =	vst v3  }
0x6c: {  	[tilespmem:s13+$0x830] =	vst v3  }
0x6d: {  	[tilespmem:s13+$0x840] =	vst v3  }
0x6e: {  	[tilespmem:s13+$0x850] =	vst v3  }
0x6f: {  	[tilespmem:s13+$0x860] =	vst v3  }
0x70: {  	[tilespmem:s13+$0x870] =	vst v3  }
0x71: {  	[tilespmem:s13+$0xC00] =	vst v3  }
0x72: {  	[tilespmem:s13+$0xC10] =	vst v3  }
0x73: {  	[tilespmem:s13+$0xC20] =	vst v3  }
0x74: {  	[tilespmem:s13+$0xC30] =	vst v3  }
0x75: {  	[tilespmem:s13+$0xC40] =	vst v3  }
0x76: {  	[tilespmem:s13+$0xC50] =	vst v3  }
0x77: {  	[tilespmem:s13+$0xC60] =	vst v3  }
0x78: {  	[tilespmem:s13+$0x10] =	vst v3  }
0x79: {  	s15 =	simm.s32 $0x200;
	s14 =	simm.s32 $0x80;
	[tilespmem:s13+$0x20] =	vst v3  }
0x7a: {  	s19 =	sand.u32 $0x3000, s15;
	s15 =	simm.s32 $0x400;
	[tilespmem:s13+$0x30] =	vst v3;
	s20 =	sand.u32 $0x380, s14  }
.LBB2_2:
0x7b: {  	p0 =	sne.s32 s15, $0x3E00;
	s19 =	sor.u32 s20, s19;
	[tilespmem:s13+$0xC70] =	vst v3  }
0x7c: {  	s13 =	sadd.s32 $0x10700, s19;
	[tilespmem:s19+$0x10700] =	vst v3  }
0x7d: {  	[tilespmem:s13+$0x10] =	vst v3  }
0x7e: {  	[tilespmem:s13+$0x20] =	vst v3  }
0x7f: {  	[tilespmem:s13+$0x30] =	vst v3  }
0x80: {  	[tilespmem:s13+$0x40] =	vst v3  }
0x81: {  	[tilespmem:s13+$0x50] =	vst v3  }
0x82: {  	[tilespmem:s13+$0x60] =	vst v3  }
0x83: {  	[tilespmem:s13+$0x70] =	vst v3  }
0x84: {  	[tilespmem:s13+$0x400] =	vst v3  }
0x85: {  	[tilespmem:s13+$0x410] =	vst v3  }
0x86: {  	[tilespmem:s13+$0x420] =	vst v3  }
0x87: {  	[tilespmem:s13+$0x430] =	vst v3  }
0x88: {  	[tilespmem:s13+$0x440] =	vst v3  }
0x89: {  	[tilespmem:s13+$0x450] =	vst v3  }
0x8a: {  	[tilespmem:s13+$0x460] =	vst v3  }
0x8b: {  	[tilespmem:s13+$0x470] =	vst v3  }
0x8c: {  	[tilespmem:s13+$0x800] =	vst v3  }
0x8d: {  	[tilespmem:s13+$0x810] =	vst v3  }
0x8e: {  	[tilespmem:s13+$0x820] =	vst v3  }
0x8f: {  	[tilespmem:s13+$0x830] =	vst v3  }
0x90: {  	[tilespmem:s13+$0x840] =	vst v3  }
0x91: {  	[tilespmem:s13+$0x850] =	vst v3  }
0x92: {  	[tilespmem:s13+$0x860] =	vst v3  }
0x93: {  	[tilespmem:s13+$0x870] =	vst v3  }
0x94: {  	[tilespmem:s13+$0xC00] =	vst v3  }
0x95: {  	[tilespmem:s13+$0xC10] =	vst v3  }
.Ltmp2:
0x96: {  	[tilespmem:s13+$0xC20] =	vst v3;
	(pc) =	sbr.rel @p0 .LBB2_2-.Ltmp2, $4  }
0x97: {  	[tilespmem:s13+$0xC30] =	vst v3  }
0x98: {  	[tilespmem:s13+$0xC40] =	vst v3  }
0x99: {  	s14 =	sadd.s32 $0x80, s14;
	[tilespmem:s13+$0xC50] =	vst v3  }
0x9a: {  	s19 =	sand.u32 $0x3000, s15;
	s20 =	sand.u32 $0x380, s14;
	s15 =	sadd.s32 $0x200, s15;
	[tilespmem:s13+$0xC60] =	vst v3  }
0x9b: {  	s14 =	sor.u32 s20, s19;
	[tilespmem:s13+$0xC70] =	vst v3  }
0x9c: {  	s15 =	sadd.s32 $0x10700, s14;
	[tilespmem:s14+$0x10700] =	vst v3  }
0x9d: {  	[tilespmem:s15+$0x10] =	vst v3  }
0x9e: {  	[tilespmem:s15+$0x20] =	vst v3  }
0x9f: {  	[tilespmem:s15+$0x30] =	vst v3  }
0xa0: {  	[tilespmem:s15+$0x40] =	vst v3  }
0xa1: {  	[tilespmem:s15+$0x50] =	vst v3  }
0xa2: {  	[tilespmem:s15+$0x60] =	vst v3  }
0xa3: {  	[tilespmem:s15+$0x70] =	vst v3  }
0xa4: {  	[tilespmem:s15+$0x400] =	vst v3  }
0xa5: {  	[tilespmem:s15+$0x410] =	vst v3  }
0xa6: {  	[tilespmem:s15+$0x420] =	vst v3  }
0xa7: {  	[tilespmem:s15+$0x430] =	vst v3  }
0xa8: {  	[tilespmem:s15+$0x440] =	vst v3  }
0xa9: {  	[tilespmem:s15+$0x450] =	vst v3  }
0xaa: {  	[tilespmem:s15+$0x460] =	vst v3  }
0xab: {  	[tilespmem:s15+$0x470] =	vst v3  }
0xac: {  	[tilespmem:s15+$0x800] =	vst v3  }
0xad: {  	[tilespmem:s15+$0x810] =	vst v3  }
0xae: {  	[tilespmem:s15+$0x820] =	vst v3  }
0xaf: {  	[tilespmem:s15+$0x830] =	vst v3  }
0xb0: {  	[tilespmem:s15+$0x840] =	vst v3  }
0xb1: {  	[tilespmem:s15+$0x850] =	vst v3  }
0xb2: {  	[tilespmem:s15+$0x860] =	vst v3  }
0xb3: {  	[tilespmem:s15+$0x870] =	vst v3  }
0xb4: {  	[tilespmem:s15+$0xC00] =	vst v3  }
0xb5: {  	[tilespmem:s15+$0xC10] =	vst v3  }
0xb6: {  	[tilespmem:s15+$0xC20] =	vst v3  }
0xb7: {  	[tilespmem:s15+$0xC30] =	vst v3  }
0xb8: {  	[tilespmem:s15+$0xC40] =	vst v3  }
0xb9: {  	[tilespmem:s15+$0xC50] =	vst v3  }
0xba: {  	[tilespmem:s15+$0xC60] =	vst v3  }
0xbb: {  	[tilespmem:s15+$0xC70] =	vst v3  }
0xbc: {  	v4 =	vld [tilespmem:$0x0];
	_ =	sdelay $0x4  }
0xbd: {  	v5 =	vshll.u32 v4, $0x2  }
0xbe: {  	v4 =	vand.u32 $0x7, v4;
	v5 =	vand.u32 $0xFFFFFFE0, v5  }
0xbf: {  	v4 =	vor.u32 v4, v5  }
0xc0: {  	v5 =	vperm.xlane v4, v0;
	_ =	sdelay $0x1  }
0xc1: {  	v5 =	vadd.s32 v1, v5;
	_ =	sdelay $0x1  }
0xc2: {  	v4 =	vperm.xlane v4, v2;
	_ =	sdelay $0x1  }
0xc3: {  	s13 =	simm.s32 $0x0;
	s19 =	simm.s32 $0x8700;
	v4 =	vadd.s32 v1, v4  }
0xc4: {  	[tilespmem:s19], [sflag:$0x1] =	stream.indirect_vreg.gather [hbm4b:s4+s13], $0x80, v5, vm0, $0xb8;
	[tilespmem:$0x14700] =	vst v63  }
0xc5: {  	s20 =	simm.s32 $0x8F00  }
0xc6: {  	[tilespmem:s20], [sflag:$0x1] =	stream.indirect_vreg.gather [hbm4b:s10+s13], $0x80, v5, vm0, $0xb8;
	[tilespmem:$0x14700] =	vst v63  }
0xc7: {  	s21 =	simm.s32 $0x9700  }
0xc8: {  	[tilespmem:s21], [sflag:$0x1] =	stream.indirect_vreg.gather [hbm4b:s4+s13], $0x80, v4, vm0, $0xb8;
	[tilespmem:$0x14700] =	vst v63  }
0xc9: {  	s22 =	simm.s32 $0x9F00  }
0xca: {  	[tilespmem:s22], [sflag:$0x1] =	stream.indirect_vreg.gather [hbm4b:s10+s13], $0x80, v4, vm0, $0xb8;
	[tilespmem:$0x14700] =	vst v63  }
0xcb: {  	v4 =	vld [tilespmem:$0x10];
	_ =	sdelay $0x4  }
0xcc: {  	v5 =	vshll.u32 v4, $0x2  }
0xcd: {  	v4 =	vand.u32 $0x7, v4;
	v5 =	vand.u32 $0xFFFFFFE0, v5  }
0xce: {  	v4 =	vor.u32 v4, v5  }
0xcf: {  	v5 =	vperm.xlane v4, v0;
	_ =	sdelay $0x1  }
0xd0: {  	v5 =	vadd.s32 v1, v5;
	_ =	sdelay $0x1  }
0xd1: {  	v4 =	vperm.xlane v4, v2;
	_ =	sdelay $0x1  }
0xd2: {  	s23 =	simm.s32 $0xA700;
	v4 =	vadd.s32 v1, v4  }
0xd3: {  	[tilespmem:s23], [sflag:$0x1] =	stream.indirect_vreg.gather [hbm4b:s4+s13], $0x80, v5, vm0, $0xb8;
	[tilespmem:$0x14700] =	vst v63  }
0xd4: {  	_ = 	snop  }
0xd5: {  	[tilespmem:s24], [sflag:$0x1] =	stream.indirect_vreg.gather [hbm4b:s10+s13], $0x80, v5, vm0, $0xb8;
	[tilespmem:$0x14700] =	vst v63  }
0xd6: {  	_ = 	snop  }
0xd7: {  	[tilespmem:s25], [sflag:$0x1] =	stream.indirect_vreg.gather [hbm4b:s4+s13], $0x80, v4, vm0, $0xb8;
	[tilespmem:$0x14700] =	vst v63  }
0xd8: {  	_ = 	snop  }
0xd9: {  	[tilespmem:s26], [sflag:$0x1] =	stream.indirect_vreg.gather [hbm4b:s10+s13], $0x80, v4, vm0, $0xb8;
	[tilespmem:$0x14700] =	vst v63  }
0xda: {  	v4 =	vld [tilespmem:$0x20];
	_ =	sdelay $0x4  }
0xdb: {  	v5 =	vshll.u32 v4, $0x2  }
0xdc: {  	v4 =	vand.u32 $0x7, v4;
	v5 =	vand.u32 $0xFFFFFFE0, v5  }
0xdd: {  	v4 =	vor.u32 v4, v5  }
0xde: {  	v5 =	vperm.xlane v4, v0;
	_ =	sdelay $0x1  }
0xdf: {  	v5 =	vadd.s32 v1, v5;
	_ =	sdelay $0x1  }
0xe0: {  	v4 =	vperm.xlane v4, v2;
	_ =	sdelay $0x1  }
0xe1: {  	v4 =	vadd.s32 v1, v4  }
0xe2: {  	[tilespmem:s28], [sflag:$0x2] =	stream.indirect_vreg.gather [hbm4b:s4+s13], $0x80, v5, vm0, $0xb8;
	[tilespmem:$0x14700] =	vst v63  }
0xe3: {  	_ = 	snop  }
0xe4: {  	[tilespmem:s29], [sflag:$0x2] =	stream.indirect_vreg.gather [hbm4b:s10+s13], $0x80, v5, vm0, $0xb8;
	[tilespmem:$0x14700] =	vst v63  }
0xe5: {  	_ = 	snop  }
0xe6: {  	[tilespmem:s30], [sflag:$0x2] =	stream.indirect_vreg.gather [hbm4b:s4+s13], $0x80, v4, vm0, $0xb8;
	[tilespmem:$0x14700] =	vst v63  }
0xe7: {  	_ = 	snop  }
0xe8: {  	[tilespmem:s31], [sflag:$0x2] =	stream.indirect_vreg.gather [hbm4b:s10+s13], $0x80, v4, vm0, $0xb8;
	[tilespmem:$0x14700] =	vst v63  }
0xe9: {  	v4 =	vld [tilespmem:$0x30];
	_ =	sdelay $0x4  }
0xea: {  	v5 =	vshll.u32 v4, $0x2  }
0xeb: {  	v4 =	vand.u32 $0x7, v4;
	v5 =	vand.u32 $0xFFFFFFE0, v5  }
0xec: {  	v4 =	vor.u32 v4, v5  }
0xed: {  	v5 =	vperm.xlane v4, v0;
	_ =	sdelay $0x1  }
0xee: {  	v5 =	vadd.s32 v1, v5;
	_ =	sdelay $0x1  }
0xef: {  	v4 =	vperm.xlane v4, v2;
	_ =	sdelay $0x1  }
0xf0: {  	v4 =	vadd.s32 v1, v4  }
0xf1: {  	[tilespmem:s0], [sflag:$0x2] =	stream.indirect_vreg.gather [hbm4b:s4+s13], $0x80, v5, vm0, $0xb8;
	[tilespmem:$0x14700] =	vst v63  }
0xf2: {  	_ = 	snop  }
0xf3: {  	[tilespmem:s2], [sflag:$0x2] =	stream.indirect_vreg.gather [hbm4b:s10+s13], $0x80, v5, vm0, $0xb8;
	[tilespmem:$0x14700] =	vst v63  }
0xf4: {  	_ = 	snop  }
0xf5: {  	[tilespmem:s17], [sflag:$0x2] =	stream.indirect_vreg.gather [hbm4b:s4+s13], $0x80, v4, vm0, $0xb8;
	[tilespmem:$0x14700] =	vst v63  }
0xf6: {  	s14 =	simm.s32 $0x0  }
0xf7: {  	[tilespmem:s18], [sflag:$0x2] =	stream.indirect_vreg.gather [hbm4b:s10+s13], $0x80, v4, vm0, $0xb8;
	[tilespmem:$0x14700] =	vst v63  }
.LBB2_4:
0xf8: {  	_ =	swait.ge [sflag:s5], $0x4000  }
0xf9: {  	s15 =	sand.u32 $0x3000, s13;
	s19 =	sand.u32 $0x380, s13;
	[sflag:s5] =	ssyncset.done $0x0  }
0xfa: {  	s19 =	sor.u32 s19, s15;
	[sflag:s5] =	ssyncadd.s32 $0xFFFFC000  }
0xfb: {  	v11 =	vld [tilespmem:s19+$0x8700]  }
0xfc: {  	v12 =	vld [tilespmem:s19+$0x8710]  }
0xfd: {  	v13 =	vld [tilespmem:s19+$0x8720]  }
0xfe: {  	v14 =	vld [tilespmem:s19+$0x8730]  }
0xff: {  	v15 =	vld [tilespmem:s19+$0x8740]  }
0x100: {  	v16 =	vld [tilespmem:s19+$0x8750]  }
0x101: {  	v17 =	vld [tilespmem:s19+$0x8760]  }
0x102: {  	v18 =	vld [tilespmem:s19+$0x8770]  }
0x103: {  	v19 =	vld [tilespmem:s19+$0x8B00]  }
0x104: {  	v20 =	vld [tilespmem:s19+$0x8B10]  }
0x105: {  	v21 =	vld [tilespmem:s19+$0x8B20]  }
0x106: {  	v22 =	vld [tilespmem:s19+$0x8B30]  }
0x107: {  	v23 =	vld [tilespmem:s19+$0x8B40]  }
0x108: {  	v24 =	vld [tilespmem:s19+$0x8B50]  }
0x109: {  	v25 =	vld [tilespmem:s19+$0x8B60]  }
0x10a: {  	v26 =	vld [tilespmem:s19+$0x8B70]  }
0x10b: {  	v27 =	vld [tilespmem:s19+$0x8F00]  }
0x10c: {  	v28 =	vld [tilespmem:s19+$0x8F10]  }
0x10d: {  	v29 =	vld [tilespmem:s19+$0x8F20]  }
0x10e: {  	v30 =	vld [tilespmem:s19+$0x8F30]  }
0x10f: {  	v31 =	vld [tilespmem:s19+$0x8F40]  }
0x110: {  	v32 =	vld [tilespmem:s19+$0x8F50]  }
0x111: {  	v33 =	vld [tilespmem:s19+$0x8F60]  }
0x112: {  	v34 =	vld [tilespmem:s19+$0x8F70]  }
0x113: {  	v35 =	vld [tilespmem:s19+$0x9300]  }
0x114: {  	v10 =	vld [tilespmem:s19+$0x9310]  }
0x115: {  	v9 =	vld [tilespmem:s19+$0x9320]  }
0x116: {  	v8 =	vld [tilespmem:s19+$0x9330]  }
0x117: {  	v7 =	vld [tilespmem:s19+$0x9340]  }
0x118: {  	v6 =	vld [tilespmem:s19+$0x9350]  }
0x119: {  	v5 =	vld [tilespmem:s19+$0x9360]  }
0x11a: {  	v4 =	vld [tilespmem:s19+$0x9370]  }
0x11b: {  	v36 =	vld [tilespmem:s19+$0x10700]  }
0x11c: {  	v37 =	vld [tilespmem:s19+$0x10710]  }
0x11d: {  	v38 =	vld [tilespmem:s19+$0x10720]  }
0x11e: {  	v39 =	vld [tilespmem:s19+$0x10730]  }
0x11f: {  	v40 =	vld [tilespmem:s19+$0x10740]  }
0x120: {  	v62 =	vld [tilespmem:s19+$0x10750];
	v11 =	vadd.bf16 v11, v36  }
0x121: {  	v63 =	vld [tilespmem:s19+$0x10760];
	v12 =	vadd.bf16 v12, v37  }
0x122: {  	[tilespmem:s19+$0x10700] =	vst v11;
	v11 =	vadd.bf16 v13, v38;
	v13 =	vld [tilespmem:s19+$0x10770]  }
0x123: {  	[tilespmem:s19+$0x10710] =	vst v12;
	v12 =	vadd.bf16 v14, v39;
	v14 =	vld [tilespmem:s19+$0x10B00]  }
0x124: {  	[tilespmem:s19+$0x10720] =	vst v11;
	v11 =	vadd.bf16 v15, v40;
	v15 =	vld [tilespmem:s19+$0x10B10]  }
0x125: {  	[tilespmem:s19+$0x10730] =	vst v12;
	v12 =	vadd.bf16 v16, v62;
	v16 =	vld [tilespmem:s19+$0x10B20]  }
0x126: {  	[tilespmem:s19+$0x10740] =	vst v11;
	v11 =	vadd.bf16 v17, v63;
	v17 =	vld [tilespmem:s19+$0x10B30]  }
0x127: {  	[tilespmem:s19+$0x10750] =	vst v12;
	v12 =	vadd.bf16 v18, v13;
	v13 =	vld [tilespmem:s19+$0x10B40]  }
0x128: {  	[tilespmem:s19+$0x10760] =	vst v11;
	v11 =	vadd.bf16 v19, v14;
	v14 =	vld [tilespmem:s19+$0x10B50]  }
0x129: {  	[tilespmem:s19+$0x10770] =	vst v12;
	v12 =	vadd.bf16 v20, v15;
	v15 =	vld [tilespmem:s19+$0x10B60]  }
0x12a: {  	[tilespmem:s19+$0x10B00] =	vst v11;
	v11 =	vadd.bf16 v21, v16;
	v16 =	vld [tilespmem:s19+$0x10B70]  }
0x12b: {  	[tilespmem:s19+$0x10B10] =	vst v12;
	v12 =	vadd.bf16 v22, v17;
	v17 =	vld [tilespmem:s19+$0x10F00]  }
0x12c: {  	[tilespmem:s19+$0x10B20] =	vst v11;
	v11 =	vadd.bf16 v23, v13;
	v13 =	vld [tilespmem:s19+$0x10F10]  }
0x12d: {  	[tilespmem:s19+$0x10B30] =	vst v12;
	v12 =	vadd.bf16 v24, v14;
	v14 =	vld [tilespmem:s19+$0x10F20]  }
0x12e: {  	[tilespmem:s19+$0x10B40] =	vst v11;
	v11 =	vadd.bf16 v25, v15;
	v15 =	vld [tilespmem:s19+$0x10F30]  }
0x12f: {  	[tilespmem:s19+$0x10B50] =	vst v12;
	v12 =	vadd.bf16 v26, v16;
	v16 =	vld [tilespmem:s19+$0x10F40]  }
0x130: {  	[tilespmem:s19+$0x10B60] =	vst v11;
	v11 =	vadd.bf16 v27, v17;
	v17 =	vld [tilespmem:s19+$0x10F50]  }
0x131: {  	v18 =	vld [tilespmem:s19+$0x10F60];
	[tilespmem:s19+$0x10B70] =	vst v12;
	v12 =	vadd.bf16 v28, v13  }
0x132: {  	v19 =	vld [tilespmem:s19+$0x10F70];
	[tilespmem:s19+$0x10F00] =	vst v11;
	v11 =	vadd.bf16 v29, v14  }
0x133: {  	[tilespmem:s19+$0x10F10] =	vst v12;
	v12 =	vadd.bf16 v30, v15;
	v15 =	vld [tilespmem:s19+$0x11300]  }
0x134: {  	v14 =	vld [tilespmem:s19+$0x11310];
	[tilespmem:s19+$0x10F20] =	vst v11;
	v11 =	vadd.bf16 v31, v16  }
0x135: {  	v13 =	vld [tilespmem:s19+$0x11320];
	[tilespmem:s19+$0x10F30] =	vst v12;
	v12 =	vadd.bf16 v32, v17  }
0x136: {  	v16 =	vadd.bf16 v33, v18;
	[tilespmem:s19+$0x10F40] =	vst v11;
	v11 =	vld [tilespmem:s19+$0x11330]  }
0x137: {  	v17 =	vadd.bf16 v34, v19;
	[tilespmem:s19+$0x10F50] =	vst v12;
	v12 =	vld [tilespmem:s19+$0x11340]  }
0x138: {  	s20 =	simm.s32 $0x200;
	s15 =	simm.s32 $0x80;
	[tilespmem:s19+$0x10F60] =	vst v16;
	v16 =	vadd.bf16 v35, v15;
	v15 =	vld [tilespmem:s19+$0x11350]  }
.LBB2_5:
0x139: {  	s21 =	sand.u32 $0x3000, s20;
	s22 =	sand.u32 $0x380, s15;
	p0 =	sne.s32 s20, $0x3E00;
	[tilespmem:s19+$0x10F70] =	vst v17;
	v10 =	vadd.bf16 v10, v14;
	v14 =	vld [tilespmem:s19+$0x11360]  }
0x13a: {  	s21 =	sor.u32 s22, s21;
	[tilespmem:s19+$0x11300] =	vst v16;
	v9 =	vadd.bf16 v9, v13;
	v13 =	vld [tilespmem:s19+$0x11370]  }
0x13b: {  	v16 =	vld [tilespmem:s21+$0x8700];
	[tilespmem:s19+$0x11310] =	vst v10;
	v8 =	vadd.bf16 v8, v11  }
0x13c: {  	v11 =	vld [tilespmem:s21+$0x8710];
	[tilespmem:s19+$0x11320] =	vst v9;
	v7 =	vadd.bf16 v7, v12  }
0x13d: {  	v12 =	vld [tilespmem:s21+$0x8720];
	[tilespmem:s19+$0x11330] =	vst v8;
	v6 =	vadd.bf16 v6, v15  }
0x13e: {  	v15 =	vld [tilespmem:s21+$0x8730];
	[tilespmem:s19+$0x11340] =	vst v7;
	v5 =	vadd.bf16 v5, v14  }
0x13f: {  	v14 =	vld [tilespmem:s21+$0x8740];
	[tilespmem:s19+$0x11350] =	vst v6;
	v4 =	vadd.bf16 v4, v13  }
0x140: {  	v13 =	vld [tilespmem:s21+$0x8750];
	[tilespmem:s19+$0x11360] =	vst v5  }
0x141: {  	v17 =	vld [tilespmem:s21+$0x8760];
	[tilespmem:s19+$0x11370] =	vst v4;
	s19 =	smov.u32 s21  }
0x142: {  	v18 =	vld [tilespmem:s19+$0x8770]  }
0x143: {  	v19 =	vld [tilespmem:s19+$0x8B00]  }
0x144: {  	v20 =	vld [tilespmem:s19+$0x8B10]  }
0x145: {  	v21 =	vld [tilespmem:s19+$0x8B20]  }
0x146: {  	v22 =	vld [tilespmem:s19+$0x8B30]  }
0x147: {  	v23 =	vld [tilespmem:s19+$0x8B40]  }
0x148: {  	v24 =	vld [tilespmem:s19+$0x8B50]  }
0x149: {  	v25 =	vld [tilespmem:s19+$0x8B60]  }
0x14a: {  	v26 =	vld [tilespmem:s19+$0x8B70]  }
0x14b: {  	v27 =	vld [tilespmem:s19+$0x8F00]  }
0x14c: {  	v28 =	vld [tilespmem:s19+$0x8F10]  }
0x14d: {  	v29 =	vld [tilespmem:s19+$0x8F20]  }
0x14e: {  	v30 =	vld [tilespmem:s19+$0x8F30]  }
0x14f: {  	v31 =	vld [tilespmem:s19+$0x8F40]  }
0x150: {  	v32 =	vld [tilespmem:s19+$0x8F50]  }
0x151: {  	v33 =	vld [tilespmem:s19+$0x8F60]  }
0x152: {  	v34 =	vld [tilespmem:s19+$0x8F70]  }
0x153: {  	v35 =	vld [tilespmem:s19+$0x9300]  }
0x154: {  	v10 =	vld [tilespmem:s19+$0x9310]  }
0x155: {  	v9 =	vld [tilespmem:s19+$0x9320]  }
0x156: {  	v8 =	vld [tilespmem:s19+$0x9330]  }
0x157: {  	v7 =	vld [tilespmem:s19+$0x9340]  }
0x158: {  	v6 =	vld [tilespmem:s19+$0x9350]  }
0x159: {  	v5 =	vld [tilespmem:s19+$0x9360]  }
0x15a: {  	v4 =	vld [tilespmem:s19+$0x9370]  }
0x15b: {  	v36 =	vld [tilespmem:s19+$0x10700]  }
0x15c: {  	v37 =	vld [tilespmem:s19+$0x10710]  }
0x15d: {  	v38 =	vld [tilespmem:s19+$0x10720]  }
0x15e: {  	v39 =	vld [tilespmem:s19+$0x10730]  }
0x15f: {  	v40 =	vld [tilespmem:s19+$0x10740]  }
0x160: {  	v16 =	vadd.bf16 v16, v36;
	v36 =	vld [tilespmem:s19+$0x10750]  }
0x161: {  	v11 =	vadd.bf16 v11, v37;
	v37 =	vld [tilespmem:s19+$0x10760]  }
0x162: {  	[tilespmem:s19+$0x10700] =	vst v16;
	v12 =	vadd.bf16 v12, v38;
	v16 =	vld [tilespmem:s19+$0x10770]  }
0x163: {  	[tilespmem:s19+$0x10710] =	vst v11;
	v11 =	vadd.bf16 v15, v39;
	v15 =	vld [tilespmem:s19+$0x10B00]  }
0x164: {  	[tilespmem:s19+$0x10720] =	vst v12;
	v12 =	vadd.bf16 v14, v40;
	v14 =	vld [tilespmem:s19+$0x10B10]  }
0x165: {  	[tilespmem:s19+$0x10730] =	vst v11;
	v11 =	vadd.bf16 v13, v36;
	v13 =	vld [tilespmem:s19+$0x10B20]  }
0x166: {  	[tilespmem:s19+$0x10740] =	vst v12;
	v12 =	vadd.bf16 v17, v37;
	v17 =	vld [tilespmem:s19+$0x10B30]  }
0x167: {  	[tilespmem:s19+$0x10750] =	vst v11;
	v11 =	vadd.bf16 v18, v16;
	v16 =	vld [tilespmem:s19+$0x10B40]  }
0x168: {  	[tilespmem:s19+$0x10760] =	vst v12;
	v12 =	vadd.bf16 v19, v15;
	v15 =	vld [tilespmem:s19+$0x10B50]  }
0x169: {  	[tilespmem:s19+$0x10770] =	vst v11;
	v11 =	vadd.bf16 v20, v14;
	v14 =	vld [tilespmem:s19+$0x10B60]  }
0x16a: {  	[tilespmem:s19+$0x10B00] =	vst v12;
	v12 =	vadd.bf16 v21, v13;
	v13 =	vld [tilespmem:s19+$0x10B70]  }
0x16b: {  	[tilespmem:s19+$0x10B10] =	vst v11;
	v11 =	vadd.bf16 v22, v17;
	v17 =	vld [tilespmem:s19+$0x10F00]  }
0x16c: {  	[tilespmem:s19+$0x10B20] =	vst v12;
	v12 =	vadd.bf16 v23, v16;
	v16 =	vld [tilespmem:s19+$0x10F10]  }
0x16d: {  	[tilespmem:s19+$0x10B30] =	vst v11;
	v11 =	vadd.bf16 v24, v15;
	v15 =	vld [tilespmem:s19+$0x10F20]  }
0x16e: {  	[tilespmem:s19+$0x10B40] =	vst v12;
	v12 =	vadd.bf16 v25, v14;
	v14 =	vld [tilespmem:s19+$0x10F30]  }
0x16f: {  	[tilespmem:s19+$0x10B50] =	vst v11;
	v11 =	vadd.bf16 v26, v13;
	v13 =	vld [tilespmem:s19+$0x10F40]  }
0x170: {  	[tilespmem:s19+$0x10B60] =	vst v12;
	v12 =	vadd.bf16 v27, v17;
	v17 =	vld [tilespmem:s19+$0x10F50]  }
0x171: {  	[tilespmem:s19+$0x10B70] =	vst v11;
	v11 =	vadd.bf16 v28, v16;
	v16 =	vld [tilespmem:s19+$0x10F60]  }
0x172: {  	[tilespmem:s19+$0x10F00] =	vst v12;
	v12 =	vadd.bf16 v29, v15;
	v15 =	vld [tilespmem:s19+$0x10F70]  }
0x173: {  	[tilespmem:s19+$0x10F10] =	vst v11;
	v11 =	vadd.bf16 v30, v14;
	v18 =	vld [tilespmem:s19+$0x11300]  }
.Ltmp3:
0x174: {  	[tilespmem:s19+$0x10F20] =	vst v12;
	v12 =	vadd.bf16 v31, v13;
	v14 =	vld [tilespmem:s19+$0x11310];
	(pc) =	sbr.rel @p0 .LBB2_5-.Ltmp3, $4  }
0x175: {  	[tilespmem:s19+$0x10F30] =	vst v11;
	v17 =	vadd.bf16 v32, v17;
	v13 =	vld [tilespmem:s19+$0x11320]  }
0x176: {  	[tilespmem:s19+$0x10F40] =	vst v12;
	v16 =	vadd.bf16 v33, v16;
	v11 =	vld [tilespmem:s19+$0x11330]  }
0x177: {  	[tilespmem:s19+$0x10F50] =	vst v17;
	v17 =	vadd.bf16 v34, v15;
	v12 =	vld [tilespmem:s19+$0x11340]  }
0x178: {  	s15 =	sadd.s32 $0x80, s15;
	s20 =	sadd.s32 $0x200, s20;
	[tilespmem:s19+$0x10F60] =	vst v16;
	v16 =	vadd.bf16 v35, v18;
	v15 =	vld [tilespmem:s19+$0x11350]  }
0x179: {  	[tilespmem:s19+$0x10F70] =	vst v17;
	v10 =	vadd.bf16 v10, v14;
	v14 =	vld [tilespmem:s19+$0x11360]  }
0x17a: {  	[tilespmem:s19+$0x11300] =	vst v16;
	v9 =	vadd.bf16 v9, v13;
	v13 =	vld [tilespmem:s19+$0x11370]  }
0x17b: {  	[tilespmem:s19+$0x11310] =	vst v10;
	v8 =	vadd.bf16 v8, v11  }
0x17c: {  	[tilespmem:s19+$0x11320] =	vst v9;
	v7 =	vadd.bf16 v7, v12  }
0x17d: {  	[tilespmem:s19+$0x11330] =	vst v8;
	v6 =	vadd.bf16 v6, v15  }
0x17e: {  	[tilespmem:s19+$0x11340] =	vst v7;
	v5 =	vadd.bf16 v5, v14  }
0x17f: {  	[tilespmem:s19+$0x11350] =	vst v6;
	v4 =	vadd.bf16 v4, v13  }
0x180: {  	s15 =	sshll.u32 s14, $0x8;
	p0 =	seq.s32 s14, $0xC;
	[tilespmem:s19+$0x11360] =	vst v5  }
0x181: {  	[tilespmem:s19+$0x11370] =	vst v4;
	s19 =	sshrl.u32 @!p0 s15, $0x2  }
0x182: {  	v4 =	vld @!p0 [tilespmem:s19+$0x40];
	_ =	sdelay $0x4  }
0x183: {  	v5 =	vshll.u32 @!p0 v4, $0x2  }
0x184: {  	v6 =	vlaneseq.u32 @!p0;
	v4 =	vand.u32 @!p0 $0x7, v4;
	v5 =	vand.u32 @!p0 $0xFFFFFFE0, v5  }
0x185: {  	v7 =	vshrl.u32 @!p0 v6, $0x3;
	v4 =	vor.u32 @!p0 v4, v5;
	v5 =	vand.u32 @!p0 $0x7, v6  }
0x186: {  	v7 =	vmul.u32 @!p0 $0x8, v7;
	v8 =	vperm.xlane @!p0 v4, v5;
	_ =	sdelay $0x1  }
0x187: {  	v8 =	vadd.s32 @!p0 v7, v8  }
0x188: {  	v6 =	vor.u32 @!p0 $0x8, v6  }
0x189: {  	v4 =	vperm.xlane @!p0 v4, v6;
	_ =	sdelay $0x1  }
0x18a: {  	vm1 =	vmmov @!p0 $0xffff;
	s20 =	simm.s32 @!p0 $0x0;
	s21 =	simm.s32 @!p0 $0x8700;
	v4 =	vadd.s32 @!p0 v7, v4  }
0x18b: {  	[tilespmem:s21], [sflag:$0x1] =	stream.indirect_vreg.gather @!p0 [hbm4b:s4+s20], $0x80, v8, vm1, $0xb8;
	[tilespmem:$0x14700] =	vst v63  }
0x18c: {  	s21 =	simm.s32 @!p0 $0x8F00  }
0x18d: {  	[tilespmem:s21], [sflag:$0x1] =	stream.indirect_vreg.gather @!p0 [hbm4b:s10+s20], $0x80, v8, vm1, $0xb8;
	[tilespmem:$0x14700] =	vst v63  }
0x18e: {  	s21 =	simm.s32 @!p0 $0x9700  }
0x18f: {  	[tilespmem:s21], [sflag:$0x1] =	stream.indirect_vreg.gather @!p0 [hbm4b:s4+s20], $0x80, v4, vm1, $0xb8;
	[tilespmem:$0x14700] =	vst v63  }
0x190: {  	s21 =	simm.s32 @!p0 $0x9F00  }
0x191: {  	[tilespmem:s21], [sflag:$0x1] =	stream.indirect_vreg.gather @!p0 [hbm4b:s10+s20], $0x80, v4, vm1, $0xb8;
	[tilespmem:$0x14700] =	vst v63  }
0x192: {  	v4 =	vld @!p0 [tilespmem:s19+$0x50];
	_ =	sdelay $0x4  }
0x193: {  	v8 =	vshll.u32 @!p0 v4, $0x2  }
0x194: {  	v4 =	vand.u32 @!p0 $0x7, v4;
	v8 =	vand.u32 @!p0 $0xFFFFFFE0, v8  }
0x195: {  	v4 =	vor.u32 @!p0 v4, v8  }
0x196: {  	v5 =	vperm.xlane @!p0 v4, v5;
	_ =	sdelay $0x1  }
0x197: {  	v5 =	vadd.s32 @!p0 v7, v5;
	_ =	sdelay $0x1  }
0x198: {  	v4 =	vperm.xlane @!p0 v4, v6;
	_ =	sdelay $0x1  }
0x199: {  	s19 =	simm.s32 @!p0 $0xA700;
	v4 =	vadd.s32 @!p0 v7, v4  }
0x19a: {  	[tilespmem:s19], [sflag:$0x1] =	stream.indirect_vreg.gather @!p0 [hbm4b:s4+s20], $0x80, v5, vm1, $0xb8;
	[tilespmem:$0x14700] =	vst v63  }
0x19b: {  	s19 =	simm.s32 @!p0 $0xAF00  }
0x19c: {  	[tilespmem:s19], [sflag:$0x1] =	stream.indirect_vreg.gather @!p0 [hbm4b:s10+s20], $0x80, v5, vm1, $0xb8;
	[tilespmem:$0x14700] =	vst v63  }
0x19d: {  	s19 =	simm.s32 @!p0 $0xB700  }
0x19e: {  	[tilespmem:s19], [sflag:$0x1] =	stream.indirect_vreg.gather @!p0 [hbm4b:s4+s20], $0x80, v4, vm1, $0xb8;
	[tilespmem:$0x14700] =	vst v63  }
0x19f: {  	s19 =	simm.s32 @!p0 $0xBF00  }
0x1a0: {  	[tilespmem:s19], [sflag:$0x1] =	stream.indirect_vreg.gather @!p0 [hbm4b:s10+s20], $0x80, v4, vm1, $0xb8;
	[tilespmem:$0x14700] =	vst v63  }
0x1a1: {  	s22 =	simm.s32 $0x0;
	_ =	swait.ge [sflag:s6], $0x4000  }
0x1a2: {  	s23 =	sand.u32 $0x3000, s22;
	s19 =	sand.u32 $0x380, s22;
	[sflag:s6] =	ssyncset.done $0x0  }
0x1a3: {  	s19 =	sor.u32 s19, s23;
	[sflag:s6] =	ssyncadd.s32 $0xFFFFC000  }
0x1a4: {  	v11 =	vld [tilespmem:s19+$0xC700]  }
0x1a5: {  	v12 =	vld [tilespmem:s19+$0xC710]  }
0x1a6: {  	v13 =	vld [tilespmem:s19+$0xC720]  }
0x1a7: {  	v14 =	vld [tilespmem:s19+$0xC730]  }
0x1a8: {  	v15 =	vld [tilespmem:s19+$0xC740]  }
0x1a9: {  	v16 =	vld [tilespmem:s19+$0xC750]  }
0x1aa: {  	v17 =	vld [tilespmem:s19+$0xC760]  }
0x1ab: {  	v18 =	vld [tilespmem:s19+$0xC770]  }
0x1ac: {  	v19 =	vld [tilespmem:s19+$0xCB00]  }
0x1ad: {  	v20 =	vld [tilespmem:s19+$0xCB10]  }
0x1ae: {  	v21 =	vld [tilespmem:s19+$0xCB20]  }
0x1af: {  	v22 =	vld [tilespmem:s19+$0xCB30]  }
0x1b0: {  	v23 =	vld [tilespmem:s19+$0xCB40]  }
0x1b1: {  	v24 =	vld [tilespmem:s19+$0xCB50]  }
0x1b2: {  	v25 =	vld [tilespmem:s19+$0xCB60]  }
0x1b3: {  	v26 =	vld [tilespmem:s19+$0xCB70]  }
0x1b4: {  	v27 =	vld [tilespmem:s19+$0xCF00]  }
0x1b5: {  	v28 =	vld [tilespmem:s19+$0xCF10]  }
0x1b6: {  	v29 =	vld [tilespmem:s19+$0xCF20]  }
0x1b7: {  	v30 =	vld [tilespmem:s19+$0xCF30]  }
0x1b8: {  	v31 =	vld [tilespmem:s19+$0xCF40]  }
0x1b9: {  	v32 =	vld [tilespmem:s19+$0xCF50]  }
0x1ba: {  	v33 =	vld [tilespmem:s19+$0xCF60]  }
0x1bb: {  	v34 =	vld [tilespmem:s19+$0xCF70]  }
0x1bc: {  	v35 =	vld [tilespmem:s19+$0xD300]  }
0x1bd: {  	v10 =	vld [tilespmem:s19+$0xD310]  }
0x1be: {  	v9 =	vld [tilespmem:s19+$0xD320]  }
0x1bf: {  	v8 =	vld [tilespmem:s19+$0xD330]  }
0x1c0: {  	v7 =	vld [tilespmem:s19+$0xD340]  }
0x1c1: {  	v6 =	vld [tilespmem:s19+$0xD350]  }
0x1c2: {  	v5 =	vld [tilespmem:s19+$0xD360]  }
0x1c3: {  	v4 =	vld [tilespmem:s19+$0xD370]  }
0x1c4: {  	v36 =	vld [tilespmem:s19+$0x10700]  }
0x1c5: {  	v37 =	vld [tilespmem:s19+$0x10710]  }
0x1c6: {  	v38 =	vld [tilespmem:s19+$0x10720]  }
0x1c7: {  	v39 =	vld [tilespmem:s19+$0x10730]  }
0x1c8: {  	v40 =	vld [tilespmem:s19+$0x10740]  }
0x1c9: {  	v62 =	vld [tilespmem:s19+$0x10750];
	v11 =	vadd.bf16 v11, v36  }
0x1ca: {  	v63 =	vld [tilespmem:s19+$0x10760];
	v12 =	vadd.bf16 v12, v37  }
0x1cb: {  	[tilespmem:s19+$0x10700] =	vst v11;
	v11 =	vadd.bf16 v13, v38;
	v13 =	vld [tilespmem:s19+$0x10770]  }
0x1cc: {  	[tilespmem:s19+$0x10710] =	vst v12;
	v12 =	vadd.bf16 v14, v39;
	v14 =	vld [tilespmem:s19+$0x10B00]  }
0x1cd: {  	[tilespmem:s19+$0x10720] =	vst v11;
	v11 =	vadd.bf16 v15, v40;
	v15 =	vld [tilespmem:s19+$0x10B10]  }
0x1ce: {  	[tilespmem:s19+$0x10730] =	vst v12;
	v12 =	vadd.bf16 v16, v62;
	v16 =	vld [tilespmem:s19+$0x10B20]  }
0x1cf: {  	[tilespmem:s19+$0x10740] =	vst v11;
	v11 =	vadd.bf16 v17, v63;
	v17 =	vld [tilespmem:s19+$0x10B30]  }
0x1d0: {  	[tilespmem:s19+$0x10750] =	vst v12;
	v12 =	vadd.bf16 v18, v13;
	v13 =	vld [tilespmem:s19+$0x10B40]  }
0x1d1: {  	[tilespmem:s19+$0x10760] =	vst v11;
	v11 =	vadd.bf16 v19, v14;
	v14 =	vld [tilespmem:s19+$0x10B50]  }
0x1d2: {  	[tilespmem:s19+$0x10770] =	vst v12;
	v12 =	vadd.bf16 v20, v15;
	v15 =	vld [tilespmem:s19+$0x10B60]  }
0x1d3: {  	[tilespmem:s19+$0x10B00] =	vst v11;
	v11 =	vadd.bf16 v21, v16;
	v16 =	vld [tilespmem:s19+$0x10B70]  }
0x1d4: {  	[tilespmem:s19+$0x10B10] =	vst v12;
	v12 =	vadd.bf16 v22, v17;
	v17 =	vld [tilespmem:s19+$0x10F00]  }
0x1d5: {  	[tilespmem:s19+$0x10B20] =	vst v11;
	v11 =	vadd.bf16 v23, v13;
	v13 =	vld [tilespmem:s19+$0x10F10]  }
0x1d6: {  	[tilespmem:s19+$0x10B30] =	vst v12;
	v12 =	vadd.bf16 v24, v14;
	v14 =	vld [tilespmem:s19+$0x10F20]  }
0x1d7: {  	[tilespmem:s19+$0x10B40] =	vst v11;
	v11 =	vadd.bf16 v25, v15;
	v15 =	vld [tilespmem:s19+$0x10F30]  }
0x1d8: {  	[tilespmem:s19+$0x10B50] =	vst v12;
	v12 =	vadd.bf16 v26, v16;
	v16 =	vld [tilespmem:s19+$0x10F40]  }
0x1d9: {  	[tilespmem:s19+$0x10B60] =	vst v11;
	v11 =	vadd.bf16 v27, v17;
	v17 =	vld [tilespmem:s19+$0x10F50]  }
0x1da: {  	v18 =	vld [tilespmem:s19+$0x10F60];
	[tilespmem:s19+$0x10B70] =	vst v12;
	v12 =	vadd.bf16 v28, v13  }
0x1db: {  	v19 =	vld [tilespmem:s19+$0x10F70];
	[tilespmem:s19+$0x10F00] =	vst v11;
	v11 =	vadd.bf16 v29, v14  }
0x1dc: {  	[tilespmem:s19+$0x10F10] =	vst v12;
	v12 =	vadd.bf16 v30, v15;
	v15 =	vld [tilespmem:s19+$0x11300]  }
0x1dd: {  	v14 =	vld [tilespmem:s19+$0x11310];
	[tilespmem:s19+$0x10F20] =	vst v11;
	v11 =	vadd.bf16 v31, v16  }
0x1de: {  	v13 =	vld [tilespmem:s19+$0x11320];
	[tilespmem:s19+$0x10F30] =	vst v12;
	v12 =	vadd.bf16 v32, v17  }
0x1df: {  	v16 =	vadd.bf16 v33, v18;
	[tilespmem:s19+$0x10F40] =	vst v11;
	v11 =	vld [tilespmem:s19+$0x11330]  }
0x1e0: {  	v17 =	vadd.bf16 v34, v19;
	[tilespmem:s19+$0x10F50] =	vst v12;
	v12 =	vld [tilespmem:s19+$0x11340]  }
0x1e1: {  	s21 =	simm.s32 $0x200;
	s20 =	simm.s32 $0x80;
	[tilespmem:s19+$0x10F60] =	vst v16;
	v16 =	vadd.bf16 v35, v15;
	v15 =	vld [tilespmem:s19+$0x11350]  }
.LBB2_7:
0x1e2: {  	s22 =	sand.u32 $0x3000, s21;
	s23 =	sand.u32 $0x380, s20;
	p1 =	sne.s32 s21, $0x3E00;
	[tilespmem:s19+$0x10F70] =	vst v17;
	v10 =	vadd.bf16 v10, v14;
	v14 =	vld [tilespmem:s19+$0x11360]  }
0x1e3: {  	s22 =	sor.u32 s23, s22;
	[tilespmem:s19+$0x11300] =	vst v16;
	v9 =	vadd.bf16 v9, v13;
	v13 =	vld [tilespmem:s19+$0x11370]  }
0x1e4: {  	v16 =	vld [tilespmem:s22+$0xC700];
	[tilespmem:s19+$0x11310] =	vst v10;
	v8 =	vadd.bf16 v8, v11  }
0x1e5: {  	v11 =	vld [tilespmem:s22+$0xC710];
	[tilespmem:s19+$0x11320] =	vst v9;
	v7 =	vadd.bf16 v7, v12  }
0x1e6: {  	v12 =	vld [tilespmem:s22+$0xC720];
	[tilespmem:s19+$0x11330] =	vst v8;
	v6 =	vadd.bf16 v6, v15  }
0x1e7: {  	v15 =	vld [tilespmem:s22+$0xC730];
	[tilespmem:s19+$0x11340] =	vst v7;
	v5 =	vadd.bf16 v5, v14  }
0x1e8: {  	v14 =	vld [tilespmem:s22+$0xC740];
	[tilespmem:s19+$0x11350] =	vst v6;
	v4 =	vadd.bf16 v4, v13  }
0x1e9: {  	v13 =	vld [tilespmem:s22+$0xC750];
	[tilespmem:s19+$0x11360] =	vst v5  }
0x1ea: {  	v17 =	vld [tilespmem:s22+$0xC760];
	[tilespmem:s19+$0x11370] =	vst v4;
	s19 =	smov.u32 s22  }
0x1eb: {  	v18 =	vld [tilespmem:s19+$0xC770]  }
0x1ec: {  	v19 =	vld [tilespmem:s19+$0xCB00]  }
0x1ed: {  	v20 =	vld [tilespmem:s19+$0xCB10]  }
0x1ee: {  	v21 =	vld [tilespmem:s19+$0xCB20]  }
0x1ef: {  	v22 =	vld [tilespmem:s19+$0xCB30]  }
0x1f0: {  	v23 =	vld [tilespmem:s19+$0xCB40]  }
0x1f1: {  	v24 =	vld [tilespmem:s19+$0xCB50]  }
0x1f2: {  	v25 =	vld [tilespmem:s19+$0xCB60]  }
0x1f3: {  	v26 =	vld [tilespmem:s19+$0xCB70]  }
0x1f4: {  	v27 =	vld [tilespmem:s19+$0xCF00]  }
0x1f5: {  	v28 =	vld [tilespmem:s19+$0xCF10]  }
0x1f6: {  	v29 =	vld [tilespmem:s19+$0xCF20]  }
0x1f7: {  	v30 =	vld [tilespmem:s19+$0xCF30]  }
0x1f8: {  	v31 =	vld [tilespmem:s19+$0xCF40]  }
0x1f9: {  	v32 =	vld [tilespmem:s19+$0xCF50]  }
0x1fa: {  	v33 =	vld [tilespmem:s19+$0xCF60]  }
0x1fb: {  	v34 =	vld [tilespmem:s19+$0xCF70]  }
0x1fc: {  	v35 =	vld [tilespmem:s19+$0xD300]  }
0x1fd: {  	v10 =	vld [tilespmem:s19+$0xD310]  }
0x1fe: {  	v9 =	vld [tilespmem:s19+$0xD320]  }
0x1ff: {  	v8 =	vld [tilespmem:s19+$0xD330]  }
0x200: {  	v7 =	vld [tilespmem:s19+$0xD340]  }
0x201: {  	v6 =	vld [tilespmem:s19+$0xD350]  }
0x202: {  	v5 =	vld [tilespmem:s19+$0xD360]  }
0x203: {  	v4 =	vld [tilespmem:s19+$0xD370]  }
0x204: {  	v36 =	vld [tilespmem:s19+$0x10700]  }
0x205: {  	v37 =	vld [tilespmem:s19+$0x10710]  }
0x206: {  	v38 =	vld [tilespmem:s19+$0x10720]  }
0x207: {  	v39 =	vld [tilespmem:s19+$0x10730]  }
0x208: {  	v40 =	vld [tilespmem:s19+$0x10740]  }
0x209: {  	v16 =	vadd.bf16 v16, v36;
	v36 =	vld [tilespmem:s19+$0x10750]  }
0x20a: {  	v11 =	vadd.bf16 v11, v37;
	v37 =	vld [tilespmem:s19+$0x10760]  }
0x20b: {  	[tilespmem:s19+$0x10700] =	vst v16;
	v12 =	vadd.bf16 v12, v38;
	v16 =	vld [tilespmem:s19+$0x10770]  }
0x20c: {  	[tilespmem:s19+$0x10710] =	vst v11;
	v11 =	vadd.bf16 v15, v39;
	v15 =	vld [tilespmem:s19+$0x10B00]  }
0x20d: {  	[tilespmem:s19+$0x10720] =	vst v12;
	v12 =	vadd.bf16 v14, v40;
	v14 =	vld [tilespmem:s19+$0x10B10]  }
0x20e: {  	[tilespmem:s19+$0x10730] =	vst v11;
	v11 =	vadd.bf16 v13, v36;
	v13 =	vld [tilespmem:s19+$0x10B20]  }
0x20f: {  	[tilespmem:s19+$0x10740] =	vst v12;
	v12 =	vadd.bf16 v17, v37;
	v17 =	vld [tilespmem:s19+$0x10B30]  }
0x210: {  	[tilespmem:s19+$0x10750] =	vst v11;
	v11 =	vadd.bf16 v18, v16;
	v16 =	vld [tilespmem:s19+$0x10B40]  }
0x211: {  	[tilespmem:s19+$0x10760] =	vst v12;
	v12 =	vadd.bf16 v19, v15;
	v15 =	vld [tilespmem:s19+$0x10B50]  }
0x212: {  	[tilespmem:s19+$0x10770] =	vst v11;
	v11 =	vadd.bf16 v20, v14;
	v14 =	vld [tilespmem:s19+$0x10B60]  }
0x213: {  	[tilespmem:s19+$0x10B00] =	vst v12;
	v12 =	vadd.bf16 v21, v13;
	v13 =	vld [tilespmem:s19+$0x10B70]  }
0x214: {  	[tilespmem:s19+$0x10B10] =	vst v11;
	v11 =	vadd.bf16 v22, v17;
	v17 =	vld [tilespmem:s19+$0x10F00]  }
0x215: {  	[tilespmem:s19+$0x10B20] =	vst v12;
	v12 =	vadd.bf16 v23, v16;
	v16 =	vld [tilespmem:s19+$0x10F10]  }
0x216: {  	[tilespmem:s19+$0x10B30] =	vst v11;
	v11 =	vadd.bf16 v24, v15;
	v15 =	vld [tilespmem:s19+$0x10F20]  }
0x217: {  	[tilespmem:s19+$0x10B40] =	vst v12;
	v12 =	vadd.bf16 v25, v14;
	v14 =	vld [tilespmem:s19+$0x10F30]  }
0x218: {  	[tilespmem:s19+$0x10B50] =	vst v11;
	v11 =	vadd.bf16 v26, v13;
	v13 =	vld [tilespmem:s19+$0x10F40]  }
0x219: {  	[tilespmem:s19+$0x10B60] =	vst v12;
	v12 =	vadd.bf16 v27, v17;
	v17 =	vld [tilespmem:s19+$0x10F50]  }
0x21a: {  	[tilespmem:s19+$0x10B70] =	vst v11;
	v11 =	vadd.bf16 v28, v16;
	v16 =	vld [tilespmem:s19+$0x10F60]  }
0x21b: {  	[tilespmem:s19+$0x10F00] =	vst v12;
	v12 =	vadd.bf16 v29, v15;
	v15 =	vld [tilespmem:s19+$0x10F70]  }
0x21c: {  	[tilespmem:s19+$0x10F10] =	vst v11;
	v11 =	vadd.bf16 v30, v14;
	v18 =	vld [tilespmem:s19+$0x11300]  }
.Ltmp4:
0x21d: {  	[tilespmem:s19+$0x10F20] =	vst v12;
	v12 =	vadd.bf16 v31, v13;
	v14 =	vld [tilespmem:s19+$0x11310];
	(pc) =	sbr.rel @p1 .LBB2_7-.Ltmp4, $4  }
0x21e: {  	[tilespmem:s19+$0x10F30] =	vst v11;
	v17 =	vadd.bf16 v32, v17;
	v13 =	vld [tilespmem:s19+$0x11320]  }
0x21f: {  	[tilespmem:s19+$0x10F40] =	vst v12;
	v16 =	vadd.bf16 v33, v16;
	v11 =	vld [tilespmem:s19+$0x11330]  }
0x220: {  	[tilespmem:s19+$0x10F50] =	vst v17;
	v17 =	vadd.bf16 v34, v15;
	v12 =	vld [tilespmem:s19+$0x11340]  }
0x221: {  	s20 =	sadd.s32 $0x80, s20;
	s21 =	sadd.s32 $0x200, s21;
	[tilespmem:s19+$0x10F60] =	vst v16;
	v16 =	vadd.bf16 v35, v18;
	v15 =	vld [tilespmem:s19+$0x11350]  }
0x222: {  	[tilespmem:s19+$0x10F70] =	vst v17;
	v10 =	vadd.bf16 v10, v14;
	v62 =	vld [tilespmem:s19+$0x11360]  }
0x223: {  	v63 =	vld [tilespmem:s19+$0x11370];
	[tilespmem:s19+$0x11300] =	vst v16;
	v9 =	vadd.bf16 v9, v13  }
0x224: {  	[tilespmem:s19+$0x11310] =	vst v10;
	v8 =	vadd.bf16 v8, v11  }
0x225: {  	[tilespmem:s19+$0x11320] =	vst v9;
	v7 =	vadd.bf16 v7, v12  }
.Ltmp5:
0x226: {  	[tilespmem:s19+$0x11330] =	vst v8;
	v6 =	vadd.bf16 v6, v15;
	(pc) =	sbr.rel @p0 .LBB2_10-.Ltmp5, $4  }
0x227: {  	[tilespmem:s19+$0x11340] =	vst v7;
	v5 =	vadd.bf16 v5, v62  }
0x228: {  	v4 =	vadd.bf16 v4, v63;
	[tilespmem:s19+$0x11350] =	vst v6  }
0x229: {  	[tilespmem:s19+$0x11360] =	vst v5  }
0x22a: {  	[tilespmem:s19+$0x11370] =	vst v4  }
0x22b: {  	s15 =	sshrl.u32 s15, $0x2  }
0x22c: {  	v4 =	vld [tilespmem:s15+$0x60];
	_ =	sdelay $0x4  }
0x22d: {  	v5 =	vshll.u32 v4, $0x2  }
0x22e: {  	v4 =	vand.u32 $0x7, v4;
	v5 =	vand.u32 $0xFFFFFFE0, v5  }
0x22f: {  	v4 =	vor.u32 v4, v5  }
0x230: {  	v5 =	vperm.xlane v4, v0;
	_ =	sdelay $0x1  }
0x231: {  	v5 =	vadd.s32 v1, v5;
	_ =	sdelay $0x1  }
0x232: {  	v4 =	vperm.xlane v4, v2;
	_ =	sdelay $0x1  }
0x233: {  	v4 =	vadd.s32 v1, v4  }
0x234: {  	[tilespmem:s28], [sflag:$0x2] =	stream.indirect_vreg.gather [hbm4b:s4+s3], $0x80, v5, vm0, $0xb8;
	[tilespmem:$0x14700] =	vst v63  }
0x235: {  	_ = 	snop  }
0x236: {  	[tilespmem:s29], [sflag:$0x2] =	stream.indirect_vreg.gather [hbm4b:s10+s3], $0x80, v5, vm0, $0xb8;
	[tilespmem:$0x14700] =	vst v63  }
0x237: {  	_ = 	snop  }
0x238: {  	[tilespmem:s30], [sflag:$0x2] =	stream.indirect_vreg.gather [hbm4b:s4+s3], $0x80, v4, vm0, $0xb8;
	[tilespmem:$0x14700] =	vst v63  }
0x239: {  	_ = 	snop  }
0x23a: {  	[tilespmem:s31], [sflag:$0x2] =	stream.indirect_vreg.gather [hbm4b:s10+s3], $0x80, v4, vm0, $0xb8;
	[tilespmem:$0x14700] =	vst v63  }
0x23b: {  	v4 =	vld [tilespmem:s15+$0x70];
	_ =	sdelay $0x4  }
0x23c: {  	v5 =	vshll.u32 v4, $0x2  }
0x23d: {  	v4 =	vand.u32 $0x7, v4;
	v5 =	vand.u32 $0xFFFFFFE0, v5  }
0x23e: {  	v4 =	vor.u32 v4, v5  }
0x23f: {  	v5 =	vperm.xlane v4, v0;
	_ =	sdelay $0x1  }
0x240: {  	v5 =	vadd.s32 v1, v5;
	_ =	sdelay $0x2  }
0x241: {  	v4 =	vperm.xlane v4, v2;
	_ =	sdelay $0x1  }
0x242: {  	v4 =	vadd.s32 v1, v4;
	[tilespmem:s0], [sflag:$0x2] =	stream.indirect_vreg.gather [hbm4b:s4+s3], $0x80, v5, vm0, $0xb8;
	[tilespmem:$0x14700] =	vst v63  }
0x243: {  	_ = 	snop  }
0x244: {  	[tilespmem:s2], [sflag:$0x2] =	stream.indirect_vreg.gather [hbm4b:s10+s3], $0x80, v5, vm0, $0xb8;
	[tilespmem:$0x14700] =	vst v63  }
.Ltmp6:
0x245: {  	_ = 	snop;
	(pc) =	sbr.rel .LBB2_4-.Ltmp6, $4  }
0x246: {  	_ = 	snop  }
0x247: {  	[tilespmem:s17], [sflag:$0x2] =	stream.indirect_vreg.gather [hbm4b:s4+s3], $0x80, v4, vm0, $0xb8;
	[tilespmem:$0x14700] =	vst v63  }
0x248: {  	s14 =	sadd.s32 $0x1, s14  }
0x249: {  	[tilespmem:s18], [sflag:$0x2] =	stream.indirect_vreg.gather [hbm4b:s10+s3], $0x80, v4, vm0, $0xb8;
	[tilespmem:$0x14700] =	vst v63  }
.LBB2_10:
0x24a: {  	s13 =	simm.s32 $0x0;
	s14 =	rddreg [dreg:$0x8]  }
0x24b: {  	[hbm4b:s14+s13] =	stream.linear.scatter [tilespmem:s8], [sflag:$0x3], $0x4000, $0x38;
	[tilespmem:$0x14700] =	vst v63  }
0x24c: {  	_ =	swait.ge [sflag:s16], $0x4000  }
0x24d: {  	s23 =	sand.u32 $0x3000, s13;
	s13 =	sand.u32 $0x380, s13;
	[sflag:s16] =	ssyncset.done $0x0  }
0x24e: {  	s14 =	sor.u32 s13, s23;
	[sflag:s16] =	ssyncadd.s32 $0xFFFFC000  }
0x24f: {  	s13 =	sadd.s32 $0x10700, s14;
	[tilespmem:s14+$0x10700] =	vst v3  }
0x250: {  	[tilespmem:s13+$0x40] =	vst v3  }
0x251: {  	[tilespmem:s13+$0x50] =	vst v3  }
0x252: {  	[tilespmem:s13+$0x60] =	vst v3  }
0x253: {  	[tilespmem:s13+$0x70] =	vst v3  }
0x254: {  	[tilespmem:s13+$0x400] =	vst v3  }
0x255: {  	[tilespmem:s13+$0x410] =	vst v3  }
0x256: {  	[tilespmem:s13+$0x420] =	vst v3  }
0x257: {  	[tilespmem:s13+$0x430] =	vst v3  }
0x258: {  	[tilespmem:s13+$0x440] =	vst v3  }
0x259: {  	[tilespmem:s13+$0x450] =	vst v3  }
0x25a: {  	[tilespmem:s13+$0x460] =	vst v3  }
0x25b: {  	[tilespmem:s13+$0x470] =	vst v3  }
0x25c: {  	[tilespmem:s13+$0x800] =	vst v3  }
0x25d: {  	[tilespmem:s13+$0x810] =	vst v3  }
0x25e: {  	[tilespmem:s13+$0x820] =	vst v3  }
0x25f: {  	[tilespmem:s13+$0x830] =	vst v3  }
0x260: {  	[tilespmem:s13+$0x840] =	vst v3  }
0x261: {  	[tilespmem:s13+$0x850] =	vst v3  }
0x262: {  	[tilespmem:s13+$0x860] =	vst v3  }
0x263: {  	[tilespmem:s13+$0x870] =	vst v3  }
0x264: {  	[tilespmem:s13+$0xC00] =	vst v3  }
0x265: {  	[tilespmem:s13+$0xC10] =	vst v3  }
0x266: {  	[tilespmem:s13+$0xC20] =	vst v3  }
0x267: {  	[tilespmem:s13+$0xC30] =	vst v3  }
0x268: {  	[tilespmem:s13+$0xC40] =	vst v3  }
0x269: {  	[tilespmem:s13+$0xC50] =	vst v3  }
0x26a: {  	[tilespmem:s13+$0xC60] =	vst v3  }
0x26b: {  	[tilespmem:s13+$0x10] =	vst v3  }
0x26c: {  	s15 =	simm.s32 $0x200;
	s14 =	simm.s32 $0x80;
	[tilespmem:s13+$0x20] =	vst v3  }
0x26d: {  	s19 =	sand.u32 $0x3000, s15;
	s15 =	simm.s32 $0x400;
	[tilespmem:s13+$0x30] =	vst v3;
	s20 =	sand.u32 $0x380, s14  }
.LBB2_11:
0x26e: {  	p0 =	sne.s32 s15, $0x3E00;
	s19 =	sor.u32 s20, s19;
	[tilespmem:s13+$0xC70] =	vst v3  }
0x26f: {  	s13 =	sadd.s32 $0x10700, s19;
	[tilespmem:s19+$0x10700] =	vst v3  }
0x270: {  	[tilespmem:s13+$0x10] =	vst v3  }
0x271: {  	[tilespmem:s13+$0x20] =	vst v3  }
0x272: {  	[tilespmem:s13+$0x30] =	vst v3  }
0x273: {  	[tilespmem:s13+$0x40] =	vst v3  }
0x274: {  	[tilespmem:s13+$0x50] =	vst v3  }
0x275: {  	[tilespmem:s13+$0x60] =	vst v3  }
0x276: {  	[tilespmem:s13+$0x70] =	vst v3  }
0x277: {  	[tilespmem:s13+$0x400] =	vst v3  }
0x278: {  	[tilespmem:s13+$0x410] =	vst v3  }
0x279: {  	[tilespmem:s13+$0x420] =	vst v3  }
0x27a: {  	[tilespmem:s13+$0x430] =	vst v3  }
0x27b: {  	[tilespmem:s13+$0x440] =	vst v3  }
0x27c: {  	[tilespmem:s13+$0x450] =	vst v3  }
0x27d: {  	[tilespmem:s13+$0x460] =	vst v3  }
0x27e: {  	[tilespmem:s13+$0x470] =	vst v3  }
0x27f: {  	[tilespmem:s13+$0x800] =	vst v3  }
0x280: {  	[tilespmem:s13+$0x810] =	vst v3  }
0x281: {  	[tilespmem:s13+$0x820] =	vst v3  }
0x282: {  	[tilespmem:s13+$0x830] =	vst v3  }
0x283: {  	[tilespmem:s13+$0x840] =	vst v3  }
0x284: {  	[tilespmem:s13+$0x850] =	vst v3  }
0x285: {  	[tilespmem:s13+$0x860] =	vst v3  }
0x286: {  	[tilespmem:s13+$0x870] =	vst v3  }
0x287: {  	[tilespmem:s13+$0xC00] =	vst v3  }
0x288: {  	[tilespmem:s13+$0xC10] =	vst v3  }
.Ltmp7:
0x289: {  	[tilespmem:s13+$0xC20] =	vst v3;
	(pc) =	sbr.rel @p0 .LBB2_11-.Ltmp7, $4  }
0x28a: {  	[tilespmem:s13+$0xC30] =	vst v3  }
0x28b: {  	[tilespmem:s13+$0xC40] =	vst v3  }
0x28c: {  	s14 =	sadd.s32 $0x80, s14;
	[tilespmem:s13+$0xC50] =	vst v3  }
0x28d: {  	s19 =	sand.u32 $0x3000, s15;
	s20 =	sand.u32 $0x380, s14;
	s15 =	sadd.s32 $0x200, s15;
	[tilespmem:s13+$0xC60] =	vst v3  }
0x28e: {  	s14 =	sor.u32 s20, s19;
	[tilespmem:s13+$0xC70] =	vst v3  }
0x28f: {  	s15 =	sadd.s32 $0x10700, s14;
	[tilespmem:s14+$0x10700] =	vst v3  }
0x290: {  	[tilespmem:s15+$0x10] =	vst v3  }
0x291: {  	[tilespmem:s15+$0x20] =	vst v3  }
0x292: {  	[tilespmem:s15+$0x30] =	vst v3  }
0x293: {  	[tilespmem:s15+$0x40] =	vst v3  }
0x294: {  	[tilespmem:s15+$0x50] =	vst v3  }
0x295: {  	[tilespmem:s15+$0x60] =	vst v3  }
0x296: {  	[tilespmem:s15+$0x70] =	vst v3  }
0x297: {  	[tilespmem:s15+$0x400] =	vst v3  }
0x298: {  	[tilespmem:s15+$0x410] =	vst v3  }
0x299: {  	[tilespmem:s15+$0x420] =	vst v3  }
0x29a: {  	[tilespmem:s15+$0x430] =	vst v3  }
0x29b: {  	[tilespmem:s15+$0x440] =	vst v3  }
0x29c: {  	[tilespmem:s15+$0x450] =	vst v3  }
0x29d: {  	[tilespmem:s15+$0x460] =	vst v3  }
0x29e: {  	[tilespmem:s15+$0x470] =	vst v3  }
0x29f: {  	[tilespmem:s15+$0x800] =	vst v3  }
0x2a0: {  	[tilespmem:s15+$0x810] =	vst v3  }
0x2a1: {  	[tilespmem:s15+$0x820] =	vst v3  }
0x2a2: {  	[tilespmem:s15+$0x830] =	vst v3  }
0x2a3: {  	[tilespmem:s15+$0x840] =	vst v3  }
0x2a4: {  	[tilespmem:s15+$0x850] =	vst v3  }
0x2a5: {  	[tilespmem:s15+$0x860] =	vst v3  }
0x2a6: {  	[tilespmem:s15+$0x870] =	vst v3  }
0x2a7: {  	[tilespmem:s15+$0xC00] =	vst v3  }
0x2a8: {  	[tilespmem:s15+$0xC10] =	vst v3  }
0x2a9: {  	[tilespmem:s15+$0xC20] =	vst v3  }
0x2aa: {  	[tilespmem:s15+$0xC30] =	vst v3  }
0x2ab: {  	[tilespmem:s15+$0xC40] =	vst v3  }
0x2ac: {  	[tilespmem:s15+$0xC50] =	vst v3  }
0x2ad: {  	[tilespmem:s15+$0xC60] =	vst v3  }
0x2ae: {  	[tilespmem:s15+$0xC70] =	vst v3  }
0x2af: {  	v4 =	vld [tilespmem:$0x340];
	_ =	sdelay $0x4  }
0x2b0: {  	v5 =	vshll.u32 v4, $0x2  }
0x2b1: {  	v4 =	vand.u32 $0x7, v4;
	v5 =	vand.u32 $0xFFFFFFE0, v5  }
0x2b2: {  	v4 =	vor.u32 v4, v5  }
0x2b3: {  	v5 =	vperm.xlane v4, v0;
	_ =	sdelay $0x1  }
0x2b4: {  	v5 =	vadd.s32 v1, v5;
	_ =	sdelay $0x1  }
0x2b5: {  	v4 =	vperm.xlane v4, v2;
	_ =	sdelay $0x1  }
0x2b6: {  	s13 =	simm.s32 $0x0;
	s19 =	simm.s32 $0x8700;
	v4 =	vadd.s32 v1, v4  }
0x2b7: {  	[tilespmem:s19], [sflag:$0x1] =	stream.indirect_vreg.gather [hbm4b:s4+s13], $0x80, v5, vm0, $0xb8;
	[tilespmem:$0x14700] =	vst v63  }
0x2b8: {  	s20 =	simm.s32 $0x8F00  }
0x2b9: {  	[tilespmem:s20], [sflag:$0x1] =	stream.indirect_vreg.gather [hbm4b:s10+s13], $0x80, v5, vm0, $0xb8;
	[tilespmem:$0x14700] =	vst v63  }
0x2ba: {  	s21 =	simm.s32 $0x9700  }
0x2bb: {  	[tilespmem:s21], [sflag:$0x1] =	stream.indirect_vreg.gather [hbm4b:s4+s13], $0x80, v4, vm0, $0xb8;
	[tilespmem:$0x14700] =	vst v63  }
0x2bc: {  	s22 =	simm.s32 $0x9F00  }
0x2bd: {  	[tilespmem:s22], [sflag:$0x1] =	stream.indirect_vreg.gather [hbm4b:s10+s13], $0x80, v4, vm0, $0xb8;
	[tilespmem:$0x14700] =	vst v63  }
0x2be: {  	v4 =	vld [tilespmem:$0x350];
	_ =	sdelay $0x4  }
0x2bf: {  	v5 =	vshll.u32 v4, $0x2  }
0x2c0: {  	v4 =	vand.u32 $0x7, v4;
	v5 =	vand.u32 $0xFFFFFFE0, v5  }
0x2c1: {  	v4 =	vor.u32 v4, v5  }
0x2c2: {  	v5 =	vperm.xlane v4, v0;
	_ =	sdelay $0x1  }
0x2c3: {  	v5 =	vadd.s32 v1, v5;
	_ =	sdelay $0x1  }
0x2c4: {  	v4 =	vperm.xlane v4, v2;
	_ =	sdelay $0x1  }
0x2c5: {  	s23 =	simm.s32 $0xA700;
	v4 =	vadd.s32 v1, v4  }
0x2c6: {  	[tilespmem:s23], [sflag:$0x1] =	stream.indirect_vreg.gather [hbm4b:s4+s13], $0x80, v5, vm0, $0xb8;
	[tilespmem:$0x14700] =	vst v63  }
0x2c7: {  	_ = 	snop  }
0x2c8: {  	[tilespmem:s24], [sflag:$0x1] =	stream.indirect_vreg.gather [hbm4b:s10+s13], $0x80, v5, vm0, $0xb8;
	[tilespmem:$0x14700] =	vst v63  }
0x2c9: {  	_ = 	snop  }
0x2ca: {  	[tilespmem:s25], [sflag:$0x1] =	stream.indirect_vreg.gather [hbm4b:s4+s13], $0x80, v4, vm0, $0xb8;
	[tilespmem:$0x14700] =	vst v63  }
0x2cb: {  	_ = 	snop  }
0x2cc: {  	[tilespmem:s26], [sflag:$0x1] =	stream.indirect_vreg.gather [hbm4b:s10+s13], $0x80, v4, vm0, $0xb8;
	[tilespmem:$0x14700] =	vst v63  }
0x2cd: {  	v4 =	vld [tilespmem:$0x360];
	_ =	sdelay $0x4  }
0x2ce: {  	v5 =	vshll.u32 v4, $0x2  }
0x2cf: {  	v4 =	vand.u32 $0x7, v4;
	v5 =	vand.u32 $0xFFFFFFE0, v5  }
0x2d0: {  	v4 =	vor.u32 v4, v5  }
0x2d1: {  	v5 =	vperm.xlane v4, v0;
	_ =	sdelay $0x1  }
0x2d2: {  	v5 =	vadd.s32 v1, v5;
	_ =	sdelay $0x1  }
0x2d3: {  	v4 =	vperm.xlane v4, v2;
	_ =	sdelay $0x1  }
0x2d4: {  	v4 =	vadd.s32 v1, v4  }
0x2d5: {  	[tilespmem:s28], [sflag:$0x2] =	stream.indirect_vreg.gather [hbm4b:s4+s13], $0x80, v5, vm0, $0xb8;
	[tilespmem:$0x14700] =	vst v63  }
0x2d6: {  	_ = 	snop  }
0x2d7: {  	[tilespmem:s29], [sflag:$0x2] =	stream.indirect_vreg.gather [hbm4b:s10+s13], $0x80, v5, vm0, $0xb8;
	[tilespmem:$0x14700] =	vst v63  }
0x2d8: {  	_ = 	snop  }
0x2d9: {  	[tilespmem:s30], [sflag:$0x2] =	stream.indirect_vreg.gather [hbm4b:s4+s13], $0x80, v4, vm0, $0xb8;
	[tilespmem:$0x14700] =	vst v63  }
0x2da: {  	_ = 	snop  }
0x2db: {  	[tilespmem:s31], [sflag:$0x2] =	stream.indirect_vreg.gather [hbm4b:s10+s13], $0x80, v4, vm0, $0xb8;
	[tilespmem:$0x14700] =	vst v63  }
0x2dc: {  	v4 =	vld [tilespmem:$0x370];
	_ =	sdelay $0x4  }
0x2dd: {  	v5 =	vshll.u32 v4, $0x2  }
0x2de: {  	v4 =	vand.u32 $0x7, v4;
	v5 =	vand.u32 $0xFFFFFFE0, v5  }
0x2df: {  	v4 =	vor.u32 v4, v5  }
0x2e0: {  	v5 =	vperm.xlane v4, v0;
	_ =	sdelay $0x1  }
0x2e1: {  	v5 =	vadd.s32 v1, v5;
	_ =	sdelay $0x1  }
0x2e2: {  	v4 =	vperm.xlane v4, v2;
	_ =	sdelay $0x1  }
0x2e3: {  	v4 =	vadd.s32 v1, v4  }
0x2e4: {  	[tilespmem:s0], [sflag:$0x2] =	stream.indirect_vreg.gather [hbm4b:s4+s13], $0x80, v5, vm0, $0xb8;
	[tilespmem:$0x14700] =	vst v63  }
0x2e5: {  	_ = 	snop  }
0x2e6: {  	[tilespmem:s2], [sflag:$0x2] =	stream.indirect_vreg.gather [hbm4b:s10+s13], $0x80, v5, vm0, $0xb8;
	[tilespmem:$0x14700] =	vst v63  }
0x2e7: {  	_ = 	snop  }
0x2e8: {  	[tilespmem:s17], [sflag:$0x2] =	stream.indirect_vreg.gather [hbm4b:s4+s13], $0x80, v4, vm0, $0xb8;
	[tilespmem:$0x14700] =	vst v63  }
0x2e9: {  	s14 =	simm.s32 $0x0  }
0x2ea: {  	[tilespmem:s18], [sflag:$0x2] =	stream.indirect_vreg.gather [hbm4b:s10+s13], $0x80, v4, vm0, $0xb8;
	[tilespmem:$0x14700] =	vst v63  }
.LBB2_13:
0x2eb: {  	_ =	swait.ge [sflag:s5], $0x4000  }
0x2ec: {  	s15 =	sand.u32 $0x3000, s13;
	s19 =	sand.u32 $0x380, s13;
	[sflag:s5] =	ssyncset.done $0x0  }
0x2ed: {  	s19 =	sor.u32 s19, s15;
	[sflag:s5] =	ssyncadd.s32 $0xFFFFC000  }
0x2ee: {  	v11 =	vld [tilespmem:s19+$0x8700]  }
0x2ef: {  	v12 =	vld [tilespmem:s19+$0x8710]  }
0x2f0: {  	v13 =	vld [tilespmem:s19+$0x8720]  }
0x2f1: {  	v14 =	vld [tilespmem:s19+$0x8730]  }
0x2f2: {  	v15 =	vld [tilespmem:s19+$0x8740]  }
0x2f3: {  	v16 =	vld [tilespmem:s19+$0x8750]  }
0x2f4: {  	v17 =	vld [tilespmem:s19+$0x8760]  }
0x2f5: {  	v18 =	vld [tilespmem:s19+$0x8770]  }
0x2f6: {  	v19 =	vld [tilespmem:s19+$0x8B00]  }
0x2f7: {  	v20 =	vld [tilespmem:s19+$0x8B10]  }
0x2f8: {  	v21 =	vld [tilespmem:s19+$0x8B20]  }
0x2f9: {  	v22 =	vld [tilespmem:s19+$0x8B30]  }
0x2fa: {  	v23 =	vld [tilespmem:s19+$0x8B40]  }
0x2fb: {  	v24 =	vld [tilespmem:s19+$0x8B50]  }
0x2fc: {  	v25 =	vld [tilespmem:s19+$0x8B60]  }
0x2fd: {  	v26 =	vld [tilespmem:s19+$0x8B70]  }
0x2fe: {  	v27 =	vld [tilespmem:s19+$0x8F00]  }
0x2ff: {  	v28 =	vld [tilespmem:s19+$0x8F10]  }
0x300: {  	v29 =	vld [tilespmem:s19+$0x8F20]  }
0x301: {  	v30 =	vld [tilespmem:s19+$0x8F30]  }
0x302: {  	v31 =	vld [tilespmem:s19+$0x8F40]  }
0x303: {  	v32 =	vld [tilespmem:s19+$0x8F50]  }
0x304: {  	v33 =	vld [tilespmem:s19+$0x8F60]  }
0x305: {  	v34 =	vld [tilespmem:s19+$0x8F70]  }
0x306: {  	v35 =	vld [tilespmem:s19+$0x9300]  }
0x307: {  	v10 =	vld [tilespmem:s19+$0x9310]  }
0x308: {  	v9 =	vld [tilespmem:s19+$0x9320]  }
0x309: {  	v8 =	vld [tilespmem:s19+$0x9330]  }
0x30a: {  	v7 =	vld [tilespmem:s19+$0x9340]  }
0x30b: {  	v6 =	vld [tilespmem:s19+$0x9350]  }
0x30c: {  	v5 =	vld [tilespmem:s19+$0x9360]  }
0x30d: {  	v4 =	vld [tilespmem:s19+$0x9370]  }
0x30e: {  	v36 =	vld [tilespmem:s19+$0x10700]  }
0x30f: {  	v37 =	vld [tilespmem:s19+$0x10710]  }
0x310: {  	v38 =	vld [tilespmem:s19+$0x10720]  }
0x311: {  	v39 =	vld [tilespmem:s19+$0x10730]  }
0x312: {  	v40 =	vld [tilespmem:s19+$0x10740]  }
0x313: {  	v62 =	vld [tilespmem:s19+$0x10750];
	v11 =	vadd.bf16 v11, v36  }
0x314: {  	v63 =	vld [tilespmem:s19+$0x10760];
	v12 =	vadd.bf16 v12, v37  }
0x315: {  	[tilespmem:s19+$0x10700] =	vst v11;
	v11 =	vadd.bf16 v13, v38;
	v13 =	vld [tilespmem:s19+$0x10770]  }
0x316: {  	[tilespmem:s19+$0x10710] =	vst v12;
	v12 =	vadd.bf16 v14, v39;
	v14 =	vld [tilespmem:s19+$0x10B00]  }
0x317: {  	[tilespmem:s19+$0x10720] =	vst v11;
	v11 =	vadd.bf16 v15, v40;
	v15 =	vld [tilespmem:s19+$0x10B10]  }
0x318: {  	[tilespmem:s19+$0x10730] =	vst v12;
	v12 =	vadd.bf16 v16, v62;
	v16 =	vld [tilespmem:s19+$0x10B20]  }
0x319: {  	[tilespmem:s19+$0x10740] =	vst v11;
	v11 =	vadd.bf16 v17, v63;
	v17 =	vld [tilespmem:s19+$0x10B30]  }
0x31a: {  	[tilespmem:s19+$0x10750] =	vst v12;
	v12 =	vadd.bf16 v18, v13;
	v13 =	vld [tilespmem:s19+$0x10B40]  }
0x31b: {  	[tilespmem:s19+$0x10760] =	vst v11;
	v11 =	vadd.bf16 v19, v14;
	v14 =	vld [tilespmem:s19+$0x10B50]  }
0x31c: {  	[tilespmem:s19+$0x10770] =	vst v12;
	v12 =	vadd.bf16 v20, v15;
	v15 =	vld [tilespmem:s19+$0x10B60]  }
0x31d: {  	[tilespmem:s19+$0x10B00] =	vst v11;
	v11 =	vadd.bf16 v21, v16;
	v16 =	vld [tilespmem:s19+$0x10B70]  }
0x31e: {  	[tilespmem:s19+$0x10B10] =	vst v12;
	v12 =	vadd.bf16 v22, v17;
	v17 =	vld [tilespmem:s19+$0x10F00]  }
0x31f: {  	[tilespmem:s19+$0x10B20] =	vst v11;
	v11 =	vadd.bf16 v23, v13;
	v13 =	vld [tilespmem:s19+$0x10F10]  }
0x320: {  	[tilespmem:s19+$0x10B30] =	vst v12;
	v12 =	vadd.bf16 v24, v14;
	v14 =	vld [tilespmem:s19+$0x10F20]  }
0x321: {  	[tilespmem:s19+$0x10B40] =	vst v11;
	v11 =	vadd.bf16 v25, v15;
	v15 =	vld [tilespmem:s19+$0x10F30]  }
0x322: {  	[tilespmem:s19+$0x10B50] =	vst v12;
	v12 =	vadd.bf16 v26, v16;
	v16 =	vld [tilespmem:s19+$0x10F40]  }
0x323: {  	[tilespmem:s19+$0x10B60] =	vst v11;
	v11 =	vadd.bf16 v27, v17;
	v17 =	vld [tilespmem:s19+$0x10F50]  }
0x324: {  	v18 =	vld [tilespmem:s19+$0x10F60];
	[tilespmem:s19+$0x10B70] =	vst v12;
	v12 =	vadd.bf16 v28, v13  }
0x325: {  	v19 =	vld [tilespmem:s19+$0x10F70];
	[tilespmem:s19+$0x10F00] =	vst v11;
	v11 =	vadd.bf16 v29, v14  }
0x326: {  	[tilespmem:s19+$0x10F10] =	vst v12;
	v12 =	vadd.bf16 v30, v15;
	v15 =	vld [tilespmem:s19+$0x11300]  }
0x327: {  	v14 =	vld [tilespmem:s19+$0x11310];
	[tilespmem:s19+$0x10F20] =	vst v11;
	v11 =	vadd.bf16 v31, v16  }
0x328: {  	v13 =	vld [tilespmem:s19+$0x11320];
	[tilespmem:s19+$0x10F30] =	vst v12;
	v12 =	vadd.bf16 v32, v17  }
0x329: {  	v16 =	vadd.bf16 v33, v18;
	[tilespmem:s19+$0x10F40] =	vst v11;
	v11 =	vld [tilespmem:s19+$0x11330]  }
0x32a: {  	v17 =	vadd.bf16 v34, v19;
	[tilespmem:s19+$0x10F50] =	vst v12;
	v12 =	vld [tilespmem:s19+$0x11340]  }
0x32b: {  	s20 =	simm.s32 $0x200;
	s15 =	simm.s32 $0x80;
	[tilespmem:s19+$0x10F60] =	vst v16;
	v16 =	vadd.bf16 v35, v15;
	v15 =	vld [tilespmem:s19+$0x11350]  }
.LBB2_14:
0x32c: {  	s21 =	sand.u32 $0x3000, s20;
	s22 =	sand.u32 $0x380, s15;
	p0 =	sne.s32 s20, $0x3E00;
	[tilespmem:s19+$0x10F70] =	vst v17;
	v10 =	vadd.bf16 v10, v14;
	v14 =	vld [tilespmem:s19+$0x11360]  }
0x32d: {  	s21 =	sor.u32 s22, s21;
	[tilespmem:s19+$0x11300] =	vst v16;
	v9 =	vadd.bf16 v9, v13;
	v13 =	vld [tilespmem:s19+$0x11370]  }
0x32e: {  	v16 =	vld [tilespmem:s21+$0x8700];
	[tilespmem:s19+$0x11310] =	vst v10;
	v8 =	vadd.bf16 v8, v11  }
0x32f: {  	v11 =	vld [tilespmem:s21+$0x8710];
	[tilespmem:s19+$0x11320] =	vst v9;
	v7 =	vadd.bf16 v7, v12  }
0x330: {  	v12 =	vld [tilespmem:s21+$0x8720];
	[tilespmem:s19+$0x11330] =	vst v8;
	v6 =	vadd.bf16 v6, v15  }
0x331: {  	v15 =	vld [tilespmem:s21+$0x8730];
	[tilespmem:s19+$0x11340] =	vst v7;
	v5 =	vadd.bf16 v5, v14  }
0x332: {  	v14 =	vld [tilespmem:s21+$0x8740];
	[tilespmem:s19+$0x11350] =	vst v6;
	v4 =	vadd.bf16 v4, v13  }
0x333: {  	v13 =	vld [tilespmem:s21+$0x8750];
	[tilespmem:s19+$0x11360] =	vst v5  }
0x334: {  	v17 =	vld [tilespmem:s21+$0x8760];
	[tilespmem:s19+$0x11370] =	vst v4;
	s19 =	smov.u32 s21  }
0x335: {  	v18 =	vld [tilespmem:s19+$0x8770]  }
0x336: {  	v19 =	vld [tilespmem:s19+$0x8B00]  }
0x337: {  	v20 =	vld [tilespmem:s19+$0x8B10]  }
0x338: {  	v21 =	vld [tilespmem:s19+$0x8B20]  }
0x339: {  	v22 =	vld [tilespmem:s19+$0x8B30]  }
0x33a: {  	v23 =	vld [tilespmem:s19+$0x8B40]  }
0x33b: {  	v24 =	vld [tilespmem:s19+$0x8B50]  }
0x33c: {  	v25 =	vld [tilespmem:s19+$0x8B60]  }
0x33d: {  	v26 =	vld [tilespmem:s19+$0x8B70]  }
0x33e: {  	v27 =	vld [tilespmem:s19+$0x8F00]  }
0x33f: {  	v28 =	vld [tilespmem:s19+$0x8F10]  }
0x340: {  	v29 =	vld [tilespmem:s19+$0x8F20]  }
0x341: {  	v30 =	vld [tilespmem:s19+$0x8F30]  }
0x342: {  	v31 =	vld [tilespmem:s19+$0x8F40]  }
0x343: {  	v32 =	vld [tilespmem:s19+$0x8F50]  }
0x344: {  	v33 =	vld [tilespmem:s19+$0x8F60]  }
0x345: {  	v34 =	vld [tilespmem:s19+$0x8F70]  }
0x346: {  	v35 =	vld [tilespmem:s19+$0x9300]  }
0x347: {  	v10 =	vld [tilespmem:s19+$0x9310]  }
0x348: {  	v9 =	vld [tilespmem:s19+$0x9320]  }
0x349: {  	v8 =	vld [tilespmem:s19+$0x9330]  }
0x34a: {  	v7 =	vld [tilespmem:s19+$0x9340]  }
0x34b: {  	v6 =	vld [tilespmem:s19+$0x9350]  }
0x34c: {  	v5 =	vld [tilespmem:s19+$0x9360]  }
0x34d: {  	v4 =	vld [tilespmem:s19+$0x9370]  }
0x34e: {  	v36 =	vld [tilespmem:s19+$0x10700]  }
0x34f: {  	v37 =	vld [tilespmem:s19+$0x10710]  }
0x350: {  	v38 =	vld [tilespmem:s19+$0x10720]  }
0x351: {  	v39 =	vld [tilespmem:s19+$0x10730]  }
0x352: {  	v40 =	vld [tilespmem:s19+$0x10740]  }
0x353: {  	v16 =	vadd.bf16 v16, v36;
	v36 =	vld [tilespmem:s19+$0x10750]  }
0x354: {  	v11 =	vadd.bf16 v11, v37;
	v37 =	vld [tilespmem:s19+$0x10760]  }
0x355: {  	[tilespmem:s19+$0x10700] =	vst v16;
	v12 =	vadd.bf16 v12, v38;
	v16 =	vld [tilespmem:s19+$0x10770]  }
0x356: {  	[tilespmem:s19+$0x10710] =	vst v11;
	v11 =	vadd.bf16 v15, v39;
	v15 =	vld [tilespmem:s19+$0x10B00]  }
0x357: {  	[tilespmem:s19+$0x10720] =	vst v12;
	v12 =	vadd.bf16 v14, v40;
	v14 =	vld [tilespmem:s19+$0x10B10]  }
0x358: {  	[tilespmem:s19+$0x10730] =	vst v11;
	v11 =	vadd.bf16 v13, v36;
	v13 =	vld [tilespmem:s19+$0x10B20]  }
0x359: {  	[tilespmem:s19+$0x10740] =	vst v12;
	v12 =	vadd.bf16 v17, v37;
	v17 =	vld [tilespmem:s19+$0x10B30]  }
0x35a: {  	[tilespmem:s19+$0x10750] =	vst v11;
	v11 =	vadd.bf16 v18, v16;
	v16 =	vld [tilespmem:s19+$0x10B40]  }
0x35b: {  	[tilespmem:s19+$0x10760] =	vst v12;
	v12 =	vadd.bf16 v19, v15;
	v15 =	vld [tilespmem:s19+$0x10B50]  }
0x35c: {  	[tilespmem:s19+$0x10770] =	vst v11;
	v11 =	vadd.bf16 v20, v14;
	v14 =	vld [tilespmem:s19+$0x10B60]  }
0x35d: {  	[tilespmem:s19+$0x10B00] =	vst v12;
	v12 =	vadd.bf16 v21, v13;
	v13 =	vld [tilespmem:s19+$0x10B70]  }
0x35e: {  	[tilespmem:s19+$0x10B10] =	vst v11;
	v11 =	vadd.bf16 v22, v17;
	v17 =	vld [tilespmem:s19+$0x10F00]  }
0x35f: {  	[tilespmem:s19+$0x10B20] =	vst v12;
	v12 =	vadd.bf16 v23, v16;
	v16 =	vld [tilespmem:s19+$0x10F10]  }
0x360: {  	[tilespmem:s19+$0x10B30] =	vst v11;
	v11 =	vadd.bf16 v24, v15;
	v15 =	vld [tilespmem:s19+$0x10F20]  }
0x361: {  	[tilespmem:s19+$0x10B40] =	vst v12;
	v12 =	vadd.bf16 v25, v14;
	v14 =	vld [tilespmem:s19+$0x10F30]  }
0x362: {  	[tilespmem:s19+$0x10B50] =	vst v11;
	v11 =	vadd.bf16 v26, v13;
	v13 =	vld [tilespmem:s19+$0x10F40]  }
0x363: {  	[tilespmem:s19+$0x10B60] =	vst v12;
	v12 =	vadd.bf16 v27, v17;
	v17 =	vld [tilespmem:s19+$0x10F50]  }
0x364: {  	[tilespmem:s19+$0x10B70] =	vst v11;
	v11 =	vadd.bf16 v28, v16;
	v16 =	vld [tilespmem:s19+$0x10F60]  }
0x365: {  	[tilespmem:s19+$0x10F00] =	vst v12;
	v12 =	vadd.bf16 v29, v15;
	v15 =	vld [tilespmem:s19+$0x10F70]  }
0x366: {  	[tilespmem:s19+$0x10F10] =	vst v11;
	v11 =	vadd.bf16 v30, v14;
	v18 =	vld [tilespmem:s19+$0x11300]  }
.Ltmp8:
0x367: {  	[tilespmem:s19+$0x10F20] =	vst v12;
	v12 =	vadd.bf16 v31, v13;
	v14 =	vld [tilespmem:s19+$0x11310];
	(pc) =	sbr.rel @p0 .LBB2_14-.Ltmp8, $4  }
0x368: {  	[tilespmem:s19+$0x10F30] =	vst v11;
	v17 =	vadd.bf16 v32, v17;
	v13 =	vld [tilespmem:s19+$0x11320]  }
0x369: {  	[tilespmem:s19+$0x10F40] =	vst v12;
	v16 =	vadd.bf16 v33, v16;
	v11 =	vld [tilespmem:s19+$0x11330]  }
0x36a: {  	[tilespmem:s19+$0x10F50] =	vst v17;
	v17 =	vadd.bf16 v34, v15;
	v12 =	vld [tilespmem:s19+$0x11340]  }
0x36b: {  	s15 =	sadd.s32 $0x80, s15;
	s20 =	sadd.s32 $0x200, s20;
	[tilespmem:s19+$0x10F60] =	vst v16;
	v16 =	vadd.bf16 v35, v18;
	v15 =	vld [tilespmem:s19+$0x11350]  }
0x36c: {  	[tilespmem:s19+$0x10F70] =	vst v17;
	v10 =	vadd.bf16 v10, v14;
	v14 =	vld [tilespmem:s19+$0x11360]  }
0x36d: {  	[tilespmem:s19+$0x11300] =	vst v16;
	v9 =	vadd.bf16 v9, v13;
	v13 =	vld [tilespmem:s19+$0x11370]  }
0x36e: {  	[tilespmem:s19+$0x11310] =	vst v10;
	v8 =	vadd.bf16 v8, v11  }
0x36f: {  	[tilespmem:s19+$0x11320] =	vst v9;
	v7 =	vadd.bf16 v7, v12  }
0x370: {  	[tilespmem:s19+$0x11330] =	vst v8;
	v6 =	vadd.bf16 v6, v15  }
0x371: {  	[tilespmem:s19+$0x11340] =	vst v7;
	v5 =	vadd.bf16 v5, v14  }
0x372: {  	[tilespmem:s19+$0x11350] =	vst v6;
	v4 =	vadd.bf16 v4, v13  }
0x373: {  	s15 =	sshll.u32 s14, $0x8;
	p0 =	seq.s32 s14, $0x7;
	[tilespmem:s19+$0x11360] =	vst v5  }
0x374: {  	[tilespmem:s19+$0x11370] =	vst v4;
	s19 =	sshrl.u32 @!p0 s15, $0x2  }
0x375: {  	v4 =	vld @!p0 [tilespmem:s19+$0x380];
	_ =	sdelay $0x4  }
0x376: {  	v5 =	vshll.u32 @!p0 v4, $0x2  }
0x377: {  	v6 =	vlaneseq.u32 @!p0;
	v4 =	vand.u32 @!p0 $0x7, v4;
	v5 =	vand.u32 @!p0 $0xFFFFFFE0, v5  }
0x378: {  	v7 =	vshrl.u32 @!p0 v6, $0x3;
	v4 =	vor.u32 @!p0 v4, v5;
	v5 =	vand.u32 @!p0 $0x7, v6  }
0x379: {  	v7 =	vmul.u32 @!p0 $0x8, v7;
	v8 =	vperm.xlane @!p0 v4, v5;
	_ =	sdelay $0x1  }
0x37a: {  	v8 =	vadd.s32 @!p0 v7, v8  }
0x37b: {  	v6 =	vor.u32 @!p0 $0x8, v6  }
0x37c: {  	v4 =	vperm.xlane @!p0 v4, v6;
	_ =	sdelay $0x1  }
0x37d: {  	vm1 =	vmmov @!p0 $0xffff;
	s20 =	simm.s32 @!p0 $0x0;
	s21 =	simm.s32 @!p0 $0x8700;
	v4 =	vadd.s32 @!p0 v7, v4  }
0x37e: {  	[tilespmem:s21], [sflag:$0x1] =	stream.indirect_vreg.gather @!p0 [hbm4b:s4+s20], $0x80, v8, vm1, $0xb8;
	[tilespmem:$0x14700] =	vst v63  }
0x37f: {  	s21 =	simm.s32 @!p0 $0x8F00  }
0x380: {  	[tilespmem:s21], [sflag:$0x1] =	stream.indirect_vreg.gather @!p0 [hbm4b:s10+s20], $0x80, v8, vm1, $0xb8;
	[tilespmem:$0x14700] =	vst v63  }
0x381: {  	s21 =	simm.s32 @!p0 $0x9700  }
0x382: {  	[tilespmem:s21], [sflag:$0x1] =	stream.indirect_vreg.gather @!p0 [hbm4b:s4+s20], $0x80, v4, vm1, $0xb8;
	[tilespmem:$0x14700] =	vst v63  }
0x383: {  	s21 =	simm.s32 @!p0 $0x9F00  }
0x384: {  	[tilespmem:s21], [sflag:$0x1] =	stream.indirect_vreg.gather @!p0 [hbm4b:s10+s20], $0x80, v4, vm1, $0xb8;
	[tilespmem:$0x14700] =	vst v63  }
0x385: {  	v4 =	vld @!p0 [tilespmem:s19+$0x390];
	_ =	sdelay $0x4  }
0x386: {  	v8 =	vshll.u32 @!p0 v4, $0x2  }
0x387: {  	v4 =	vand.u32 @!p0 $0x7, v4;
	v8 =	vand.u32 @!p0 $0xFFFFFFE0, v8  }
0x388: {  	v4 =	vor.u32 @!p0 v4, v8  }
0x389: {  	v5 =	vperm.xlane @!p0 v4, v5;
	_ =	sdelay $0x1  }
0x38a: {  	v5 =	vadd.s32 @!p0 v7, v5;
	_ =	sdelay $0x1  }
0x38b: {  	v4 =	vperm.xlane @!p0 v4, v6;
	_ =	sdelay $0x1  }
0x38c: {  	s19 =	simm.s32 @!p0 $0xA700;
	v4 =	vadd.s32 @!p0 v7, v4  }
0x38d: {  	[tilespmem:s19], [sflag:$0x1] =	stream.indirect_vreg.gather @!p0 [hbm4b:s4+s20], $0x80, v5, vm1, $0xb8;
	[tilespmem:$0x14700] =	vst v63  }
0x38e: {  	s19 =	simm.s32 @!p0 $0xAF00  }
0x38f: {  	[tilespmem:s19], [sflag:$0x1] =	stream.indirect_vreg.gather @!p0 [hbm4b:s10+s20], $0x80, v5, vm1, $0xb8;
	[tilespmem:$0x14700] =	vst v63  }
0x390: {  	s19 =	simm.s32 @!p0 $0xB700  }
0x391: {  	[tilespmem:s19], [sflag:$0x1] =	stream.indirect_vreg.gather @!p0 [hbm4b:s4+s20], $0x80, v4, vm1, $0xb8;
	[tilespmem:$0x14700] =	vst v63  }
0x392: {  	s19 =	simm.s32 @!p0 $0xBF00  }
0x393: {  	[tilespmem:s19], [sflag:$0x1] =	stream.indirect_vreg.gather @!p0 [hbm4b:s10+s20], $0x80, v4, vm1, $0xb8;
	[tilespmem:$0x14700] =	vst v63  }
0x394: {  	s22 =	simm.s32 $0x0;
	_ =	swait.ge [sflag:s6], $0x4000  }
0x395: {  	s23 =	sand.u32 $0x3000, s22;
	s19 =	sand.u32 $0x380, s22;
	[sflag:s6] =	ssyncset.done $0x0  }
0x396: {  	s19 =	sor.u32 s19, s23;
	[sflag:s6] =	ssyncadd.s32 $0xFFFFC000  }
0x397: {  	v11 =	vld [tilespmem:s19+$0xC700]  }
0x398: {  	v12 =	vld [tilespmem:s19+$0xC710]  }
0x399: {  	v13 =	vld [tilespmem:s19+$0xC720]  }
0x39a: {  	v14 =	vld [tilespmem:s19+$0xC730]  }
0x39b: {  	v15 =	vld [tilespmem:s19+$0xC740]  }
0x39c: {  	v16 =	vld [tilespmem:s19+$0xC750]  }
0x39d: {  	v17 =	vld [tilespmem:s19+$0xC760]  }
0x39e: {  	v18 =	vld [tilespmem:s19+$0xC770]  }
0x39f: {  	v19 =	vld [tilespmem:s19+$0xCB00]  }
0x3a0: {  	v20 =	vld [tilespmem:s19+$0xCB10]  }
0x3a1: {  	v21 =	vld [tilespmem:s19+$0xCB20]  }
0x3a2: {  	v22 =	vld [tilespmem:s19+$0xCB30]  }
0x3a3: {  	v23 =	vld [tilespmem:s19+$0xCB40]  }
0x3a4: {  	v24 =	vld [tilespmem:s19+$0xCB50]  }
0x3a5: {  	v25 =	vld [tilespmem:s19+$0xCB60]  }
0x3a6: {  	v26 =	vld [tilespmem:s19+$0xCB70]  }
0x3a7: {  	v27 =	vld [tilespmem:s19+$0xCF00]  }
0x3a8: {  	v28 =	vld [tilespmem:s19+$0xCF10]  }
0x3a9: {  	v29 =	vld [tilespmem:s19+$0xCF20]  }
0x3aa: {  	v30 =	vld [tilespmem:s19+$0xCF30]  }
0x3ab: {  	v31 =	vld [tilespmem:s19+$0xCF40]  }
0x3ac: {  	v32 =	vld [tilespmem:s19+$0xCF50]  }
0x3ad: {  	v33 =	vld [tilespmem:s19+$0xCF60]  }
0x3ae: {  	v34 =	vld [tilespmem:s19+$0xCF70]  }
0x3af: {  	v35 =	vld [tilespmem:s19+$0xD300]  }
0x3b0: {  	v10 =	vld [tilespmem:s19+$0xD310]  }
0x3b1: {  	v9 =	vld [tilespmem:s19+$0xD320]  }
0x3b2: {  	v8 =	vld [tilespmem:s19+$0xD330]  }
0x3b3: {  	v7 =	vld [tilespmem:s19+$0xD340]  }
0x3b4: {  	v6 =	vld [tilespmem:s19+$0xD350]  }
0x3b5: {  	v5 =	vld [tilespmem:s19+$0xD360]  }
0x3b6: {  	v4 =	vld [tilespmem:s19+$0xD370]  }
0x3b7: {  	v36 =	vld [tilespmem:s19+$0x10700]  }
0x3b8: {  	v37 =	vld [tilespmem:s19+$0x10710]  }
0x3b9: {  	v38 =	vld [tilespmem:s19+$0x10720]  }
0x3ba: {  	v39 =	vld [tilespmem:s19+$0x10730]  }
0x3bb: {  	v40 =	vld [tilespmem:s19+$0x10740]  }
0x3bc: {  	v62 =	vld [tilespmem:s19+$0x10750];
	v11 =	vadd.bf16 v11, v36  }
0x3bd: {  	v63 =	vld [tilespmem:s19+$0x10760];
	v12 =	vadd.bf16 v12, v37  }
0x3be: {  	[tilespmem:s19+$0x10700] =	vst v11;
	v11 =	vadd.bf16 v13, v38;
	v13 =	vld [tilespmem:s19+$0x10770]  }
0x3bf: {  	[tilespmem:s19+$0x10710] =	vst v12;
	v12 =	vadd.bf16 v14, v39;
	v14 =	vld [tilespmem:s19+$0x10B00]  }
0x3c0: {  	[tilespmem:s19+$0x10720] =	vst v11;
	v11 =	vadd.bf16 v15, v40;
	v15 =	vld [tilespmem:s19+$0x10B10]  }
0x3c1: {  	[tilespmem:s19+$0x10730] =	vst v12;
	v12 =	vadd.bf16 v16, v62;
	v16 =	vld [tilespmem:s19+$0x10B20]  }
0x3c2: {  	[tilespmem:s19+$0x10740] =	vst v11;
	v11 =	vadd.bf16 v17, v63;
	v17 =	vld [tilespmem:s19+$0x10B30]  }
0x3c3: {  	[tilespmem:s19+$0x10750] =	vst v12;
	v12 =	vadd.bf16 v18, v13;
	v13 =	vld [tilespmem:s19+$0x10B40]  }
0x3c4: {  	[tilespmem:s19+$0x10760] =	vst v11;
	v11 =	vadd.bf16 v19, v14;
	v14 =	vld [tilespmem:s19+$0x10B50]  }
0x3c5: {  	[tilespmem:s19+$0x10770] =	vst v12;
	v12 =	vadd.bf16 v20, v15;
	v15 =	vld [tilespmem:s19+$0x10B60]  }
0x3c6: {  	[tilespmem:s19+$0x10B00] =	vst v11;
	v11 =	vadd.bf16 v21, v16;
	v16 =	vld [tilespmem:s19+$0x10B70]  }
0x3c7: {  	[tilespmem:s19+$0x10B10] =	vst v12;
	v12 =	vadd.bf16 v22, v17;
	v17 =	vld [tilespmem:s19+$0x10F00]  }
0x3c8: {  	[tilespmem:s19+$0x10B20] =	vst v11;
	v11 =	vadd.bf16 v23, v13;
	v13 =	vld [tilespmem:s19+$0x10F10]  }
0x3c9: {  	[tilespmem:s19+$0x10B30] =	vst v12;
	v12 =	vadd.bf16 v24, v14;
	v14 =	vld [tilespmem:s19+$0x10F20]  }
0x3ca: {  	[tilespmem:s19+$0x10B40] =	vst v11;
	v11 =	vadd.bf16 v25, v15;
	v15 =	vld [tilespmem:s19+$0x10F30]  }
0x3cb: {  	[tilespmem:s19+$0x10B50] =	vst v12;
	v12 =	vadd.bf16 v26, v16;
	v16 =	vld [tilespmem:s19+$0x10F40]  }
0x3cc: {  	[tilespmem:s19+$0x10B60] =	vst v11;
	v11 =	vadd.bf16 v27, v17;
	v17 =	vld [tilespmem:s19+$0x10F50]  }
0x3cd: {  	v18 =	vld [tilespmem:s19+$0x10F60];
	[tilespmem:s19+$0x10B70] =	vst v12;
	v12 =	vadd.bf16 v28, v13  }
0x3ce: {  	v19 =	vld [tilespmem:s19+$0x10F70];
	[tilespmem:s19+$0x10F00] =	vst v11;
	v11 =	vadd.bf16 v29, v14  }
0x3cf: {  	[tilespmem:s19+$0x10F10] =	vst v12;
	v12 =	vadd.bf16 v30, v15;
	v15 =	vld [tilespmem:s19+$0x11300]  }
0x3d0: {  	v14 =	vld [tilespmem:s19+$0x11310];
	[tilespmem:s19+$0x10F20] =	vst v11;
	v11 =	vadd.bf16 v31, v16  }
0x3d1: {  	v13 =	vld [tilespmem:s19+$0x11320];
	[tilespmem:s19+$0x10F30] =	vst v12;
	v12 =	vadd.bf16 v32, v17  }
0x3d2: {  	v16 =	vadd.bf16 v33, v18;
	[tilespmem:s19+$0x10F40] =	vst v11;
	v11 =	vld [tilespmem:s19+$0x11330]  }
0x3d3: {  	v17 =	vadd.bf16 v34, v19;
	[tilespmem:s19+$0x10F50] =	vst v12;
	v12 =	vld [tilespmem:s19+$0x11340]  }
0x3d4: {  	s21 =	simm.s32 $0x200;
	s20 =	simm.s32 $0x80;
	[tilespmem:s19+$0x10F60] =	vst v16;
	v16 =	vadd.bf16 v35, v15;
	v15 =	vld [tilespmem:s19+$0x11350]  }
.LBB2_16:
0x3d5: {  	s22 =	sand.u32 $0x3000, s21;
	s23 =	sand.u32 $0x380, s20;
	p1 =	sne.s32 s21, $0x3E00;
	[tilespmem:s19+$0x10F70] =	vst v17;
	v10 =	vadd.bf16 v10, v14;
	v14 =	vld [tilespmem:s19+$0x11360]  }
0x3d6: {  	s22 =	sor.u32 s23, s22;
	[tilespmem:s19+$0x11300] =	vst v16;
	v9 =	vadd.bf16 v9, v13;
	v13 =	vld [tilespmem:s19+$0x11370]  }
0x3d7: {  	v16 =	vld [tilespmem:s22+$0xC700];
	[tilespmem:s19+$0x11310] =	vst v10;
	v8 =	vadd.bf16 v8, v11  }
0x3d8: {  	v11 =	vld [tilespmem:s22+$0xC710];
	[tilespmem:s19+$0x11320] =	vst v9;
	v7 =	vadd.bf16 v7, v12  }
0x3d9: {  	v12 =	vld [tilespmem:s22+$0xC720];
	[tilespmem:s19+$0x11330] =	vst v8;
	v6 =	vadd.bf16 v6, v15  }
0x3da: {  	v15 =	vld [tilespmem:s22+$0xC730];
	[tilespmem:s19+$0x11340] =	vst v7;
	v5 =	vadd.bf16 v5, v14  }
0x3db: {  	v14 =	vld [tilespmem:s22+$0xC740];
	[tilespmem:s19+$0x11350] =	vst v6;
	v4 =	vadd.bf16 v4, v13  }
0x3dc: {  	v13 =	vld [tilespmem:s22+$0xC750];
	[tilespmem:s19+$0x11360] =	vst v5  }
0x3dd: {  	v17 =	vld [tilespmem:s22+$0xC760];
	[tilespmem:s19+$0x11370] =	vst v4;
	s19 =	smov.u32 s22  }
0x3de: {  	v18 =	vld [tilespmem:s19+$0xC770]  }
0x3df: {  	v19 =	vld [tilespmem:s19+$0xCB00]  }
0x3e0: {  	v20 =	vld [tilespmem:s19+$0xCB10]  }
0x3e1: {  	v21 =	vld [tilespmem:s19+$0xCB20]  }
0x3e2: {  	v22 =	vld [tilespmem:s19+$0xCB30]  }
0x3e3: {  	v23 =	vld [tilespmem:s19+$0xCB40]  }
0x3e4: {  	v24 =	vld [tilespmem:s19+$0xCB50]  }
0x3e5: {  	v25 =	vld [tilespmem:s19+$0xCB60]  }
0x3e6: {  	v26 =	vld [tilespmem:s19+$0xCB70]  }
0x3e7: {  	v27 =	vld [tilespmem:s19+$0xCF00]  }
0x3e8: {  	v28 =	vld [tilespmem:s19+$0xCF10]  }
0x3e9: {  	v29 =	vld [tilespmem:s19+$0xCF20]  }
0x3ea: {  	v30 =	vld [tilespmem:s19+$0xCF30]  }
0x3eb: {  	v31 =	vld [tilespmem:s19+$0xCF40]  }
0x3ec: {  	v32 =	vld [tilespmem:s19+$0xCF50]  }
0x3ed: {  	v33 =	vld [tilespmem:s19+$0xCF60]  }
0x3ee: {  	v34 =	vld [tilespmem:s19+$0xCF70]  }
0x3ef: {  	v35 =	vld [tilespmem:s19+$0xD300]  }
0x3f0: {  	v10 =	vld [tilespmem:s19+$0xD310]  }
0x3f1: {  	v9 =	vld [tilespmem:s19+$0xD320]  }
0x3f2: {  	v8 =	vld [tilespmem:s19+$0xD330]  }
0x3f3: {  	v7 =	vld [tilespmem:s19+$0xD340]  }
0x3f4: {  	v6 =	vld [tilespmem:s19+$0xD350]  }
0x3f5: {  	v5 =	vld [tilespmem:s19+$0xD360]  }
0x3f6: {  	v4 =	vld [tilespmem:s19+$0xD370]  }
0x3f7: {  	v36 =	vld [tilespmem:s19+$0x10700]  }
0x3f8: {  	v37 =	vld [tilespmem:s19+$0x10710]  }
0x3f9: {  	v38 =	vld [tilespmem:s19+$0x10720]  }
0x3fa: {  	v39 =	vld [tilespmem:s19+$0x10730]  }
0x3fb: {  	v40 =	vld [tilespmem:s19+$0x10740]  }
0x3fc: {  	v16 =	vadd.bf16 v16, v36;
	v36 =	vld [tilespmem:s19+$0x10750]  }
0x3fd: {  	v11 =	vadd.bf16 v11, v37;
	v37 =	vld [tilespmem:s19+$0x10760]  }
0x3fe: {  	[tilespmem:s19+$0x10700] =	vst v16;
	v12 =	vadd.bf16 v12, v38;
	v16 =	vld [tilespmem:s19+$0x10770]  }
0x3ff: {  	[tilespmem:s19+$0x10710] =	vst v11;
	v11 =	vadd.bf16 v15, v39;
	v15 =	vld [tilespmem:s19+$0x10B00]  }
0x400: {  	[tilespmem:s19+$0x10720] =	vst v12;
	v12 =	vadd.bf16 v14, v40;
	v14 =	vld [tilespmem:s19+$0x10B10]  }
0x401: {  	[tilespmem:s19+$0x10730] =	vst v11;
	v11 =	vadd.bf16 v13, v36;
	v13 =	vld [tilespmem:s19+$0x10B20]  }
0x402: {  	[tilespmem:s19+$0x10740] =	vst v12;
	v12 =	vadd.bf16 v17, v37;
	v17 =	vld [tilespmem:s19+$0x10B30]  }
0x403: {  	[tilespmem:s19+$0x10750] =	vst v11;
	v11 =	vadd.bf16 v18, v16;
	v16 =	vld [tilespmem:s19+$0x10B40]  }
0x404: {  	[tilespmem:s19+$0x10760] =	vst v12;
	v12 =	vadd.bf16 v19, v15;
	v15 =	vld [tilespmem:s19+$0x10B50]  }
0x405: {  	[tilespmem:s19+$0x10770] =	vst v11;
	v11 =	vadd.bf16 v20, v14;
	v14 =	vld [tilespmem:s19+$0x10B60]  }
0x406: {  	[tilespmem:s19+$0x10B00] =	vst v12;
	v12 =	vadd.bf16 v21, v13;
	v13 =	vld [tilespmem:s19+$0x10B70]  }
0x407: {  	[tilespmem:s19+$0x10B10] =	vst v11;
	v11 =	vadd.bf16 v22, v17;
	v17 =	vld [tilespmem:s19+$0x10F00]  }
0x408: {  	[tilespmem:s19+$0x10B20] =	vst v12;
	v12 =	vadd.bf16 v23, v16;
	v16 =	vld [tilespmem:s19+$0x10F10]  }
0x409: {  	[tilespmem:s19+$0x10B30] =	vst v11;
	v11 =	vadd.bf16 v24, v15;
	v15 =	vld [tilespmem:s19+$0x10F20]  }
0x40a: {  	[tilespmem:s19+$0x10B40] =	vst v12;
	v12 =	vadd.bf16 v25, v14;
	v14 =	vld [tilespmem:s19+$0x10F30]  }
0x40b: {  	[tilespmem:s19+$0x10B50] =	vst v11;
	v11 =	vadd.bf16 v26, v13;
	v13 =	vld [tilespmem:s19+$0x10F40]  }
0x40c: {  	[tilespmem:s19+$0x10B60] =	vst v12;
	v12 =	vadd.bf16 v27, v17;
	v17 =	vld [tilespmem:s19+$0x10F50]  }
0x40d: {  	[tilespmem:s19+$0x10B70] =	vst v11;
	v11 =	vadd.bf16 v28, v16;
	v16 =	vld [tilespmem:s19+$0x10F60]  }
0x40e: {  	[tilespmem:s19+$0x10F00] =	vst v12;
	v12 =	vadd.bf16 v29, v15;
	v15 =	vld [tilespmem:s19+$0x10F70]  }
0x40f: {  	[tilespmem:s19+$0x10F10] =	vst v11;
	v11 =	vadd.bf16 v30, v14;
	v18 =	vld [tilespmem:s19+$0x11300]  }
.Ltmp9:
0x410: {  	[tilespmem:s19+$0x10F20] =	vst v12;
	v12 =	vadd.bf16 v31, v13;
	v14 =	vld [tilespmem:s19+$0x11310];
	(pc) =	sbr.rel @p1 .LBB2_16-.Ltmp9, $4  }
0x411: {  	[tilespmem:s19+$0x10F30] =	vst v11;
	v17 =	vadd.bf16 v32, v17;
	v13 =	vld [tilespmem:s19+$0x11320]  }
0x412: {  	[tilespmem:s19+$0x10F40] =	vst v12;
	v16 =	vadd.bf16 v33, v16;
	v11 =	vld [tilespmem:s19+$0x11330]  }
0x413: {  	[tilespmem:s19+$0x10F50] =	vst v17;
	v17 =	vadd.bf16 v34, v15;
	v12 =	vld [tilespmem:s19+$0x11340]  }
0x414: {  	s20 =	sadd.s32 $0x80, s20;
	s21 =	sadd.s32 $0x200, s21;
	[tilespmem:s19+$0x10F60] =	vst v16;
	v16 =	vadd.bf16 v35, v18;
	v15 =	vld [tilespmem:s19+$0x11350]  }
0x415: {  	[tilespmem:s19+$0x10F70] =	vst v17;
	v10 =	vadd.bf16 v10, v14;
	v62 =	vld [tilespmem:s19+$0x11360]  }
0x416: {  	v63 =	vld [tilespmem:s19+$0x11370];
	[tilespmem:s19+$0x11300] =	vst v16;
	v9 =	vadd.bf16 v9, v13  }
0x417: {  	[tilespmem:s19+$0x11310] =	vst v10;
	v8 =	vadd.bf16 v8, v11  }
0x418: {  	[tilespmem:s19+$0x11320] =	vst v9;
	v7 =	vadd.bf16 v7, v12  }
.Ltmp10:
0x419: {  	[tilespmem:s19+$0x11330] =	vst v8;
	v6 =	vadd.bf16 v6, v15;
	(pc) =	sbr.rel @p0 .LBB2_19-.Ltmp10, $4  }
0x41a: {  	[tilespmem:s19+$0x11340] =	vst v7;
	v5 =	vadd.bf16 v5, v62  }
0x41b: {  	v4 =	vadd.bf16 v4, v63;
	[tilespmem:s19+$0x11350] =	vst v6  }
0x41c: {  	[tilespmem:s19+$0x11360] =	vst v5  }
0x41d: {  	[tilespmem:s19+$0x11370] =	vst v4  }
0x41e: {  	s15 =	sshrl.u32 s15, $0x2  }
0x41f: {  	v4 =	vld [tilespmem:s15+$0x3A0];
	_ =	sdelay $0x4  }
0x420: {  	v5 =	vshll.u32 v4, $0x2  }
0x421: {  	v4 =	vand.u32 $0x7, v4;
	v5 =	vand.u32 $0xFFFFFFE0, v5  }
0x422: {  	v4 =	vor.u32 v4, v5  }
0x423: {  	v5 =	vperm.xlane v4, v0;
	_ =	sdelay $0x1  }
0x424: {  	v5 =	vadd.s32 v1, v5;
	_ =	sdelay $0x1  }
0x425: {  	v4 =	vperm.xlane v4, v2;
	_ =	sdelay $0x1  }
0x426: {  	v4 =	vadd.s32 v1, v4  }
0x427: {  	[tilespmem:s28], [sflag:$0x2] =	stream.indirect_vreg.gather [hbm4b:s4+s3], $0x80, v5, vm0, $0xb8;
	[tilespmem:$0x14700] =	vst v63  }
0x428: {  	_ = 	snop  }
0x429: {  	[tilespmem:s29], [sflag:$0x2] =	stream.indirect_vreg.gather [hbm4b:s10+s3], $0x80, v5, vm0, $0xb8;
	[tilespmem:$0x14700] =	vst v63  }
0x42a: {  	_ = 	snop  }
0x42b: {  	[tilespmem:s30], [sflag:$0x2] =	stream.indirect_vreg.gather [hbm4b:s4+s3], $0x80, v4, vm0, $0xb8;
	[tilespmem:$0x14700] =	vst v63  }
0x42c: {  	_ = 	snop  }
0x42d: {  	[tilespmem:s31], [sflag:$0x2] =	stream.indirect_vreg.gather [hbm4b:s10+s3], $0x80, v4, vm0, $0xb8;
	[tilespmem:$0x14700] =	vst v63  }
0x42e: {  	v4 =	vld [tilespmem:s15+$0x3B0];
	_ =	sdelay $0x4  }
0x42f: {  	v5 =	vshll.u32 v4, $0x2  }
0x430: {  	v4 =	vand.u32 $0x7, v4;
	v5 =	vand.u32 $0xFFFFFFE0, v5  }
0x431: {  	v4 =	vor.u32 v4, v5  }
0x432: {  	v5 =	vperm.xlane v4, v0;
	_ =	sdelay $0x1  }
0x433: {  	v5 =	vadd.s32 v1, v5;
	_ =	sdelay $0x2  }
0x434: {  	v4 =	vperm.xlane v4, v2;
	_ =	sdelay $0x1  }
0x435: {  	v4 =	vadd.s32 v1, v4;
	[tilespmem:s0], [sflag:$0x2] =	stream.indirect_vreg.gather [hbm4b:s4+s3], $0x80, v5, vm0, $0xb8;
	[tilespmem:$0x14700] =	vst v63  }
0x436: {  	_ = 	snop  }
0x437: {  	[tilespmem:s2], [sflag:$0x2] =	stream.indirect_vreg.gather [hbm4b:s10+s3], $0x80, v5, vm0, $0xb8;
	[tilespmem:$0x14700] =	vst v63  }
.Ltmp11:
0x438: {  	_ = 	snop;
	(pc) =	sbr.rel .LBB2_13-.Ltmp11, $4  }
0x439: {  	_ = 	snop  }
0x43a: {  	[tilespmem:s17], [sflag:$0x2] =	stream.indirect_vreg.gather [hbm4b:s4+s3], $0x80, v4, vm0, $0xb8;
	[tilespmem:$0x14700] =	vst v63  }
0x43b: {  	s14 =	sadd.s32 $0x1, s14  }
0x43c: {  	[tilespmem:s18], [sflag:$0x2] =	stream.indirect_vreg.gather [hbm4b:s10+s3], $0x80, v4, vm0, $0xb8;
	[tilespmem:$0x14700] =	vst v63  }
.LBB2_19:
0x43d: {  	s13 =	simm.s32 $0x0;
	s14 =	rddreg [dreg:$0x9]  }
0x43e: {  	[hbm4b:s14+s13] =	stream.linear.scatter [tilespmem:s8], [sflag:$0x3], $0x4000, $0x38;
	[tilespmem:$0x14700] =	vst v63  }
0x43f: {  	_ =	swait.ge [sflag:s16], $0x4000  }
0x440: {  	s23 =	sand.u32 $0x3000, s13;
	s13 =	sand.u32 $0x380, s13;
	[sflag:s16] =	ssyncset.done $0x0  }
0x441: {  	s14 =	sor.u32 s13, s23;
	[sflag:s16] =	ssyncadd.s32 $0xFFFFC000  }
0x442: {  	s13 =	sadd.s32 $0x10700, s14;
	[tilespmem:s14+$0x10700] =	vst v3  }
0x443: {  	[tilespmem:s13+$0x40] =	vst v3  }
0x444: {  	[tilespmem:s13+$0x50] =	vst v3  }
0x445: {  	[tilespmem:s13+$0x60] =	vst v3  }
0x446: {  	[tilespmem:s13+$0x70] =	vst v3  }
0x447: {  	[tilespmem:s13+$0x400] =	vst v3  }
0x448: {  	[tilespmem:s13+$0x410] =	vst v3  }
0x449: {  	[tilespmem:s13+$0x420] =	vst v3  }
0x44a: {  	[tilespmem:s13+$0x430] =	vst v3  }
0x44b: {  	[tilespmem:s13+$0x440] =	vst v3  }
0x44c: {  	[tilespmem:s13+$0x450] =	vst v3  }
0x44d: {  	[tilespmem:s13+$0x460] =	vst v3  }
0x44e: {  	[tilespmem:s13+$0x470] =	vst v3  }
0x44f: {  	[tilespmem:s13+$0x800] =	vst v3  }
0x450: {  	[tilespmem:s13+$0x810] =	vst v3  }
0x451: {  	[tilespmem:s13+$0x820] =	vst v3  }
0x452: {  	[tilespmem:s13+$0x830] =	vst v3  }
0x453: {  	[tilespmem:s13+$0x840] =	vst v3  }
0x454: {  	[tilespmem:s13+$0x850] =	vst v3  }
0x455: {  	[tilespmem:s13+$0x860] =	vst v3  }
0x456: {  	[tilespmem:s13+$0x870] =	vst v3  }
0x457: {  	[tilespmem:s13+$0xC00] =	vst v3  }
0x458: {  	[tilespmem:s13+$0xC10] =	vst v3  }
0x459: {  	[tilespmem:s13+$0xC20] =	vst v3  }
0x45a: {  	[tilespmem:s13+$0xC30] =	vst v3  }
0x45b: {  	[tilespmem:s13+$0xC40] =	vst v3  }
0x45c: {  	[tilespmem:s13+$0xC50] =	vst v3  }
0x45d: {  	[tilespmem:s13+$0xC60] =	vst v3  }
0x45e: {  	[tilespmem:s13+$0x10] =	vst v3  }
0x45f: {  	s15 =	simm.s32 $0x200;
	s14 =	simm.s32 $0x80;
	[tilespmem:s13+$0x20] =	vst v3  }
0x460: {  	s19 =	sand.u32 $0x3000, s15;
	s15 =	simm.s32 $0x400;
	[tilespmem:s13+$0x30] =	vst v3;
	s20 =	sand.u32 $0x380, s14  }
.LBB2_20:
0x461: {  	p0 =	sne.s32 s15, $0x3E00;
	s19 =	sor.u32 s20, s19;
	[tilespmem:s13+$0xC70] =	vst v3  }
0x462: {  	s13 =	sadd.s32 $0x10700, s19;
	[tilespmem:s19+$0x10700] =	vst v3  }
0x463: {  	[tilespmem:s13+$0x10] =	vst v3  }
0x464: {  	[tilespmem:s13+$0x20] =	vst v3  }
0x465: {  	[tilespmem:s13+$0x30] =	vst v3  }
0x466: {  	[tilespmem:s13+$0x40] =	vst v3  }
0x467: {  	[tilespmem:s13+$0x50] =	vst v3  }
0x468: {  	[tilespmem:s13+$0x60] =	vst v3  }
0x469: {  	[tilespmem:s13+$0x70] =	vst v3  }
0x46a: {  	[tilespmem:s13+$0x400] =	vst v3  }
0x46b: {  	[tilespmem:s13+$0x410] =	vst v3  }
0x46c: {  	[tilespmem:s13+$0x420] =	vst v3  }
0x46d: {  	[tilespmem:s13+$0x430] =	vst v3  }
0x46e: {  	[tilespmem:s13+$0x440] =	vst v3  }
0x46f: {  	[tilespmem:s13+$0x450] =	vst v3  }
0x470: {  	[tilespmem:s13+$0x460] =	vst v3  }
0x471: {  	[tilespmem:s13+$0x470] =	vst v3  }
0x472: {  	[tilespmem:s13+$0x800] =	vst v3  }
0x473: {  	[tilespmem:s13+$0x810] =	vst v3  }
0x474: {  	[tilespmem:s13+$0x820] =	vst v3  }
0x475: {  	[tilespmem:s13+$0x830] =	vst v3  }
0x476: {  	[tilespmem:s13+$0x840] =	vst v3  }
0x477: {  	[tilespmem:s13+$0x850] =	vst v3  }
0x478: {  	[tilespmem:s13+$0x860] =	vst v3  }
0x479: {  	[tilespmem:s13+$0x870] =	vst v3  }
0x47a: {  	[tilespmem:s13+$0xC00] =	vst v3  }
0x47b: {  	[tilespmem:s13+$0xC10] =	vst v3  }
.Ltmp12:
0x47c: {  	[tilespmem:s13+$0xC20] =	vst v3;
	(pc) =	sbr.rel @p0 .LBB2_20-.Ltmp12, $4  }
0x47d: {  	[tilespmem:s13+$0xC30] =	vst v3  }
0x47e: {  	[tilespmem:s13+$0xC40] =	vst v3  }
0x47f: {  	s14 =	sadd.s32 $0x80, s14;
	[tilespmem:s13+$0xC50] =	vst v3  }
0x480: {  	s19 =	sand.u32 $0x3000, s15;
	s20 =	sand.u32 $0x380, s14;
	s15 =	sadd.s32 $0x200, s15;
	[tilespmem:s13+$0xC60] =	vst v3  }
0x481: {  	s14 =	sor.u32 s20, s19;
	[tilespmem:s13+$0xC70] =	vst v3  }
0x482: {  	s15 =	sadd.s32 $0x10700, s14;
	[tilespmem:s14+$0x10700] =	vst v3  }
0x483: {  	[tilespmem:s15+$0x10] =	vst v3  }
0x484: {  	[tilespmem:s15+$0x20] =	vst v3  }
0x485: {  	[tilespmem:s15+$0x30] =	vst v3  }
0x486: {  	[tilespmem:s15+$0x40] =	vst v3  }
0x487: {  	[tilespmem:s15+$0x50] =	vst v3  }
0x488: {  	[tilespmem:s15+$0x60] =	vst v3  }
0x489: {  	[tilespmem:s15+$0x70] =	vst v3  }
0x48a: {  	[tilespmem:s15+$0x400] =	vst v3  }
0x48b: {  	[tilespmem:s15+$0x410] =	vst v3  }
0x48c: {  	[tilespmem:s15+$0x420] =	vst v3  }
0x48d: {  	[tilespmem:s15+$0x430] =	vst v3  }
0x48e: {  	[tilespmem:s15+$0x440] =	vst v3  }
0x48f: {  	[tilespmem:s15+$0x450] =	vst v3  }
0x490: {  	[tilespmem:s15+$0x460] =	vst v3  }
0x491: {  	[tilespmem:s15+$0x470] =	vst v3  }
0x492: {  	[tilespmem:s15+$0x800] =	vst v3  }
0x493: {  	[tilespmem:s15+$0x810] =	vst v3  }
0x494: {  	[tilespmem:s15+$0x820] =	vst v3  }
0x495: {  	[tilespmem:s15+$0x830] =	vst v3  }
0x496: {  	[tilespmem:s15+$0x840] =	vst v3  }
0x497: {  	[tilespmem:s15+$0x850] =	vst v3  }
0x498: {  	[tilespmem:s15+$0x860] =	vst v3  }
0x499: {  	[tilespmem:s15+$0x870] =	vst v3  }
0x49a: {  	[tilespmem:s15+$0xC00] =	vst v3  }
0x49b: {  	[tilespmem:s15+$0xC10] =	vst v3  }
0x49c: {  	[tilespmem:s15+$0xC20] =	vst v3  }
0x49d: {  	[tilespmem:s15+$0xC30] =	vst v3  }
0x49e: {  	[tilespmem:s15+$0xC40] =	vst v3  }
0x49f: {  	[tilespmem:s15+$0xC50] =	vst v3  }
0x4a0: {  	[tilespmem:s15+$0xC60] =	vst v3  }
0x4a1: {  	[tilespmem:s15+$0xC70] =	vst v3  }
0x4a2: {  	v4 =	vld [tilespmem:$0x540];
	_ =	sdelay $0x4  }
0x4a3: {  	v5 =	vshll.u32 v4, $0x2  }
0x4a4: {  	v4 =	vand.u32 $0x7, v4;
	v5 =	vand.u32 $0xFFFFFFE0, v5  }
0x4a5: {  	v4 =	vor.u32 v4, v5  }
0x4a6: {  	v5 =	vperm.xlane v4, v0;
	_ =	sdelay $0x1  }
0x4a7: {  	v5 =	vadd.s32 v1, v5;
	_ =	sdelay $0x1  }
0x4a8: {  	v4 =	vperm.xlane v4, v2;
	_ =	sdelay $0x1  }
0x4a9: {  	s13 =	simm.s32 $0x0;
	s19 =	simm.s32 $0x8700;
	v4 =	vadd.s32 v1, v4  }
0x4aa: {  	[tilespmem:s19], [sflag:$0x1] =	stream.indirect_vreg.gather [hbm4b:s4+s13], $0x80, v5, vm0, $0xb8;
	[tilespmem:$0x14700] =	vst v63  }
0x4ab: {  	s20 =	simm.s32 $0x8F00  }
0x4ac: {  	[tilespmem:s20], [sflag:$0x1] =	stream.indirect_vreg.gather [hbm4b:s10+s13], $0x80, v5, vm0, $0xb8;
	[tilespmem:$0x14700] =	vst v63  }
0x4ad: {  	s21 =	simm.s32 $0x9700  }
0x4ae: {  	[tilespmem:s21], [sflag:$0x1] =	stream.indirect_vreg.gather [hbm4b:s4+s13], $0x80, v4, vm0, $0xb8;
	[tilespmem:$0x14700] =	vst v63  }
0x4af: {  	s22 =	simm.s32 $0x9F00  }
0x4b0: {  	[tilespmem:s22], [sflag:$0x1] =	stream.indirect_vreg.gather [hbm4b:s10+s13], $0x80, v4, vm0, $0xb8;
	[tilespmem:$0x14700] =	vst v63  }
0x4b1: {  	v4 =	vld [tilespmem:$0x550];
	_ =	sdelay $0x4  }
0x4b2: {  	v5 =	vshll.u32 v4, $0x2  }
0x4b3: {  	v4 =	vand.u32 $0x7, v4;
	v5 =	vand.u32 $0xFFFFFFE0, v5  }
0x4b4: {  	v4 =	vor.u32 v4, v5  }
0x4b5: {  	v5 =	vperm.xlane v4, v0;
	_ =	sdelay $0x1  }
0x4b6: {  	v5 =	vadd.s32 v1, v5;
	_ =	sdelay $0x1  }
0x4b7: {  	v4 =	vperm.xlane v4, v2;
	_ =	sdelay $0x1  }
0x4b8: {  	s23 =	simm.s32 $0xA700;
	v4 =	vadd.s32 v1, v4  }
0x4b9: {  	[tilespmem:s23], [sflag:$0x1] =	stream.indirect_vreg.gather [hbm4b:s4+s13], $0x80, v5, vm0, $0xb8;
	[tilespmem:$0x14700] =	vst v63  }
0x4ba: {  	_ = 	snop  }
0x4bb: {  	[tilespmem:s24], [sflag:$0x1] =	stream.indirect_vreg.gather [hbm4b:s10+s13], $0x80, v5, vm0, $0xb8;
	[tilespmem:$0x14700] =	vst v63  }
0x4bc: {  	_ = 	snop  }
0x4bd: {  	[tilespmem:s25], [sflag:$0x1] =	stream.indirect_vreg.gather [hbm4b:s4+s13], $0x80, v4, vm0, $0xb8;
	[tilespmem:$0x14700] =	vst v63  }
0x4be: {  	_ = 	snop  }
0x4bf: {  	[tilespmem:s26], [sflag:$0x1] =	stream.indirect_vreg.gather [hbm4b:s10+s13], $0x80, v4, vm0, $0xb8;
	[tilespmem:$0x14700] =	vst v63  }
0x4c0: {  	v4 =	vld [tilespmem:$0x560];
	_ =	sdelay $0x4  }
0x4c1: {  	v5 =	vshll.u32 v4, $0x2  }
0x4c2: {  	v4 =	vand.u32 $0x7, v4;
	v5 =	vand.u32 $0xFFFFFFE0, v5  }
0x4c3: {  	v4 =	vor.u32 v4, v5  }
0x4c4: {  	v5 =	vperm.xlane v4, v0;
	_ =	sdelay $0x1  }
0x4c5: {  	v5 =	vadd.s32 v1, v5;
	_ =	sdelay $0x1  }
0x4c6: {  	v4 =	vperm.xlane v4, v2;
	_ =	sdelay $0x1  }
0x4c7: {  	v4 =	vadd.s32 v1, v4  }
0x4c8: {  	[tilespmem:s28], [sflag:$0x2] =	stream.indirect_vreg.gather [hbm4b:s4+s13], $0x80, v5, vm0, $0xb8;
	[tilespmem:$0x14700] =	vst v63  }
0x4c9: {  	_ = 	snop  }
0x4ca: {  	[tilespmem:s29], [sflag:$0x2] =	stream.indirect_vreg.gather [hbm4b:s10+s13], $0x80, v5, vm0, $0xb8;
	[tilespmem:$0x14700] =	vst v63  }
0x4cb: {  	_ = 	snop  }
0x4cc: {  	[tilespmem:s30], [sflag:$0x2] =	stream.indirect_vreg.gather [hbm4b:s4+s13], $0x80, v4, vm0, $0xb8;
	[tilespmem:$0x14700] =	vst v63  }
0x4cd: {  	_ = 	snop  }
0x4ce: {  	[tilespmem:s31], [sflag:$0x2] =	stream.indirect_vreg.gather [hbm4b:s10+s13], $0x80, v4, vm0, $0xb8;
	[tilespmem:$0x14700] =	vst v63  }
0x4cf: {  	v4 =	vld [tilespmem:$0x570];
	_ =	sdelay $0x4  }
0x4d0: {  	v5 =	vshll.u32 v4, $0x2  }
0x4d1: {  	v4 =	vand.u32 $0x7, v4;
	v5 =	vand.u32 $0xFFFFFFE0, v5  }
0x4d2: {  	v4 =	vor.u32 v4, v5  }
0x4d3: {  	v5 =	vperm.xlane v4, v0;
	_ =	sdelay $0x1  }
0x4d4: {  	v5 =	vadd.s32 v1, v5;
	_ =	sdelay $0x1  }
0x4d5: {  	v4 =	vperm.xlane v4, v2;
	_ =	sdelay $0x1  }
0x4d6: {  	v4 =	vadd.s32 v1, v4  }
0x4d7: {  	[tilespmem:s0], [sflag:$0x2] =	stream.indirect_vreg.gather [hbm4b:s4+s13], $0x80, v5, vm0, $0xb8;
	[tilespmem:$0x14700] =	vst v63  }
0x4d8: {  	_ = 	snop  }
0x4d9: {  	[tilespmem:s2], [sflag:$0x2] =	stream.indirect_vreg.gather [hbm4b:s10+s13], $0x80, v5, vm0, $0xb8;
	[tilespmem:$0x14700] =	vst v63  }
0x4da: {  	_ = 	snop  }
0x4db: {  	[tilespmem:s17], [sflag:$0x2] =	stream.indirect_vreg.gather [hbm4b:s4+s13], $0x80, v4, vm0, $0xb8;
	[tilespmem:$0x14700] =	vst v63  }
0x4dc: {  	s14 =	simm.s32 $0x0  }
0x4dd: {  	[tilespmem:s18], [sflag:$0x2] =	stream.indirect_vreg.gather [hbm4b:s10+s13], $0x80, v4, vm0, $0xb8;
	[tilespmem:$0x14700] =	vst v63  }
.LBB2_22:
0x4de: {  	_ =	swait.ge [sflag:s5], $0x4000  }
0x4df: {  	s15 =	sand.u32 $0x3000, s13;
	s19 =	sand.u32 $0x380, s13;
	[sflag:s5] =	ssyncset.done $0x0  }
0x4e0: {  	s19 =	sor.u32 s19, s15;
	[sflag:s5] =	ssyncadd.s32 $0xFFFFC000  }
0x4e1: {  	v11 =	vld [tilespmem:s19+$0x8700]  }
0x4e2: {  	v12 =	vld [tilespmem:s19+$0x8710]  }
0x4e3: {  	v13 =	vld [tilespmem:s19+$0x8720]  }
0x4e4: {  	v14 =	vld [tilespmem:s19+$0x8730]  }
0x4e5: {  	v15 =	vld [tilespmem:s19+$0x8740]  }
0x4e6: {  	v16 =	vld [tilespmem:s19+$0x8750]  }
0x4e7: {  	v17 =	vld [tilespmem:s19+$0x8760]  }
0x4e8: {  	v18 =	vld [tilespmem:s19+$0x8770]  }
0x4e9: {  	v19 =	vld [tilespmem:s19+$0x8B00]  }
0x4ea: {  	v20 =	vld [tilespmem:s19+$0x8B10]  }
0x4eb: {  	v21 =	vld [tilespmem:s19+$0x8B20]  }
0x4ec: {  	v22 =	vld [tilespmem:s19+$0x8B30]  }
0x4ed: {  	v23 =	vld [tilespmem:s19+$0x8B40]  }
0x4ee: {  	v24 =	vld [tilespmem:s19+$0x8B50]  }
0x4ef: {  	v25 =	vld [tilespmem:s19+$0x8B60]  }
0x4f0: {  	v26 =	vld [tilespmem:s19+$0x8B70]  }
0x4f1: {  	v27 =	vld [tilespmem:s19+$0x8F00]  }
0x4f2: {  	v28 =	vld [tilespmem:s19+$0x8F10]  }
0x4f3: {  	v29 =	vld [tilespmem:s19+$0x8F20]  }
0x4f4: {  	v30 =	vld [tilespmem:s19+$0x8F30]  }
0x4f5: {  	v31 =	vld [tilespmem:s19+$0x8F40]  }
0x4f6: {  	v32 =	vld [tilespmem:s19+$0x8F50]  }
0x4f7: {  	v33 =	vld [tilespmem:s19+$0x8F60]  }
0x4f8: {  	v34 =	vld [tilespmem:s19+$0x8F70]  }
0x4f9: {  	v35 =	vld [tilespmem:s19+$0x9300]  }
0x4fa: {  	v10 =	vld [tilespmem:s19+$0x9310]  }
0x4fb: {  	v9 =	vld [tilespmem:s19+$0x9320]  }
0x4fc: {  	v8 =	vld [tilespmem:s19+$0x9330]  }
0x4fd: {  	v7 =	vld [tilespmem:s19+$0x9340]  }
0x4fe: {  	v6 =	vld [tilespmem:s19+$0x9350]  }
0x4ff: {  	v5 =	vld [tilespmem:s19+$0x9360]  }
0x500: {  	v4 =	vld [tilespmem:s19+$0x9370]  }
0x501: {  	v36 =	vld [tilespmem:s19+$0x10700]  }
0x502: {  	v37 =	vld [tilespmem:s19+$0x10710]  }
0x503: {  	v38 =	vld [tilespmem:s19+$0x10720]  }
0x504: {  	v39 =	vld [tilespmem:s19+$0x10730]  }
0x505: {  	v40 =	vld [tilespmem:s19+$0x10740]  }
0x506: {  	v62 =	vld [tilespmem:s19+$0x10750];
	v11 =	vadd.bf16 v11, v36  }
0x507: {  	v63 =	vld [tilespmem:s19+$0x10760];
	v12 =	vadd.bf16 v12, v37  }
0x508: {  	[tilespmem:s19+$0x10700] =	vst v11;
	v11 =	vadd.bf16 v13, v38;
	v13 =	vld [tilespmem:s19+$0x10770]  }
0x509: {  	[tilespmem:s19+$0x10710] =	vst v12;
	v12 =	vadd.bf16 v14, v39;
	v14 =	vld [tilespmem:s19+$0x10B00]  }
0x50a: {  	[tilespmem:s19+$0x10720] =	vst v11;
	v11 =	vadd.bf16 v15, v40;
	v15 =	vld [tilespmem:s19+$0x10B10]  }
0x50b: {  	[tilespmem:s19+$0x10730] =	vst v12;
	v12 =	vadd.bf16 v16, v62;
	v16 =	vld [tilespmem:s19+$0x10B20]  }
0x50c: {  	[tilespmem:s19+$0x10740] =	vst v11;
	v11 =	vadd.bf16 v17, v63;
	v17 =	vld [tilespmem:s19+$0x10B30]  }
0x50d: {  	[tilespmem:s19+$0x10750] =	vst v12;
	v12 =	vadd.bf16 v18, v13;
	v13 =	vld [tilespmem:s19+$0x10B40]  }
0x50e: {  	[tilespmem:s19+$0x10760] =	vst v11;
	v11 =	vadd.bf16 v19, v14;
	v14 =	vld [tilespmem:s19+$0x10B50]  }
0x50f: {  	[tilespmem:s19+$0x10770] =	vst v12;
	v12 =	vadd.bf16 v20, v15;
	v15 =	vld [tilespmem:s19+$0x10B60]  }
0x510: {  	[tilespmem:s19+$0x10B00] =	vst v11;
	v11 =	vadd.bf16 v21, v16;
	v16 =	vld [tilespmem:s19+$0x10B70]  }
0x511: {  	[tilespmem:s19+$0x10B10] =	vst v12;
	v12 =	vadd.bf16 v22, v17;
	v17 =	vld [tilespmem:s19+$0x10F00]  }
0x512: {  	[tilespmem:s19+$0x10B20] =	vst v11;
	v11 =	vadd.bf16 v23, v13;
	v13 =	vld [tilespmem:s19+$0x10F10]  }
0x513: {  	[tilespmem:s19+$0x10B30] =	vst v12;
	v12 =	vadd.bf16 v24, v14;
	v14 =	vld [tilespmem:s19+$0x10F20]  }
0x514: {  	[tilespmem:s19+$0x10B40] =	vst v11;
	v11 =	vadd.bf16 v25, v15;
	v15 =	vld [tilespmem:s19+$0x10F30]  }
0x515: {  	[tilespmem:s19+$0x10B50] =	vst v12;
	v12 =	vadd.bf16 v26, v16;
	v16 =	vld [tilespmem:s19+$0x10F40]  }
0x516: {  	[tilespmem:s19+$0x10B60] =	vst v11;
	v11 =	vadd.bf16 v27, v17;
	v17 =	vld [tilespmem:s19+$0x10F50]  }
0x517: {  	v18 =	vld [tilespmem:s19+$0x10F60];
	[tilespmem:s19+$0x10B70] =	vst v12;
	v12 =	vadd.bf16 v28, v13  }
0x518: {  	v19 =	vld [tilespmem:s19+$0x10F70];
	[tilespmem:s19+$0x10F00] =	vst v11;
	v11 =	vadd.bf16 v29, v14  }
0x519: {  	[tilespmem:s19+$0x10F10] =	vst v12;
	v12 =	vadd.bf16 v30, v15;
	v15 =	vld [tilespmem:s19+$0x11300]  }
0x51a: {  	v14 =	vld [tilespmem:s19+$0x11310];
	[tilespmem:s19+$0x10F20] =	vst v11;
	v11 =	vadd.bf16 v31, v16  }
0x51b: {  	v13 =	vld [tilespmem:s19+$0x11320];
	[tilespmem:s19+$0x10F30] =	vst v12;
	v12 =	vadd.bf16 v32, v17  }
0x51c: {  	v16 =	vadd.bf16 v33, v18;
	[tilespmem:s19+$0x10F40] =	vst v11;
	v11 =	vld [tilespmem:s19+$0x11330]  }
0x51d: {  	v17 =	vadd.bf16 v34, v19;
	[tilespmem:s19+$0x10F50] =	vst v12;
	v12 =	vld [tilespmem:s19+$0x11340]  }
0x51e: {  	s20 =	simm.s32 $0x200;
	s15 =	simm.s32 $0x80;
	[tilespmem:s19+$0x10F60] =	vst v16;
	v16 =	vadd.bf16 v35, v15;
	v15 =	vld [tilespmem:s19+$0x11350]  }
.LBB2_23:
0x51f: {  	s21 =	sand.u32 $0x3000, s20;
	s22 =	sand.u32 $0x380, s15;
	p0 =	sne.s32 s20, $0x3E00;
	[tilespmem:s19+$0x10F70] =	vst v17;
	v10 =	vadd.bf16 v10, v14;
	v14 =	vld [tilespmem:s19+$0x11360]  }
0x520: {  	s21 =	sor.u32 s22, s21;
	[tilespmem:s19+$0x11300] =	vst v16;
	v9 =	vadd.bf16 v9, v13;
	v13 =	vld [tilespmem:s19+$0x11370]  }
0x521: {  	v16 =	vld [tilespmem:s21+$0x8700];
	[tilespmem:s19+$0x11310] =	vst v10;
	v8 =	vadd.bf16 v8, v11  }
0x522: {  	v11 =	vld [tilespmem:s21+$0x8710];
	[tilespmem:s19+$0x11320] =	vst v9;
	v7 =	vadd.bf16 v7, v12  }
0x523: {  	v12 =	vld [tilespmem:s21+$0x8720];
	[tilespmem:s19+$0x11330] =	vst v8;
	v6 =	vadd.bf16 v6, v15  }
0x524: {  	v15 =	vld [tilespmem:s21+$0x8730];
	[tilespmem:s19+$0x11340] =	vst v7;
	v5 =	vadd.bf16 v5, v14  }
0x525: {  	v14 =	vld [tilespmem:s21+$0x8740];
	[tilespmem:s19+$0x11350] =	vst v6;
	v4 =	vadd.bf16 v4, v13  }
0x526: {  	v13 =	vld [tilespmem:s21+$0x8750];
	[tilespmem:s19+$0x11360] =	vst v5  }
0x527: {  	v17 =	vld [tilespmem:s21+$0x8760];
	[tilespmem:s19+$0x11370] =	vst v4;
	s19 =	smov.u32 s21  }
0x528: {  	v18 =	vld [tilespmem:s19+$0x8770]  }
0x529: {  	v19 =	vld [tilespmem:s19+$0x8B00]  }
0x52a: {  	v20 =	vld [tilespmem:s19+$0x8B10]  }
0x52b: {  	v21 =	vld [tilespmem:s19+$0x8B20]  }
0x52c: {  	v22 =	vld [tilespmem:s19+$0x8B30]  }
0x52d: {  	v23 =	vld [tilespmem:s19+$0x8B40]  }
0x52e: {  	v24 =	vld [tilespmem:s19+$0x8B50]  }
0x52f: {  	v25 =	vld [tilespmem:s19+$0x8B60]  }
0x530: {  	v26 =	vld [tilespmem:s19+$0x8B70]  }
0x531: {  	v27 =	vld [tilespmem:s19+$0x8F00]  }
0x532: {  	v28 =	vld [tilespmem:s19+$0x8F10]  }
0x533: {  	v29 =	vld [tilespmem:s19+$0x8F20]  }
0x534: {  	v30 =	vld [tilespmem:s19+$0x8F30]  }
0x535: {  	v31 =	vld [tilespmem:s19+$0x8F40]  }
0x536: {  	v32 =	vld [tilespmem:s19+$0x8F50]  }
0x537: {  	v33 =	vld [tilespmem:s19+$0x8F60]  }
0x538: {  	v34 =	vld [tilespmem:s19+$0x8F70]  }
0x539: {  	v35 =	vld [tilespmem:s19+$0x9300]  }
0x53a: {  	v10 =	vld [tilespmem:s19+$0x9310]  }
0x53b: {  	v9 =	vld [tilespmem:s19+$0x9320]  }
0x53c: {  	v8 =	vld [tilespmem:s19+$0x9330]  }
0x53d: {  	v7 =	vld [tilespmem:s19+$0x9340]  }
0x53e: {  	v6 =	vld [tilespmem:s19+$0x9350]  }
0x53f: {  	v5 =	vld [tilespmem:s19+$0x9360]  }
0x540: {  	v4 =	vld [tilespmem:s19+$0x9370]  }
0x541: {  	v36 =	vld [tilespmem:s19+$0x10700]  }
0x542: {  	v37 =	vld [tilespmem:s19+$0x10710]  }
0x543: {  	v38 =	vld [tilespmem:s19+$0x10720]  }
0x544: {  	v39 =	vld [tilespmem:s19+$0x10730]  }
0x545: {  	v40 =	vld [tilespmem:s19+$0x10740]  }
0x546: {  	v16 =	vadd.bf16 v16, v36;
	v36 =	vld [tilespmem:s19+$0x10750]  }
0x547: {  	v11 =	vadd.bf16 v11, v37;
	v37 =	vld [tilespmem:s19+$0x10760]  }
0x548: {  	[tilespmem:s19+$0x10700] =	vst v16;
	v12 =	vadd.bf16 v12, v38;
	v16 =	vld [tilespmem:s19+$0x10770]  }
0x549: {  	[tilespmem:s19+$0x10710] =	vst v11;
	v11 =	vadd.bf16 v15, v39;
	v15 =	vld [tilespmem:s19+$0x10B00]  }
0x54a: {  	[tilespmem:s19+$0x10720] =	vst v12;
	v12 =	vadd.bf16 v14, v40;
	v14 =	vld [tilespmem:s19+$0x10B10]  }
0x54b: {  	[tilespmem:s19+$0x10730] =	vst v11;
	v11 =	vadd.bf16 v13, v36;
	v13 =	vld [tilespmem:s19+$0x10B20]  }
0x54c: {  	[tilespmem:s19+$0x10740] =	vst v12;
	v12 =	vadd.bf16 v17, v37;
	v17 =	vld [tilespmem:s19+$0x10B30]  }
0x54d: {  	[tilespmem:s19+$0x10750] =	vst v11;
	v11 =	vadd.bf16 v18, v16;
	v16 =	vld [tilespmem:s19+$0x10B40]  }
0x54e: {  	[tilespmem:s19+$0x10760] =	vst v12;
	v12 =	vadd.bf16 v19, v15;
	v15 =	vld [tilespmem:s19+$0x10B50]  }
0x54f: {  	[tilespmem:s19+$0x10770] =	vst v11;
	v11 =	vadd.bf16 v20, v14;
	v14 =	vld [tilespmem:s19+$0x10B60]  }
0x550: {  	[tilespmem:s19+$0x10B00] =	vst v12;
	v12 =	vadd.bf16 v21, v13;
	v13 =	vld [tilespmem:s19+$0x10B70]  }
0x551: {  	[tilespmem:s19+$0x10B10] =	vst v11;
	v11 =	vadd.bf16 v22, v17;
	v17 =	vld [tilespmem:s19+$0x10F00]  }
0x552: {  	[tilespmem:s19+$0x10B20] =	vst v12;
	v12 =	vadd.bf16 v23, v16;
	v16 =	vld [tilespmem:s19+$0x10F10]  }
0x553: {  	[tilespmem:s19+$0x10B30] =	vst v11;
	v11 =	vadd.bf16 v24, v15;
	v15 =	vld [tilespmem:s19+$0x10F20]  }
0x554: {  	[tilespmem:s19+$0x10B40] =	vst v12;
	v12 =	vadd.bf16 v25, v14;
	v14 =	vld [tilespmem:s19+$0x10F30]  }
0x555: {  	[tilespmem:s19+$0x10B50] =	vst v11;
	v11 =	vadd.bf16 v26, v13;
	v13 =	vld [tilespmem:s19+$0x10F40]  }
0x556: {  	[tilespmem:s19+$0x10B60] =	vst v12;
	v12 =	vadd.bf16 v27, v17;
	v17 =	vld [tilespmem:s19+$0x10F50]  }
0x557: {  	[tilespmem:s19+$0x10B70] =	vst v11;
	v11 =	vadd.bf16 v28, v16;
	v16 =	vld [tilespmem:s19+$0x10F60]  }
0x558: {  	[tilespmem:s19+$0x10F00] =	vst v12;
	v12 =	vadd.bf16 v29, v15;
	v15 =	vld [tilespmem:s19+$0x10F70]  }
0x559: {  	[tilespmem:s19+$0x10F10] =	vst v11;
	v11 =	vadd.bf16 v30, v14;
	v18 =	vld [tilespmem:s19+$0x11300]  }
.Ltmp13:
0x55a: {  	[tilespmem:s19+$0x10F20] =	vst v12;
	v12 =	vadd.bf16 v31, v13;
	v14 =	vld [tilespmem:s19+$0x11310];
	(pc) =	sbr.rel @p0 .LBB2_23-.Ltmp13, $4  }
0x55b: {  	[tilespmem:s19+$0x10F30] =	vst v11;
	v17 =	vadd.bf16 v32, v17;
	v13 =	vld [tilespmem:s19+$0x11320]  }
0x55c: {  	[tilespmem:s19+$0x10F40] =	vst v12;
	v16 =	vadd.bf16 v33, v16;
	v11 =	vld [tilespmem:s19+$0x11330]  }
0x55d: {  	[tilespmem:s19+$0x10F50] =	vst v17;
	v17 =	vadd.bf16 v34, v15;
	v12 =	vld [tilespmem:s19+$0x11340]  }
0x55e: {  	s15 =	sadd.s32 $0x80, s15;
	s20 =	sadd.s32 $0x200, s20;
	[tilespmem:s19+$0x10F60] =	vst v16;
	v16 =	vadd.bf16 v35, v18;
	v15 =	vld [tilespmem:s19+$0x11350]  }
0x55f: {  	[tilespmem:s19+$0x10F70] =	vst v17;
	v10 =	vadd.bf16 v10, v14;
	v14 =	vld [tilespmem:s19+$0x11360]  }
0x560: {  	[tilespmem:s19+$0x11300] =	vst v16;
	v9 =	vadd.bf16 v9, v13;
	v13 =	vld [tilespmem:s19+$0x11370]  }
0x561: {  	[tilespmem:s19+$0x11310] =	vst v10;
	v8 =	vadd.bf16 v8, v11  }
0x562: {  	[tilespmem:s19+$0x11320] =	vst v9;
	v7 =	vadd.bf16 v7, v12  }
0x563: {  	[tilespmem:s19+$0x11330] =	vst v8;
	v6 =	vadd.bf16 v6, v15  }
0x564: {  	[tilespmem:s19+$0x11340] =	vst v7;
	v5 =	vadd.bf16 v5, v14  }
0x565: {  	[tilespmem:s19+$0x11350] =	vst v6;
	v4 =	vadd.bf16 v4, v13  }
0x566: {  	s15 =	sshll.u32 s14, $0x8;
	p0 =	seq.s32 s14, $0x3;
	[tilespmem:s19+$0x11360] =	vst v5  }
0x567: {  	[tilespmem:s19+$0x11370] =	vst v4;
	s19 =	sshrl.u32 @!p0 s15, $0x2  }
0x568: {  	v4 =	vld @!p0 [tilespmem:s19+$0x580];
	_ =	sdelay $0x4  }
0x569: {  	v5 =	vshll.u32 @!p0 v4, $0x2  }
0x56a: {  	v6 =	vlaneseq.u32 @!p0;
	v4 =	vand.u32 @!p0 $0x7, v4;
	v5 =	vand.u32 @!p0 $0xFFFFFFE0, v5  }
0x56b: {  	v7 =	vshrl.u32 @!p0 v6, $0x3;
	v4 =	vor.u32 @!p0 v4, v5;
	v5 =	vand.u32 @!p0 $0x7, v6  }
0x56c: {  	v7 =	vmul.u32 @!p0 $0x8, v7;
	v8 =	vperm.xlane @!p0 v4, v5;
	_ =	sdelay $0x1  }
0x56d: {  	v8 =	vadd.s32 @!p0 v7, v8  }
0x56e: {  	v6 =	vor.u32 @!p0 $0x8, v6  }
0x56f: {  	v4 =	vperm.xlane @!p0 v4, v6;
	_ =	sdelay $0x1  }
0x570: {  	vm1 =	vmmov @!p0 $0xffff;
	s20 =	simm.s32 @!p0 $0x0;
	s21 =	simm.s32 @!p0 $0x8700;
	v4 =	vadd.s32 @!p0 v7, v4  }
0x571: {  	[tilespmem:s21], [sflag:$0x1] =	stream.indirect_vreg.gather @!p0 [hbm4b:s4+s20], $0x80, v8, vm1, $0xb8;
	[tilespmem:$0x14700] =	vst v63  }
0x572: {  	s21 =	simm.s32 @!p0 $0x8F00  }
0x573: {  	[tilespmem:s21], [sflag:$0x1] =	stream.indirect_vreg.gather @!p0 [hbm4b:s10+s20], $0x80, v8, vm1, $0xb8;
	[tilespmem:$0x14700] =	vst v63  }
0x574: {  	s21 =	simm.s32 @!p0 $0x9700  }
0x575: {  	[tilespmem:s21], [sflag:$0x1] =	stream.indirect_vreg.gather @!p0 [hbm4b:s4+s20], $0x80, v4, vm1, $0xb8;
	[tilespmem:$0x14700] =	vst v63  }
0x576: {  	s21 =	simm.s32 @!p0 $0x9F00  }
0x577: {  	[tilespmem:s21], [sflag:$0x1] =	stream.indirect_vreg.gather @!p0 [hbm4b:s10+s20], $0x80, v4, vm1, $0xb8;
	[tilespmem:$0x14700] =	vst v63  }
0x578: {  	v4 =	vld @!p0 [tilespmem:s19+$0x590];
	_ =	sdelay $0x4  }
0x579: {  	v8 =	vshll.u32 @!p0 v4, $0x2  }
0x57a: {  	v4 =	vand.u32 @!p0 $0x7, v4;
	v8 =	vand.u32 @!p0 $0xFFFFFFE0, v8  }
0x57b: {  	v4 =	vor.u32 @!p0 v4, v8  }
0x57c: {  	v5 =	vperm.xlane @!p0 v4, v5;
	_ =	sdelay $0x1  }
0x57d: {  	v5 =	vadd.s32 @!p0 v7, v5;
	_ =	sdelay $0x1  }
0x57e: {  	v4 =	vperm.xlane @!p0 v4, v6;
	_ =	sdelay $0x1  }
0x57f: {  	s19 =	simm.s32 @!p0 $0xA700;
	v4 =	vadd.s32 @!p0 v7, v4  }
0x580: {  	[tilespmem:s19], [sflag:$0x1] =	stream.indirect_vreg.gather @!p0 [hbm4b:s4+s20], $0x80, v5, vm1, $0xb8;
	[tilespmem:$0x14700] =	vst v63  }
0x581: {  	s19 =	simm.s32 @!p0 $0xAF00  }
0x582: {  	[tilespmem:s19], [sflag:$0x1] =	stream.indirect_vreg.gather @!p0 [hbm4b:s10+s20], $0x80, v5, vm1, $0xb8;
	[tilespmem:$0x14700] =	vst v63  }
0x583: {  	s19 =	simm.s32 @!p0 $0xB700  }
0x584: {  	[tilespmem:s19], [sflag:$0x1] =	stream.indirect_vreg.gather @!p0 [hbm4b:s4+s20], $0x80, v4, vm1, $0xb8;
	[tilespmem:$0x14700] =	vst v63  }
0x585: {  	s19 =	simm.s32 @!p0 $0xBF00  }
0x586: {  	[tilespmem:s19], [sflag:$0x1] =	stream.indirect_vreg.gather @!p0 [hbm4b:s10+s20], $0x80, v4, vm1, $0xb8;
	[tilespmem:$0x14700] =	vst v63  }
0x587: {  	s22 =	simm.s32 $0x0;
	_ =	swait.ge [sflag:s6], $0x4000  }
0x588: {  	s23 =	sand.u32 $0x3000, s22;
	s19 =	sand.u32 $0x380, s22;
	[sflag:s6] =	ssyncset.done $0x0  }
0x589: {  	s19 =	sor.u32 s19, s23;
	[sflag:s6] =	ssyncadd.s32 $0xFFFFC000  }
0x58a: {  	v11 =	vld [tilespmem:s19+$0xC700]  }
0x58b: {  	v12 =	vld [tilespmem:s19+$0xC710]  }
0x58c: {  	v13 =	vld [tilespmem:s19+$0xC720]  }
0x58d: {  	v14 =	vld [tilespmem:s19+$0xC730]  }
0x58e: {  	v15 =	vld [tilespmem:s19+$0xC740]  }
0x58f: {  	v16 =	vld [tilespmem:s19+$0xC750]  }
0x590: {  	v17 =	vld [tilespmem:s19+$0xC760]  }
0x591: {  	v18 =	vld [tilespmem:s19+$0xC770]  }
0x592: {  	v19 =	vld [tilespmem:s19+$0xCB00]  }
0x593: {  	v20 =	vld [tilespmem:s19+$0xCB10]  }
0x594: {  	v21 =	vld [tilespmem:s19+$0xCB20]  }
0x595: {  	v22 =	vld [tilespmem:s19+$0xCB30]  }
0x596: {  	v23 =	vld [tilespmem:s19+$0xCB40]  }
0x597: {  	v24 =	vld [tilespmem:s19+$0xCB50]  }
0x598: {  	v25 =	vld [tilespmem:s19+$0xCB60]  }
0x599: {  	v26 =	vld [tilespmem:s19+$0xCB70]  }
0x59a: {  	v27 =	vld [tilespmem:s19+$0xCF00]  }
0x59b: {  	v28 =	vld [tilespmem:s19+$0xCF10]  }
0x59c: {  	v29 =	vld [tilespmem:s19+$0xCF20]  }
0x59d: {  	v30 =	vld [tilespmem:s19+$0xCF30]  }
0x59e: {  	v31 =	vld [tilespmem:s19+$0xCF40]  }
0x59f: {  	v32 =	vld [tilespmem:s19+$0xCF50]  }
0x5a0: {  	v33 =	vld [tilespmem:s19+$0xCF60]  }
0x5a1: {  	v34 =	vld [tilespmem:s19+$0xCF70]  }
0x5a2: {  	v35 =	vld [tilespmem:s19+$0xD300]  }
0x5a3: {  	v10 =	vld [tilespmem:s19+$0xD310]  }
0x5a4: {  	v9 =	vld [tilespmem:s19+$0xD320]  }
0x5a5: {  	v8 =	vld [tilespmem:s19+$0xD330]  }
0x5a6: {  	v7 =	vld [tilespmem:s19+$0xD340]  }
0x5a7: {  	v6 =	vld [tilespmem:s19+$0xD350]  }
0x5a8: {  	v5 =	vld [tilespmem:s19+$0xD360]  }
0x5a9: {  	v4 =	vld [tilespmem:s19+$0xD370]  }
0x5aa: {  	v36 =	vld [tilespmem:s19+$0x10700]  }
0x5ab: {  	v37 =	vld [tilespmem:s19+$0x10710]  }
0x5ac: {  	v38 =	vld [tilespmem:s19+$0x10720]  }
0x5ad: {  	v39 =	vld [tilespmem:s19+$0x10730]  }
0x5ae: {  	v40 =	vld [tilespmem:s19+$0x10740]  }
0x5af: {  	v62 =	vld [tilespmem:s19+$0x10750];
	v11 =	vadd.bf16 v11, v36  }
0x5b0: {  	v63 =	vld [tilespmem:s19+$0x10760];
	v12 =	vadd.bf16 v12, v37  }
0x5b1: {  	[tilespmem:s19+$0x10700] =	vst v11;
	v11 =	vadd.bf16 v13, v38;
	v13 =	vld [tilespmem:s19+$0x10770]  }
0x5b2: {  	[tilespmem:s19+$0x10710] =	vst v12;
	v12 =	vadd.bf16 v14, v39;
	v14 =	vld [tilespmem:s19+$0x10B00]  }
0x5b3: {  	[tilespmem:s19+$0x10720] =	vst v11;
	v11 =	vadd.bf16 v15, v40;
	v15 =	vld [tilespmem:s19+$0x10B10]  }
0x5b4: {  	[tilespmem:s19+$0x10730] =	vst v12;
	v12 =	vadd.bf16 v16, v62;
	v16 =	vld [tilespmem:s19+$0x10B20]  }
0x5b5: {  	[tilespmem:s19+$0x10740] =	vst v11;
	v11 =	vadd.bf16 v17, v63;
	v17 =	vld [tilespmem:s19+$0x10B30]  }
0x5b6: {  	[tilespmem:s19+$0x10750] =	vst v12;
	v12 =	vadd.bf16 v18, v13;
	v13 =	vld [tilespmem:s19+$0x10B40]  }
0x5b7: {  	[tilespmem:s19+$0x10760] =	vst v11;
	v11 =	vadd.bf16 v19, v14;
	v14 =	vld [tilespmem:s19+$0x10B50]  }
0x5b8: {  	[tilespmem:s19+$0x10770] =	vst v12;
	v12 =	vadd.bf16 v20, v15;
	v15 =	vld [tilespmem:s19+$0x10B60]  }
0x5b9: {  	[tilespmem:s19+$0x10B00] =	vst v11;
	v11 =	vadd.bf16 v21, v16;
	v16 =	vld [tilespmem:s19+$0x10B70]  }
0x5ba: {  	[tilespmem:s19+$0x10B10] =	vst v12;
	v12 =	vadd.bf16 v22, v17;
	v17 =	vld [tilespmem:s19+$0x10F00]  }
0x5bb: {  	[tilespmem:s19+$0x10B20] =	vst v11;
	v11 =	vadd.bf16 v23, v13;
	v13 =	vld [tilespmem:s19+$0x10F10]  }
0x5bc: {  	[tilespmem:s19+$0x10B30] =	vst v12;
	v12 =	vadd.bf16 v24, v14;
	v14 =	vld [tilespmem:s19+$0x10F20]  }
0x5bd: {  	[tilespmem:s19+$0x10B40] =	vst v11;
	v11 =	vadd.bf16 v25, v15;
	v15 =	vld [tilespmem:s19+$0x10F30]  }
0x5be: {  	[tilespmem:s19+$0x10B50] =	vst v12;
	v12 =	vadd.bf16 v26, v16;
	v16 =	vld [tilespmem:s19+$0x10F40]  }
0x5bf: {  	[tilespmem:s19+$0x10B60] =	vst v11;
	v11 =	vadd.bf16 v27, v17;
	v17 =	vld [tilespmem:s19+$0x10F50]  }
0x5c0: {  	v18 =	vld [tilespmem:s19+$0x10F60];
	[tilespmem:s19+$0x10B70] =	vst v12;
	v12 =	vadd.bf16 v28, v13  }
0x5c1: {  	v19 =	vld [tilespmem:s19+$0x10F70];
	[tilespmem:s19+$0x10F00] =	vst v11;
	v11 =	vadd.bf16 v29, v14  }
0x5c2: {  	[tilespmem:s19+$0x10F10] =	vst v12;
	v12 =	vadd.bf16 v30, v15;
	v15 =	vld [tilespmem:s19+$0x11300]  }
0x5c3: {  	v14 =	vld [tilespmem:s19+$0x11310];
	[tilespmem:s19+$0x10F20] =	vst v11;
	v11 =	vadd.bf16 v31, v16  }
0x5c4: {  	v13 =	vld [tilespmem:s19+$0x11320];
	[tilespmem:s19+$0x10F30] =	vst v12;
	v12 =	vadd.bf16 v32, v17  }
0x5c5: {  	v16 =	vadd.bf16 v33, v18;
	[tilespmem:s19+$0x10F40] =	vst v11;
	v11 =	vld [tilespmem:s19+$0x11330]  }
0x5c6: {  	v17 =	vadd.bf16 v34, v19;
	[tilespmem:s19+$0x10F50] =	vst v12;
	v12 =	vld [tilespmem:s19+$0x11340]  }
0x5c7: {  	s21 =	simm.s32 $0x200;
	s20 =	simm.s32 $0x80;
	[tilespmem:s19+$0x10F60] =	vst v16;
	v16 =	vadd.bf16 v35, v15;
	v15 =	vld [tilespmem:s19+$0x11350]  }
.LBB2_25:
0x5c8: {  	s22 =	sand.u32 $0x3000, s21;
	s23 =	sand.u32 $0x380, s20;
	p1 =	sne.s32 s21, $0x3E00;
	[tilespmem:s19+$0x10F70] =	vst v17;
	v10 =	vadd.bf16 v10, v14;
	v14 =	vld [tilespmem:s19+$0x11360]  }
0x5c9: {  	s22 =	sor.u32 s23, s22;
	[tilespmem:s19+$0x11300] =	vst v16;
	v9 =	vadd.bf16 v9, v13;
	v13 =	vld [tilespmem:s19+$0x11370]  }
0x5ca: {  	v16 =	vld [tilespmem:s22+$0xC700];
	[tilespmem:s19+$0x11310] =	vst v10;
	v8 =	vadd.bf16 v8, v11  }
0x5cb: {  	v11 =	vld [tilespmem:s22+$0xC710];
	[tilespmem:s19+$0x11320] =	vst v9;
	v7 =	vadd.bf16 v7, v12  }
0x5cc: {  	v12 =	vld [tilespmem:s22+$0xC720];
	[tilespmem:s19+$0x11330] =	vst v8;
	v6 =	vadd.bf16 v6, v15  }
0x5cd: {  	v15 =	vld [tilespmem:s22+$0xC730];
	[tilespmem:s19+$0x11340] =	vst v7;
	v5 =	vadd.bf16 v5, v14  }
0x5ce: {  	v14 =	vld [tilespmem:s22+$0xC740];
	[tilespmem:s19+$0x11350] =	vst v6;
	v4 =	vadd.bf16 v4, v13  }
0x5cf: {  	v13 =	vld [tilespmem:s22+$0xC750];
	[tilespmem:s19+$0x11360] =	vst v5  }
0x5d0: {  	v17 =	vld [tilespmem:s22+$0xC760];
	[tilespmem:s19+$0x11370] =	vst v4;
	s19 =	smov.u32 s22  }
0x5d1: {  	v18 =	vld [tilespmem:s19+$0xC770]  }
0x5d2: {  	v19 =	vld [tilespmem:s19+$0xCB00]  }
0x5d3: {  	v20 =	vld [tilespmem:s19+$0xCB10]  }
0x5d4: {  	v21 =	vld [tilespmem:s19+$0xCB20]  }
0x5d5: {  	v22 =	vld [tilespmem:s19+$0xCB30]  }
0x5d6: {  	v23 =	vld [tilespmem:s19+$0xCB40]  }
0x5d7: {  	v24 =	vld [tilespmem:s19+$0xCB50]  }
0x5d8: {  	v25 =	vld [tilespmem:s19+$0xCB60]  }
0x5d9: {  	v26 =	vld [tilespmem:s19+$0xCB70]  }
0x5da: {  	v27 =	vld [tilespmem:s19+$0xCF00]  }
0x5db: {  	v28 =	vld [tilespmem:s19+$0xCF10]  }
0x5dc: {  	v29 =	vld [tilespmem:s19+$0xCF20]  }
0x5dd: {  	v30 =	vld [tilespmem:s19+$0xCF30]  }
0x5de: {  	v31 =	vld [tilespmem:s19+$0xCF40]  }
0x5df: {  	v32 =	vld [tilespmem:s19+$0xCF50]  }
0x5e0: {  	v33 =	vld [tilespmem:s19+$0xCF60]  }
0x5e1: {  	v34 =	vld [tilespmem:s19+$0xCF70]  }
0x5e2: {  	v35 =	vld [tilespmem:s19+$0xD300]  }
0x5e3: {  	v10 =	vld [tilespmem:s19+$0xD310]  }
0x5e4: {  	v9 =	vld [tilespmem:s19+$0xD320]  }
0x5e5: {  	v8 =	vld [tilespmem:s19+$0xD330]  }
0x5e6: {  	v7 =	vld [tilespmem:s19+$0xD340]  }
0x5e7: {  	v6 =	vld [tilespmem:s19+$0xD350]  }
0x5e8: {  	v5 =	vld [tilespmem:s19+$0xD360]  }
0x5e9: {  	v4 =	vld [tilespmem:s19+$0xD370]  }
0x5ea: {  	v36 =	vld [tilespmem:s19+$0x10700]  }
0x5eb: {  	v37 =	vld [tilespmem:s19+$0x10710]  }
0x5ec: {  	v38 =	vld [tilespmem:s19+$0x10720]  }
0x5ed: {  	v39 =	vld [tilespmem:s19+$0x10730]  }
0x5ee: {  	v40 =	vld [tilespmem:s19+$0x10740]  }
0x5ef: {  	v16 =	vadd.bf16 v16, v36;
	v36 =	vld [tilespmem:s19+$0x10750]  }
0x5f0: {  	v11 =	vadd.bf16 v11, v37;
	v37 =	vld [tilespmem:s19+$0x10760]  }
0x5f1: {  	[tilespmem:s19+$0x10700] =	vst v16;
	v12 =	vadd.bf16 v12, v38;
	v16 =	vld [tilespmem:s19+$0x10770]  }
0x5f2: {  	[tilespmem:s19+$0x10710] =	vst v11;
	v11 =	vadd.bf16 v15, v39;
	v15 =	vld [tilespmem:s19+$0x10B00]  }
0x5f3: {  	[tilespmem:s19+$0x10720] =	vst v12;
	v12 =	vadd.bf16 v14, v40;
	v14 =	vld [tilespmem:s19+$0x10B10]  }
0x5f4: {  	[tilespmem:s19+$0x10730] =	vst v11;
	v11 =	vadd.bf16 v13, v36;
	v13 =	vld [tilespmem:s19+$0x10B20]  }
0x5f5: {  	[tilespmem:s19+$0x10740] =	vst v12;
	v12 =	vadd.bf16 v17, v37;
	v17 =	vld [tilespmem:s19+$0x10B30]  }
0x5f6: {  	[tilespmem:s19+$0x10750] =	vst v11;
	v11 =	vadd.bf16 v18, v16;
	v16 =	vld [tilespmem:s19+$0x10B40]  }
0x5f7: {  	[tilespmem:s19+$0x10760] =	vst v12;
	v12 =	vadd.bf16 v19, v15;
	v15 =	vld [tilespmem:s19+$0x10B50]  }
0x5f8: {  	[tilespmem:s19+$0x10770] =	vst v11;
	v11 =	vadd.bf16 v20, v14;
	v14 =	vld [tilespmem:s19+$0x10B60]  }
0x5f9: {  	[tilespmem:s19+$0x10B00] =	vst v12;
	v12 =	vadd.bf16 v21, v13;
	v13 =	vld [tilespmem:s19+$0x10B70]  }
0x5fa: {  	[tilespmem:s19+$0x10B10] =	vst v11;
	v11 =	vadd.bf16 v22, v17;
	v17 =	vld [tilespmem:s19+$0x10F00]  }
0x5fb: {  	[tilespmem:s19+$0x10B20] =	vst v12;
	v12 =	vadd.bf16 v23, v16;
	v16 =	vld [tilespmem:s19+$0x10F10]  }
0x5fc: {  	[tilespmem:s19+$0x10B30] =	vst v11;
	v11 =	vadd.bf16 v24, v15;
	v15 =	vld [tilespmem:s19+$0x10F20]  }
0x5fd: {  	[tilespmem:s19+$0x10B40] =	vst v12;
	v12 =	vadd.bf16 v25, v14;
	v14 =	vld [tilespmem:s19+$0x10F30]  }
0x5fe: {  	[tilespmem:s19+$0x10B50] =	vst v11;
	v11 =	vadd.bf16 v26, v13;
	v13 =	vld [tilespmem:s19+$0x10F40]  }
0x5ff: {  	[tilespmem:s19+$0x10B60] =	vst v12;
	v12 =	vadd.bf16 v27, v17;
	v17 =	vld [tilespmem:s19+$0x10F50]  }
0x600: {  	[tilespmem:s19+$0x10B70] =	vst v11;
	v11 =	vadd.bf16 v28, v16;
	v16 =	vld [tilespmem:s19+$0x10F60]  }
0x601: {  	[tilespmem:s19+$0x10F00] =	vst v12;
	v12 =	vadd.bf16 v29, v15;
	v15 =	vld [tilespmem:s19+$0x10F70]  }
0x602: {  	[tilespmem:s19+$0x10F10] =	vst v11;
	v11 =	vadd.bf16 v30, v14;
	v18 =	vld [tilespmem:s19+$0x11300]  }
.Ltmp14:
0x603: {  	[tilespmem:s19+$0x10F20] =	vst v12;
	v12 =	vadd.bf16 v31, v13;
	v14 =	vld [tilespmem:s19+$0x11310];
	(pc) =	sbr.rel @p1 .LBB2_25-.Ltmp14, $4  }
0x604: {  	[tilespmem:s19+$0x10F30] =	vst v11;
	v17 =	vadd.bf16 v32, v17;
	v13 =	vld [tilespmem:s19+$0x11320]  }
0x605: {  	[tilespmem:s19+$0x10F40] =	vst v12;
	v16 =	vadd.bf16 v33, v16;
	v11 =	vld [tilespmem:s19+$0x11330]  }
0x606: {  	[tilespmem:s19+$0x10F50] =	vst v17;
	v17 =	vadd.bf16 v34, v15;
	v12 =	vld [tilespmem:s19+$0x11340]  }
0x607: {  	s20 =	sadd.s32 $0x80, s20;
	s21 =	sadd.s32 $0x200, s21;
	[tilespmem:s19+$0x10F60] =	vst v16;
	v16 =	vadd.bf16 v35, v18;
	v15 =	vld [tilespmem:s19+$0x11350]  }
0x608: {  	[tilespmem:s19+$0x10F70] =	vst v17;
	v10 =	vadd.bf16 v10, v14;
	v62 =	vld [tilespmem:s19+$0x11360]  }
0x609: {  	v63 =	vld [tilespmem:s19+$0x11370];
	[tilespmem:s19+$0x11300] =	vst v16;
	v9 =	vadd.bf16 v9, v13  }
0x60a: {  	[tilespmem:s19+$0x11310] =	vst v10;
	v8 =	vadd.bf16 v8, v11  }
0x60b: {  	[tilespmem:s19+$0x11320] =	vst v9;
	v7 =	vadd.bf16 v7, v12  }
.Ltmp15:
0x60c: {  	[tilespmem:s19+$0x11330] =	vst v8;
	v6 =	vadd.bf16 v6, v15;
	(pc) =	sbr.rel @p0 .LBB2_28-.Ltmp15, $4  }
0x60d: {  	[tilespmem:s19+$0x11340] =	vst v7;
	v5 =	vadd.bf16 v5, v62  }
0x60e: {  	v4 =	vadd.bf16 v4, v63;
	[tilespmem:s19+$0x11350] =	vst v6  }
0x60f: {  	[tilespmem:s19+$0x11360] =	vst v5  }
0x610: {  	[tilespmem:s19+$0x11370] =	vst v4  }
0x611: {  	s15 =	sshrl.u32 s15, $0x2  }
0x612: {  	v4 =	vld [tilespmem:s15+$0x5A0];
	_ =	sdelay $0x4  }
0x613: {  	v5 =	vshll.u32 v4, $0x2  }
0x614: {  	v4 =	vand.u32 $0x7, v4;
	v5 =	vand.u32 $0xFFFFFFE0, v5  }
0x615: {  	v4 =	vor.u32 v4, v5  }
0x616: {  	v5 =	vperm.xlane v4, v0;
	_ =	sdelay $0x1  }
0x617: {  	v5 =	vadd.s32 v1, v5;
	_ =	sdelay $0x1  }
0x618: {  	v4 =	vperm.xlane v4, v2;
	_ =	sdelay $0x1  }
0x619: {  	v4 =	vadd.s32 v1, v4  }
0x61a: {  	[tilespmem:s28], [sflag:$0x2] =	stream.indirect_vreg.gather [hbm4b:s4+s3], $0x80, v5, vm0, $0xb8;
	[tilespmem:$0x14700] =	vst v63  }
0x61b: {  	_ = 	snop  }
0x61c: {  	[tilespmem:s29], [sflag:$0x2] =	stream.indirect_vreg.gather [hbm4b:s10+s3], $0x80, v5, vm0, $0xb8;
	[tilespmem:$0x14700] =	vst v63  }
0x61d: {  	_ = 	snop  }
0x61e: {  	[tilespmem:s30], [sflag:$0x2] =	stream.indirect_vreg.gather [hbm4b:s4+s3], $0x80, v4, vm0, $0xb8;
	[tilespmem:$0x14700] =	vst v63  }
0x61f: {  	_ = 	snop  }
0x620: {  	[tilespmem:s31], [sflag:$0x2] =	stream.indirect_vreg.gather [hbm4b:s10+s3], $0x80, v4, vm0, $0xb8;
	[tilespmem:$0x14700] =	vst v63  }
0x621: {  	v4 =	vld [tilespmem:s15+$0x5B0];
	_ =	sdelay $0x4  }
0x622: {  	v5 =	vshll.u32 v4, $0x2  }
0x623: {  	v4 =	vand.u32 $0x7, v4;
	v5 =	vand.u32 $0xFFFFFFE0, v5  }
0x624: {  	v4 =	vor.u32 v4, v5  }
0x625: {  	v5 =	vperm.xlane v4, v0;
	_ =	sdelay $0x1  }
0x626: {  	v5 =	vadd.s32 v1, v5;
	_ =	sdelay $0x2  }
0x627: {  	v4 =	vperm.xlane v4, v2;
	_ =	sdelay $0x1  }
0x628: {  	v4 =	vadd.s32 v1, v4;
	[tilespmem:s0], [sflag:$0x2] =	stream.indirect_vreg.gather [hbm4b:s4+s3], $0x80, v5, vm0, $0xb8;
	[tilespmem:$0x14700] =	vst v63  }
0x629: {  	_ = 	snop  }
0x62a: {  	[tilespmem:s2], [sflag:$0x2] =	stream.indirect_vreg.gather [hbm4b:s10+s3], $0x80, v5, vm0, $0xb8;
	[tilespmem:$0x14700] =	vst v63  }
.Ltmp16:
0x62b: {  	_ = 	snop;
	(pc) =	sbr.rel .LBB2_22-.Ltmp16, $4  }
0x62c: {  	_ = 	snop  }
0x62d: {  	[tilespmem:s17], [sflag:$0x2] =	stream.indirect_vreg.gather [hbm4b:s4+s3], $0x80, v4, vm0, $0xb8;
	[tilespmem:$0x14700] =	vst v63  }
0x62e: {  	s14 =	sadd.s32 $0x1, s14  }
0x62f: {  	[tilespmem:s18], [sflag:$0x2] =	stream.indirect_vreg.gather [hbm4b:s10+s3], $0x80, v4, vm0, $0xb8;
	[tilespmem:$0x14700] =	vst v63  }
.LBB2_29:
0x630: {  	_ =	sfence.sel $0x180000  }
0x631: {  	[bflag:$0x0] =	sbarrier.arrive $0xFFFF  }
0x632: {  	_ =	strace $0x90000047  }
0x633: {  	s0 =	stileid.u32;
	[bflag:$0x2] =	sbarrier.arrive $0xFFFF  }
0x634: {  	p0 =	sne.s32 s0, $0x0;
	s0 =	rddreg [dreg:$0x4]  }
0x635: {  	s0 =	sadd.s32 @!p0 $0x100000, s0  }
0x636: {  	[sflag:s0] =	ssyncadd.tile.s32 @!p0 $0x1;
	_ =	shalt  }
.Lfunc_end2:
_tile_overlayer_lowered:
.L_overlay_start_2:
0x637: {  	(tag) =	ssettag $0x2  }
0x638: {  	s0 =	rddreg [dreg:$0x0];
	s2 =	stileid.u32  }
0x639: {  	s1 =	rddreg [dreg:$0x1];
	p0 =	sne.s32 s2, $0x0  }
0x63a: {  	s3 =	rddreg [dreg:$0x2];
	[bflag:$0x3] =	sbarrier.arrive $0xFFFF;
	s2 =	simm.s32 @!p0 $0x1C03  }
0x63b: {  	[timem:s3], [sflag:s2] =	dma.local @!p0 [hbm:s0], s1  }
0x63c: {  	s0 =	simm.s32 @!p0 $0x3  }
0x63d: {  	_ =	swait.ge @!p0 [sflag:s0], s1  }
0x63e: {  	s1 =	ssub.s32 @!p0 $0x0, s1;
	[sflag:s0] =	ssyncset.done @!p0 $0x0  }
0x63f: {  	[sflag:s0] =	ssyncadd.s32 @!p0 s1  }
0x640: {  	[bflag:$0x3] =	sbarrier.arrive $0xFFFF  }
0x641: {  	_ =	shalt  }

</sc_bundles>
